<compile_context>
chip_gen: v7x
topology: tpu7x:2x2x1
jax: 0.10.2.dev20260603
libtpu: 0.0.44.dev20260713+nightly
codegen_flags: <defaults>
</compile_context>

<pallas_src>
import functools
import jax
import jax.numpy as jnp
from jax import lax
from jax.experimental import pallas as pl
from jax.experimental.pallas import tpu as pltpu
from jax.experimental.pallas import tpu_sc as plsc

NC = 2
NS = 16
NW = NC * NS
G = 64
CH = 16

_MASK_HI = -65536


def _ceil_to(a, b):
    return (a + b - 1) // b * b


def _lo(w):
    return plsc.bitcast(w << 16, jnp.float32)


def _hi(w):
    return plsc.bitcast(w & _MASK_HI, jnp.float32)


def _pack_tc(v):
    u = lax.bitcast_convert_type(v.astype(jnp.bfloat16), jnp.uint16)
    k = u.shape[-1] // 2
    return (u[:, :k].astype(jnp.int32) |
            (u[:, k:].astype(jnp.int32) << 16))



def _edense_body(ea_a_ref, ea_b_ref, w_ref, b_ref, e_ref):
    va = jnp.dot(ea_a_ref[...], w_ref[...], preferred_element_type=jnp.float32)
    vb = jnp.dot(ea_b_ref[...], w_ref[...], preferred_element_type=jnp.float32)
    va = va + b_ref[...]
    vb = vb + b_ref[...]
    e_ref[...] = jnp.concatenate([_pack_tc(va), _pack_tc(vb)], axis=1)


def _edense(ea, Wc, bc, e_pad):
    e = ea.shape[0]
    half = e_pad // 2
    eb = 2048
    grid = half // eb
    bmax = (e + eb - 1) // eb - 1

    return pl.pallas_call(
        _edense_body,
        grid=(grid,),
        in_specs=[
            pl.BlockSpec((eb, ea.shape[1]), lambda i: (i, 0)),
            pl.BlockSpec((eb, ea.shape[1]),
                         lambda i: (jnp.minimum(i + grid, bmax), 0)),
            pl.BlockSpec(Wc.shape, lambda i: (0, 0)),
            pl.BlockSpec(bc.shape, lambda i: (0, 0)),
        ],
        out_specs=pl.BlockSpec((eb, 128), lambda i: (i, 0)),
        out_shape=jax.ShapeDtypeStruct((half, 128), jnp.int32),
    )(ea, ea, Wc, bc)



def _xpack_body(x_ref, xw_ref):
    xw_ref[...] = _pack_tc(x_ref[...])


def _xpack(x, nb):
    n, d = x.shape
    return pl.pallas_call(
        _xpack_body,
        grid=(n // nb,),
        in_specs=[pl.BlockSpec((nb, d), lambda i: (i, 0))],
        out_specs=pl.BlockSpec((nb, d // 2), lambda i: (i, 0)),
        out_shape=jax.ShapeDtypeStruct((n, d // 2), jnp.int32),
    )(x)



def _make_agg(tw, ew, compute_rows, n_acc, ng):
    mesh = plsc.VectorSubcoreMesh(core_axis_name="c", subcore_axis_name="s")
    rows_per_tile = n_acc // NS
    nz = rows_per_tile // 128
    nsteps = ng
    assert nsteps % 2 == 0 and CH % 2 == 0 and nsteps % CH == 0

    @functools.partial(
        pl.kernel,
        mesh=mesh,
        out_type=jax.ShapeDtypeStruct((NC, n_acc, 128), jnp.float32),
        compiler_params=pltpu.CompilerParams(use_tc_tiling_on_sc=False,
                                             needs_layout_passes=False),
        scratch_types=[
            pltpu.VMEM((CH, G), jnp.int32),
            pltpu.VMEM((2, CH, G), jnp.int32),
            pltpu.VMEM((2, G, tw), jnp.int32),
            pltpu.VMEM((2, G // 2, 128), jnp.int32),
            pltpu.VMEM((2, G, 128), jnp.float32),
            pltpu.SemaphoreType.DMA,
            pltpu.SemaphoreType.DMA,
            pltpu.SemaphoreType.DMA,
            pltpu.SemaphoreType.DMA,
            pltpu.SemaphoreType.DMA,
            pltpu.SemaphoreType.DMA,
            pltpu.VMEM_SHARED((n_acc, 128), jnp.float32),
        ],
    )
    def body(tbl_hbm, src_hbm, dst_hbm, emb_hbm, out_hbm,
             src_v, dst_v, tbl_v, emb_v, m_v, gsem0, gsem1, esem0, esem1,
             ssem0, ssem1, acc):
        c = lax.axis_index("c")
        s = lax.axis_index("s")
        w = s * NC + c
        gsem = (gsem0, gsem1)
        esem = (esem0, esem1)
        ssem = (ssem0, ssem1)

        zeros16 = jnp.zeros((16,), jnp.float32)

        def zb_body(r, carry):
            for cc in range(8):
                m_v[0, r, pl.ds(cc * 16, 16)] = zeros16
            return carry

        lax.fori_loop(0, G, zb_body, 0)
        tile_base = s * rows_per_tile

        def zacc_body(k, carry):
            for q in range(128 // G):
                pltpu.sync_copy(
                    m_v.at[0],
                    acc.at[pl.ds(tile_base + k * 128 + q * G, G)])
            return carry

        lax.fori_loop(0, nz, zacc_body, 0)
        plsc.subcore_barrier()

        def issue_loads(j, b):
            jj = lax.rem(j, CH)
            pltpu.async_copy(
                emb_hbm.at[pl.ds((w * ng + j) * (G // 2), G // 2)],
                emb_v.at[b], esem[b])
            pltpu.async_copy(tbl_hbm.at[src_v.at[jj]], tbl_v.at[b], gsem[b])

        def wait_loads(b):
            pltpu.make_async_copy(
                emb_hbm.at[pl.ds(0, G // 2)], emb_v.at[b], esem[b]).wait()
            pltpu.make_async_copy(
                tbl_hbm.at[src_v.at[0]], tbl_v.at[b], gsem[b]).wait()

        def issue_scatter(j, b):
            jj = lax.rem(j, CH)
            p = lax.rem(j // CH, 2)
            pltpu.async_copy(m_v.at[b], acc.at[dst_v.at[p, jj]], ssem[b],
                             add=True)

        def wait_scatter(b):
            pltpu.make_async_copy(
                m_v.at[b], acc.at[dst_v.at[0, 0]], ssem[b]).wait()

        def load_idx(blk):
            pltpu.sync_copy(src_hbm.at[pl.ds(w * ng + blk * CH, CH)], src_v)
            pltpu.sync_copy(dst_hbm.at[pl.ds(w * ng + blk * CH, CH)],
                            dst_v.at[lax.rem(blk, 2)])

        load_idx(0)
        issue_loads(0, 0)

        def step2(jj, carry):
            for b in range(2):
                j = jj * 2 + b
                wait_loads(b)
                if b == 0:
                    issue_loads(j + 1, 1)
                else:
                    nxt = j + 1

                    @pl.when(nxt < nsteps)
                    def _():
                        @pl.when(lax.rem(nxt, CH) == 0)
                        def _():
                            load_idx(nxt // CH)

                        issue_loads(nxt, 0)

                @pl.when(j >= 2)
                def _(b=b):
                    wait_scatter(b)

                def rows(r, rc, b=b):
                    compute_rows(tbl_v, emb_v, m_v, b, r)
                    return rc

                lax.fori_loop(0, G // 2, rows, 0)
                issue_scatter(j, b)
            return carry

        lax.fori_loop(0, nsteps // 2, step2, 0)
        wait_scatter(0)
        wait_scatter(1)
        plsc.subcore_barrier()

        def wout(k, carry):
            r0 = tile_base + k * 128
            pltpu.sync_copy(acc.at[pl.ds(r0, 128)],
                            out_hbm.at[c, pl.ds(r0, 128)])
            return carry

        lax.fori_loop(0, nz, wout, 0)

    return body


def _rows_l1(tbl_v, emb_v, m_v, b, r):
    for (ro, wo) in ((0, 0), (G // 2, 64)):
        for g in range(4):
            wx = tbl_v[b, ro + r, pl.ds(g * 16, 16)]
            we = emb_v[b, r, pl.ds(wo + g * 16, 16)]
            m_v[b, ro + r, pl.ds(g * 16, 16)] = jnp.maximum(
                _lo(wx) + _lo(we), 0.0)
            m_v[b, ro + r, pl.ds(64 + g * 16, 16)] = jnp.maximum(
                _hi(wx) + _hi(we), 0.0)


def _rows_l23(tbl_v, emb_v, m_v, b, r):
    for (ro, wo) in ((0, 0), (G // 2, 64)):
        for g in range(2):
            wx = tbl_v[b, ro + r, pl.ds(g * 16, 16)]
            xlo = _lo(wx)
            xhi = _hi(wx)
            we_a = emb_v[b, r, pl.ds(wo + g * 16, 16)]
            we_b = emb_v[b, r, pl.ds(wo + 32 + g * 16, 16)]
            m_v[b, ro + r, pl.ds(g * 16, 16)] = jnp.maximum(xlo + _lo(we_a), 0.0)
            m_v[b, ro + r, pl.ds(32 + g * 16, 16)] = jnp.maximum(xhi + _lo(we_b), 0.0)
            m_v[b, ro + r, pl.ds(64 + g * 16, 16)] = jnp.maximum(xlo + _hi(we_a), 0.0)
            m_v[b, ro + r, pl.ds(96 + g * 16, 16)] = jnp.maximum(xhi + _hi(we_b), 0.0)



def _node1_body(x_ref, p_ref, wa_ref, ba_ref, wb_ref, bb_ref, h_ref, hw_ref):
    h1 = x_ref[...] + p_ref[0] + p_ref[1]
    t = jnp.maximum(jnp.dot(h1, wa_ref[...], preferred_element_type=jnp.float32)
                    + ba_ref[...], 0.0)
    g = jnp.dot(t, wb_ref[...], preferred_element_type=jnp.float32) + bb_ref[...]
    h = jnp.maximum(g, 0.0)
    h_ref[...] = h
    hw_ref[...] = _pack_tc(h)


def _node1(x, P1, W1a, b1a, W1b, b1b, nb):
    n, d = x.shape
    hdim = W1a.shape[1]
    grid = n // nb
    return pl.pallas_call(
        _node1_body,
        grid=(grid,),
        in_specs=[
            pl.BlockSpec((nb, d), lambda i: (i, 0)),
            pl.BlockSpec((NC, nb, d), lambda i: (0, i, 0)),
            pl.BlockSpec(W1a.shape, lambda i: (0, 0)),
            pl.BlockSpec(b1a.shape, lambda i: (0, 0)),
            pl.BlockSpec(W1b.shape, lambda i: (0, 0)),
            pl.BlockSpec(b1b.shape, lambda i: (0, 0)),
        ],
        out_specs=[
            pl.BlockSpec((nb, hdim), lambda i: (i, 0)),
            pl.BlockSpec((nb, hdim // 2), lambda i: (i, 0)),
        ],
        out_shape=[
            jax.ShapeDtypeStruct((n, hdim), jnp.float32),
            jax.ShapeDtypeStruct((n, hdim // 2), jnp.int32),
        ],
    )(x, P1, W1a, b1a, W1b, b1b)



def _node2_body(h_ref, p_ref, wm1_ref, bm1_ref, wm2_ref, bm2_ref,
                wl1_ref, bl1_ref, wl2_ref, bl2_ref, mu_ref, ls_ref):
    hb = h_ref[...]
    hm = hb + p_ref[0, :, :64] + p_ref[1, :, :64]
    hl = hb + p_ref[0, :, 64:] + p_ref[1, :, 64:]
    tm = jnp.maximum(jnp.dot(hm, wm1_ref[...], preferred_element_type=jnp.float32)
                     + bm1_ref[...], 0.0)
    mu_ref[...] = jnp.dot(tm, wm2_ref[...], preferred_element_type=jnp.float32) + bm2_ref[...]
    tl = jnp.maximum(jnp.dot(hl, wl1_ref[...], preferred_element_type=jnp.float32)
                     + bl1_ref[...], 0.0)
    ls = jnp.dot(tl, wl2_ref[...], preferred_element_type=jnp.float32) + bl2_ref[...]
    ls_ref[...] = jnp.clip(ls, -10.0, 10.0)


def _node2(h, P2, Wm1, bm1, Wm2, bm2, Wl1, bl1, Wl2, bl2, nb):
    n, hdim = h.shape
    ldim = Wm2.shape[1]
    grid = n // nb
    wspec = lambda shp: pl.BlockSpec(shp, lambda i: (0, 0))
    return pl.pallas_call(
        _node2_body,
        grid=(grid,),
        in_specs=[
            pl.BlockSpec((nb, hdim), lambda i: (i, 0)),
            pl.BlockSpec((NC, nb, 128), lambda i: (0, i, 0)),
            wspec(Wm1.shape), wspec(bm1.shape), wspec(Wm2.shape), wspec(bm2.shape),
            wspec(Wl1.shape), wspec(bl1.shape), wspec(Wl2.shape), wspec(bl2.shape),
        ],
        out_specs=[
            pl.BlockSpec((nb, ldim), lambda i: (i, 0)),
            pl.BlockSpec((nb, ldim), lambda i: (i, 0)),
        ],
        out_shape=[
            jax.ShapeDtypeStruct((n, ldim), jnp.float32),
            jax.ShapeDtypeStruct((n, ldim), jnp.float32),
        ],
    )(h, P2, Wm1, bm1, Wm2, bm2, Wl1, bl1, Wl2, bl2)



@jax.jit
def kernel(x, edge_index, edge_attr, We1, be1, W1a, b1a, W1b, b1b,
           Wem, bem, Wm1, bm1, Wm2, bm2, Wel, bel, Wl1, bl1, Wl2, bl2):
    n, d = x.shape
    e = edge_index.shape[1]
    ed = edge_attr.shape[1]

    ng = _ceil_to((e + NW * G - 1) // (NW * G), CH)
    e_pad = NW * ng * G
    n_acc = _ceil_to(n + 1, NS * 128)

    pad = e_pad - e
    half = e_pad // 2
    src = edge_index[0].astype(jnp.int32)
    dst = edge_index[1].astype(jnp.int32)

    def _grp(v, fill):
        vp = jnp.concatenate([v, jnp.full((pad,), fill, jnp.int32)])
        return jnp.concatenate([vp[:half].reshape(-1, G // 2),
                                vp[half:].reshape(-1, G // 2)], axis=1)

    src2 = _grp(src, 0)
    dst2 = _grp(dst, n)

    Wml = jnp.concatenate([Wem, Wel], axis=1)
    bml = jnp.concatenate([bem, bel]).reshape(1, 128)

    e1w = _edense(edge_attr, We1, be1.reshape(1, -1), e_pad)
    xw = _xpack(x, nb=2000)

    P1 = _make_agg(64, 64, _rows_l1, n_acc, ng)(xw, src2, dst2, e1w)
    emlw = _edense(edge_attr, Wml, bml, e_pad)
    h, hw = _node1(x, P1, W1a, b1a.reshape(1, -1),
                   W1b, b1b.reshape(1, -1), nb=2000)

    P2 = _make_agg(32, 64, _rows_l23, n_acc, ng)(hw, src2, dst2, emlw)
    mu, logstd = _node2(h, P2, Wm1, bm1.reshape(1, -1),
                        Wm2, bm2.reshape(1, -1), Wl1, bl1.reshape(1, -1),
                        Wl2, bl2.reshape(1, -1), nb=2000)
    return (mu, logstd)

# --- scband reference (transcript-rebuilt; emitter-appended) ---
"""Pipeline reference for scband-edge-aware-encoder-43585328120267 (READ-ONLY COPY).

The authoritative reference and input builder live on the scoring server;
editing this copy changes nothing except your own understanding.
"""

import jax, jax.numpy as jnp
import numpy as np


def _gine(x, src, dst, ea, We, be, Wa, ba, Wb, bb):
    # GINEConv (eps=0): nn((1+eps)*x + sum_j relu(x_j + lin_edge(e_ij)))
    e = ea @ We + be
    m = jax.nn.relu(x[src] + e)
    agg = jax.ops.segment_sum(m, dst, num_segments=x.shape[0])
    h = x + agg
    h = jax.nn.relu(h @ Wa + ba) @ Wb + bb
    return h


def setup_inputs(seed: int = 0):
    key = jax.random.key(seed)
    ks = jax.random.split(key, 24)
    N, E, D, ED, H, L = 10000, 320000, 128, 16, 64, 64
    s = 0.05
    inp = {}
    inp['x'] = jax.random.normal(ks[0], (N, D), dtype=jnp.float32)
    inp['edge_index'] = jax.random.randint(ks[1], (2, E), 0, N)
    inp['edge_attr'] = jax.random.normal(ks[2], (E, ED), dtype=jnp.float32)
    # conv1: lin_edge ED->D, nn: Linear(D,64), ReLU, Linear(64,64)
    inp['We1'] = jax.random.normal(ks[3], (ED, D), dtype=jnp.float32) * s
    inp['be1'] = jnp.zeros((D,), dtype=jnp.float32)
    inp['W1a'] = jax.random.normal(ks[4], (D, H), dtype=jnp.float32) * s
    inp['b1a'] = jnp.zeros((H,), dtype=jnp.float32)
    inp['W1b'] = jax.random.normal(ks[5], (H, H), dtype=jnp.float32) * s
    inp['b1b'] = jnp.zeros((H,), dtype=jnp.float32)
    # conv_mu: lin_edge ED->64, nn: Linear(64,L), ReLU, Linear(L,L)
    inp['Wem'] = jax.random.normal(ks[6], (ED, H), dtype=jnp.float32) * s
    inp['bem'] = jnp.zeros((H,), dtype=jnp.float32)
    inp['Wm1'] = jax.random.normal(ks[7], (H, L), dtype=jnp.float32) * s
    inp['bm1'] = jnp.zeros((L,), dtype=jnp.float32)
    inp['Wm2'] = jax.random.normal(ks[8], (L, L), dtype=jnp.float32) * s
    inp['bm2'] = jnp.zeros((L,), dtype=jnp.float32)
    # conv_logstd: same shapes as conv_mu
    inp['Wel'] = jax.random.normal(ks[9], (ED, H), dtype=jnp.float32) * s
    inp['bel'] = jnp.zeros((H,), dtype=jnp.float32)
    inp['Wl1'] = jax.random.normal(ks[10], (H, L), dtype=jnp.float32) * s
    inp['bl1'] = jnp.zeros((L,), dtype=jnp.float32)
    inp['Wl2'] = jax.random.normal(ks[11], (L, L), dtype=jnp.float32) * s
    inp['bl2'] = jnp.zeros((L,), dtype=jnp.float32)
    return inp


def reference(x, edge_index, edge_attr, We1, be1, W1a, b1a, W1b, b1b, Wem, bem, Wm1, bm1, Wm2, bm2, Wel, bel, Wl1, bl1, Wl2, bl2):
    src, dst = edge_index[0], edge_index[1]
    h = jax.nn.relu(_gine(x, src, dst, edge_attr, We1, be1, W1a, b1a, W1b, b1b))
    mu = _gine(h, src, dst, edge_attr, Wem, bem, Wm1, bm1, Wm2, bm2)
    logstd = _gine(h, src, dst, edge_attr, Wel, bel, Wl1, bl1, Wl2, bl2)
    logstd = jnp.clip(logstd, -10.0, 10.0)
    return (mu, logstd)

if __name__ == "__main__":
    import jax
    _d = setup_inputs()
    print(jax.jit(kernel)(*tuple(_d.values())))

</pallas_src>

<mosaic_0001>
#map = affine_map<(d0, d1) -> (0, 0)>
#map1 = affine_map<(d0, d1) -> (0, 0, 0)>
module attributes {stable_mosaic.version = 14 : i64} {
  func.func @body(%arg0: i32, %arg1: i32, %arg2: memref<10000x64xi32, #tpu.memory_space<hbm>>, %arg3: memref<5120x64xi32, #tpu.memory_space<hbm>>, %arg4: memref<5120x64xi32, #tpu.memory_space<hbm>>, %arg5: memref<163840x128xi32, #tpu.memory_space<hbm>>, %arg6: memref<2x10240x128xf32, #tpu.memory_space<hbm>>, %arg7: memref<16x64xi32, #tpu.memory_space<vmem>>, %arg8: memref<2x16x64xi32, #tpu.memory_space<vmem>>, %arg9: memref<2x64x64xi32, #tpu.memory_space<vmem>>, %arg10: memref<2x32x128xi32, #tpu.memory_space<vmem>>, %arg11: memref<2x64x128xf32, #tpu.memory_space<vmem>>, %arg12: memref<!tpu.dma_semaphore, #tpu.memory_space<semaphore_mem>>, %arg13: memref<!tpu.dma_semaphore, #tpu.memory_space<semaphore_mem>>, %arg14: memref<!tpu.dma_semaphore, #tpu.memory_space<semaphore_mem>>, %arg15: memref<!tpu.dma_semaphore, #tpu.memory_space<semaphore_mem>>, %arg16: memref<!tpu.dma_semaphore, #tpu.memory_space<semaphore_mem>>, %arg17: memref<!tpu.dma_semaphore, #tpu.memory_space<semaphore_mem>>, %arg18: memref<10240x128xf32, #tpu.memory_space<vmem_shared>>) attributes {dimension_semantics = [#tpu.dimension_semantics<core_parallel>, #tpu.dimension_semantics<subcore_parallel>], iteration_bounds = array<i64: 2, 16>, scalar_prefetch = 0 : i64, scratch_operands = 12 : i64, tpu.core_type = #tpu.core_type<sc_vector_subcore>, window_params = [{transform_indices = #map}, {transform_indices = #map}, {transform_indices = #map}, {transform_indices = #map}, {transform_indices = #map1}]} {
    %mul3A = arith.constant 2 : i32
    %mul3A_0 = arith.muli %arg1, %mul3A : i32
    %add3A = arith.addi %mul3A_0, %arg0 : i32
    %broadcast_in_dim3A = arith.constant 0.000000e+00 : f32
    %broadcast_in_dim3A_1 = vector.broadcast %broadcast_in_dim3A : f32 to vector<16xf32>
    %scan3A = arith.constant 0 : i32
    %scan3A_2 = arith.constant 0 : i32
    %scan3A_3 = arith.constant 64 : i32
    %scan3A_4 = arith.addi %scan3A_2, %scan3A_3 : i32
    %scan3A_5 = arith.constant 1 : i32
    scf.for %scan3A_95 = %scan3A_2 to %scan3A_4 step %scan3A_5  : i32 {
      %swap3A = arith.constant 0 : i32
      %swap3A_96 = arith.index_cast %swap3A : i32 to index
      %swap3A_97 = arith.index_cast %scan3A_95 : i32 to index
      %swap3A_98 = arith.constant 0 : index
      %swap3A_99 = tpu.vector_load %arg11[%swap3A_96, %swap3A_97, %swap3A_98] {strides = array<i32>} : memref<2x64x128xf32, #tpu.memory_space<vmem>>, vector<16xf32>,
      tpu.vector_store %arg11[%swap3A_96, %swap3A_97, %swap3A_98], %broadcast_in_dim3A_1 {strides = array<i32>} : memref<2x64x128xf32, #tpu.memory_space<vmem>>, vector<16xf32>,
      %swap3A_100 = arith.constant 0 : i32
      %swap3A_101 = arith.index_cast %swap3A_100 : i32 to index
      %swap3A_102 = arith.index_cast %scan3A_95 : i32 to index
      %swap3A_103 = arith.constant 16 : index
      %swap3A_104 = tpu.vector_load %arg11[%swap3A_101, %swap3A_102, %swap3A_103] {strides = array<i32>} : memref<2x64x128xf32, #tpu.memory_space<vmem>>, vector<16xf32>,
      tpu.vector_store %arg11[%swap3A_101, %swap3A_102, %swap3A_103], %broadcast_in_dim3A_1 {strides = array<i32>} : memref<2x64x128xf32, #tpu.memory_space<vmem>>, vector<16xf32>,
      %swap3A_105 = arith.constant 0 : i32
      %swap3A_106 = arith.index_cast %swap3A_105 : i32 to index
      %swap3A_107 = arith.index_cast %scan3A_95 : i32 to index
      %swap3A_108 = arith.constant 32 : index
      %swap3A_109 = tpu.vector_load %arg11[%swap3A_106, %swap3A_107, %swap3A_108] {strides = array<i32>} : memref<2x64x128xf32, #tpu.memory_space<vmem>>, vector<16xf32>,
      tpu.vector_store %arg11[%swap3A_106, %swap3A_107, %swap3A_108], %broadcast_in_dim3A_1 {strides = array<i32>} : memref<2x64x128xf32, #tpu.memory_space<vmem>>, vector<16xf32>,
      %swap3A_110 = arith.constant 0 : i32
      %swap3A_111 = arith.index_cast %swap3A_110 : i32 to index
      %swap3A_112 = arith.index_cast %scan3A_95 : i32 to index
      %swap3A_113 = arith.constant 48 : index
      %swap3A_114 = tpu.vector_load %arg11[%swap3A_111, %swap3A_112, %swap3A_113] {strides = array<i32>} : memref<2x64x128xf32, #tpu.memory_space<vmem>>, vector<16xf32>,
      tpu.vector_store %arg11[%swap3A_111, %swap3A_112, %swap3A_113], %broadcast_in_dim3A_1 {strides = array<i32>} : memref<2x64x128xf32, #tpu.memory_space<vmem>>, vector<16xf32>,
      %swap3A_115 = arith.constant 0 : i32
      %swap3A_116 = arith.index_cast %swap3A_115 : i32 to index
      %swap3A_117 = arith.index_cast %scan3A_95 : i32 to index
      %swap3A_118 = arith.constant 64 : index
      %swap3A_119 = tpu.vector_load %arg11[%swap3A_116, %swap3A_117, %swap3A_118] {strides = array<i32>} : memref<2x64x128xf32, #tpu.memory_space<vmem>>, vector<16xf32>,
      tpu.vector_store %arg11[%swap3A_116, %swap3A_117, %swap3A_118], %broadcast_in_dim3A_1 {strides = array<i32>} : memref<2x64x128xf32, #tpu.memory_space<vmem>>, vector<16xf32>,
      %swap3A_120 = arith.constant 0 : i32
      %swap3A_121 = arith.index_cast %swap3A_120 : i32 to index
      %swap3A_122 = arith.index_cast %scan3A_95 : i32 to index
      %swap3A_123 = arith.constant 80 : index
      %swap3A_124 = tpu.vector_load %arg11[%swap3A_121, %swap3A_122, %swap3A_123] {strides = array<i32>} : memref<2x64x128xf32, #tpu.memory_space<vmem>>, vector<16xf32>,
      tpu.vector_store %arg11[%swap3A_121, %swap3A_122, %swap3A_123], %broadcast_in_dim3A_1 {strides = array<i32>} : memref<2x64x128xf32, #tpu.memory_space<vmem>>, vector<16xf32>,
      %swap3A_125 = arith.constant 0 : i32
      %swap3A_126 = arith.index_cast %swap3A_125 : i32 to index
      %swap3A_127 = arith.index_cast %scan3A_95 : i32 to index
      %swap3A_128 = arith.constant 96 : index
      %swap3A_129 = tpu.vector_load %arg11[%swap3A_126, %swap3A_127, %swap3A_128] {strides = array<i32>} : memref<2x64x128xf32, #tpu.memory_space<vmem>>, vector<16xf32>,
      tpu.vector_store %arg11[%swap3A_126, %swap3A_127, %swap3A_128], %broadcast_in_dim3A_1 {strides = array<i32>} : memref<2x64x128xf32, #tpu.memory_space<vmem>>, vector<16xf32>,
      %swap3A_130 = arith.constant 0 : i32
      %swap3A_131 = arith.index_cast %swap3A_130 : i32 to index
      %swap3A_132 = arith.index_cast %scan3A_95 : i32 to index
      %swap3A_133 = arith.constant 112 : index
      %swap3A_134 = tpu.vector_load %arg11[%swap3A_131, %swap3A_132, %swap3A_133] {strides = array<i32>} : memref<2x64x128xf32, #tpu.memory_space<vmem>>, vector<16xf32>,
      tpu.vector_store %arg11[%swap3A_131, %swap3A_132, %swap3A_133], %broadcast_in_dim3A_1 {strides = array<i32>} : memref<2x64x128xf32, #tpu.memory_space<vmem>>, vector<16xf32>,
    }
    %scan3A_6 = arith.constant 64 : i32
    %mul3A_7 = arith.constant 640 : i32
    %mul3A_8 = arith.muli %arg1, %mul3A_7 : i32
    %scan3A_9 = arith.constant 0 : i32
    %scan3A_10 = arith.constant 0 : i32
    %scan3A_11 = arith.constant 5 : i32
    %scan3A_12 = arith.addi %scan3A_10, %scan3A_11 : i32
    %scan3A_13 = arith.constant 1 : i32
    scf.for %scan3A_95 = %scan3A_10 to %scan3A_12 step %scan3A_13  : i32 {
      %mul3A_96 = arith.constant 128 : i32
      %mul3A_97 = arith.muli %scan3A_95, %mul3A_96 : i32
      %add3A_98 = arith.addi %mul3A_8, %mul3A_97 : i32
      %add3A_99 = arith.constant 0 : i32
      %add3A_100 = arith.addi %add3A_98, %add3A_99 : i32
      %run_scoped3A = arith.constant 0 : i32
      "tpu.region"() ({
        %run_scoped3A_107 = tpu.sem_alloc : memref<!tpu.dma_semaphore, #tpu.memory_space<semaphore_mem>>
        %dma_start3A_108 = arith.constant 0 : i32
        %dma_start3A_109 = arith.constant 0 : i32
        %dma_start3A_110 = tpu.memref_slice %arg11[%run_scoped3A, %dma_start3A_108, %dma_start3A_109] : memref<2x64x128xf32, #tpu.memory_space<vmem>> -> memref<1x64x128xf32, #tpu.memory_space<vmem>>
        %dma_start3A_111 = tpu.memref_squeeze %dma_start3A_110 : memref<1x64x128xf32, #tpu.memory_space<vmem>> -> memref<64x128xf32, #tpu.memory_space<vmem>>
        %dma_start3A_112 = arith.constant 0 : i32
        %dma_start3A_113 = tpu.memref_slice %arg18[%add3A_100, %dma_start3A_112] : memref<10240x128xf32, #tpu.memory_space<vmem_shared>> -> memref<64x128xf32, #tpu.memory_space<vmem_shared>>
        %dma_start3A_114 = arith.constant 0 : i32
        %dma_start3A_115 = tpu.memref_slice %arg18[%add3A_100, %dma_start3A_114] : memref<10240x128xf32, #tpu.memory_space<vmem_shared>> -> memref<64x128xf32, #tpu.memory_space<vmem_shared>>
        %dma_start3A_116 = arith.constant 0 : i32
        %dma_start3A_117 = arith.constant 0 : i32
        %dma_start3A_118 = tpu.memref_slice %arg11[%run_scoped3A, %dma_start3A_116, %dma_start3A_117] : memref<2x64x128xf32, #tpu.memory_space<vmem>> -> memref<1x64x128xf32, #tpu.memory_space<vmem>>
        %dma_start3A_119 = tpu.memref_squeeze %dma_start3A_118 : memref<1x64x128xf32, #tpu.memory_space<vmem>> -> memref<64x128xf32, #tpu.memory_space<vmem>>
        tpu.enqueue_dma source(%dma_start3A_119 : memref<64x128xf32, #tpu.memory_space<vmem>>) target(%dma_start3A_115 : memref<64x128xf32, #tpu.memory_space<vmem_shared>>) target_semaphore(%run_scoped3A_107 : memref<!tpu.dma_semaphore, #tpu.memory_space<semaphore_mem>>)
        %dma_wait3A_120 = arith.constant 0 : i32
        %dma_wait3A_121 = arith.constant 0 : i32
        %dma_wait3A_122 = tpu.memref_slice %arg11[%run_scoped3A, %dma_wait3A_120, %dma_wait3A_121] : memref<2x64x128xf32, #tpu.memory_space<vmem>> -> memref<1x64x128xf32, #tpu.memory_space<vmem>>
        %dma_wait3A_123 = tpu.memref_squeeze %dma_wait3A_122 : memref<1x64x128xf32, #tpu.memory_space<vmem>> -> memref<64x128xf32, #tpu.memory_space<vmem>>
        %dma_wait3A_124 = arith.constant 0 : i32
        %dma_wait3A_125 = tpu.memref_slice %arg18[%add3A_100, %dma_wait3A_124] : memref<10240x128xf32, #tpu.memory_space<vmem_shared>> -> memref<64x128xf32, #tpu.memory_space<vmem_shared>>
        %dma_wait3A_126 = arith.constant 0 : i32
        %dma_wait3A_127 = tpu.memref_slice %arg18[%add3A_100, %dma_wait3A_126] : memref<10240x128xf32, #tpu.memory_space<vmem_shared>> -> memref<64x128xf32, #tpu.memory_space<vmem_shared>>
        %dma_wait3A_128 = arith.constant 0 : i32
        %dma_wait3A_129 = arith.constant 0 : i32
        %dma_wait3A_130 = tpu.memref_slice %arg11[%run_scoped3A, %dma_wait3A_128, %dma_wait3A_129] : memref<2x64x128xf32, #tpu.memory_space<vmem>> -> memref<1x64x128xf32, #tpu.memory_space<vmem>>
        %dma_wait3A_131 = tpu.memref_squeeze %dma_wait3A_130 : memref<1x64x128xf32, #tpu.memory_space<vmem>> -> memref<64x128xf32, #tpu.memory_space<vmem>>
        tpu.wait_dma2 semaphore(%run_scoped3A_107 : memref<!tpu.dma_semaphore, #tpu.memory_space<semaphore_mem>>) src(%dma_wait3A_131 : memref<64x128xf32, #tpu.memory_space<vmem>>) dst(%dma_wait3A_127 : memref<64x128xf32, #tpu.memory_space<vmem_shared>>)
        tpu.yield
      }) : () -> ()
      %mul3A_101 = arith.constant 128 : i32
      %mul3A_102 = arith.muli %scan3A_95, %mul3A_101 : i32
      %add3A_103 = arith.addi %mul3A_8, %mul3A_102 : i32
      %add3A_104 = arith.constant 64 : i32
      %add3A_105 = arith.addi %add3A_103, %add3A_104 : i32
      %run_scoped3A_106 = arith.constant 0 : i32
      "tpu.region"() ({
        %run_scoped3A_107 = tpu.sem_alloc : memref<!tpu.dma_semaphore, #tpu.memory_space<semaphore_mem>>
        %dma_start3A_108 = arith.constant 0 : i32
        %dma_start3A_109 = arith.constant 0 : i32
        %dma_start3A_110 = tpu.memref_slice %arg11[%run_scoped3A_106, %dma_start3A_108, %dma_start3A_109] : memref<2x64x128xf32, #tpu.memory_space<vmem>> -> memref<1x64x128xf32, #tpu.memory_space<vmem>>
        %dma_start3A_111 = tpu.memref_squeeze %dma_start3A_110 : memref<1x64x128xf32, #tpu.memory_space<vmem>> -> memref<64x128xf32, #tpu.memory_space<vmem>>
        %dma_start3A_112 = arith.constant 0 : i32
        %dma_start3A_113 = tpu.memref_slice %arg18[%add3A_105, %dma_start3A_112] : memref<10240x128xf32, #tpu.memory_space<vmem_shared>> -> memref<64x128xf32, #tpu.memory_space<vmem_shared>>
        %dma_start3A_114 = arith.constant 0 : i32
        %dma_start3A_115 = tpu.memref_slice %arg18[%add3A_105, %dma_start3A_114] : memref<10240x128xf32, #tpu.memory_space<vmem_shared>> -> memref<64x128xf32, #tpu.memory_space<vmem_shared>>
        %dma_start3A_116 = arith.constant 0 : i32
        %dma_start3A_117 = arith.constant 0 : i32
        %dma_start3A_118 = tpu.memref_slice %arg11[%run_scoped3A_106, %dma_start3A_116, %dma_start3A_117] : memref<2x64x128xf32, #tpu.memory_space<vmem>> -> memref<1x64x128xf32, #tpu.memory_space<vmem>>
        %dma_start3A_119 = tpu.memref_squeeze %dma_start3A_118 : memref<1x64x128xf32, #tpu.memory_space<vmem>> -> memref<64x128xf32, #tpu.memory_space<vmem>>
        tpu.enqueue_dma source(%dma_start3A_119 : memref<64x128xf32, #tpu.memory_space<vmem>>) target(%dma_start3A_115 : memref<64x128xf32, #tpu.memory_space<vmem_shared>>) target_semaphore(%run_scoped3A_107 : memref<!tpu.dma_semaphore, #tpu.memory_space<semaphore_mem>>)
        %dma_wait3A_120 = arith.constant 0 : i32
        %dma_wait3A_121 = arith.constant 0 : i32
        %dma_wait3A_122 = tpu.memref_slice %arg11[%run_scoped3A_106, %dma_wait3A_120, %dma_wait3A_121] : memref<2x64x128xf32, #tpu.memory_space<vmem>> -> memref<1x64x128xf32, #tpu.memory_space<vmem>>
        %dma_wait3A_123 = tpu.memref_squeeze %dma_wait3A_122 : memref<1x64x128xf32, #tpu.memory_space<vmem>> -> memref<64x128xf32, #tpu.memory_space<vmem>>
        %dma_wait3A_124 = arith.constant 0 : i32
        %dma_wait3A_125 = tpu.memref_slice %arg18[%add3A_105, %dma_wait3A_124] : memref<10240x128xf32, #tpu.memory_space<vmem_shared>> -> memref<64x128xf32, #tpu.memory_space<vmem_shared>>
        %dma_wait3A_126 = arith.constant 0 : i32
        %dma_wait3A_127 = tpu.memref_slice %arg18[%add3A_105, %dma_wait3A_126] : memref<10240x128xf32, #tpu.memory_space<vmem_shared>> -> memref<64x128xf32, #tpu.memory_space<vmem_shared>>
        %dma_wait3A_128 = arith.constant 0 : i32
        %dma_wait3A_129 = arith.constant 0 : i32
        %dma_wait3A_130 = tpu.memref_slice %arg11[%run_scoped3A_106, %dma_wait3A_128, %dma_wait3A_129] : memref<2x64x128xf32, #tpu.memory_space<vmem>> -> memref<1x64x128xf32, #tpu.memory_space<vmem>>
        %dma_wait3A_131 = tpu.memref_squeeze %dma_wait3A_130 : memref<1x64x128xf32, #tpu.memory_space<vmem>> -> memref<64x128xf32, #tpu.memory_space<vmem>>
        tpu.wait_dma2 semaphore(%run_scoped3A_107 : memref<!tpu.dma_semaphore, #tpu.memory_space<semaphore_mem>>) src(%dma_wait3A_131 : memref<64x128xf32, #tpu.memory_space<vmem>>) dst(%dma_wait3A_127 : memref<64x128xf32, #tpu.memory_space<vmem_shared>>)
        tpu.yield
      }) : () -> ()
    }
    %scan3A_14 = arith.constant 5 : i32
    %barrier3A = arith.constant 0 : index
    tpu.barrier barrier_id(%barrier3A)
    %mul3A_15 = arith.constant 160 : i32
    %mul3A_16 = arith.muli %add3A, %mul3A_15 : i32
    %add3A_17 = arith.constant 0 : i32
    %add3A_18 = arith.addi %mul3A_16, %add3A_17 : i32
    "tpu.region"() ({
      %run_scoped3A = tpu.sem_alloc : memref<!tpu.dma_semaphore, #tpu.memory_space<semaphore_mem>>
      %dma_start3A_95 = arith.constant 0 : i32
      %dma_start3A_96 = tpu.memref_slice %arg3[%add3A_18, %dma_start3A_95] : memref<5120x64xi32, #tpu.memory_space<hbm>> -> memref<16x64xi32, #tpu.memory_space<hbm>>
      %dma_start3A_97 = arith.constant 0 : i32
      %dma_start3A_98 = tpu.memref_slice %arg3[%add3A_18, %dma_start3A_97] : memref<5120x64xi32, #tpu.memory_space<hbm>> -> memref<16x64xi32, #tpu.memory_space<hbm>>
      tpu.enqueue_dma source(%dma_start3A_98 : memref<16x64xi32, #tpu.memory_space<hbm>>) target(%arg7 : memref<16x64xi32, #tpu.memory_space<vmem>>) target_semaphore(%run_scoped3A : memref<!tpu.dma_semaphore, #tpu.memory_space<semaphore_mem>>)
      %dma_wait3A_99 = arith.constant 0 : i32
      %dma_wait3A_100 = tpu.memref_slice %arg3[%add3A_18, %dma_wait3A_99] : memref<5120x64xi32, #tpu.memory_space<hbm>> -> memref<16x64xi32, #tpu.memory_space<hbm>>
      %dma_wait3A_101 = arith.constant 0 : i32
      %dma_wait3A_102 = tpu.memref_slice %arg3[%add3A_18, %dma_wait3A_101] : memref<5120x64xi32, #tpu.memory_space<hbm>> -> memref<16x64xi32, #tpu.memory_space<hbm>>
      tpu.wait_dma2 semaphore(%run_scoped3A : memref<!tpu.dma_semaphore, #tpu.memory_space<semaphore_mem>>) src(%dma_wait3A_102 : memref<16x64xi32, #tpu.memory_space<hbm>>) dst(%arg7 : memref<16x64xi32, #tpu.memory_space<vmem>>)
      tpu.yield
    }) : () -> ()
    %mul3A_19 = arith.constant 160 : i32
    %mul3A_20 = arith.muli %add3A, %mul3A_19 : i32
    %add3A_21 = arith.constant 0 : i32
    %add3A_22 = arith.addi %mul3A_20, %add3A_21 : i32
    %rem3A = arith.constant 0 : i32
    %rem3A_23 = arith.constant 2 : i32
    %rem3A_24 = arith.remsi %rem3A, %rem3A_23 : i32
    "tpu.region"() ({
      %run_scoped3A = tpu.sem_alloc : memref<!tpu.dma_semaphore, #tpu.memory_space<semaphore_mem>>
      %dma_start3A_95 = arith.constant 0 : i32
      %dma_start3A_96 = arith.constant 0 : i32
      %dma_start3A_97 = tpu.memref_slice %arg8[%rem3A_24, %dma_start3A_95, %dma_start3A_96] : memref<2x16x64xi32, #tpu.memory_space<vmem>> -> memref<1x16x64xi32, #tpu.memory_space<vmem>>
      %dma_start3A_98 = tpu.memref_squeeze %dma_start3A_97 : memref<1x16x64xi32, #tpu.memory_space<vmem>> -> memref<16x64xi32, #tpu.memory_space<vmem>>
      %dma_start3A_99 = arith.constant 0 : i32
      %dma_start3A_100 = tpu.memref_slice %arg4[%add3A_22, %dma_start3A_99] : memref<5120x64xi32, #tpu.memory_space<hbm>> -> memref<16x64xi32, #tpu.memory_space<hbm>>
      %dma_start3A_101 = arith.constant 0 : i32
      %dma_start3A_102 = arith.constant 0 : i32
      %dma_start3A_103 = tpu.memref_slice %arg8[%rem3A_24, %dma_start3A_101, %dma_start3A_102] : memref<2x16x64xi32, #tpu.memory_space<vmem>> -> memref<1x16x64xi32, #tpu.memory_space<vmem>>
      %dma_start3A_104 = tpu.memref_squeeze %dma_start3A_103 : memref<1x16x64xi32, #tpu.memory_space<vmem>> -> memref<16x64xi32, #tpu.memory_space<vmem>>
      %dma_start3A_105 = arith.constant 0 : i32
      %dma_start3A_106 = tpu.memref_slice %arg4[%add3A_22, %dma_start3A_105] : memref<5120x64xi32, #tpu.memory_space<hbm>> -> memref<16x64xi32, #tpu.memory_space<hbm>>
      tpu.enqueue_dma source(%dma_start3A_106 : memref<16x64xi32, #tpu.memory_space<hbm>>) target(%dma_start3A_104 : memref<16x64xi32, #tpu.memory_space<vmem>>) target_semaphore(%run_scoped3A : memref<!tpu.dma_semaphore, #tpu.memory_space<semaphore_mem>>)
      %dma_wait3A_107 = arith.constant 0 : i32
      %dma_wait3A_108 = arith.constant 0 : i32
      %dma_wait3A_109 = tpu.memref_slice %arg8[%rem3A_24, %dma_wait3A_107, %dma_wait3A_108] : memref<2x16x64xi32, #tpu.memory_space<vmem>> -> memref<1x16x64xi32, #tpu.memory_space<vmem>>
      %dma_wait3A_110 = tpu.memref_squeeze %dma_wait3A_109 : memref<1x16x64xi32, #tpu.memory_space<vmem>> -> memref<16x64xi32, #tpu.memory_space<vmem>>
      %dma_wait3A_111 = arith.constant 0 : i32
      %dma_wait3A_112 = tpu.memref_slice %arg4[%add3A_22, %dma_wait3A_111] : memref<5120x64xi32, #tpu.memory_space<hbm>> -> memref<16x64xi32, #tpu.memory_space<hbm>>
      %dma_wait3A_113 = arith.constant 0 : i32
      %dma_wait3A_114 = arith.constant 0 : i32
      %dma_wait3A_115 = tpu.memref_slice %arg8[%rem3A_24, %dma_wait3A_113, %dma_wait3A_114] : memref<2x16x64xi32, #tpu.memory_space<vmem>> -> memref<1x16x64xi32, #tpu.memory_space<vmem>>
      %dma_wait3A_116 = tpu.memref_squeeze %dma_wait3A_115 : memref<1x16x64xi32, #tpu.memory_space<vmem>> -> memref<16x64xi32, #tpu.memory_space<vmem>>
      %dma_wait3A_117 = arith.constant 0 : i32
      %dma_wait3A_118 = tpu.memref_slice %arg4[%add3A_22, %dma_wait3A_117] : memref<5120x64xi32, #tpu.memory_space<hbm>> -> memref<16x64xi32, #tpu.memory_space<hbm>>
      tpu.wait_dma2 semaphore(%run_scoped3A : memref<!tpu.dma_semaphore, #tpu.memory_space<semaphore_mem>>) src(%dma_wait3A_118 : memref<16x64xi32, #tpu.memory_space<hbm>>) dst(%dma_wait3A_116 : memref<16x64xi32, #tpu.memory_space<vmem>>)
      tpu.yield
    }) : () -> ()
    %rem3A_25 = arith.constant 0 : i32
    %rem3A_26 = arith.constant 16 : i32
    %rem3A_27 = arith.remsi %rem3A_25, %rem3A_26 : i32
    %mul3A_28 = arith.constant 160 : i32
    %mul3A_29 = arith.muli %add3A, %mul3A_28 : i32
    %add3A_30 = arith.constant 0 : i32
    %add3A_31 = arith.addi %mul3A_29, %add3A_30 : i32
    %mul3A_32 = arith.constant 32 : i32
    %mul3A_33 = arith.muli %add3A_31, %mul3A_32 : i32
    %dma_start3A = arith.constant 0 : i32
    %dma_start3A_34 = arith.constant 0 : i32
    %dma_start3A_35 = arith.constant 0 : i32
    %dma_start3A_36 = tpu.memref_slice %arg10[%dma_start3A, %dma_start3A_34, %dma_start3A_35] : memref<2x32x128xi32, #tpu.memory_space<vmem>> -> memref<1x32x128xi32, #tpu.memory_space<vmem>>
    %dma_start3A_37 = tpu.memref_squeeze %dma_start3A_36 : memref<1x32x128xi32, #tpu.memory_space<vmem>> -> memref<32x128xi32, #tpu.memory_space<vmem>>
    %dma_start3A_38 = arith.constant 0 : i32
    %dma_start3A_39 = tpu.memref_slice %arg5[%mul3A_33, %dma_start3A_38] : memref<163840x128xi32, #tpu.memory_space<hbm>> -> memref<32x128xi32, #tpu.memory_space<hbm>>
    %dma_start3A_40 = arith.constant 0 : i32
    %dma_start3A_41 = arith.constant 0 : i32
    %dma_start3A_42 = tpu.memref_slice %arg10[%dma_start3A, %dma_start3A_40, %dma_start3A_41] : memref<2x32x128xi32, #tpu.memory_space<vmem>> -> memref<1x32x128xi32, #tpu.memory_space<vmem>>
    %dma_start3A_43 = tpu.memref_squeeze %dma_start3A_42 : memref<1x32x128xi32, #tpu.memory_space<vmem>> -> memref<32x128xi32, #tpu.memory_space<vmem>>
    %dma_start3A_44 = arith.constant 0 : i32
    %dma_start3A_45 = tpu.memref_slice %arg5[%mul3A_33, %dma_start3A_44] : memref<163840x128xi32, #tpu.memory_space<hbm>> -> memref<32x128xi32, #tpu.memory_space<hbm>>
    tpu.enqueue_dma source(%dma_start3A_45 : memref<32x128xi32, #tpu.memory_space<hbm>>) target(%dma_start3A_43 : memref<32x128xi32, #tpu.memory_space<vmem>>) target_semaphore(%arg14 : memref<!tpu.dma_semaphore, #tpu.memory_space<semaphore_mem>>)
    %dma_start3A_46 = arith.constant 0 : i32
    %dma_start3A_47 = arith.constant 0 : i32
    %dma_start3A_48 = arith.constant 0 : i32
    %dma_start3A_49 = tpu.memref_slice %arg9[%dma_start3A_46, %dma_start3A_47, %dma_start3A_48] : memref<2x64x64xi32, #tpu.memory_space<vmem>> -> memref<1x64x64xi32, #tpu.memory_space<vmem>>
    %dma_start3A_50 = tpu.memref_squeeze %dma_start3A_49 : memref<1x64x64xi32, #tpu.memory_space<vmem>> -> memref<64x64xi32, #tpu.memory_space<vmem>>
    %dma_start3A_51 = arith.constant 0 : i32
    %dma_start3A_52 = tpu.memref_slice %arg7[%rem3A_27, %dma_start3A_51] : memref<16x64xi32, #tpu.memory_space<vmem>> -> memref<1x64xi32, #tpu.memory_space<vmem>>
    %dma_start3A_53 = tpu.memref_squeeze %dma_start3A_52 : memref<1x64xi32, #tpu.memory_space<vmem>> -> memref<64xi32, #tpu.memory_space<vmem>>
    %dma_start3A_54 = arith.constant 0 : i32
    %dma_start3A_55 = arith.constant 0 : i32
    %dma_start3A_56 = tpu.memref_slice %arg2[%dma_start3A_54, %dma_start3A_55] : memref<10000x64xi32, #tpu.memory_space<hbm>> -> memref<10000x64xi32, #tpu.memory_space<hbm>>
    tpu.enqueue_indirect_dma source(%dma_start3A_56 : memref<10000x64xi32, #tpu.memory_space<hbm>>) target(%dma_start3A_50 : memref<64x64xi32, #tpu.memory_space<vmem>>) offsets(%dma_start3A_53 : memref<64xi32, #tpu.memory_space<vmem>>) semaphore(%arg12 : memref<!tpu.dma_semaphore, #tpu.memory_space<semaphore_mem>>)
    %scan3A_57 = arith.constant 0 : i32
    %scan3A_58 = arith.constant 0 : i32
    %scan3A_59 = arith.constant 80 : i32
    %scan3A_60 = arith.addi %scan3A_58, %scan3A_59 : i32
    %scan3A_61 = arith.constant 1 : i32
    scf.for %scan3A_95 = %scan3A_58 to %scan3A_60 step %scan3A_61  : i32 {
      %mul3A_96 = arith.constant 2 : i32
      %mul3A_97 = arith.muli %scan3A_95, %mul3A_96 : i32
      %add3A_98 = arith.constant 0 : i32
      %add3A_99 = arith.addi %mul3A_97, %add3A_98 : i32
      %dma_wait3A_100 = arith.constant 0 : i32
      %dma_wait3A_101 = arith.constant 0 : i32
      %dma_wait3A_102 = arith.constant 0 : i32
      %dma_wait3A_103 = tpu.memref_slice %arg10[%dma_wait3A_100, %dma_wait3A_101, %dma_wait3A_102] : memref<2x32x128xi32, #tpu.memory_space<vmem>> -> memref<1x32x128xi32, #tpu.memory_space<vmem>>
      %dma_wait3A_104 = tpu.memref_squeeze %dma_wait3A_103 : memref<1x32x128xi32, #tpu.memory_space<vmem>> -> memref<32x128xi32, #tpu.memory_space<vmem>>
      %dma_wait3A_105 = arith.constant 0 : i32
      %dma_wait3A_106 = arith.constant 0 : i32
      %dma_wait3A_107 = tpu.memref_slice %arg5[%dma_wait3A_105, %dma_wait3A_106] : memref<163840x128xi32, #tpu.memory_space<hbm>> -> memref<32x128xi32, #tpu.memory_space<hbm>>
      %dma_wait3A_108 = arith.constant 0 : i32
      %dma_wait3A_109 = arith.constant 0 : i32
      %dma_wait3A_110 = tpu.memref_slice %arg10[%dma_wait3A_100, %dma_wait3A_108, %dma_wait3A_109] : memref<2x32x128xi32, #tpu.memory_space<vmem>> -> memref<1x32x128xi32, #tpu.memory_space<vmem>>
      %dma_wait3A_111 = tpu.memref_squeeze %dma_wait3A_110 : memref<1x32x128xi32, #tpu.memory_space<vmem>> -> memref<32x128xi32, #tpu.memory_space<vmem>>
      %dma_wait3A_112 = arith.constant 0 : i32
      %dma_wait3A_113 = arith.constant 0 : i32
      %dma_wait3A_114 = tpu.memref_slice %arg5[%dma_wait3A_112, %dma_wait3A_113] : memref<163840x128xi32, #tpu.memory_space<hbm>> -> memref<32x128xi32, #tpu.memory_space<hbm>>
      tpu.wait_dma2 semaphore(%arg14 : memref<!tpu.dma_semaphore, #tpu.memory_space<semaphore_mem>>) src(%dma_wait3A_114 : memref<32x128xi32, #tpu.memory_space<hbm>>) dst(%dma_wait3A_111 : memref<32x128xi32, #tpu.memory_space<vmem>>)
      %dma_wait3A_115 = arith.constant 0 : i32
      %dma_wait3A_116 = arith.constant 0 : i32
      %dma_wait3A_117 = arith.constant 0 : i32
      %dma_wait3A_118 = arith.constant 0 : i32
      %dma_wait3A_119 = tpu.memref_slice %arg9[%dma_wait3A_116, %dma_wait3A_117, %dma_wait3A_118] : memref<2x64x64xi32, #tpu.memory_space<vmem>> -> memref<1x64x64xi32, #tpu.memory_space<vmem>>
      %dma_wait3A_120 = tpu.memref_squeeze %dma_wait3A_119 : memref<1x64x64xi32, #tpu.memory_space<vmem>> -> memref<64x64xi32, #tpu.memory_space<vmem>>
      %dma_wait3A_121 = arith.constant 0 : i32
      %dma_wait3A_122 = tpu.memref_slice %arg7[%dma_wait3A_115, %dma_wait3A_121] : memref<16x64xi32, #tpu.memory_space<vmem>> -> memref<1x64xi32, #tpu.memory_space<vmem>>
      %dma_wait3A_123 = tpu.memref_squeeze %dma_wait3A_122 : memref<1x64xi32, #tpu.memory_space<vmem>> -> memref<64xi32, #tpu.memory_space<vmem>>
      %dma_wait3A_124 = arith.constant 0 : i32
      %dma_wait3A_125 = arith.constant 0 : i32
      %dma_wait3A_126 = tpu.memref_slice %arg2[%dma_wait3A_124, %dma_wait3A_125] : memref<10000x64xi32, #tpu.memory_space<hbm>> -> memref<10000x64xi32, #tpu.memory_space<hbm>>
      tpu.wait_indirect_dma semaphore(%arg12 : memref<!tpu.dma_semaphore, #tpu.memory_space<semaphore_mem>>) src(%dma_wait3A_126 : memref<10000x64xi32, #tpu.memory_space<hbm>>) dst(%dma_wait3A_120 : memref<64x64xi32, #tpu.memory_space<vmem>>)
      %add3A_127 = arith.constant 1 : i32
      %add3A_128 = arith.addi %add3A_99, %add3A_127 : i32
      %rem3A_129 = arith.constant 16 : i32
      %rem3A_130 = arith.remsi %add3A_128, %rem3A_129 : i32
      %mul3A_131 = arith.constant 160 : i32
      %mul3A_132 = arith.muli %add3A, %mul3A_131 : i32
      %add3A_133 = arith.addi %mul3A_132, %add3A_128 : i32
      %mul3A_134 = arith.constant 32 : i32
      %mul3A_135 = arith.muli %add3A_133, %mul3A_134 : i32
      %dma_start3A_136 = arith.constant 1 : i32
      %dma_start3A_137 = arith.constant 0 : i32
      %dma_start3A_138 = arith.constant 0 : i32
      %dma_start3A_139 = tpu.memref_slice %arg10[%dma_start3A_136, %dma_start3A_137, %dma_start3A_138] : memref<2x32x128xi32, #tpu.memory_space<vmem>> -> memref<1x32x128xi32, #tpu.memory_space<vmem>>
      %dma_start3A_140 = tpu.memref_squeeze %dma_start3A_139 : memref<1x32x128xi32, #tpu.memory_space<vmem>> -> memref<32x128xi32, #tpu.memory_space<vmem>>
      %dma_start3A_141 = arith.constant 0 : i32
      %dma_start3A_142 = tpu.memref_slice %arg5[%mul3A_135, %dma_start3A_141] : memref<163840x128xi32, #tpu.memory_space<hbm>> -> memref<32x128xi32, #tpu.memory_space<hbm>>
      %dma_start3A_143 = arith.constant 0 : i32
      %dma_start3A_144 = arith.constant 0 : i32
      %dma_start3A_145 = tpu.memref_slice %arg10[%dma_start3A_136, %dma_start3A_143, %dma_start3A_144] : memref<2x32x128xi32, #tpu.memory_space<vmem>> -> memref<1x32x128xi32, #tpu.memory_space<vmem>>
      %dma_start3A_146 = tpu.memref_squeeze %dma_start3A_145 : memref<1x32x128xi32, #tpu.memory_space<vmem>> -> memref<32x128xi32, #tpu.memory_space<vmem>>
      %dma_start3A_147 = arith.constant 0 : i32
      %dma_start3A_148 = tpu.memref_slice %arg5[%mul3A_135, %dma_start3A_147] : memref<163840x128xi32, #tpu.memory_space<hbm>> -> memref<32x128xi32, #tpu.memory_space<hbm>>
      tpu.enqueue_dma source(%dma_start3A_148 : memref<32x128xi32, #tpu.memory_space<hbm>>) target(%dma_start3A_146 : memref<32x128xi32, #tpu.memory_space<vmem>>) target_semaphore(%arg15 : memref<!tpu.dma_semaphore, #tpu.memory_space<semaphore_mem>>)
      %dma_start3A_149 = arith.constant 1 : i32
      %dma_start3A_150 = arith.constant 0 : i32
      %dma_start3A_151 = arith.constant 0 : i32
      %dma_start3A_152 = tpu.memref_slice %arg9[%dma_start3A_149, %dma_start3A_150, %dma_start3A_151] : memref<2x64x64xi32, #tpu.memory_space<vmem>> -> memref<1x64x64xi32, #tpu.memory_space<vmem>>
      %dma_start3A_153 = tpu.memref_squeeze %dma_start3A_152 : memref<1x64x64xi32, #tpu.memory_space<vmem>> -> memref<64x64xi32, #tpu.memory_space<vmem>>
      %dma_start3A_154 = arith.constant 0 : i32
      %dma_start3A_155 = tpu.memref_slice %arg7[%rem3A_130, %dma_start3A_154] : memref<16x64xi32, #tpu.memory_space<vmem>> -> memref<1x64xi32, #tpu.memory_space<vmem>>
      %dma_start3A_156 = tpu.memref_squeeze %dma_start3A_155 : memref<1x64xi32, #tpu.memory_space<vmem>> -> memref<64xi32, #tpu.memory_space<vmem>>
      %dma_start3A_157 = arith.constant 0 : i32
      %dma_start3A_158 = arith.constant 0 : i32
      %dma_start3A_159 = tpu.memref_slice %arg2[%dma_start3A_157, %dma_start3A_158] : memref<10000x64xi32, #tpu.memory_space<hbm>> -> memref<10000x64xi32, #tpu.memory_space<hbm>>
      tpu.enqueue_indirect_dma source(%dma_start3A_159 : memref<10000x64xi32, #tpu.memory_space<hbm>>) target(%dma_start3A_153 : memref<64x64xi32, #tpu.memory_space<vmem>>) offsets(%dma_start3A_156 : memref<64xi32, #tpu.memory_space<vmem>>) semaphore(%arg13 : memref<!tpu.dma_semaphore, #tpu.memory_space<semaphore_mem>>)
      %ge3A = arith.constant 2 : i32
      %ge3A_160 = arith.cmpi sge, %add3A_99, %ge3A : i32
      %convert_element_type3A = arith.extui %ge3A_160 : i1 to i32
      %cond3A = arith.constant 0 : i32
      %cond3A_161 = arith.cmpi ne, %convert_element_type3A, %cond3A : i32
      scf.if %cond3A_161 {
        %dma_wait3A_287 = arith.constant 0 : i32
        %dma_wait3A_288 = arith.constant 0 : i32
        %dma_wait3A_289 = arith.constant 0 : i32
        %dma_wait3A_290 = arith.constant 0 : i32
        %dma_wait3A_291 = arith.constant 0 : i32
        %dma_wait3A_292 = tpu.memref_slice %arg11[%dma_wait3A_287, %dma_wait3A_290, %dma_wait3A_291] : memref<2x64x128xf32, #tpu.memory_space<vmem>> -> memref<1x64x128xf32, #tpu.memory_space<vmem>>
        %dma_wait3A_293 = tpu.memref_squeeze %dma_wait3A_292 : memref<1x64x128xf32, #tpu.memory_space<vmem>> -> memref<64x128xf32, #tpu.memory_space<vmem>>
        %dma_wait3A_294 = arith.constant 0 : i32
        %dma_wait3A_295 = tpu.memref_slice %arg8[%dma_wait3A_288, %dma_wait3A_289, %dma_wait3A_294] : memref<2x16x64xi32, #tpu.memory_space<vmem>> -> memref<1x1x64xi32, #tpu.memory_space<vmem>>
        %dma_wait3A_296 = tpu.memref_squeeze %dma_wait3A_295 : memref<1x1x64xi32, #tpu.memory_space<vmem>> -> memref<64xi32, #tpu.memory_space<vmem>>
        %dma_wait3A_297 = arith.constant 0 : i32
        %dma_wait3A_298 = arith.constant 0 : i32
        %dma_wait3A_299 = tpu.memref_slice %arg18[%dma_wait3A_297, %dma_wait3A_298] : memref<10240x128xf32, #tpu.memory_space<vmem_shared>> -> memref<10240x128xf32, #tpu.memory_space<vmem_shared>>
        tpu.wait_indirect_dma semaphore(%arg16 : memref<!tpu.dma_semaphore, #tpu.memory_space<semaphore_mem>>) src(%dma_wait3A_293 : memref<64x128xf32, #tpu.memory_space<vmem>>) dst(%dma_wait3A_299 : memref<10240x128xf32, #tpu.memory_space<vmem_shared>>)
      } else {
      }
      %scan3A_162 = arith.constant 0 : i32
      %scan3A_163 = arith.constant 0 : i32
      %scan3A_164 = arith.constant 32 : i32
      %scan3A_165 = arith.addi %scan3A_163, %scan3A_164 : i32
      %scan3A_166 = arith.constant 1 : i32
      scf.for %scan3A_287 = %scan3A_163 to %scan3A_165 step %scan3A_166  : i32 {
        %add3A_288 = arith.constant 0 : i32
        %add3A_289 = arith.addi %add3A_288, %scan3A_287 : i32
        %get3A = arith.constant 0 : i32
        %get3A_290 = arith.index_cast %get3A : i32 to index
        %get3A_291 = arith.index_cast %add3A_289 : i32 to index
        %get3A_292 = arith.constant 0 : index
        %get3A_293 = tpu.vector_load %arg9[%get3A_290, %get3A_291, %get3A_292] {strides = array<i32>} : memref<2x64x64xi32, #tpu.memory_space<vmem>>, vector<16xi32>,
        %get3A_294 = arith.constant 0 : i32
        %get3A_295 = arith.index_cast %get3A_294 : i32 to index
        %get3A_296 = arith.index_cast %scan3A_287 : i32 to index
        %get3A_297 = arith.constant 0 : index
        %get3A_298 = tpu.vector_load %arg10[%get3A_295, %get3A_296, %get3A_297] {strides = array<i32>} : memref<2x32x128xi32, #tpu.memory_space<vmem>>, vector<16xi32>,
        %shift_left3A = arith.constant 16 : i32
        %shift_left3A_299 = vector.broadcast %shift_left3A : i32 to vector<16xi32>
        %shift_left3A_300 = arith.shli %get3A_293, %shift_left3A_299 : vector<16xi32>
        %bitcast3A = vector.bitcast %shift_left3A_300 : vector<16xi32> to vector<16xf32>
        %shift_left3A_301 = arith.constant 16 : i32
        %shift_left3A_302 = vector.broadcast %shift_left3A_301 : i32 to vector<16xi32>
        %shift_left3A_303 = arith.shli %get3A_298, %shift_left3A_302 : vector<16xi32>
        %bitcast3A_304 = vector.bitcast %shift_left3A_303 : vector<16xi32> to vector<16xf32>
        %add3A_305 = arith.addf %bitcast3A, %bitcast3A_304 : vector<16xf32>
        %max3A = arith.constant 0.000000e+00 : f32
        %max3A_306 = vector.broadcast %max3A : f32 to vector<16xf32>
        %max3A_307 = arith.maximumf %add3A_305, %max3A_306 : vector<16xf32>
        %add3A_308 = arith.constant 0 : i32
        %add3A_309 = arith.addi %add3A_308, %scan3A_287 : i32
        %swap3A = arith.constant 0 : i32
        %swap3A_310 = arith.index_cast %swap3A : i32 to index
        %swap3A_311 = arith.index_cast %add3A_309 : i32 to index
        %swap3A_312 = arith.constant 0 : index
        %swap3A_313 = tpu.vector_load %arg11[%swap3A_310, %swap3A_311, %swap3A_312] {strides = array<i32>} : memref<2x64x128xf32, #tpu.memory_space<vmem>>, vector<16xf32>,
        tpu.vector_store %arg11[%swap3A_310, %swap3A_311, %swap3A_312], %max3A_307 {strides = array<i32>} : memref<2x64x128xf32, #tpu.memory_space<vmem>>, vector<16xf32>,
        %and3A_314 = arith.constant -65536 : i32
        %and3A_315 = vector.broadcast %and3A_314 : i32 to vector<16xi32>
        %and3A_316 = arith.andi %get3A_293, %and3A_315 : vector<16xi32>
        %bitcast3A_317 = vector.bitcast %and3A_316 : vector<16xi32> to vector<16xf32>
        %and3A_318 = arith.constant -65536 : i32
        %and3A_319 = vector.broadcast %and3A_318 : i32 to vector<16xi32>
        %and3A_320 = arith.andi %get3A_298, %and3A_319 : vector<16xi32>
        %bitcast3A_321 = vector.bitcast %and3A_320 : vector<16xi32> to vector<16xf32>
        %add3A_322 = arith.addf %bitcast3A_317, %bitcast3A_321 : vector<16xf32>
        %max3A_323 = arith.constant 0.000000e+00 : f32
        %max3A_324 = vector.broadcast %max3A_323 : f32 to vector<16xf32>
        %max3A_325 = arith.maximumf %add3A_322, %max3A_324 : vector<16xf32>
        %add3A_326 = arith.constant 0 : i32
        %add3A_327 = arith.addi %add3A_326, %scan3A_287 : i32
        %swap3A_328 = arith.constant 0 : i32
        %swap3A_329 = arith.index_cast %swap3A_328 : i32 to index
        %swap3A_330 = arith.index_cast %add3A_327 : i32 to index
        %swap3A_331 = arith.constant 64 : index
        %swap3A_332 = tpu.vector_load %arg11[%swap3A_329, %swap3A_330, %swap3A_331] {strides = array<i32>} : memref<2x64x128xf32, #tpu.memory_space<vmem>>, vector<16xf32>,
        tpu.vector_store %arg11[%swap3A_329, %swap3A_330, %swap3A_331], %max3A_325 {strides = array<i32>} : memref<2x64x128xf32, #tpu.memory_space<vmem>>, vector<16xf32>,
        %add3A_333 = arith.constant 0 : i32
        %add3A_334 = arith.addi %add3A_333, %scan3A_287 : i32
        %get3A_335 = arith.constant 0 : i32
        %get3A_336 = arith.index_cast %get3A_335 : i32 to index
        %get3A_337 = arith.index_cast %add3A_334 : i32 to index
        %get3A_338 = arith.constant 16 : index
        %get3A_339 = tpu.vector_load %arg9[%get3A_336, %get3A_337, %get3A_338] {strides = array<i32>} : memref<2x64x64xi32, #tpu.memory_space<vmem>>, vector<16xi32>,
        %get3A_340 = arith.constant 0 : i32
        %get3A_341 = arith.index_cast %get3A_340 : i32 to index
        %get3A_342 = arith.index_cast %scan3A_287 : i32 to index
        %get3A_343 = arith.constant 16 : index
        %get3A_344 = tpu.vector_load %arg10[%get3A_341, %get3A_342, %get3A_343] {strides = array<i32>} : memref<2x32x128xi32, #tpu.memory_space<vmem>>, vector<16xi32>,
        %shift_left3A_345 = arith.constant 16 : i32
        %shift_left3A_346 = vector.broadcast %shift_left3A_345 : i32 to vector<16xi32>
        %shift_left3A_347 = arith.shli %get3A_339, %shift_left3A_346 : vector<16xi32>
        %bitcast3A_348 = vector.bitcast %shift_left3A_347 : vector<16xi32> to vector<16xf32>
        %shift_left3A_349 = arith.constant 16 : i32
        %shift_left3A_350 = vector.broadcast %shift_left3A_349 : i32 to vector<16xi32>
        %shift_left3A_351 = arith.shli %get3A_344, %shift_left3A_350 : vector<16xi32>
        %bitcast3A_352 = vector.bitcast %shift_left3A_351 : vector<16xi32> to vector<16xf32>
        %add3A_353 = arith.addf %bitcast3A_348, %bitcast3A_352 : vector<16xf32>
        %max3A_354 = arith.constant 0.000000e+00 : f32
        %max3A_355 = vector.broadcast %max3A_354 : f32 to vector<16xf32>
        %max3A_356 = arith.maximumf %add3A_353, %max3A_355 : vector<16xf32>
        %add3A_357 = arith.constant 0 : i32
        %add3A_358 = arith.addi %add3A_357, %scan3A_287 : i32
        %swap3A_359 = arith.constant 0 : i32
        %swap3A_360 = arith.index_cast %swap3A_359 : i32 to index
        %swap3A_361 = arith.index_cast %add3A_358 : i32 to index
        %swap3A_362 = arith.constant 16 : index
        %swap3A_363 = tpu.vector_load %arg11[%swap3A_360, %swap3A_361, %swap3A_362] {strides = array<i32>} : memref<2x64x128xf32, #tpu.memory_space<vmem>>, vector<16xf32>,
        tpu.vector_store %arg11[%swap3A_360, %swap3A_361, %swap3A_362], %max3A_356 {strides = array<i32>} : memref<2x64x128xf32, #tpu.memory_space<vmem>>, vector<16xf32>,
        %and3A_364 = arith.constant -65536 : i32
        %and3A_365 = vector.broadcast %and3A_364 : i32 to vector<16xi32>
        %and3A_366 = arith.andi %get3A_339, %and3A_365 : vector<16xi32>
        %bitcast3A_367 = vector.bitcast %and3A_366 : vector<16xi32> to vector<16xf32>
        %and3A_368 = arith.constant -65536 : i32
        %and3A_369 = vector.broadcast %and3A_368 : i32 to vector<16xi32>
        %and3A_370 = arith.andi %get3A_344, %and3A_369 : vector<16xi32>
        %bitcast3A_371 = vector.bitcast %and3A_370 : vector<16xi32> to vector<16xf32>
        %add3A_372 = arith.addf %bitcast3A_367, %bitcast3A_371 : vector<16xf32>
        %max3A_373 = arith.constant 0.000000e+00 : f32
        %max3A_374 = vector.broadcast %max3A_373 : f32 to vector<16xf32>
        %max3A_375 = arith.maximumf %add3A_372, %max3A_374 : vector<16xf32>
        %add3A_376 = arith.constant 0 : i32
        %add3A_377 = arith.addi %add3A_376, %scan3A_287 : i32
        %swap3A_378 = arith.constant 0 : i32
        %swap3A_379 = arith.index_cast %swap3A_378 : i32 to index
        %swap3A_380 = arith.index_cast %add3A_377 : i32 to index
        %swap3A_381 = arith.constant 80 : index
        %swap3A_382 = tpu.vector_load %arg11[%swap3A_379, %swap3A_380, %swap3A_381] {strides = array<i32>} : memref<2x64x128xf32, #tpu.memory_space<vmem>>, vector<16xf32>,
        tpu.vector_store %arg11[%swap3A_379, %swap3A_380, %swap3A_381], %max3A_375 {strides = array<i32>} : memref<2x64x128xf32, #tpu.memory_space<vmem>>, vector<16xf32>,
        %add3A_383 = arith.constant 0 : i32
        %add3A_384 = arith.addi %add3A_383, %scan3A_287 : i32
        %get3A_385 = arith.constant 0 : i32
        %get3A_386 = arith.index_cast %get3A_385 : i32 to index
        %get3A_387 = arith.index_cast %add3A_384 : i32 to index
        %get3A_388 = arith.constant 32 : index
        %get3A_389 = tpu.vector_load %arg9[%get3A_386, %get3A_387, %get3A_388] {strides = array<i32>} : memref<2x64x64xi32, #tpu.memory_space<vmem>>, vector<16xi32>,
        %get3A_390 = arith.constant 0 : i32
        %get3A_391 = arith.index_cast %get3A_390 : i32 to index
        %get3A_392 = arith.index_cast %scan3A_287 : i32 to index
        %get3A_393 = arith.constant 32 : index
        %get3A_394 = tpu.vector_load %arg10[%get3A_391, %get3A_392, %get3A_393] {strides = array<i32>} : memref<2x32x128xi32, #tpu.memory_space<vmem>>, vector<16xi32>,
        %shift_left3A_395 = arith.constant 16 : i32
        %shift_left3A_396 = vector.broadcast %shift_left3A_395 : i32 to vector<16xi32>
        %shift_left3A_397 = arith.shli %get3A_389, %shift_left3A_396 : vector<16xi32>
        %bitcast3A_398 = vector.bitcast %shift_left3A_397 : vector<16xi32> to vector<16xf32>
        %shift_left3A_399 = arith.constant 16 : i32
        %shift_left3A_400 = vector.broadcast %shift_left3A_399 : i32 to vector<16xi32>
        %shift_left3A_401 = arith.shli %get3A_394, %shift_left3A_400 : vector<16xi32>
        %bitcast3A_402 = vector.bitcast %shift_left3A_401 : vector<16xi32> to vector<16xf32>
        %add3A_403 = arith.addf %bitcast3A_398, %bitcast3A_402 : vector<16xf32>
        %max3A_404 = arith.constant 0.000000e+00 : f32
        %max3A_405 = vector.broadcast %max3A_404 : f32 to vector<16xf32>
        %max3A_406 = arith.maximumf %add3A_403, %max3A_405 : vector<16xf32>
        %add3A_407 = arith.constant 0 : i32
        %add3A_408 = arith.addi %add3A_407, %scan3A_287 : i32
        %swap3A_409 = arith.constant 0 : i32
        %swap3A_410 = arith.index_cast %swap3A_409 : i32 to index
        %swap3A_411 = arith.index_cast %add3A_408 : i32 to index
        %swap3A_412 = arith.constant 32 : index
        %swap3A_413 = tpu.vector_load %arg11[%swap3A_410, %swap3A_411, %swap3A_412] {strides = array<i32>} : memref<2x64x128xf32, #tpu.memory_space<vmem>>, vector<16xf32>,
        tpu.vector_store %arg11[%swap3A_410, %swap3A_411, %swap3A_412], %max3A_406 {strides = array<i32>} : memref<2x64x128xf32, #tpu.memory_space<vmem>>, vector<16xf32>,
        %and3A_414 = arith.constant -65536 : i32
        %and3A_415 = vector.broadcast %and3A_414 : i32 to vector<16xi32>
        %and3A_416 = arith.andi %get3A_389, %and3A_415 : vector<16xi32>
        %bitcast3A_417 = vector.bitcast %and3A_416 : vector<16xi32> to vector<16xf32>
        %and3A_418 = arith.constant -65536 : i32
        %and3A_419 = vector.broadcast %and3A_418 : i32 to vector<16xi32>
        %and3A_420 = arith.andi %get3A_394, %and3A_419 : vector<16xi32>
        %bitcast3A_421 = vector.bitcast %and3A_420 : vector<16xi32> to vector<16xf32>
        %add3A_422 = arith.addf %bitcast3A_417, %bitcast3A_421 : vector<16xf32>
        %max3A_423 = arith.constant 0.000000e+00 : f32
        %max3A_424 = vector.broadcast %max3A_423 : f32 to vector<16xf32>
        %max3A_425 = arith.maximumf %add3A_422, %max3A_424 : vector<16xf32>
        %add3A_426 = arith.constant 0 : i32
        %add3A_427 = arith.addi %add3A_426, %scan3A_287 : i32
        %swap3A_428 = arith.constant 0 : i32
        %swap3A_429 = arith.index_cast %swap3A_428 : i32 to index
        %swap3A_430 = arith.index_cast %add3A_427 : i32 to index
        %swap3A_431 = arith.constant 96 : index
        %swap3A_432 = tpu.vector_load %arg11[%swap3A_429, %swap3A_430, %swap3A_431] {strides = array<i32>} : memref<2x64x128xf32, #tpu.memory_space<vmem>>, vector<16xf32>,
        tpu.vector_store %arg11[%swap3A_429, %swap3A_430, %swap3A_431], %max3A_425 {strides = array<i32>} : memref<2x64x128xf32, #tpu.memory_space<vmem>>, vector<16xf32>,
        %add3A_433 = arith.constant 0 : i32
        %add3A_434 = arith.addi %add3A_433, %scan3A_287 : i32
        %get3A_435 = arith.constant 0 : i32
        %get3A_436 = arith.index_cast %get3A_435 : i32 to index
        %get3A_437 = arith.index_cast %add3A_434 : i32 to index
        %get3A_438 = arith.constant 48 : index
        %get3A_439 = tpu.vector_load %arg9[%get3A_436, %get3A_437, %get3A_438] {strides = array<i32>} : memref<2x64x64xi32, #tpu.memory_space<vmem>>, vector<16xi32>,
        %get3A_440 = arith.constant 0 : i32
        %get3A_441 = arith.index_cast %get3A_440 : i32 to index
        %get3A_442 = arith.index_cast %scan3A_287 : i32 to index
        %get3A_443 = arith.constant 48 : index
        %get3A_444 = tpu.vector_load %arg10[%get3A_441, %get3A_442, %get3A_443] {strides = array<i32>} : memref<2x32x128xi32, #tpu.memory_space<vmem>>, vector<16xi32>,
        %shift_left3A_445 = arith.constant 16 : i32
        %shift_left3A_446 = vector.broadcast %shift_left3A_445 : i32 to vector<16xi32>
        %shift_left3A_447 = arith.shli %get3A_439, %shift_left3A_446 : vector<16xi32>
        %bitcast3A_448 = vector.bitcast %shift_left3A_447 : vector<16xi32> to vector<16xf32>
        %shift_left3A_449 = arith.constant 16 : i32
        %shift_left3A_450 = vector.broadcast %shift_left3A_449 : i32 to vector<16xi32>
        %shift_left3A_451 = arith.shli %get3A_444, %shift_left3A_450 : vector<16xi32>
        %bitcast3A_452 = vector.bitcast %shift_left3A_451 : vector<16xi32> to vector<16xf32>
        %add3A_453 = arith.addf %bitcast3A_448, %bitcast3A_452 : vector<16xf32>
        %max3A_454 = arith.constant 0.000000e+00 : f32
        %max3A_455 = vector.broadcast %max3A_454 : f32 to vector<16xf32>
        %max3A_456 = arith.maximumf %add3A_453, %max3A_455 : vector<16xf32>
        %add3A_457 = arith.constant 0 : i32
        %add3A_458 = arith.addi %add3A_457, %scan3A_287 : i32
        %swap3A_459 = arith.constant 0 : i32
        %swap3A_460 = arith.index_cast %swap3A_459 : i32 to index
        %swap3A_461 = arith.index_cast %add3A_458 : i32 to index
        %swap3A_462 = arith.constant 48 : index
        %swap3A_463 = tpu.vector_load %arg11[%swap3A_460, %swap3A_461, %swap3A_462] {strides = array<i32>} : memref<2x64x128xf32, #tpu.memory_space<vmem>>, vector<16xf32>,
        tpu.vector_store %arg11[%swap3A_460, %swap3A_461, %swap3A_462], %max3A_456 {strides = array<i32>} : memref<2x64x128xf32, #tpu.memory_space<vmem>>, vector<16xf32>,
        %and3A_464 = arith.constant -65536 : i32
        %and3A_465 = vector.broadcast %and3A_464 : i32 to vector<16xi32>
        %and3A_466 = arith.andi %get3A_439, %and3A_465 : vector<16xi32>
        %bitcast3A_467 = vector.bitcast %and3A_466 : vector<16xi32> to vector<16xf32>
        %and3A_468 = arith.constant -65536 : i32
        %and3A_469 = vector.broadcast %and3A_468 : i32 to vector<16xi32>
        %and3A_470 = arith.andi %get3A_444, %and3A_469 : vector<16xi32>
        %bitcast3A_471 = vector.bitcast %and3A_470 : vector<16xi32> to vector<16xf32>
        %add3A_472 = arith.addf %bitcast3A_467, %bitcast3A_471 : vector<16xf32>
        %max3A_473 = arith.constant 0.000000e+00 : f32
        %max3A_474 = vector.broadcast %max3A_473 : f32 to vector<16xf32>
        %max3A_475 = arith.maximumf %add3A_472, %max3A_474 : vector<16xf32>
        %add3A_476 = arith.constant 0 : i32
        %add3A_477 = arith.addi %add3A_476, %scan3A_287 : i32
        %swap3A_478 = arith.constant 0 : i32
        %swap3A_479 = arith.index_cast %swap3A_478 : i32 to index
        %swap3A_480 = arith.index_cast %add3A_477 : i32 to index
        %swap3A_481 = arith.constant 112 : index
        %swap3A_482 = tpu.vector_load %arg11[%swap3A_479, %swap3A_480, %swap3A_481] {strides = array<i32>} : memref<2x64x128xf32, #tpu.memory_space<vmem>>, vector<16xf32>,
        tpu.vector_store %arg11[%swap3A_479, %swap3A_480, %swap3A_481], %max3A_475 {strides = array<i32>} : memref<2x64x128xf32, #tpu.memory_space<vmem>>, vector<16xf32>,
        %add3A_483 = arith.constant 32 : i32
        %add3A_484 = arith.addi %add3A_483, %scan3A_287 : i32
        %get3A_485 = arith.constant 0 : i32
        %get3A_486 = arith.index_cast %get3A_485 : i32 to index
        %get3A_487 = arith.index_cast %add3A_484 : i32 to index
        %get3A_488 = arith.constant 0 : index
        %get3A_489 = tpu.vector_load %arg9[%get3A_486, %get3A_487, %get3A_488] {strides = array<i32>} : memref<2x64x64xi32, #tpu.memory_space<vmem>>, vector<16xi32>,
        %get3A_490 = arith.constant 0 : i32
        %get3A_491 = arith.index_cast %get3A_490 : i32 to index
        %get3A_492 = arith.index_cast %scan3A_287 : i32 to index
        %get3A_493 = arith.constant 64 : index
        %get3A_494 = tpu.vector_load %arg10[%get3A_491, %get3A_492, %get3A_493] {strides = array<i32>} : memref<2x32x128xi32, #tpu.memory_space<vmem>>, vector<16xi32>,
        %shift_left3A_495 = arith.constant 16 : i32
        %shift_left3A_496 = vector.broadcast %shift_left3A_495 : i32 to vector<16xi32>
        %shift_left3A_497 = arith.shli %get3A_489, %shift_left3A_496 : vector<16xi32>
        %bitcast3A_498 = vector.bitcast %shift_left3A_497 : vector<16xi32> to vector<16xf32>
        %shift_left3A_499 = arith.constant 16 : i32
        %shift_left3A_500 = vector.broadcast %shift_left3A_499 : i32 to vector<16xi32>
        %shift_left3A_501 = arith.shli %get3A_494, %shift_left3A_500 : vector<16xi32>
        %bitcast3A_502 = vector.bitcast %shift_left3A_501 : vector<16xi32> to vector<16xf32>
        %add3A_503 = arith.addf %bitcast3A_498, %bitcast3A_502 : vector<16xf32>
        %max3A_504 = arith.constant 0.000000e+00 : f32
        %max3A_505 = vector.broadcast %max3A_504 : f32 to vector<16xf32>
        %max3A_506 = arith.maximumf %add3A_503, %max3A_505 : vector<16xf32>
        %add3A_507 = arith.constant 32 : i32
        %add3A_508 = arith.addi %add3A_507, %scan3A_287 : i32
        %swap3A_509 = arith.constant 0 : i32
        %swap3A_510 = arith.index_cast %swap3A_509 : i32 to index
        %swap3A_511 = arith.index_cast %add3A_508 : i32 to index
        %swap3A_512 = arith.constant 0 : index
        %swap3A_513 = tpu.vector_load %arg11[%swap3A_510, %swap3A_511, %swap3A_512] {strides = array<i32>} : memref<2x64x128xf32, #tpu.memory_space<vmem>>, vector<16xf32>,
        tpu.vector_store %arg11[%swap3A_510, %swap3A_511, %swap3A_512], %max3A_506 {strides = array<i32>} : memref<2x64x128xf32, #tpu.memory_space<vmem>>, vector<16xf32>,
        %and3A_514 = arith.constant -65536 : i32
        %and3A_515 = vector.broadcast %and3A_514 : i32 to vector<16xi32>
        %and3A_516 = arith.andi %get3A_489, %and3A_515 : vector<16xi32>
        %bitcast3A_517 = vector.bitcast %and3A_516 : vector<16xi32> to vector<16xf32>
        %and3A_518 = arith.constant -65536 : i32
        %and3A_519 = vector.broadcast %and3A_518 : i32 to vector<16xi32>
        %and3A_520 = arith.andi %get3A_494, %and3A_519 : vector<16xi32>
        %bitcast3A_521 = vector.bitcast %and3A_520 : vector<16xi32> to vector<16xf32>
        %add3A_522 = arith.addf %bitcast3A_517, %bitcast3A_521 : vector<16xf32>
        %max3A_523 = arith.constant 0.000000e+00 : f32
        %max3A_524 = vector.broadcast %max3A_523 : f32 to vector<16xf32>
        %max3A_525 = arith.maximumf %add3A_522, %max3A_524 : vector<16xf32>
        %add3A_526 = arith.constant 32 : i32
        %add3A_527 = arith.addi %add3A_526, %scan3A_287 : i32
        %swap3A_528 = arith.constant 0 : i32
        %swap3A_529 = arith.index_cast %swap3A_528 : i32 to index
        %swap3A_530 = arith.index_cast %add3A_527 : i32 to index
        %swap3A_531 = arith.constant 64 : index
        %swap3A_532 = tpu.vector_load %arg11[%swap3A_529, %swap3A_530, %swap3A_531] {strides = array<i32>} : memref<2x64x128xf32, #tpu.memory_space<vmem>>, vector<16xf32>,
        tpu.vector_store %arg11[%swap3A_529, %swap3A_530, %swap3A_531], %max3A_525 {strides = array<i32>} : memref<2x64x128xf32, #tpu.memory_space<vmem>>, vector<16xf32>,
        %add3A_533 = arith.constant 32 : i32
        %add3A_534 = arith.addi %add3A_533, %scan3A_287 : i32
        %get3A_535 = arith.constant 0 : i32
        %get3A_536 = arith.index_cast %get3A_535 : i32 to index
        %get3A_537 = arith.index_cast %add3A_534 : i32 to index
        %get3A_538 = arith.constant 16 : index
        %get3A_539 = tpu.vector_load %arg9[%get3A_536, %get3A_537, %get3A_538] {strides = array<i32>} : memref<2x64x64xi32, #tpu.memory_space<vmem>>, vector<16xi32>,
        %get3A_540 = arith.constant 0 : i32
        %get3A_541 = arith.index_cast %get3A_540 : i32 to index
        %get3A_542 = arith.index_cast %scan3A_287 : i32 to index
        %get3A_543 = arith.constant 80 : index
        %get3A_544 = tpu.vector_load %arg10[%get3A_541, %get3A_542, %get3A_543] {strides = array<i32>} : memref<2x32x128xi32, #tpu.memory_space<vmem>>, vector<16xi32>,
        %shift_left3A_545 = arith.constant 16 : i32
        %shift_left3A_546 = vector.broadcast %shift_left3A_545 : i32 to vector<16xi32>
        %shift_left3A_547 = arith.shli %get3A_539, %shift_left3A_546 : vector<16xi32>
        %bitcast3A_548 = vector.bitcast %shift_left3A_547 : vector<16xi32> to vector<16xf32>
        %shift_left3A_549 = arith.constant 16 : i32
        %shift_left3A_550 = vector.broadcast %shift_left3A_549 : i32 to vector<16xi32>
        %shift_left3A_551 = arith.shli %get3A_544, %shift_left3A_550 : vector<16xi32>
        %bitcast3A_552 = vector.bitcast %shift_left3A_551 : vector<16xi32> to vector<16xf32>
        %add3A_553 = arith.addf %bitcast3A_548, %bitcast3A_552 : vector<16xf32>
        %max3A_554 = arith.constant 0.000000e+00 : f32
        %max3A_555 = vector.broadcast %max3A_554 : f32 to vector<16xf32>
        %max3A_556 = arith.maximumf %add3A_553, %max3A_555 : vector<16xf32>
        %add3A_557 = arith.constant 32 : i32
        %add3A_558 = arith.addi %add3A_557, %scan3A_287 : i32
        %swap3A_559 = arith.constant 0 : i32
        %swap3A_560 = arith.index_cast %swap3A_559 : i32 to index
        %swap3A_561 = arith.index_cast %add3A_558 : i32 to index
        %swap3A_562 = arith.constant 16 : index
        %swap3A_563 = tpu.vector_load %arg11[%swap3A_560, %swap3A_561, %swap3A_562] {strides = array<i32>} : memref<2x64x128xf32, #tpu.memory_space<vmem>>, vector<16xf32>,
        tpu.vector_store %arg11[%swap3A_560, %swap3A_561, %swap3A_562], %max3A_556 {strides = array<i32>} : memref<2x64x128xf32, #tpu.memory_space<vmem>>, vector<16xf32>,
        %and3A_564 = arith.constant -65536 : i32
        %and3A_565 = vector.broadcast %and3A_564 : i32 to vector<16xi32>
        %and3A_566 = arith.andi %get3A_539, %and3A_565 : vector<16xi32>
        %bitcast3A_567 = vector.bitcast %and3A_566 : vector<16xi32> to vector<16xf32>
        %and3A_568 = arith.constant -65536 : i32
        %and3A_569 = vector.broadcast %and3A_568 : i32 to vector<16xi32>
        %and3A_570 = arith.andi %get3A_544, %and3A_569 : vector<16xi32>
        %bitcast3A_571 = vector.bitcast %and3A_570 : vector<16xi32> to vector<16xf32>
        %add3A_572 = arith.addf %bitcast3A_567, %bitcast3A_571 : vector<16xf32>
        %max3A_573 = arith.constant 0.000000e+00 : f32
        %max3A_574 = vector.broadcast %max3A_573 : f32 to vector<16xf32>
        %max3A_575 = arith.maximumf %add3A_572, %max3A_574 : vector<16xf32>
        %add3A_576 = arith.constant 32 : i32
        %add3A_577 = arith.addi %add3A_576, %scan3A_287 : i32
        %swap3A_578 = arith.constant 0 : i32
        %swap3A_579 = arith.index_cast %swap3A_578 : i32 to index
        %swap3A_580 = arith.index_cast %add3A_577 : i32 to index
        %swap3A_581 = arith.constant 80 : index
        %swap3A_582 = tpu.vector_load %arg11[%swap3A_579, %swap3A_580, %swap3A_581] {strides = array<i32>} : memref<2x64x128xf32, #tpu.memory_space<vmem>>, vector<16xf32>,
        tpu.vector_store %arg11[%swap3A_579, %swap3A_580, %swap3A_581], %max3A_575 {strides = array<i32>} : memref<2x64x128xf32, #tpu.memory_space<vmem>>, vector<16xf32>,
        %add3A_583 = arith.constant 32 : i32
        %add3A_584 = arith.addi %add3A_583, %scan3A_287 : i32
        %get3A_585 = arith.constant 0 : i32
        %get3A_586 = arith.index_cast %get3A_585 : i32 to index
        %get3A_587 = arith.index_cast %add3A_584 : i32 to index
        %get3A_588 = arith.constant 32 : index
        %get3A_589 = tpu.vector_load %arg9[%get3A_586, %get3A_587, %get3A_588] {strides = array<i32>} : memref<2x64x64xi32, #tpu.memory_space<vmem>>, vector<16xi32>,
        %get3A_590 = arith.constant 0 : i32
        %get3A_591 = arith.index_cast %get3A_590 : i32 to index
        %get3A_592 = arith.index_cast %scan3A_287 : i32 to index
        %get3A_593 = arith.constant 96 : index
        %get3A_594 = tpu.vector_load %arg10[%get3A_591, %get3A_592, %get3A_593] {strides = array<i32>} : memref<2x32x128xi32, #tpu.memory_space<vmem>>, vector<16xi32>,
        %shift_left3A_595 = arith.constant 16 : i32
        %shift_left3A_596 = vector.broadcast %shift_left3A_595 : i32 to vector<16xi32>
        %shift_left3A_597 = arith.shli %get3A_589, %shift_left3A_596 : vector<16xi32>
        %bitcast3A_598 = vector.bitcast %shift_left3A_597 : vector<16xi32> to vector<16xf32>
        %shift_left3A_599 = arith.constant 16 : i32
        %shift_left3A_600 = vector.broadcast %shift_left3A_599 : i32 to vector<16xi32>
        %shift_left3A_601 = arith.shli %get3A_594, %shift_left3A_600 : vector<16xi32>
        %bitcast3A_602 = vector.bitcast %shift_left3A_601 : vector<16xi32> to vector<16xf32>
        %add3A_603 = arith.addf %bitcast3A_598, %bitcast3A_602 : vector<16xf32>
        %max3A_604 = arith.constant 0.000000e+00 : f32
        %max3A_605 = vector.broadcast %max3A_604 : f32 to vector<16xf32>
        %max3A_606 = arith.maximumf %add3A_603, %max3A_605 : vector<16xf32>
        %add3A_607 = arith.constant 32 : i32
        %add3A_608 = arith.addi %add3A_607, %scan3A_287 : i32
        %swap3A_609 = arith.constant 0 : i32
        %swap3A_610 = arith.index_cast %swap3A_609 : i32 to index
        %swap3A_611 = arith.index_cast %add3A_608 : i32 to index
        %swap3A_612 = arith.constant 32 : index
        %swap3A_613 = tpu.vector_load %arg11[%swap3A_610, %swap3A_611, %swap3A_612] {strides = array<i32>} : memref<2x64x128xf32, #tpu.memory_space<vmem>>, vector<16xf32>,
        tpu.vector_store %arg11[%swap3A_610, %swap3A_611, %swap3A_612], %max3A_606 {strides = array<i32>} : memref<2x64x128xf32, #tpu.memory_space<vmem>>, vector<16xf32>,
        %and3A_614 = arith.constant -65536 : i32
        %and3A_615 = vector.broadcast %and3A_614 : i32 to vector<16xi32>
        %and3A_616 = arith.andi %get3A_589, %and3A_615 : vector<16xi32>
        %bitcast3A_617 = vector.bitcast %and3A_616 : vector<16xi32> to vector<16xf32>
        %and3A_618 = arith.constant -65536 : i32
        %and3A_619 = vector.broadcast %and3A_618 : i32 to vector<16xi32>
        %and3A_620 = arith.andi %get3A_594, %and3A_619 : vector<16xi32>
        %bitcast3A_621 = vector.bitcast %and3A_620 : vector<16xi32> to vector<16xf32>
        %add3A_622 = arith.addf %bitcast3A_617, %bitcast3A_621 : vector<16xf32>
        %max3A_623 = arith.constant 0.000000e+00 : f32
        %max3A_624 = vector.broadcast %max3A_623 : f32 to vector<16xf32>
        %max3A_625 = arith.maximumf %add3A_622, %max3A_624 : vector<16xf32>
        %add3A_626 = arith.constant 32 : i32
        %add3A_627 = arith.addi %add3A_626, %scan3A_287 : i32
        %swap3A_628 = arith.constant 0 : i32
        %swap3A_629 = arith.index_cast %swap3A_628 : i32 to index
        %swap3A_630 = arith.index_cast %add3A_627 : i32 to index
        %swap3A_631 = arith.constant 96 : index
        %swap3A_632 = tpu.vector_load %arg11[%swap3A_629, %swap3A_630, %swap3A_631] {strides = array<i32>} : memref<2x64x128xf32, #tpu.memory_space<vmem>>, vector<16xf32>,
        tpu.vector_store %arg11[%swap3A_629, %swap3A_630, %swap3A_631], %max3A_625 {strides = array<i32>} : memref<2x64x128xf32, #tpu.memory_space<vmem>>, vector<16xf32>,
        %add3A_633 = arith.constant 32 : i32
        %add3A_634 = arith.addi %add3A_633, %scan3A_287 : i32
        %get3A_635 = arith.constant 0 : i32
        %get3A_636 = arith.index_cast %get3A_635 : i32 to index
        %get3A_637 = arith.index_cast %add3A_634 : i32 to index
        %get3A_638 = arith.constant 48 : index
        %get3A_639 = tpu.vector_load %arg9[%get3A_636, %get3A_637, %get3A_638] {strides = array<i32>} : memref<2x64x64xi32, #tpu.memory_space<vmem>>, vector<16xi32>,
        %get3A_640 = arith.constant 0 : i32
        %get3A_641 = arith.index_cast %get3A_640 : i32 to index
        %get3A_642 = arith.index_cast %scan3A_287 : i32 to index
        %get3A_643 = arith.constant 112 : index
        %get3A_644 = tpu.vector_load %arg10[%get3A_641, %get3A_642, %get3A_643] {strides = array<i32>} : memref<2x32x128xi32, #tpu.memory_space<vmem>>, vector<16xi32>,
        %shift_left3A_645 = arith.constant 16 : i32
        %shift_left3A_646 = vector.broadcast %shift_left3A_645 : i32 to vector<16xi32>
        %shift_left3A_647 = arith.shli %get3A_639, %shift_left3A_646 : vector<16xi32>
        %bitcast3A_648 = vector.bitcast %shift_left3A_647 : vector<16xi32> to vector<16xf32>
        %shift_left3A_649 = arith.constant 16 : i32
        %shift_left3A_650 = vector.broadcast %shift_left3A_649 : i32 to vector<16xi32>
        %shift_left3A_651 = arith.shli %get3A_644, %shift_left3A_650 : vector<16xi32>
        %bitcast3A_652 = vector.bitcast %shift_left3A_651 : vector<16xi32> to vector<16xf32>
        %add3A_653 = arith.addf %bitcast3A_648, %bitcast3A_652 : vector<16xf32>
        %max3A_654 = arith.constant 0.000000e+00 : f32
        %max3A_655 = vector.broadcast %max3A_654 : f32 to vector<16xf32>
        %max3A_656 = arith.maximumf %add3A_653, %max3A_655 : vector<16xf32>
        %add3A_657 = arith.constant 32 : i32
        %add3A_658 = arith.addi %add3A_657, %scan3A_287 : i32
        %swap3A_659 = arith.constant 0 : i32
        %swap3A_660 = arith.index_cast %swap3A_659 : i32 to index
        %swap3A_661 = arith.index_cast %add3A_658 : i32 to index
        %swap3A_662 = arith.constant 48 : index
        %swap3A_663 = tpu.vector_load %arg11[%swap3A_660, %swap3A_661, %swap3A_662] {strides = array<i32>} : memref<2x64x128xf32, #tpu.memory_space<vmem>>, vector<16xf32>,
        tpu.vector_store %arg11[%swap3A_660, %swap3A_661, %swap3A_662], %max3A_656 {strides = array<i32>} : memref<2x64x128xf32, #tpu.memory_space<vmem>>, vector<16xf32>,
        %and3A_664 = arith.constant -65536 : i32
        %and3A_665 = vector.broadcast %and3A_664 : i32 to vector<16xi32>
        %and3A_666 = arith.andi %get3A_639, %and3A_665 : vector<16xi32>
        %bitcast3A_667 = vector.bitcast %and3A_666 : vector<16xi32> to vector<16xf32>
        %and3A_668 = arith.constant -65536 : i32
        %and3A_669 = vector.broadcast %and3A_668 : i32 to vector<16xi32>
        %and3A_670 = arith.andi %get3A_644, %and3A_669 : vector<16xi32>
        %bitcast3A_671 = vector.bitcast %and3A_670 : vector<16xi32> to vector<16xf32>
        %add3A_672 = arith.addf %bitcast3A_667, %bitcast3A_671 : vector<16xf32>
        %max3A_673 = arith.constant 0.000000e+00 : f32
        %max3A_674 = vector.broadcast %max3A_673 : f32 to vector<16xf32>
        %max3A_675 = arith.maximumf %add3A_672, %max3A_674 : vector<16xf32>
        %add3A_676 = arith.constant 32 : i32
        %add3A_677 = arith.addi %add3A_676, %scan3A_287 : i32
        %swap3A_678 = arith.constant 0 : i32
        %swap3A_679 = arith.index_cast %swap3A_678 : i32 to index
        %swap3A_680 = arith.index_cast %add3A_677 : i32 to index
        %swap3A_681 = arith.constant 112 : index
        %swap3A_682 = tpu.vector_load %arg11[%swap3A_679, %swap3A_680, %swap3A_681] {strides = array<i32>} : memref<2x64x128xf32, #tpu.memory_space<vmem>>, vector<16xf32>,
        tpu.vector_store %arg11[%swap3A_679, %swap3A_680, %swap3A_681], %max3A_675 {strides = array<i32>} : memref<2x64x128xf32, #tpu.memory_space<vmem>>, vector<16xf32>,
      }
      %scan3A_167 = arith.constant 32 : i32
      %rem3A_168 = arith.constant 16 : i32
      %rem3A_169 = arith.remsi %add3A_99, %rem3A_168 : i32
      %jit3A = arith.constant 16 : i32
      %div3A = arith.divsi %add3A_99, %jit3A : i32
      %sign3A = arith.constant 0 : i32
      %sign3A_170 = arith.cmpi sgt, %add3A_99, %sign3A : i32
      %sign3A_171 = arith.extui %sign3A_170 : i1 to i32
      %sign3A_172 = arith.constant 0 : i32
      %sign3A_173 = arith.cmpi slt, %add3A_99, %sign3A_172 : i32
      %sign3A_174 = arith.extui %sign3A_173 : i1 to i32
      %sign3A_175 = arith.subi %sign3A_171, %sign3A_174 : i32
      %sign3A_176 = arith.constant 0 : i32
      %sign3A_177 = arith.cmpi sgt, %jit3A, %sign3A_176 : i32
      %sign3A_178 = arith.extui %sign3A_177 : i1 to i32
      %sign3A_179 = arith.constant 0 : i32
      %sign3A_180 = arith.cmpi slt, %jit3A, %sign3A_179 : i32
      %sign3A_181 = arith.extui %sign3A_180 : i1 to i32
      %sign3A_182 = arith.subi %sign3A_178, %sign3A_181 : i32
      %ne3A = arith.cmpi ne, %sign3A_175, %sign3A_182 : i32
      %rem3A_183 = arith.remsi %add3A_99, %jit3A : i32
      %ne3A_184 = arith.constant 0 : i32
      %ne3A_185 = arith.cmpi ne, %rem3A_183, %ne3A_184 : i32
      %and3A = arith.andi %ne3A, %ne3A_185 : i1
      %sub3A = arith.constant 1 : i32
      %sub3A_186 = arith.subi %div3A, %sub3A : i32
      %select_n3A = arith.select %and3A, %sub3A_186, %div3A : i32
      %rem3A_187 = arith.constant 2 : i32
      %rem3A_188 = arith.remsi %select_n3A, %rem3A_187 : i32
      %dma_start3A_189 = arith.constant 0 : i32
      %dma_start3A_190 = arith.constant 0 : i32
      %dma_start3A_191 = arith.constant 0 : i32
      %dma_start3A_192 = tpu.memref_slice %arg11[%dma_start3A_189, %dma_start3A_190, %dma_start3A_191] : memref<2x64x128xf32, #tpu.memory_space<vmem>> -> memref<1x64x128xf32, #tpu.memory_space<vmem>>
      %dma_start3A_193 = tpu.memref_squeeze %dma_start3A_192 : memref<1x64x128xf32, #tpu.memory_space<vmem>> -> memref<64x128xf32, #tpu.memory_space<vmem>>
      %dma_start3A_194 = arith.constant 0 : i32
      %dma_start3A_195 = tpu.memref_slice %arg8[%rem3A_188, %rem3A_169, %dma_start3A_194] : memref<2x16x64xi32, #tpu.memory_space<vmem>> -> memref<1x1x64xi32, #tpu.memory_space<vmem>>
      %dma_start3A_196 = tpu.memref_squeeze %dma_start3A_195 : memref<1x1x64xi32, #tpu.memory_space<vmem>> -> memref<64xi32, #tpu.memory_space<vmem>>
      %dma_start3A_197 = arith.constant 0 : i32
      %dma_start3A_198 = arith.constant 0 : i32
      %dma_start3A_199 = tpu.memref_slice %arg18[%dma_start3A_197, %dma_start3A_198] : memref<10240x128xf32, #tpu.memory_space<vmem_shared>> -> memref<10240x128xf32, #tpu.memory_space<vmem_shared>>
      tpu.enqueue_indirect_dma source(%dma_start3A_193 : memref<64x128xf32, #tpu.memory_space<vmem>>) target(%dma_start3A_199 : memref<10240x128xf32, #tpu.memory_space<vmem_shared>>) offsets(%dma_start3A_196 : memref<64xi32, #tpu.memory_space<vmem>>) semaphore(%arg16 : memref<!tpu.dma_semaphore, #tpu.memory_space<semaphore_mem>>) {add = true}
      %mul3A_200 = arith.constant 2 : i32
      %mul3A_201 = arith.muli %scan3A_95, %mul3A_200 : i32
      %add3A_202 = arith.constant 1 : i32
      %add3A_203 = arith.addi %mul3A_201, %add3A_202 : i32
      %dma_wait3A_204 = arith.constant 1 : i32
      %dma_wait3A_205 = arith.constant 0 : i32
      %dma_wait3A_206 = arith.constant 0 : i32
      %dma_wait3A_207 = tpu.memref_slice %arg10[%dma_wait3A_204, %dma_wait3A_205, %dma_wait3A_206] : memref<2x32x128xi32, #tpu.memory_space<vmem>> -> memref<1x32x128xi32, #tpu.memory_space<vmem>>
      %dma_wait3A_208 = tpu.memref_squeeze %dma_wait3A_207 : memref<1x32x128xi32, #tpu.memory_space<vmem>> -> memref<32x128xi32, #tpu.memory_space<vmem>>
      %dma_wait3A_209 = arith.constant 0 : i32
      %dma_wait3A_210 = arith.constant 0 : i32
      %dma_wait3A_211 = tpu.memref_slice %arg5[%dma_wait3A_209, %dma_wait3A_210] : memref<163840x128xi32, #tpu.memory_space<hbm>> -> memref<32x128xi32, #tpu.memory_space<hbm>>
      %dma_wait3A_212 = arith.constant 0 : i32
      %dma_wait3A_213 = arith.constant 0 : i32
      %dma_wait3A_214 = tpu.memref_slice %arg10[%dma_wait3A_204, %dma_wait3A_212, %dma_wait3A_213] : memref<2x32x128xi32, #tpu.memory_space<vmem>> -> memref<1x32x128xi32, #tpu.memory_space<vmem>>
      %dma_wait3A_215 = tpu.memref_squeeze %dma_wait3A_214 : memref<1x32x128xi32, #tpu.memory_space<vmem>> -> memref<32x128xi32, #tpu.memory_space<vmem>>
      %dma_wait3A_216 = arith.constant 0 : i32
      %dma_wait3A_217 = arith.constant 0 : i32
      %dma_wait3A_218 = tpu.memref_slice %arg5[%dma_wait3A_216, %dma_wait3A_217] : memref<163840x128xi32, #tpu.memory_space<hbm>> -> memref<32x128xi32, #tpu.memory_space<hbm>>
      tpu.wait_dma2 semaphore(%arg15 : memref<!tpu.dma_semaphore, #tpu.memory_space<semaphore_mem>>) src(%dma_wait3A_218 : memref<32x128xi32, #tpu.memory_space<hbm>>) dst(%dma_wait3A_215 : memref<32x128xi32, #tpu.memory_space<vmem>>)
      %dma_wait3A_219 = arith.constant 0 : i32
      %dma_wait3A_220 = arith.constant 1 : i32
      %dma_wait3A_221 = arith.constant 0 : i32
      %dma_wait3A_222 = arith.constant 0 : i32
      %dma_wait3A_223 = tpu.memref_slice %arg9[%dma_wait3A_220, %dma_wait3A_221, %dma_wait3A_222] : memref<2x64x64xi32, #tpu.memory_space<vmem>> -> memref<1x64x64xi32, #tpu.memory_space<vmem>>
      %dma_wait3A_224 = tpu.memref_squeeze %dma_wait3A_223 : memref<1x64x64xi32, #tpu.memory_space<vmem>> -> memref<64x64xi32, #tpu.memory_space<vmem>>
      %dma_wait3A_225 = arith.constant 0 : i32
      %dma_wait3A_226 = tpu.memref_slice %arg7[%dma_wait3A_219, %dma_wait3A_225] : memref<16x64xi32, #tpu.memory_space<vmem>> -> memref<1x64xi32, #tpu.memory_space<vmem>>
      %dma_wait3A_227 = tpu.memref_squeeze %dma_wait3A_226 : memref<1x64xi32, #tpu.memory_space<vmem>> -> memref<64xi32, #tpu.memory_space<vmem>>
      %dma_wait3A_228 = arith.constant 0 : i32
      %dma_wait3A_229 = arith.constant 0 : i32
      %dma_wait3A_230 = tpu.memref_slice %arg2[%dma_wait3A_228, %dma_wait3A_229] : memref<10000x64xi32, #tpu.memory_space<hbm>> -> memref<10000x64xi32, #tpu.memory_space<hbm>>
      tpu.wait_indirect_dma semaphore(%arg13 : memref<!tpu.dma_semaphore, #tpu.memory_space<semaphore_mem>>) src(%dma_wait3A_230 : memref<10000x64xi32, #tpu.memory_space<hbm>>) dst(%dma_wait3A_224 : memref<64x64xi32, #tpu.memory_space<vmem>>)
      %add3A_231 = arith.constant 1 : i32
      %add3A_232 = arith.addi %add3A_203, %add3A_231 : i32
      %lt3A = arith.constant 160 : i32
      %lt3A_233 = arith.cmpi slt, %add3A_232, %lt3A : i32
      %convert_element_type3A_234 = arith.extui %lt3A_233 : i1 to i32
      %cond3A_235 = arith.constant 0 : i32
      %cond3A_236 = arith.cmpi ne, %convert_element_type3A_234, %cond3A_235 : i32
      scf.if %cond3A_236 {
        %rem3A_287 = arith.constant 16 : i32
        %rem3A_288 = arith.remsi %add3A_232, %rem3A_287 : i32
        %eq3A = arith.constant 0 : i32
        %eq3A_289 = arith.cmpi eq, %rem3A_288, %eq3A : i32
        %convert_element_type3A_290 = arith.extui %eq3A_289 : i1 to i32
        %cond3A_291 = arith.constant 0 : i32
        %cond3A_292 = arith.cmpi ne, %convert_element_type3A_290, %cond3A_291 : i32
        scf.if %cond3A_292 {
          %jit3A_324 = arith.constant 16 : i32
          %div3A_325 = arith.divsi %add3A_232, %jit3A_324 : i32
          %sign3A_326 = arith.constant 0 : i32
          %sign3A_327 = arith.cmpi sgt, %add3A_232, %sign3A_326 : i32
          %sign3A_328 = arith.extui %sign3A_327 : i1 to i32
          %sign3A_329 = arith.constant 0 : i32
          %sign3A_330 = arith.cmpi slt, %add3A_232, %sign3A_329 : i32
          %sign3A_331 = arith.extui %sign3A_330 : i1 to i32
          %sign3A_332 = arith.subi %sign3A_328, %sign3A_331 : i32
          %sign3A_333 = arith.constant 0 : i32
          %sign3A_334 = arith.cmpi sgt, %jit3A_324, %sign3A_333 : i32
          %sign3A_335 = arith.extui %sign3A_334 : i1 to i32
          %sign3A_336 = arith.constant 0 : i32
          %sign3A_337 = arith.cmpi slt, %jit3A_324, %sign3A_336 : i32
          %sign3A_338 = arith.extui %sign3A_337 : i1 to i32
          %sign3A_339 = arith.subi %sign3A_335, %sign3A_338 : i32
          %ne3A_340 = arith.cmpi ne, %sign3A_332, %sign3A_339 : i32
          %rem3A_341 = arith.remsi %add3A_232, %jit3A_324 : i32
          %ne3A_342 = arith.constant 0 : i32
          %ne3A_343 = arith.cmpi ne, %rem3A_341, %ne3A_342 : i32
          %and3A_344 = arith.andi %ne3A_340, %ne3A_343 : i1
          %sub3A_345 = arith.constant 1 : i32
          %sub3A_346 = arith.subi %div3A_325, %sub3A_345 : i32
          %select_n3A_347 = arith.select %and3A_344, %sub3A_346, %div3A_325 : i32
          %mul3A_348 = arith.constant 160 : i32
          %mul3A_349 = arith.muli %add3A, %mul3A_348 : i32
          %mul3A_350 = arith.constant 16 : i32
          %mul3A_351 = arith.muli %select_n3A_347, %mul3A_350 : i32
          %add3A_352 = arith.addi %mul3A_349, %mul3A_351 : i32
          "tpu.region"() ({
            %run_scoped3A = tpu.sem_alloc : memref<!tpu.dma_semaphore, #tpu.memory_space<semaphore_mem>>
            %dma_start3A_360 = arith.constant 0 : i32
            %dma_start3A_361 = tpu.memref_slice %arg3[%add3A_352, %dma_start3A_360] : memref<5120x64xi32, #tpu.memory_space<hbm>> -> memref<16x64xi32, #tpu.memory_space<hbm>>
            %dma_start3A_362 = arith.constant 0 : i32
            %dma_start3A_363 = tpu.memref_slice %arg3[%add3A_352, %dma_start3A_362] : memref<5120x64xi32, #tpu.memory_space<hbm>> -> memref<16x64xi32, #tpu.memory_space<hbm>>
            tpu.enqueue_dma source(%dma_start3A_363 : memref<16x64xi32, #tpu.memory_space<hbm>>) target(%arg7 : memref<16x64xi32, #tpu.memory_space<vmem>>) target_semaphore(%run_scoped3A : memref<!tpu.dma_semaphore, #tpu.memory_space<semaphore_mem>>)
            %dma_wait3A_364 = arith.constant 0 : i32
            %dma_wait3A_365 = tpu.memref_slice %arg3[%add3A_352, %dma_wait3A_364] : memref<5120x64xi32, #tpu.memory_space<hbm>> -> memref<16x64xi32, #tpu.memory_space<hbm>>
            %dma_wait3A_366 = arith.constant 0 : i32
            %dma_wait3A_367 = tpu.memref_slice %arg3[%add3A_352, %dma_wait3A_366] : memref<5120x64xi32, #tpu.memory_space<hbm>> -> memref<16x64xi32, #tpu.memory_space<hbm>>
            tpu.wait_dma2 semaphore(%run_scoped3A : memref<!tpu.dma_semaphore, #tpu.memory_space<semaphore_mem>>) src(%dma_wait3A_367 : memref<16x64xi32, #tpu.memory_space<hbm>>) dst(%arg7 : memref<16x64xi32, #tpu.memory_space<vmem>>)
            tpu.yield
          }) : () -> ()
          %mul3A_353 = arith.constant 160 : i32
          %mul3A_354 = arith.muli %add3A, %mul3A_353 : i32
          %mul3A_355 = arith.constant 16 : i32
          %mul3A_356 = arith.muli %select_n3A_347, %mul3A_355 : i32
          %add3A_357 = arith.addi %mul3A_354, %mul3A_356 : i32
          %rem3A_358 = arith.constant 2 : i32
          %rem3A_359 = arith.remsi %select_n3A_347, %rem3A_358 : i32
          "tpu.region"() ({
            %run_scoped3A = tpu.sem_alloc : memref<!tpu.dma_semaphore, #tpu.memory_space<semaphore_mem>>
            %dma_start3A_360 = arith.constant 0 : i32
            %dma_start3A_361 = arith.constant 0 : i32
            %dma_start3A_362 = tpu.memref_slice %arg8[%rem3A_359, %dma_start3A_360, %dma_start3A_361] : memref<2x16x64xi32, #tpu.memory_space<vmem>> -> memref<1x16x64xi32, #tpu.memory_space<vmem>>
            %dma_start3A_363 = tpu.memref_squeeze %dma_start3A_362 : memref<1x16x64xi32, #tpu.memory_space<vmem>> -> memref<16x64xi32, #tpu.memory_space<vmem>>
            %dma_start3A_364 = arith.constant 0 : i32
            %dma_start3A_365 = tpu.memref_slice %arg4[%add3A_357, %dma_start3A_364] : memref<5120x64xi32, #tpu.memory_space<hbm>> -> memref<16x64xi32, #tpu.memory_space<hbm>>
            %dma_start3A_366 = arith.constant 0 : i32
            %dma_start3A_367 = arith.constant 0 : i32
            %dma_start3A_368 = tpu.memref_slice %arg8[%rem3A_359, %dma_start3A_366, %dma_start3A_367] : memref<2x16x64xi32, #tpu.memory_space<vmem>> -> memref<1x16x64xi32, #tpu.memory_space<vmem>>
            %dma_start3A_369 = tpu.memref_squeeze %dma_start3A_368 : memref<1x16x64xi32, #tpu.memory_space<vmem>> -> memref<16x64xi32, #tpu.memory_space<vmem>>
            %dma_start3A_370 = arith.constant 0 : i32
            %dma_start3A_371 = tpu.memref_slice %arg4[%add3A_357, %dma_start3A_370] : memref<5120x64xi32, #tpu.memory_space<hbm>> -> memref<16x64xi32, #tpu.memory_space<hbm>>
            tpu.enqueue_dma source(%dma_start3A_371 : memref<16x64xi32, #tpu.memory_space<hbm>>) target(%dma_start3A_369 : memref<16x64xi32, #tpu.memory_space<vmem>>) target_semaphore(%run_scoped3A : memref<!tpu.dma_semaphore, #tpu.memory_space<semaphore_mem>>)
            %dma_wait3A_372 = arith.constant 0 : i32
            %dma_wait3A_373 = arith.constant 0 : i32
            %dma_wait3A_374 = tpu.memref_slice %arg8[%rem3A_359, %dma_wait3A_372, %dma_wait3A_373] : memref<2x16x64xi32, #tpu.memory_space<vmem>> -> memref<1x16x64xi32, #tpu.memory_space<vmem>>
            %dma_wait3A_375 = tpu.memref_squeeze %dma_wait3A_374 : memref<1x16x64xi32, #tpu.memory_space<vmem>> -> memref<16x64xi32, #tpu.memory_space<vmem>>
            %dma_wait3A_376 = arith.constant 0 : i32
            %dma_wait3A_377 = tpu.memref_slice %arg4[%add3A_357, %dma_wait3A_376] : memref<5120x64xi32, #tpu.memory_space<hbm>> -> memref<16x64xi32, #tpu.memory_space<hbm>>
            %dma_wait3A_378 = arith.constant 0 : i32
            %dma_wait3A_379 = arith.constant 0 : i32
            %dma_wait3A_380 = tpu.memref_slice %arg8[%rem3A_359, %dma_wait3A_378, %dma_wait3A_379] : memref<2x16x64xi32, #tpu.memory_space<vmem>> -> memref<1x16x64xi32, #tpu.memory_space<vmem>>
            %dma_wait3A_381 = tpu.memref_squeeze %dma_wait3A_380 : memref<1x16x64xi32, #tpu.memory_space<vmem>> -> memref<16x64xi32, #tpu.memory_space<vmem>>
            %dma_wait3A_382 = arith.constant 0 : i32
            %dma_wait3A_383 = tpu.memref_slice %arg4[%add3A_357, %dma_wait3A_382] : memref<5120x64xi32, #tpu.memory_space<hbm>> -> memref<16x64xi32, #tpu.memory_space<hbm>>
            tpu.wait_dma2 semaphore(%run_scoped3A : memref<!tpu.dma_semaphore, #tpu.memory_space<semaphore_mem>>) src(%dma_wait3A_383 : memref<16x64xi32, #tpu.memory_space<hbm>>) dst(%dma_wait3A_381 : memref<16x64xi32, #tpu.memory_space<vmem>>)
            tpu.yield
          }) : () -> ()
        } else {
        }
        %rem3A_293 = arith.constant 16 : i32
        %rem3A_294 = arith.remsi %add3A_232, %rem3A_293 : i32
        %mul3A_295 = arith.constant 160 : i32
        %mul3A_296 = arith.muli %add3A, %mul3A_295 : i32
        %add3A_297 = arith.addi %mul3A_296, %add3A_232 : i32
        %mul3A_298 = arith.constant 32 : i32
        %mul3A_299 = arith.muli %add3A_297, %mul3A_298 : i32
        %dma_start3A_300 = arith.constant 0 : i32
        %dma_start3A_301 = arith.constant 0 : i32
        %dma_start3A_302 = arith.constant 0 : i32
        %dma_start3A_303 = tpu.memref_slice %arg10[%dma_start3A_300, %dma_start3A_301, %dma_start3A_302] : memref<2x32x128xi32, #tpu.memory_space<vmem>> -> memref<1x32x128xi32, #tpu.memory_space<vmem>>
        %dma_start3A_304 = tpu.memref_squeeze %dma_start3A_303 : memref<1x32x128xi32, #tpu.memory_space<vmem>> -> memref<32x128xi32, #tpu.memory_space<vmem>>
        %dma_start3A_305 = arith.constant 0 : i32
        %dma_start3A_306 = tpu.memref_slice %arg5[%mul3A_299, %dma_start3A_305] : memref<163840x128xi32, #tpu.memory_space<hbm>> -> memref<32x128xi32, #tpu.memory_space<hbm>>
        %dma_start3A_307 = arith.constant 0 : i32
        %dma_start3A_308 = arith.constant 0 : i32
        %dma_start3A_309 = tpu.memref_slice %arg10[%dma_start3A_300, %dma_start3A_307, %dma_start3A_308] : memref<2x32x128xi32, #tpu.memory_space<vmem>> -> memref<1x32x128xi32, #tpu.memory_space<vmem>>
        %dma_start3A_310 = tpu.memref_squeeze %dma_start3A_309 : memref<1x32x128xi32, #tpu.memory_space<vmem>> -> memref<32x128xi32, #tpu.memory_space<vmem>>
        %dma_start3A_311 = arith.constant 0 : i32
        %dma_start3A_312 = tpu.memref_slice %arg5[%mul3A_299, %dma_start3A_311] : memref<163840x128xi32, #tpu.memory_space<hbm>> -> memref<32x128xi32, #tpu.memory_space<hbm>>
        tpu.enqueue_dma source(%dma_start3A_312 : memref<32x128xi32, #tpu.memory_space<hbm>>) target(%dma_start3A_310 : memref<32x128xi32, #tpu.memory_space<vmem>>) target_semaphore(%arg14 : memref<!tpu.dma_semaphore, #tpu.memory_space<semaphore_mem>>)
        %dma_start3A_313 = arith.constant 0 : i32
        %dma_start3A_314 = arith.constant 0 : i32
        %dma_start3A_315 = arith.constant 0 : i32
        %dma_start3A_316 = tpu.memref_slice %arg9[%dma_start3A_313, %dma_start3A_314, %dma_start3A_315] : memref<2x64x64xi32, #tpu.memory_space<vmem>> -> memref<1x64x64xi32, #tpu.memory_space<vmem>>
        %dma_start3A_317 = tpu.memref_squeeze %dma_start3A_316 : memref<1x64x64xi32, #tpu.memory_space<vmem>> -> memref<64x64xi32, #tpu.memory_space<vmem>>
        %dma_start3A_318 = arith.constant 0 : i32
        %dma_start3A_319 = tpu.memref_slice %arg7[%rem3A_294, %dma_start3A_318] : memref<16x64xi32, #tpu.memory_space<vmem>> -> memref<1x64xi32, #tpu.memory_space<vmem>>
        %dma_start3A_320 = tpu.memref_squeeze %dma_start3A_319 : memref<1x64xi32, #tpu.memory_space<vmem>> -> memref<64xi32, #tpu.memory_space<vmem>>
        %dma_start3A_321 = arith.constant 0 : i32
        %dma_start3A_322 = arith.constant 0 : i32
        %dma_start3A_323 = tpu.memref_slice %arg2[%dma_start3A_321, %dma_start3A_322] : memref<10000x64xi32, #tpu.memory_space<hbm>> -> memref<10000x64xi32, #tpu.memory_space<hbm>>
        tpu.enqueue_indirect_dma source(%dma_start3A_323 : memref<10000x64xi32, #tpu.memory_space<hbm>>) target(%dma_start3A_317 : memref<64x64xi32, #tpu.memory_space<vmem>>) offsets(%dma_start3A_320 : memref<64xi32, #tpu.memory_space<vmem>>) semaphore(%arg12 : memref<!tpu.dma_semaphore, #tpu.memory_space<semaphore_mem>>)
      } else {
      }
      %ge3A_237 = arith.constant 2 : i32
      %ge3A_238 = arith.cmpi sge, %add3A_203, %ge3A_237 : i32
      %convert_element_type3A_239 = arith.extui %ge3A_238 : i1 to i32
      %cond3A_240 = arith.constant 0 : i32
      %cond3A_241 = arith.cmpi ne, %convert_element_type3A_239, %cond3A_240 : i32
      scf.if %cond3A_241 {
        %dma_wait3A_287 = arith.constant 1 : i32
        %dma_wait3A_288 = arith.constant 0 : i32
        %dma_wait3A_289 = arith.constant 0 : i32
        %dma_wait3A_290 = arith.constant 0 : i32
        %dma_wait3A_291 = arith.constant 0 : i32
        %dma_wait3A_292 = tpu.memref_slice %arg11[%dma_wait3A_287, %dma_wait3A_290, %dma_wait3A_291] : memref<2x64x128xf32, #tpu.memory_space<vmem>> -> memref<1x64x128xf32, #tpu.memory_space<vmem>>
        %dma_wait3A_293 = tpu.memref_squeeze %dma_wait3A_292 : memref<1x64x128xf32, #tpu.memory_space<vmem>> -> memref<64x128xf32, #tpu.memory_space<vmem>>
        %dma_wait3A_294 = arith.constant 0 : i32
        %dma_wait3A_295 = tpu.memref_slice %arg8[%dma_wait3A_288, %dma_wait3A_289, %dma_wait3A_294] : memref<2x16x64xi32, #tpu.memory_space<vmem>> -> memref<1x1x64xi32, #tpu.memory_space<vmem>>
        %dma_wait3A_296 = tpu.memref_squeeze %dma_wait3A_295 : memref<1x1x64xi32, #tpu.memory_space<vmem>> -> memref<64xi32, #tpu.memory_space<vmem>>
        %dma_wait3A_297 = arith.constant 0 : i32
        %dma_wait3A_298 = arith.constant 0 : i32
        %dma_wait3A_299 = tpu.memref_slice %arg18[%dma_wait3A_297, %dma_wait3A_298] : memref<10240x128xf32, #tpu.memory_space<vmem_shared>> -> memref<10240x128xf32, #tpu.memory_space<vmem_shared>>
        tpu.wait_indirect_dma semaphore(%arg17 : memref<!tpu.dma_semaphore, #tpu.memory_space<semaphore_mem>>) src(%dma_wait3A_293 : memref<64x128xf32, #tpu.memory_space<vmem>>) dst(%dma_wait3A_299 : memref<10240x128xf32, #tpu.memory_space<vmem_shared>>)
      } else {
      }
      %scan3A_242 = arith.constant 0 : i32
      %scan3A_243 = arith.constant 0 : i32
      %scan3A_244 = arith.constant 32 : i32
      %scan3A_245 = arith.addi %scan3A_243, %scan3A_244 : i32
      %scan3A_246 = arith.constant 1 : i32
      scf.for %scan3A_287 = %scan3A_243 to %scan3A_245 step %scan3A_246  : i32 {
        %add3A_288 = arith.constant 0 : i32
        %add3A_289 = arith.addi %add3A_288, %scan3A_287 : i32
        %get3A = arith.constant 1 : i32
        %get3A_290 = arith.index_cast %get3A : i32 to index
        %get3A_291 = arith.index_cast %add3A_289 : i32 to index
        %get3A_292 = arith.constant 0 : index
        %get3A_293 = tpu.vector_load %arg9[%get3A_290, %get3A_291, %get3A_292] {strides = array<i32>} : memref<2x64x64xi32, #tpu.memory_space<vmem>>, vector<16xi32>,
        %get3A_294 = arith.constant 1 : i32
        %get3A_295 = arith.index_cast %get3A_294 : i32 to index
        %get3A_296 = arith.index_cast %scan3A_287 : i32 to index
        %get3A_297 = arith.constant 0 : index
        %get3A_298 = tpu.vector_load %arg10[%get3A_295, %get3A_296, %get3A_297] {strides = array<i32>} : memref<2x32x128xi32, #tpu.memory_space<vmem>>, vector<16xi32>,
        %shift_left3A = arith.constant 16 : i32
        %shift_left3A_299 = vector.broadcast %shift_left3A : i32 to vector<16xi32>
        %shift_left3A_300 = arith.shli %get3A_293, %shift_left3A_299 : vector<16xi32>
        %bitcast3A = vector.bitcast %shift_left3A_300 : vector<16xi32> to vector<16xf32>
        %shift_left3A_301 = arith.constant 16 : i32
        %shift_left3A_302 = vector.broadcast %shift_left3A_301 : i32 to vector<16xi32>
        %shift_left3A_303 = arith.shli %get3A_298, %shift_left3A_302 : vector<16xi32>
        %bitcast3A_304 = vector.bitcast %shift_left3A_303 : vector<16xi32> to vector<16xf32>
        %add3A_305 = arith.addf %bitcast3A, %bitcast3A_304 : vector<16xf32>
        %max3A = arith.constant 0.000000e+00 : f32
        %max3A_306 = vector.broadcast %max3A : f32 to vector<16xf32>
        %max3A_307 = arith.maximumf %add3A_305, %max3A_306 : vector<16xf32>
        %add3A_308 = arith.constant 0 : i32
        %add3A_309 = arith.addi %add3A_308, %scan3A_287 : i32
        %swap3A = arith.constant 1 : i32
        %swap3A_310 = arith.index_cast %swap3A : i32 to index
        %swap3A_311 = arith.index_cast %add3A_309 : i32 to index
        %swap3A_312 = arith.constant 0 : index
        %swap3A_313 = tpu.vector_load %arg11[%swap3A_310, %swap3A_311, %swap3A_312] {strides = array<i32>} : memref<2x64x128xf32, #tpu.memory_space<vmem>>, vector<16xf32>,
        tpu.vector_store %arg11[%swap3A_310, %swap3A_311, %swap3A_312], %max3A_307 {strides = array<i32>} : memref<2x64x128xf32, #tpu.memory_space<vmem>>, vector<16xf32>,
        %and3A_314 = arith.constant -65536 : i32
        %and3A_315 = vector.broadcast %and3A_314 : i32 to vector<16xi32>
        %and3A_316 = arith.andi %get3A_293, %and3A_315 : vector<16xi32>
        %bitcast3A_317 = vector.bitcast %and3A_316 : vector<16xi32> to vector<16xf32>
        %and3A_318 = arith.constant -65536 : i32
        %and3A_319 = vector.broadcast %and3A_318 : i32 to vector<16xi32>
        %and3A_320 = arith.andi %get3A_298, %and3A_319 : vector<16xi32>
        %bitcast3A_321 = vector.bitcast %and3A_320 : vector<16xi32> to vector<16xf32>
        %add3A_322 = arith.addf %bitcast3A_317, %bitcast3A_321 : vector<16xf32>
        %max3A_323 = arith.constant 0.000000e+00 : f32
        %max3A_324 = vector.broadcast %max3A_323 : f32 to vector<16xf32>
        %max3A_325 = arith.maximumf %add3A_322, %max3A_324 : vector<16xf32>
        %add3A_326 = arith.constant 0 : i32
        %add3A_327 = arith.addi %add3A_326, %scan3A_287 : i32
        %swap3A_328 = arith.constant 1 : i32
        %swap3A_329 = arith.index_cast %swap3A_328 : i32 to index
        %swap3A_330 = arith.index_cast %add3A_327 : i32 to index
        %swap3A_331 = arith.constant 64 : index
        %swap3A_332 = tpu.vector_load %arg11[%swap3A_329, %swap3A_330, %swap3A_331] {strides = array<i32>} : memref<2x64x128xf32, #tpu.memory_space<vmem>>, vector<16xf32>,
        tpu.vector_store %arg11[%swap3A_329, %swap3A_330, %swap3A_331], %max3A_325 {strides = array<i32>} : memref<2x64x128xf32, #tpu.memory_space<vmem>>, vector<16xf32>,
        %add3A_333 = arith.constant 0 : i32
        %add3A_334 = arith.addi %add3A_333, %scan3A_287 : i32
        %get3A_335 = arith.constant 1 : i32
        %get3A_336 = arith.index_cast %get3A_335 : i32 to index
        %get3A_337 = arith.index_cast %add3A_334 : i32 to index
        %get3A_338 = arith.constant 16 : index
        %get3A_339 = tpu.vector_load %arg9[%get3A_336, %get3A_337, %get3A_338] {strides = array<i32>} : memref<2x64x64xi32, #tpu.memory_space<vmem>>, vector<16xi32>,
        %get3A_340 = arith.constant 1 : i32
        %get3A_341 = arith.index_cast %get3A_340 : i32 to index
        %get3A_342 = arith.index_cast %scan3A_287 : i32 to index
        %get3A_343 = arith.constant 16 : index
        %get3A_344 = tpu.vector_load %arg10[%get3A_341, %get3A_342, %get3A_343] {strides = array<i32>} : memref<2x32x128xi32, #tpu.memory_space<vmem>>, vector<16xi32>,
        %shift_left3A_345 = arith.constant 16 : i32
        %shift_left3A_346 = vector.broadcast %shift_left3A_345 : i32 to vector<16xi32>
        %shift_left3A_347 = arith.shli %get3A_339, %shift_left3A_346 : vector<16xi32>
        %bitcast3A_348 = vector.bitcast %shift_left3A_347 : vector<16xi32> to vector<16xf32>
        %shift_left3A_349 = arith.constant 16 : i32
        %shift_left3A_350 = vector.broadcast %shift_left3A_349 : i32 to vector<16xi32>
        %shift_left3A_351 = arith.shli %get3A_344, %shift_left3A_350 : vector<16xi32>
        %bitcast3A_352 = vector.bitcast %shift_left3A_351 : vector<16xi32> to vector<16xf32>
        %add3A_353 = arith.addf %bitcast3A_348, %bitcast3A_352 : vector<16xf32>
        %max3A_354 = arith.constant 0.000000e+00 : f32
        %max3A_355 = vector.broadcast %max3A_354 : f32 to vector<16xf32>
        %max3A_356 = arith.maximumf %add3A_353, %max3A_355 : vector<16xf32>
        %add3A_357 = arith.constant 0 : i32
        %add3A_358 = arith.addi %add3A_357, %scan3A_287 : i32
        %swap3A_359 = arith.constant 1 : i32
        %swap3A_360 = arith.index_cast %swap3A_359 : i32 to index
        %swap3A_361 = arith.index_cast %add3A_358 : i32 to index
        %swap3A_362 = arith.constant 16 : index
        %swap3A_363 = tpu.vector_load %arg11[%swap3A_360, %swap3A_361, %swap3A_362] {strides = array<i32>} : memref<2x64x128xf32, #tpu.memory_space<vmem>>, vector<16xf32>,
        tpu.vector_store %arg11[%swap3A_360, %swap3A_361, %swap3A_362], %max3A_356 {strides = array<i32>} : memref<2x64x128xf32, #tpu.memory_space<vmem>>, vector<16xf32>,
        %and3A_364 = arith.constant -65536 : i32
        %and3A_365 = vector.broadcast %and3A_364 : i32 to vector<16xi32>
        %and3A_366 = arith.andi %get3A_339, %and3A_365 : vector<16xi32>
        %bitcast3A_367 = vector.bitcast %and3A_366 : vector<16xi32> to vector<16xf32>
        %and3A_368 = arith.constant -65536 : i32
        %and3A_369 = vector.broadcast %and3A_368 : i32 to vector<16xi32>
        %and3A_370 = arith.andi %get3A_344, %and3A_369 : vector<16xi32>
        %bitcast3A_371 = vector.bitcast %and3A_370 : vector<16xi32> to vector<16xf32>
        %add3A_372 = arith.addf %bitcast3A_367, %bitcast3A_371 : vector<16xf32>
        %max3A_373 = arith.constant 0.000000e+00 : f32
        %max3A_374 = vector.broadcast %max3A_373 : f32 to vector<16xf32>
        %max3A_375 = arith.maximumf %add3A_372, %max3A_374 : vector<16xf32>
        %add3A_376 = arith.constant 0 : i32
        %add3A_377 = arith.addi %add3A_376, %scan3A_287 : i32
        %swap3A_378 = arith.constant 1 : i32
        %swap3A_379 = arith.index_cast %swap3A_378 : i32 to index
        %swap3A_380 = arith.index_cast %add3A_377 : i32 to index
        %swap3A_381 = arith.constant 80 : index
        %swap3A_382 = tpu.vector_load %arg11[%swap3A_379, %swap3A_380, %swap3A_381] {strides = array<i32>} : memref<2x64x128xf32, #tpu.memory_space<vmem>>, vector<16xf32>,
        tpu.vector_store %arg11[%swap3A_379, %swap3A_380, %swap3A_381], %max3A_375 {strides = array<i32>} : memref<2x64x128xf32, #tpu.memory_space<vmem>>, vector<16xf32>,
        %add3A_383 = arith.constant 0 : i32
        %add3A_384 = arith.addi %add3A_383, %scan3A_287 : i32
        %get3A_385 = arith.constant 1 : i32
        %get3A_386 = arith.index_cast %get3A_385 : i32 to index
        %get3A_387 = arith.index_cast %add3A_384 : i32 to index
        %get3A_388 = arith.constant 32 : index
        %get3A_389 = tpu.vector_load %arg9[%get3A_386, %get3A_387, %get3A_388] {strides = array<i32>} : memref<2x64x64xi32, #tpu.memory_space<vmem>>, vector<16xi32>,
        %get3A_390 = arith.constant 1 : i32
        %get3A_391 = arith.index_cast %get3A_390 : i32 to index
        %get3A_392 = arith.index_cast %scan3A_287 : i32 to index
        %get3A_393 = arith.constant 32 : index
        %get3A_394 = tpu.vector_load %arg10[%get3A_391, %get3A_392, %get3A_393] {strides = array<i32>} : memref<2x32x128xi32, #tpu.memory_space<vmem>>, vector<16xi32>,
        %shift_left3A_395 = arith.constant 16 : i32
        %shift_left3A_396 = vector.broadcast %shift_left3A_395 : i32 to vector<16xi32>
        %shift_left3A_397 = arith.shli %get3A_389, %shift_left3A_396 : vector<16xi32>
        %bitcast3A_398 = vector.bitcast %shift_left3A_397 : vector<16xi32> to vector<16xf32>
        %shift_left3A_399 = arith.constant 16 : i32
        %shift_left3A_400 = vector.broadcast %shift_left3A_399 : i32 to vector<16xi32>
        %shift_left3A_401 = arith.shli %get3A_394, %shift_left3A_400 : vector<16xi32>
        %bitcast3A_402 = vector.bitcast %shift_left3A_401 : vector<16xi32> to vector<16xf32>
        %add3A_403 = arith.addf %bitcast3A_398, %bitcast3A_402 : vector<16xf32>
        %max3A_404 = arith.constant 0.000000e+00 : f32
        %max3A_405 = vector.broadcast %max3A_404 : f32 to vector<16xf32>
        %max3A_406 = arith.maximumf %add3A_403, %max3A_405 : vector<16xf32>
        %add3A_407 = arith.constant 0 : i32
        %add3A_408 = arith.addi %add3A_407, %scan3A_287 : i32
        %swap3A_409 = arith.constant 1 : i32
        %swap3A_410 = arith.index_cast %swap3A_409 : i32 to index
        %swap3A_411 = arith.index_cast %add3A_408 : i32 to index
        %swap3A_412 = arith.constant 32 : index
        %swap3A_413 = tpu.vector_load %arg11[%swap3A_410, %swap3A_411, %swap3A_412] {strides = array<i32>} : memref<2x64x128xf32, #tpu.memory_space<vmem>>, vector<16xf32>,
        tpu.vector_store %arg11[%swap3A_410, %swap3A_411, %swap3A_412], %max3A_406 {strides = array<i32>} : memref<2x64x128xf32, #tpu.memory_space<vmem>>, vector<16xf32>,
        %and3A_414 = arith.constant -65536 : i32
        %and3A_415 = vector.broadcast %and3A_414 : i32 to vector<16xi32>
        %and3A_416 = arith.andi %get3A_389, %and3A_415 : vector<16xi32>
        %bitcast3A_417 = vector.bitcast %and3A_416 : vector<16xi32> to vector<16xf32>
        %and3A_418 = arith.constant -65536 : i32
        %and3A_419 = vector.broadcast %and3A_418 : i32 to vector<16xi32>
        %and3A_420 = arith.andi %get3A_394, %and3A_419 : vector<16xi32>
        %bitcast3A_421 = vector.bitcast %and3A_420 : vector<16xi32> to vector<16xf32>
        %add3A_422 = arith.addf %bitcast3A_417, %bitcast3A_421 : vector<16xf32>
        %max3A_423 = arith.constant 0.000000e+00 : f32
        %max3A_424 = vector.broadcast %max3A_423 : f32 to vector<16xf32>
        %max3A_425 = arith.maximumf %add3A_422, %max3A_424 : vector<16xf32>
        %add3A_426 = arith.constant 0 : i32
        %add3A_427 = arith.addi %add3A_426, %scan3A_287 : i32
        %swap3A_428 = arith.constant 1 : i32
        %swap3A_429 = arith.index_cast %swap3A_428 : i32 to index
        %swap3A_430 = arith.index_cast %add3A_427 : i32 to index
        %swap3A_431 = arith.constant 96 : index
        %swap3A_432 = tpu.vector_load %arg11[%swap3A_429, %swap3A_430, %swap3A_431] {strides = array<i32>} : memref<2x64x128xf32, #tpu.memory_space<vmem>>, vector<16xf32>,
        tpu.vector_store %arg11[%swap3A_429, %swap3A_430, %swap3A_431], %max3A_425 {strides = array<i32>} : memref<2x64x128xf32, #tpu.memory_space<vmem>>, vector<16xf32>,
        %add3A_433 = arith.constant 0 : i32
        %add3A_434 = arith.addi %add3A_433, %scan3A_287 : i32
        %get3A_435 = arith.constant 1 : i32
        %get3A_436 = arith.index_cast %get3A_435 : i32 to index
        %get3A_437 = arith.index_cast %add3A_434 : i32 to index
        %get3A_438 = arith.constant 48 : index
        %get3A_439 = tpu.vector_load %arg9[%get3A_436, %get3A_437, %get3A_438] {strides = array<i32>} : memref<2x64x64xi32, #tpu.memory_space<vmem>>, vector<16xi32>,
        %get3A_440 = arith.constant 1 : i32
        %get3A_441 = arith.index_cast %get3A_440 : i32 to index
        %get3A_442 = arith.index_cast %scan3A_287 : i32 to index
        %get3A_443 = arith.constant 48 : index
        %get3A_444 = tpu.vector_load %arg10[%get3A_441, %get3A_442, %get3A_443] {strides = array<i32>} : memref<2x32x128xi32, #tpu.memory_space<vmem>>, vector<16xi32>,
        %shift_left3A_445 = arith.constant 16 : i32
        %shift_left3A_446 = vector.broadcast %shift_left3A_445 : i32 to vector<16xi32>
        %shift_left3A_447 = arith.shli %get3A_439, %shift_left3A_446 : vector<16xi32>
        %bitcast3A_448 = vector.bitcast %shift_left3A_447 : vector<16xi32> to vector<16xf32>
        %shift_left3A_449 = arith.constant 16 : i32
        %shift_left3A_450 = vector.broadcast %shift_left3A_449 : i32 to vector<16xi32>
        %shift_left3A_451 = arith.shli %get3A_444, %shift_left3A_450 : vector<16xi32>
        %bitcast3A_452 = vector.bitcast %shift_left3A_451 : vector<16xi32> to vector<16xf32>
        %add3A_453 = arith.addf %bitcast3A_448, %bitcast3A_452 : vector<16xf32>
        %max3A_454 = arith.constant 0.000000e+00 : f32
        %max3A_455 = vector.broadcast %max3A_454 : f32 to vector<16xf32>
        %max3A_456 = arith.maximumf %add3A_453, %max3A_455 : vector<16xf32>
        %add3A_457 = arith.constant 0 : i32
        %add3A_458 = arith.addi %add3A_457, %scan3A_287 : i32
        %swap3A_459 = arith.constant 1 : i32
        %swap3A_460 = arith.index_cast %swap3A_459 : i32 to index
        %swap3A_461 = arith.index_cast %add3A_458 : i32 to index
        %swap3A_462 = arith.constant 48 : index
        %swap3A_463 = tpu.vector_load %arg11[%swap3A_460, %swap3A_461, %swap3A_462] {strides = array<i32>} : memref<2x64x128xf32, #tpu.memory_space<vmem>>, vector<16xf32>,
        tpu.vector_store %arg11[%swap3A_460, %swap3A_461, %swap3A_462], %max3A_456 {strides = array<i32>} : memref<2x64x128xf32, #tpu.memory_space<vmem>>, vector<16xf32>,
        %and3A_464 = arith.constant -65536 : i32
        %and3A_465 = vector.broadcast %and3A_464 : i32 to vector<16xi32>
        %and3A_466 = arith.andi %get3A_439, %and3A_465 : vector<16xi32>
        %bitcast3A_467 = vector.bitcast %and3A_466 : vector<16xi32> to vector<16xf32>
        %and3A_468 = arith.constant -65536 : i32
        %and3A_469 = vector.broadcast %and3A_468 : i32 to vector<16xi32>
        %and3A_470 = arith.andi %get3A_444, %and3A_469 : vector<16xi32>
        %bitcast3A_471 = vector.bitcast %and3A_470 : vector<16xi32> to vector<16xf32>
        %add3A_472 = arith.addf %bitcast3A_467, %bitcast3A_471 : vector<16xf32>
        %max3A_473 = arith.constant 0.000000e+00 : f32
        %max3A_474 = vector.broadcast %max3A_473 : f32 to vector<16xf32>
        %max3A_475 = arith.maximumf %add3A_472, %max3A_474 : vector<16xf32>
        %add3A_476 = arith.constant 0 : i32
        %add3A_477 = arith.addi %add3A_476, %scan3A_287 : i32
        %swap3A_478 = arith.constant 1 : i32
        %swap3A_479 = arith.index_cast %swap3A_478 : i32 to index
        %swap3A_480 = arith.index_cast %add3A_477 : i32 to index
        %swap3A_481 = arith.constant 112 : index
        %swap3A_482 = tpu.vector_load %arg11[%swap3A_479, %swap3A_480, %swap3A_481] {strides = array<i32>} : memref<2x64x128xf32, #tpu.memory_space<vmem>>, vector<16xf32>,
        tpu.vector_store %arg11[%swap3A_479, %swap3A_480, %swap3A_481], %max3A_475 {strides = array<i32>} : memref<2x64x128xf32, #tpu.memory_space<vmem>>, vector<16xf32>,
        %add3A_483 = arith.constant 32 : i32
        %add3A_484 = arith.addi %add3A_483, %scan3A_287 : i32
        %get3A_485 = arith.constant 1 : i32
        %get3A_486 = arith.index_cast %get3A_485 : i32 to index
        %get3A_487 = arith.index_cast %add3A_484 : i32 to index
        %get3A_488 = arith.constant 0 : index
        %get3A_489 = tpu.vector_load %arg9[%get3A_486, %get3A_487, %get3A_488] {strides = array<i32>} : memref<2x64x64xi32, #tpu.memory_space<vmem>>, vector<16xi32>,
        %get3A_490 = arith.constant 1 : i32
        %get3A_491 = arith.index_cast %get3A_490 : i32 to index
        %get3A_492 = arith.index_cast %scan3A_287 : i32 to index
        %get3A_493 = arith.constant 64 : index
        %get3A_494 = tpu.vector_load %arg10[%get3A_491, %get3A_492, %get3A_493] {strides = array<i32>} : memref<2x32x128xi32, #tpu.memory_space<vmem>>, vector<16xi32>,
        %shift_left3A_495 = arith.constant 16 : i32
        %shift_left3A_496 = vector.broadcast %shift_left3A_495 : i32 to vector<16xi32>
        %shift_left3A_497 = arith.shli %get3A_489, %shift_left3A_496 : vector<16xi32>
        %bitcast3A_498 = vector.bitcast %shift_left3A_497 : vector<16xi32> to vector<16xf32>
        %shift_left3A_499 = arith.constant 16 : i32
        %shift_left3A_500 = vector.broadcast %shift_left3A_499 : i32 to vector<16xi32>
        %shift_left3A_501 = arith.shli %get3A_494, %shift_left3A_500 : vector<16xi32>
        %bitcast3A_502 = vector.bitcast %shift_left3A_501 : vector<16xi32> to vector<16xf32>
        %add3A_503 = arith.addf %bitcast3A_498, %bitcast3A_502 : vector<16xf32>
        %max3A_504 = arith.constant 0.000000e+00 : f32
        %max3A_505 = vector.broadcast %max3A_504 : f32 to vector<16xf32>
        %max3A_506 = arith.maximumf %add3A_503, %max3A_505 : vector<16xf32>
        %add3A_507 = arith.constant 32 : i32
        %add3A_508 = arith.addi %add3A_507, %scan3A_287 : i32
        %swap3A_509 = arith.constant 1 : i32
        %swap3A_510 = arith.index_cast %swap3A_509 : i32 to index
        %swap3A_511 = arith.index_cast %add3A_508 : i32 to index
        %swap3A_512 = arith.constant 0 : index
        %swap3A_513 = tpu.vector_load %arg11[%swap3A_510, %swap3A_511, %swap3A_512] {strides = array<i32>} : memref<2x64x128xf32, #tpu.memory_space<vmem>>, vector<16xf32>,
        tpu.vector_store %arg11[%swap3A_510, %swap3A_511, %swap3A_512], %max3A_506 {strides = array<i32>} : memref<2x64x128xf32, #tpu.memory_space<vmem>>, vector<16xf32>,
        %and3A_514 = arith.constant -65536 : i32
        %and3A_515 = vector.broadcast %and3A_514 : i32 to vector<16xi32>
        %and3A_516 = arith.andi %get3A_489, %and3A_515 : vector<16xi32>
        %bitcast3A_517 = vector.bitcast %and3A_516 : vector<16xi32> to vector<16xf32>
        %and3A_518 = arith.constant -65536 : i32
        %and3A_519 = vector.broadcast %and3A_518 : i32 to vector<16xi32>
        %and3A_520 = arith.andi %get3A_494, %and3A_519 : vector<16xi32>
        %bitcast3A_521 = vector.bitcast %and3A_520 : vector<16xi32> to vector<16xf32>
        %add3A_522 = arith.addf %bitcast3A_517, %bitcast3A_521 : vector<16xf32>
        %max3A_523 = arith.constant 0.000000e+00 : f32
        %max3A_524 = vector.broadcast %max3A_523 : f32 to vector<16xf32>
        %max3A_525 = arith.maximumf %add3A_522, %max3A_524 : vector<16xf32>
        %add3A_526 = arith.constant 32 : i32
        %add3A_527 = arith.addi %add3A_526, %scan3A_287 : i32
        %swap3A_528 = arith.constant 1 : i32
        %swap3A_529 = arith.index_cast %swap3A_528 : i32 to index
        %swap3A_530 = arith.index_cast %add3A_527 : i32 to index
        %swap3A_531 = arith.constant 64 : index
        %swap3A_532 = tpu.vector_load %arg11[%swap3A_529, %swap3A_530, %swap3A_531] {strides = array<i32>} : memref<2x64x128xf32, #tpu.memory_space<vmem>>, vector<16xf32>,
        tpu.vector_store %arg11[%swap3A_529, %swap3A_530, %swap3A_531], %max3A_525 {strides = array<i32>} : memref<2x64x128xf32, #tpu.memory_space<vmem>>, vector<16xf32>,
        %add3A_533 = arith.constant 32 : i32
        %add3A_534 = arith.addi %add3A_533, %scan3A_287 : i32
        %get3A_535 = arith.constant 1 : i32
        %get3A_536 = arith.index_cast %get3A_535 : i32 to index
        %get3A_537 = arith.index_cast %add3A_534 : i32 to index
        %get3A_538 = arith.constant 16 : index
        %get3A_539 = tpu.vector_load %arg9[%get3A_536, %get3A_537, %get3A_538] {strides = array<i32>} : memref<2x64x64xi32, #tpu.memory_space<vmem>>, vector<16xi32>,
        %get3A_540 = arith.constant 1 : i32
        %get3A_541 = arith.index_cast %get3A_540 : i32 to index
        %get3A_542 = arith.index_cast %scan3A_287 : i32 to index
        %get3A_543 = arith.constant 80 : index
        %get3A_544 = tpu.vector_load %arg10[%get3A_541, %get3A_542, %get3A_543] {strides = array<i32>} : memref<2x32x128xi32, #tpu.memory_space<vmem>>, vector<16xi32>,
        %shift_left3A_545 = arith.constant 16 : i32
        %shift_left3A_546 = vector.broadcast %shift_left3A_545 : i32 to vector<16xi32>
        %shift_left3A_547 = arith.shli %get3A_539, %shift_left3A_546 : vector<16xi32>
        %bitcast3A_548 = vector.bitcast %shift_left3A_547 : vector<16xi32> to vector<16xf32>
        %shift_left3A_549 = arith.constant 16 : i32
        %shift_left3A_550 = vector.broadcast %shift_left3A_549 : i32 to vector<16xi32>
        %shift_left3A_551 = arith.shli %get3A_544, %shift_left3A_550 : vector<16xi32>
        %bitcast3A_552 = vector.bitcast %shift_left3A_551 : vector<16xi32> to vector<16xf32>
        %add3A_553 = arith.addf %bitcast3A_548, %bitcast3A_552 : vector<16xf32>
        %max3A_554 = arith.constant 0.000000e+00 : f32
        %max3A_555 = vector.broadcast %max3A_554 : f32 to vector<16xf32>
        %max3A_556 = arith.maximumf %add3A_553, %max3A_555 : vector<16xf32>
        %add3A_557 = arith.constant 32 : i32
        %add3A_558 = arith.addi %add3A_557, %scan3A_287 : i32
        %swap3A_559 = arith.constant 1 : i32
        %swap3A_560 = arith.index_cast %swap3A_559 : i32 to index
        %swap3A_561 = arith.index_cast %add3A_558 : i32 to index
        %swap3A_562 = arith.constant 16 : index
        %swap3A_563 = tpu.vector_load %arg11[%swap3A_560, %swap3A_561, %swap3A_562] {strides = array<i32>} : memref<2x64x128xf32, #tpu.memory_space<vmem>>, vector<16xf32>,
        tpu.vector_store %arg11[%swap3A_560, %swap3A_561, %swap3A_562], %max3A_556 {strides = array<i32>} : memref<2x64x128xf32, #tpu.memory_space<vmem>>, vector<16xf32>,
        %and3A_564 = arith.constant -65536 : i32
        %and3A_565 = vector.broadcast %and3A_564 : i32 to vector<16xi32>
        %and3A_566 = arith.andi %get3A_539, %and3A_565 : vector<16xi32>
        %bitcast3A_567 = vector.bitcast %and3A_566 : vector<16xi32> to vector<16xf32>
        %and3A_568 = arith.constant -65536 : i32
        %and3A_569 = vector.broadcast %and3A_568 : i32 to vector<16xi32>
        %and3A_570 = arith.andi %get3A_544, %and3A_569 : vector<16xi32>
        %bitcast3A_571 = vector.bitcast %and3A_570 : vector<16xi32> to vector<16xf32>
        %add3A_572 = arith.addf %bitcast3A_567, %bitcast3A_571 : vector<16xf32>
        %max3A_573 = arith.constant 0.000000e+00 : f32
        %max3A_574 = vector.broadcast %max3A_573 : f32 to vector<16xf32>
        %max3A_575 = arith.maximumf %add3A_572, %max3A_574 : vector<16xf32>
        %add3A_576 = arith.constant 32 : i32
        %add3A_577 = arith.addi %add3A_576, %scan3A_287 : i32
        %swap3A_578 = arith.constant 1 : i32
        %swap3A_579 = arith.index_cast %swap3A_578 : i32 to index
        %swap3A_580 = arith.index_cast %add3A_577 : i32 to index
        %swap3A_581 = arith.constant 80 : index
        %swap3A_582 = tpu.vector_load %arg11[%swap3A_579, %swap3A_580, %swap3A_581] {strides = array<i32>} : memref<2x64x128xf32, #tpu.memory_space<vmem>>, vector<16xf32>,
        tpu.vector_store %arg11[%swap3A_579, %swap3A_580, %swap3A_581], %max3A_575 {strides = array<i32>} : memref<2x64x128xf32, #tpu.memory_space<vmem>>, vector<16xf32>,
        %add3A_583 = arith.constant 32 : i32
        %add3A_584 = arith.addi %add3A_583, %scan3A_287 : i32
        %get3A_585 = arith.constant 1 : i32
        %get3A_586 = arith.index_cast %get3A_585 : i32 to index
        %get3A_587 = arith.index_cast %add3A_584 : i32 to index
        %get3A_588 = arith.constant 32 : index
        %get3A_589 = tpu.vector_load %arg9[%get3A_586, %get3A_587, %get3A_588] {strides = array<i32>} : memref<2x64x64xi32, #tpu.memory_space<vmem>>, vector<16xi32>,
        %get3A_590 = arith.constant 1 : i32
        %get3A_591 = arith.index_cast %get3A_590 : i32 to index
        %get3A_592 = arith.index_cast %scan3A_287 : i32 to index
        %get3A_593 = arith.constant 96 : index
        %get3A_594 = tpu.vector_load %arg10[%get3A_591, %get3A_592, %get3A_593] {strides = array<i32>} : memref<2x32x128xi32, #tpu.memory_space<vmem>>, vector<16xi32>,
        %shift_left3A_595 = arith.constant 16 : i32
        %shift_left3A_596 = vector.broadcast %shift_left3A_595 : i32 to vector<16xi32>
        %shift_left3A_597 = arith.shli %get3A_589, %shift_left3A_596 : vector<16xi32>
        %bitcast3A_598 = vector.bitcast %shift_left3A_597 : vector<16xi32> to vector<16xf32>
        %shift_left3A_599 = arith.constant 16 : i32
        %shift_left3A_600 = vector.broadcast %shift_left3A_599 : i32 to vector<16xi32>
        %shift_left3A_601 = arith.shli %get3A_594, %shift_left3A_600 : vector<16xi32>
        %bitcast3A_602 = vector.bitcast %shift_left3A_601 : vector<16xi32> to vector<16xf32>
        %add3A_603 = arith.addf %bitcast3A_598, %bitcast3A_602 : vector<16xf32>
        %max3A_604 = arith.constant 0.000000e+00 : f32
        %max3A_605 = vector.broadcast %max3A_604 : f32 to vector<16xf32>
        %max3A_606 = arith.maximumf %add3A_603, %max3A_605 : vector<16xf32>
        %add3A_607 = arith.constant 32 : i32
        %add3A_608 = arith.addi %add3A_607, %scan3A_287 : i32
        %swap3A_609 = arith.constant 1 : i32
        %swap3A_610 = arith.index_cast %swap3A_609 : i32 to index
        %swap3A_611 = arith.index_cast %add3A_608 : i32 to index
        %swap3A_612 = arith.constant 32 : index
        %swap3A_613 = tpu.vector_load %arg11[%swap3A_610, %swap3A_611, %swap3A_612] {strides = array<i32>} : memref<2x64x128xf32, #tpu.memory_space<vmem>>, vector<16xf32>,
        tpu.vector_store %arg11[%swap3A_610, %swap3A_611, %swap3A_612], %max3A_606 {strides = array<i32>} : memref<2x64x128xf32, #tpu.memory_space<vmem>>, vector<16xf32>,
        %and3A_614 = arith.constant -65536 : i32
        %and3A_615 = vector.broadcast %and3A_614 : i32 to vector<16xi32>
        %and3A_616 = arith.andi %get3A_589, %and3A_615 : vector<16xi32>
        %bitcast3A_617 = vector.bitcast %and3A_616 : vector<16xi32> to vector<16xf32>
        %and3A_618 = arith.constant -65536 : i32
        %and3A_619 = vector.broadcast %and3A_618 : i32 to vector<16xi32>
        %and3A_620 = arith.andi %get3A_594, %and3A_619 : vector<16xi32>
        %bitcast3A_621 = vector.bitcast %and3A_620 : vector<16xi32> to vector<16xf32>
        %add3A_622 = arith.addf %bitcast3A_617, %bitcast3A_621 : vector<16xf32>
        %max3A_623 = arith.constant 0.000000e+00 : f32
        %max3A_624 = vector.broadcast %max3A_623 : f32 to vector<16xf32>
        %max3A_625 = arith.maximumf %add3A_622, %max3A_624 : vector<16xf32>
        %add3A_626 = arith.constant 32 : i32
        %add3A_627 = arith.addi %add3A_626, %scan3A_287 : i32
        %swap3A_628 = arith.constant 1 : i32
        %swap3A_629 = arith.index_cast %swap3A_628 : i32 to index
        %swap3A_630 = arith.index_cast %add3A_627 : i32 to index
        %swap3A_631 = arith.constant 96 : index
        %swap3A_632 = tpu.vector_load %arg11[%swap3A_629, %swap3A_630, %swap3A_631] {strides = array<i32>} : memref<2x64x128xf32, #tpu.memory_space<vmem>>, vector<16xf32>,
        tpu.vector_store %arg11[%swap3A_629, %swap3A_630, %swap3A_631], %max3A_625 {strides = array<i32>} : memref<2x64x128xf32, #tpu.memory_space<vmem>>, vector<16xf32>,
        %add3A_633 = arith.constant 32 : i32
        %add3A_634 = arith.addi %add3A_633, %scan3A_287 : i32
        %get3A_635 = arith.constant 1 : i32
        %get3A_636 = arith.index_cast %get3A_635 : i32 to index
        %get3A_637 = arith.index_cast %add3A_634 : i32 to index
        %get3A_638 = arith.constant 48 : index
        %get3A_639 = tpu.vector_load %arg9[%get3A_636, %get3A_637, %get3A_638] {strides = array<i32>} : memref<2x64x64xi32, #tpu.memory_space<vmem>>, vector<16xi32>,
        %get3A_640 = arith.constant 1 : i32
        %get3A_641 = arith.index_cast %get3A_640 : i32 to index
        %get3A_642 = arith.index_cast %scan3A_287 : i32 to index
        %get3A_643 = arith.constant 112 : index
        %get3A_644 = tpu.vector_load %arg10[%get3A_641, %get3A_642, %get3A_643] {strides = array<i32>} : memref<2x32x128xi32, #tpu.memory_space<vmem>>, vector<16xi32>,
        %shift_left3A_645 = arith.constant 16 : i32
        %shift_left3A_646 = vector.broadcast %shift_left3A_645 : i32 to vector<16xi32>
        %shift_left3A_647 = arith.shli %get3A_639, %shift_left3A_646 : vector<16xi32>
        %bitcast3A_648 = vector.bitcast %shift_left3A_647 : vector<16xi32> to vector<16xf32>
        %shift_left3A_649 = arith.constant 16 : i32
        %shift_left3A_650 = vector.broadcast %shift_left3A_649 : i32 to vector<16xi32>
        %shift_left3A_651 = arith.shli %get3A_644, %shift_left3A_650 : vector<16xi32>
        %bitcast3A_652 = vector.bitcast %shift_left3A_651 : vector<16xi32> to vector<16xf32>
        %add3A_653 = arith.addf %bitcast3A_648, %bitcast3A_652 : vector<16xf32>
        %max3A_654 = arith.constant 0.000000e+00 : f32
        %max3A_655 = vector.broadcast %max3A_654 : f32 to vector<16xf32>
        %max3A_656 = arith.maximumf %add3A_653, %max3A_655 : vector<16xf32>
        %add3A_657 = arith.constant 32 : i32
        %add3A_658 = arith.addi %add3A_657, %scan3A_287 : i32
        %swap3A_659 = arith.constant 1 : i32
        %swap3A_660 = arith.index_cast %swap3A_659 : i32 to index
        %swap3A_661 = arith.index_cast %add3A_658 : i32 to index
        %swap3A_662 = arith.constant 48 : index
        %swap3A_663 = tpu.vector_load %arg11[%swap3A_660, %swap3A_661, %swap3A_662] {strides = array<i32>} : memref<2x64x128xf32, #tpu.memory_space<vmem>>, vector<16xf32>,
        tpu.vector_store %arg11[%swap3A_660, %swap3A_661, %swap3A_662], %max3A_656 {strides = array<i32>} : memref<2x64x128xf32, #tpu.memory_space<vmem>>, vector<16xf32>,
        %and3A_664 = arith.constant -65536 : i32
        %and3A_665 = vector.broadcast %and3A_664 : i32 to vector<16xi32>
        %and3A_666 = arith.andi %get3A_639, %and3A_665 : vector<16xi32>
        %bitcast3A_667 = vector.bitcast %and3A_666 : vector<16xi32> to vector<16xf32>
        %and3A_668 = arith.constant -65536 : i32
        %and3A_669 = vector.broadcast %and3A_668 : i32 to vector<16xi32>
        %and3A_670 = arith.andi %get3A_644, %and3A_669 : vector<16xi32>
        %bitcast3A_671 = vector.bitcast %and3A_670 : vector<16xi32> to vector<16xf32>
        %add3A_672 = arith.addf %bitcast3A_667, %bitcast3A_671 : vector<16xf32>
        %max3A_673 = arith.constant 0.000000e+00 : f32
        %max3A_674 = vector.broadcast %max3A_673 : f32 to vector<16xf32>
        %max3A_675 = arith.maximumf %add3A_672, %max3A_674 : vector<16xf32>
        %add3A_676 = arith.constant 32 : i32
        %add3A_677 = arith.addi %add3A_676, %scan3A_287 : i32
        %swap3A_678 = arith.constant 1 : i32
        %swap3A_679 = arith.index_cast %swap3A_678 : i32 to index
        %swap3A_680 = arith.index_cast %add3A_677 : i32 to index
        %swap3A_681 = arith.constant 112 : index
        %swap3A_682 = tpu.vector_load %arg11[%swap3A_679, %swap3A_680, %swap3A_681] {strides = array<i32>} : memref<2x64x128xf32, #tpu.memory_space<vmem>>, vector<16xf32>,
        tpu.vector_store %arg11[%swap3A_679, %swap3A_680, %swap3A_681], %max3A_675 {strides = array<i32>} : memref<2x64x128xf32, #tpu.memory_space<vmem>>, vector<16xf32>,
      }
      %scan3A_247 = arith.constant 32 : i32
      %rem3A_248 = arith.constant 16 : i32
      %rem3A_249 = arith.remsi %add3A_203, %rem3A_248 : i32
      %jit3A_250 = arith.constant 16 : i32
      %div3A_251 = arith.divsi %add3A_203, %jit3A_250 : i32
      %sign3A_252 = arith.constant 0 : i32
      %sign3A_253 = arith.cmpi sgt, %add3A_203, %sign3A_252 : i32
      %sign3A_254 = arith.extui %sign3A_253 : i1 to i32
      %sign3A_255 = arith.constant 0 : i32
      %sign3A_256 = arith.cmpi slt, %add3A_203, %sign3A_255 : i32
      %sign3A_257 = arith.extui %sign3A_256 : i1 to i32
      %sign3A_258 = arith.subi %sign3A_254, %sign3A_257 : i32
      %sign3A_259 = arith.constant 0 : i32
      %sign3A_260 = arith.cmpi sgt, %jit3A_250, %sign3A_259 : i32
      %sign3A_261 = arith.extui %sign3A_260 : i1 to i32
      %sign3A_262 = arith.constant 0 : i32
      %sign3A_263 = arith.cmpi slt, %jit3A_250, %sign3A_262 : i32
      %sign3A_264 = arith.extui %sign3A_263 : i1 to i32
      %sign3A_265 = arith.subi %sign3A_261, %sign3A_264 : i32
      %ne3A_266 = arith.cmpi ne, %sign3A_258, %sign3A_265 : i32
      %rem3A_267 = arith.remsi %add3A_203, %jit3A_250 : i32
      %ne3A_268 = arith.constant 0 : i32
      %ne3A_269 = arith.cmpi ne, %rem3A_267, %ne3A_268 : i32
      %and3A_270 = arith.andi %ne3A_266, %ne3A_269 : i1
      %sub3A_271 = arith.constant 1 : i32
      %sub3A_272 = arith.subi %div3A_251, %sub3A_271 : i32
      %select_n3A_273 = arith.select %and3A_270, %sub3A_272, %div3A_251 : i32
      %rem3A_274 = arith.constant 2 : i32
      %rem3A_275 = arith.remsi %select_n3A_273, %rem3A_274 : i32
      %dma_start3A_276 = arith.constant 1 : i32
      %dma_start3A_277 = arith.constant 0 : i32
      %dma_start3A_278 = arith.constant 0 : i32
      %dma_start3A_279 = tpu.memref_slice %arg11[%dma_start3A_276, %dma_start3A_277, %dma_start3A_278] : memref<2x64x128xf32, #tpu.memory_space<vmem>> -> memref<1x64x128xf32, #tpu.memory_space<vmem>>
      %dma_start3A_280 = tpu.memref_squeeze %dma_start3A_279 : memref<1x64x128xf32, #tpu.memory_space<vmem>> -> memref<64x128xf32, #tpu.memory_space<vmem>>
      %dma_start3A_281 = arith.constant 0 : i32
      %dma_start3A_282 = tpu.memref_slice %arg8[%rem3A_275, %rem3A_249, %dma_start3A_281] : memref<2x16x64xi32, #tpu.memory_space<vmem>> -> memref<1x1x64xi32, #tpu.memory_space<vmem>>
      %dma_start3A_283 = tpu.memref_squeeze %dma_start3A_282 : memref<1x1x64xi32, #tpu.memory_space<vmem>> -> memref<64xi32, #tpu.memory_space<vmem>>
      %dma_start3A_284 = arith.constant 0 : i32
      %dma_start3A_285 = arith.constant 0 : i32
      %dma_start3A_286 = tpu.memref_slice %arg18[%dma_start3A_284, %dma_start3A_285] : memref<10240x128xf32, #tpu.memory_space<vmem_shared>> -> memref<10240x128xf32, #tpu.memory_space<vmem_shared>>
      tpu.enqueue_indirect_dma source(%dma_start3A_280 : memref<64x128xf32, #tpu.memory_space<vmem>>) target(%dma_start3A_286 : memref<10240x128xf32, #tpu.memory_space<vmem_shared>>) offsets(%dma_start3A_283 : memref<64xi32, #tpu.memory_space<vmem>>) semaphore(%arg17 : memref<!tpu.dma_semaphore, #tpu.memory_space<semaphore_mem>>) {add = true}
    }
    %scan3A_62 = arith.constant 80 : i32
    %dma_wait3A = arith.constant 0 : i32
    %dma_wait3A_63 = arith.constant 0 : i32
    %dma_wait3A_64 = arith.constant 0 : i32
    %dma_wait3A_65 = arith.constant 0 : i32
    %dma_wait3A_66 = arith.constant 0 : i32
    %dma_wait3A_67 = tpu.memref_slice %arg11[%dma_wait3A, %dma_wait3A_65, %dma_wait3A_66] : memref<2x64x128xf32, #tpu.memory_space<vmem>> -> memref<1x64x128xf32, #tpu.memory_space<vmem>>
    %dma_wait3A_68 = tpu.memref_squeeze %dma_wait3A_67 : memref<1x64x128xf32, #tpu.memory_space<vmem>> -> memref<64x128xf32, #tpu.memory_space<vmem>>
    %dma_wait3A_69 = arith.constant 0 : i32
    %dma_wait3A_70 = tpu.memref_slice %arg8[%dma_wait3A_63, %dma_wait3A_64, %dma_wait3A_69] : memref<2x16x64xi32, #tpu.memory_space<vmem>> -> memref<1x1x64xi32, #tpu.memory_space<vmem>>
    %dma_wait3A_71 = tpu.memref_squeeze %dma_wait3A_70 : memref<1x1x64xi32, #tpu.memory_space<vmem>> -> memref<64xi32, #tpu.memory_space<vmem>>
    %dma_wait3A_72 = arith.constant 0 : i32
    %dma_wait3A_73 = arith.constant 0 : i32
    %dma_wait3A_74 = tpu.memref_slice %arg18[%dma_wait3A_72, %dma_wait3A_73] : memref<10240x128xf32, #tpu.memory_space<vmem_shared>> -> memref<10240x128xf32, #tpu.memory_space<vmem_shared>>
    tpu.wait_indirect_dma semaphore(%arg16 : memref<!tpu.dma_semaphore, #tpu.memory_space<semaphore_mem>>) src(%dma_wait3A_68 : memref<64x128xf32, #tpu.memory_space<vmem>>) dst(%dma_wait3A_74 : memref<10240x128xf32, #tpu.memory_space<vmem_shared>>)
    %dma_wait3A_75 = arith.constant 1 : i32
    %dma_wait3A_76 = arith.constant 0 : i32
    %dma_wait3A_77 = arith.constant 0 : i32
    %dma_wait3A_78 = arith.constant 0 : i32
    %dma_wait3A_79 = arith.constant 0 : i32
    %dma_wait3A_80 = tpu.memref_slice %arg11[%dma_wait3A_75, %dma_wait3A_78, %dma_wait3A_79] : memref<2x64x128xf32, #tpu.memory_space<vmem>> -> memref<1x64x128xf32, #tpu.memory_space<vmem>>
    %dma_wait3A_81 = tpu.memref_squeeze %dma_wait3A_80 : memref<1x64x128xf32, #tpu.memory_space<vmem>> -> memref<64x128xf32, #tpu.memory_space<vmem>>
    %dma_wait3A_82 = arith.constant 0 : i32
    %dma_wait3A_83 = tpu.memref_slice %arg8[%dma_wait3A_76, %dma_wait3A_77, %dma_wait3A_82] : memref<2x16x64xi32, #tpu.memory_space<vmem>> -> memref<1x1x64xi32, #tpu.memory_space<vmem>>
    %dma_wait3A_84 = tpu.memref_squeeze %dma_wait3A_83 : memref<1x1x64xi32, #tpu.memory_space<vmem>> -> memref<64xi32, #tpu.memory_space<vmem>>
    %dma_wait3A_85 = arith.constant 0 : i32
    %dma_wait3A_86 = arith.constant 0 : i32
    %dma_wait3A_87 = tpu.memref_slice %arg18[%dma_wait3A_85, %dma_wait3A_86] : memref<10240x128xf32, #tpu.memory_space<vmem_shared>> -> memref<10240x128xf32, #tpu.memory_space<vmem_shared>>
    tpu.wait_indirect_dma semaphore(%arg17 : memref<!tpu.dma_semaphore, #tpu.memory_space<semaphore_mem>>) src(%dma_wait3A_81 : memref<64x128xf32, #tpu.memory_space<vmem>>) dst(%dma_wait3A_87 : memref<10240x128xf32, #tpu.memory_space<vmem_shared>>)
    %barrier3A_88 = arith.constant 0 : index
    tpu.barrier barrier_id(%barrier3A_88)
    %scan3A_89 = arith.constant 0 : i32
    %scan3A_90 = arith.constant 0 : i32
    %scan3A_91 = arith.constant 5 : i32
    %scan3A_92 = arith.addi %scan3A_90, %scan3A_91 : i32
    %scan3A_93 = arith.constant 1 : i32
    scf.for %scan3A_95 = %scan3A_90 to %scan3A_92 step %scan3A_93  : i32 {
      %mul3A_96 = arith.constant 128 : i32
      %mul3A_97 = arith.muli %scan3A_95, %mul3A_96 : i32
      %add3A_98 = arith.addi %mul3A_8, %mul3A_97 : i32
      "tpu.region"() ({
        %run_scoped3A = tpu.sem_alloc : memref<!tpu.dma_semaphore, #tpu.memory_space<semaphore_mem>>
        %dma_start3A_99 = arith.constant 0 : i32
        %dma_start3A_100 = tpu.memref_slice %arg6[%arg0, %add3A_98, %dma_start3A_99] : memref<2x10240x128xf32, #tpu.memory_space<hbm>> -> memref<1x128x128xf32, #tpu.memory_space<hbm>>
        %dma_start3A_101 = tpu.memref_squeeze %dma_start3A_100 : memref<1x128x128xf32, #tpu.memory_space<hbm>> -> memref<128x128xf32, #tpu.memory_space<hbm>>
        %dma_start3A_102 = arith.constant 0 : i32
        %dma_start3A_103 = tpu.memref_slice %arg18[%add3A_98, %dma_start3A_102] : memref<10240x128xf32, #tpu.memory_space<vmem_shared>> -> memref<128x128xf32, #tpu.memory_space<vmem_shared>>
        tpu.enqueue_dma source(%dma_start3A_103 : memref<128x128xf32, #tpu.memory_space<vmem_shared>>) target(%dma_start3A_101 : memref<128x128xf32, #tpu.memory_space<hbm>>) target_semaphore(%run_scoped3A : memref<!tpu.dma_semaphore, #tpu.memory_space<semaphore_mem>>)
        %dma_wait3A_104 = arith.constant 0 : i32
        %dma_wait3A_105 = tpu.memref_slice %arg6[%arg0, %add3A_98, %dma_wait3A_104] : memref<2x10240x128xf32, #tpu.memory_space<hbm>> -> memref<1x128x128xf32, #tpu.memory_space<hbm>>
        %dma_wait3A_106 = tpu.memref_squeeze %dma_wait3A_105 : memref<1x128x128xf32, #tpu.memory_space<hbm>> -> memref<128x128xf32, #tpu.memory_space<hbm>>
        %dma_wait3A_107 = arith.constant 0 : i32
        %dma_wait3A_108 = tpu.memref_slice %arg18[%add3A_98, %dma_wait3A_107] : memref<10240x128xf32, #tpu.memory_space<vmem_shared>> -> memref<128x128xf32, #tpu.memory_space<vmem_shared>>
        tpu.wait_dma2 semaphore(%run_scoped3A : memref<!tpu.dma_semaphore, #tpu.memory_space<semaphore_mem>>) src(%dma_wait3A_108 : memref<128x128xf32, #tpu.memory_space<vmem_shared>>) dst(%dma_wait3A_106 : memref<128x128xf32, #tpu.memory_space<hbm>>)
        tpu.yield
      }) : () -> ()
    }
    %scan3A_94 = arith.constant 5 : i32
    return
  }
}

#map = affine_map<(d0, d1) -> (0, 0)>
#map1 = affine_map<(d0, d1) -> (0, 0, 0)>
module attributes {stable_mosaic.version = 14 : i64} {
  func.func @body(%arg0: i32, %arg1: i32, %arg2: memref<10000x32xi32, #tpu.memory_space<hbm>>, %arg3: memref<5120x64xi32, #tpu.memory_space<hbm>>, %arg4: memref<5120x64xi32, #tpu.memory_space<hbm>>, %arg5: memref<163840x128xi32, #tpu.memory_space<hbm>>, %arg6: memref<2x10240x128xf32, #tpu.memory_space<hbm>>, %arg7: memref<16x64xi32, #tpu.memory_space<vmem>>, %arg8: memref<2x16x64xi32, #tpu.memory_space<vmem>>, %arg9: memref<2x64x32xi32, #tpu.memory_space<vmem>>, %arg10: memref<2x32x128xi32, #tpu.memory_space<vmem>>, %arg11: memref<2x64x128xf32, #tpu.memory_space<vmem>>, %arg12: memref<!tpu.dma_semaphore, #tpu.memory_space<semaphore_mem>>, %arg13: memref<!tpu.dma_semaphore, #tpu.memory_space<semaphore_mem>>, %arg14: memref<!tpu.dma_semaphore, #tpu.memory_space<semaphore_mem>>, %arg15: memref<!tpu.dma_semaphore, #tpu.memory_space<semaphore_mem>>, %arg16: memref<!tpu.dma_semaphore, #tpu.memory_space<semaphore_mem>>, %arg17: memref<!tpu.dma_semaphore, #tpu.memory_space<semaphore_mem>>, %arg18: memref<10240x128xf32, #tpu.memory_space<vmem_shared>>) attributes {dimension_semantics = [#tpu.dimension_semantics<core_parallel>, #tpu.dimension_semantics<subcore_parallel>], iteration_bounds = array<i64: 2, 16>, scalar_prefetch = 0 : i64, scratch_operands = 12 : i64, tpu.core_type = #tpu.core_type<sc_vector_subcore>, window_params = [{transform_indices = #map}, {transform_indices = #map}, {transform_indices = #map}, {transform_indices = #map}, {transform_indices = #map1}]} {
    %mul3A = arith.constant 2 : i32
    %mul3A_0 = arith.muli %arg1, %mul3A : i32
    %add3A = arith.addi %mul3A_0, %arg0 : i32
    %broadcast_in_dim3A = arith.constant 0.000000e+00 : f32
    %broadcast_in_dim3A_1 = vector.broadcast %broadcast_in_dim3A : f32 to vector<16xf32>
    %scan3A = arith.constant 0 : i32
    %scan3A_2 = arith.constant 0 : i32
    %scan3A_3 = arith.constant 64 : i32
    %scan3A_4 = arith.addi %scan3A_2, %scan3A_3 : i32
    %scan3A_5 = arith.constant 1 : i32
    scf.for %scan3A_95 = %scan3A_2 to %scan3A_4 step %scan3A_5  : i32 {
      %swap3A = arith.constant 0 : i32
      %swap3A_96 = arith.index_cast %swap3A : i32 to index
      %swap3A_97 = arith.index_cast %scan3A_95 : i32 to index
      %swap3A_98 = arith.constant 0 : index
      %swap3A_99 = tpu.vector_load %arg11[%swap3A_96, %swap3A_97, %swap3A_98] {strides = array<i32>} : memref<2x64x128xf32, #tpu.memory_space<vmem>>, vector<16xf32>,
      tpu.vector_store %arg11[%swap3A_96, %swap3A_97, %swap3A_98], %broadcast_in_dim3A_1 {strides = array<i32>} : memref<2x64x128xf32, #tpu.memory_space<vmem>>, vector<16xf32>,
      %swap3A_100 = arith.constant 0 : i32
      %swap3A_101 = arith.index_cast %swap3A_100 : i32 to index
      %swap3A_102 = arith.index_cast %scan3A_95 : i32 to index
      %swap3A_103 = arith.constant 16 : index
      %swap3A_104 = tpu.vector_load %arg11[%swap3A_101, %swap3A_102, %swap3A_103] {strides = array<i32>} : memref<2x64x128xf32, #tpu.memory_space<vmem>>, vector<16xf32>,
      tpu.vector_store %arg11[%swap3A_101, %swap3A_102, %swap3A_103], %broadcast_in_dim3A_1 {strides = array<i32>} : memref<2x64x128xf32, #tpu.memory_space<vmem>>, vector<16xf32>,
      %swap3A_105 = arith.constant 0 : i32
      %swap3A_106 = arith.index_cast %swap3A_105 : i32 to index
      %swap3A_107 = arith.index_cast %scan3A_95 : i32 to index
      %swap3A_108 = arith.constant 32 : index
      %swap3A_109 = tpu.vector_load %arg11[%swap3A_106, %swap3A_107, %swap3A_108] {strides = array<i32>} : memref<2x64x128xf32, #tpu.memory_space<vmem>>, vector<16xf32>,
      tpu.vector_store %arg11[%swap3A_106, %swap3A_107, %swap3A_108], %broadcast_in_dim3A_1 {strides = array<i32>} : memref<2x64x128xf32, #tpu.memory_space<vmem>>, vector<16xf32>,
      %swap3A_110 = arith.constant 0 : i32
      %swap3A_111 = arith.index_cast %swap3A_110 : i32 to index
      %swap3A_112 = arith.index_cast %scan3A_95 : i32 to index
      %swap3A_113 = arith.constant 48 : index
      %swap3A_114 = tpu.vector_load %arg11[%swap3A_111, %swap3A_112, %swap3A_113] {strides = array<i32>} : memref<2x64x128xf32, #tpu.memory_space<vmem>>, vector<16xf32>,
      tpu.vector_store %arg11[%swap3A_111, %swap3A_112, %swap3A_113], %broadcast_in_dim3A_1 {strides = array<i32>} : memref<2x64x128xf32, #tpu.memory_space<vmem>>, vector<16xf32>,
      %swap3A_115 = arith.constant 0 : i32
      %swap3A_116 = arith.index_cast %swap3A_115 : i32 to index
      %swap3A_117 = arith.index_cast %scan3A_95 : i32 to index
      %swap3A_118 = arith.constant 64 : index
      %swap3A_119 = tpu.vector_load %arg11[%swap3A_116, %swap3A_117, %swap3A_118] {strides = array<i32>} : memref<2x64x128xf32, #tpu.memory_space<vmem>>, vector<16xf32>,
      tpu.vector_store %arg11[%swap3A_116, %swap3A_117, %swap3A_118], %broadcast_in_dim3A_1 {strides = array<i32>} : memref<2x64x128xf32, #tpu.memory_space<vmem>>, vector<16xf32>,
      %swap3A_120 = arith.constant 0 : i32
      %swap3A_121 = arith.index_cast %swap3A_120 : i32 to index
      %swap3A_122 = arith.index_cast %scan3A_95 : i32 to index
      %swap3A_123 = arith.constant 80 : index
      %swap3A_124 = tpu.vector_load %arg11[%swap3A_121, %swap3A_122, %swap3A_123] {strides = array<i32>} : memref<2x64x128xf32, #tpu.memory_space<vmem>>, vector<16xf32>,
      tpu.vector_store %arg11[%swap3A_121, %swap3A_122, %swap3A_123], %broadcast_in_dim3A_1 {strides = array<i32>} : memref<2x64x128xf32, #tpu.memory_space<vmem>>, vector<16xf32>,
      %swap3A_125 = arith.constant 0 : i32
      %swap3A_126 = arith.index_cast %swap3A_125 : i32 to index
      %swap3A_127 = arith.index_cast %scan3A_95 : i32 to index
      %swap3A_128 = arith.constant 96 : index
      %swap3A_129 = tpu.vector_load %arg11[%swap3A_126, %swap3A_127, %swap3A_128] {strides = array<i32>} : memref<2x64x128xf32, #tpu.memory_space<vmem>>, vector<16xf32>,
      tpu.vector_store %arg11[%swap3A_126, %swap3A_127, %swap3A_128], %broadcast_in_dim3A_1 {strides = array<i32>} : memref<2x64x128xf32, #tpu.memory_space<vmem>>, vector<16xf32>,
      %swap3A_130 = arith.constant 0 : i32
      %swap3A_131 = arith.index_cast %swap3A_130 : i32 to index
      %swap3A_132 = arith.index_cast %scan3A_95 : i32 to index
      %swap3A_133 = arith.constant 112 : index
      %swap3A_134 = tpu.vector_load %arg11[%swap3A_131, %swap3A_132, %swap3A_133] {strides = array<i32>} : memref<2x64x128xf32, #tpu.memory_space<vmem>>, vector<16xf32>,
      tpu.vector_store %arg11[%swap3A_131, %swap3A_132, %swap3A_133], %broadcast_in_dim3A_1 {strides = array<i32>} : memref<2x64x128xf32, #tpu.memory_space<vmem>>, vector<16xf32>,
    }
    %scan3A_6 = arith.constant 64 : i32
    %mul3A_7 = arith.constant 640 : i32
    %mul3A_8 = arith.muli %arg1, %mul3A_7 : i32
    %scan3A_9 = arith.constant 0 : i32
    %scan3A_10 = arith.constant 0 : i32
    %scan3A_11 = arith.constant 5 : i32
    %scan3A_12 = arith.addi %scan3A_10, %scan3A_11 : i32
    %scan3A_13 = arith.constant 1 : i32
    scf.for %scan3A_95 = %scan3A_10 to %scan3A_12 step %scan3A_13  : i32 {
      %mul3A_96 = arith.constant 128 : i32
      %mul3A_97 = arith.muli %scan3A_95, %mul3A_96 : i32
      %add3A_98 = arith.addi %mul3A_8, %mul3A_97 : i32
      %add3A_99 = arith.constant 0 : i32
      %add3A_100 = arith.addi %add3A_98, %add3A_99 : i32
      %run_scoped3A = arith.constant 0 : i32
      "tpu.region"() ({
        %run_scoped3A_107 = tpu.sem_alloc : memref<!tpu.dma_semaphore, #tpu.memory_space<semaphore_mem>>
        %dma_start3A_108 = arith.constant 0 : i32
        %dma_start3A_109 = arith.constant 0 : i32
        %dma_start3A_110 = tpu.memref_slice %arg11[%run_scoped3A, %dma_start3A_108, %dma_start3A_109] : memref<2x64x128xf32, #tpu.memory_space<vmem>> -> memref<1x64x128xf32, #tpu.memory_space<vmem>>
        %dma_start3A_111 = tpu.memref_squeeze %dma_start3A_110 : memref<1x64x128xf32, #tpu.memory_space<vmem>> -> memref<64x128xf32, #tpu.memory_space<vmem>>
        %dma_start3A_112 = arith.constant 0 : i32
        %dma_start3A_113 = tpu.memref_slice %arg18[%add3A_100, %dma_start3A_112] : memref<10240x128xf32, #tpu.memory_space<vmem_shared>> -> memref<64x128xf32, #tpu.memory_space<vmem_shared>>
        %dma_start3A_114 = arith.constant 0 : i32
        %dma_start3A_115 = tpu.memref_slice %arg18[%add3A_100, %dma_start3A_114] : memref<10240x128xf32, #tpu.memory_space<vmem_shared>> -> memref<64x128xf32, #tpu.memory_space<vmem_shared>>
        %dma_start3A_116 = arith.constant 0 : i32
        %dma_start3A_117 = arith.constant 0 : i32
        %dma_start3A_118 = tpu.memref_slice %arg11[%run_scoped3A, %dma_start3A_116, %dma_start3A_117] : memref<2x64x128xf32, #tpu.memory_space<vmem>> -> memref<1x64x128xf32, #tpu.memory_space<vmem>>
        %dma_start3A_119 = tpu.memref_squeeze %dma_start3A_118 : memref<1x64x128xf32, #tpu.memory_space<vmem>> -> memref<64x128xf32, #tpu.memory_space<vmem>>
        tpu.enqueue_dma source(%dma_start3A_119 : memref<64x128xf32, #tpu.memory_space<vmem>>) target(%dma_start3A_115 : memref<64x128xf32, #tpu.memory_space<vmem_shared>>) target_semaphore(%run_scoped3A_107 : memref<!tpu.dma_semaphore, #tpu.memory_space<semaphore_mem>>)
        %dma_wait3A_120 = arith.constant 0 : i32
        %dma_wait3A_121 = arith.constant 0 : i32
        %dma_wait3A_122 = tpu.memref_slice %arg11[%run_scoped3A, %dma_wait3A_120, %dma_wait3A_121] : memref<2x64x128xf32, #tpu.memory_space<vmem>> -> memref<1x64x128xf32, #tpu.memory_space<vmem>>
        %dma_wait3A_123 = tpu.memref_squeeze %dma_wait3A_122 : memref<1x64x128xf32, #tpu.memory_space<vmem>> -> memref<64x128xf32, #tpu.memory_space<vmem>>
        %dma_wait3A_124 = arith.constant 0 : i32
        %dma_wait3A_125 = tpu.memref_slice %arg18[%add3A_100, %dma_wait3A_124] : memref<10240x128xf32, #tpu.memory_space<vmem_shared>> -> memref<64x128xf32, #tpu.memory_space<vmem_shared>>
        %dma_wait3A_126 = arith.constant 0 : i32
        %dma_wait3A_127 = tpu.memref_slice %arg18[%add3A_100, %dma_wait3A_126] : memref<10240x128xf32, #tpu.memory_space<vmem_shared>> -> memref<64x128xf32, #tpu.memory_space<vmem_shared>>
        %dma_wait3A_128 = arith.constant 0 : i32
        %dma_wait3A_129 = arith.constant 0 : i32
        %dma_wait3A_130 = tpu.memref_slice %arg11[%run_scoped3A, %dma_wait3A_128, %dma_wait3A_129] : memref<2x64x128xf32, #tpu.memory_space<vmem>> -> memref<1x64x128xf32, #tpu.memory_space<vmem>>
        %dma_wait3A_131 = tpu.memref_squeeze %dma_wait3A_130 : memref<1x64x128xf32, #tpu.memory_space<vmem>> -> memref<64x128xf32, #tpu.memory_space<vmem>>
        tpu.wait_dma2 semaphore(%run_scoped3A_107 : memref<!tpu.dma_semaphore, #tpu.memory_space<semaphore_mem>>) src(%dma_wait3A_131 : memref<64x128xf32, #tpu.memory_space<vmem>>) dst(%dma_wait3A_127 : memref<64x128xf32, #tpu.memory_space<vmem_shared>>)
        tpu.yield
      }) : () -> ()
      %mul3A_101 = arith.constant 128 : i32
      %mul3A_102 = arith.muli %scan3A_95, %mul3A_101 : i32
      %add3A_103 = arith.addi %mul3A_8, %mul3A_102 : i32
      %add3A_104 = arith.constant 64 : i32
      %add3A_105 = arith.addi %add3A_103, %add3A_104 : i32
      %run_scoped3A_106 = arith.constant 0 : i32
      "tpu.region"() ({
        %run_scoped3A_107 = tpu.sem_alloc : memref<!tpu.dma_semaphore, #tpu.memory_space<semaphore_mem>>
        %dma_start3A_108 = arith.constant 0 : i32
        %dma_start3A_109 = arith.constant 0 : i32
        %dma_start3A_110 = tpu.memref_slice %arg11[%run_scoped3A_106, %dma_start3A_108, %dma_start3A_109] : memref<2x64x128xf32, #tpu.memory_space<vmem>> -> memref<1x64x128xf32, #tpu.memory_space<vmem>>
        %dma_start3A_111 = tpu.memref_squeeze %dma_start3A_110 : memref<1x64x128xf32, #tpu.memory_space<vmem>> -> memref<64x128xf32, #tpu.memory_space<vmem>>
        %dma_start3A_112 = arith.constant 0 : i32
        %dma_start3A_113 = tpu.memref_slice %arg18[%add3A_105, %dma_start3A_112] : memref<10240x128xf32, #tpu.memory_space<vmem_shared>> -> memref<64x128xf32, #tpu.memory_space<vmem_shared>>
        %dma_start3A_114 = arith.constant 0 : i32
        %dma_start3A_115 = tpu.memref_slice %arg18[%add3A_105, %dma_start3A_114] : memref<10240x128xf32, #tpu.memory_space<vmem_shared>> -> memref<64x128xf32, #tpu.memory_space<vmem_shared>>
        %dma_start3A_116 = arith.constant 0 : i32
        %dma_start3A_117 = arith.constant 0 : i32
        %dma_start3A_118 = tpu.memref_slice %arg11[%run_scoped3A_106, %dma_start3A_116, %dma_start3A_117] : memref<2x64x128xf32, #tpu.memory_space<vmem>> -> memref<1x64x128xf32, #tpu.memory_space<vmem>>
        %dma_start3A_119 = tpu.memref_squeeze %dma_start3A_118 : memref<1x64x128xf32, #tpu.memory_space<vmem>> -> memref<64x128xf32, #tpu.memory_space<vmem>>
        tpu.enqueue_dma source(%dma_start3A_119 : memref<64x128xf32, #tpu.memory_space<vmem>>) target(%dma_start3A_115 : memref<64x128xf32, #tpu.memory_space<vmem_shared>>) target_semaphore(%run_scoped3A_107 : memref<!tpu.dma_semaphore, #tpu.memory_space<semaphore_mem>>)
        %dma_wait3A_120 = arith.constant 0 : i32
        %dma_wait3A_121 = arith.constant 0 : i32
        %dma_wait3A_122 = tpu.memref_slice %arg11[%run_scoped3A_106, %dma_wait3A_120, %dma_wait3A_121] : memref<2x64x128xf32, #tpu.memory_space<vmem>> -> memref<1x64x128xf32, #tpu.memory_space<vmem>>
        %dma_wait3A_123 = tpu.memref_squeeze %dma_wait3A_122 : memref<1x64x128xf32, #tpu.memory_space<vmem>> -> memref<64x128xf32, #tpu.memory_space<vmem>>
        %dma_wait3A_124 = arith.constant 0 : i32
        %dma_wait3A_125 = tpu.memref_slice %arg18[%add3A_105, %dma_wait3A_124] : memref<10240x128xf32, #tpu.memory_space<vmem_shared>> -> memref<64x128xf32, #tpu.memory_space<vmem_shared>>
        %dma_wait3A_126 = arith.constant 0 : i32
        %dma_wait3A_127 = tpu.memref_slice %arg18[%add3A_105, %dma_wait3A_126] : memref<10240x128xf32, #tpu.memory_space<vmem_shared>> -> memref<64x128xf32, #tpu.memory_space<vmem_shared>>
        %dma_wait3A_128 = arith.constant 0 : i32
        %dma_wait3A_129 = arith.constant 0 : i32
        %dma_wait3A_130 = tpu.memref_slice %arg11[%run_scoped3A_106, %dma_wait3A_128, %dma_wait3A_129] : memref<2x64x128xf32, #tpu.memory_space<vmem>> -> memref<1x64x128xf32, #tpu.memory_space<vmem>>
        %dma_wait3A_131 = tpu.memref_squeeze %dma_wait3A_130 : memref<1x64x128xf32, #tpu.memory_space<vmem>> -> memref<64x128xf32, #tpu.memory_space<vmem>>
        tpu.wait_dma2 semaphore(%run_scoped3A_107 : memref<!tpu.dma_semaphore, #tpu.memory_space<semaphore_mem>>) src(%dma_wait3A_131 : memref<64x128xf32, #tpu.memory_space<vmem>>) dst(%dma_wait3A_127 : memref<64x128xf32, #tpu.memory_space<vmem_shared>>)
        tpu.yield
      }) : () -> ()
    }
    %scan3A_14 = arith.constant 5 : i32
    %barrier3A = arith.constant 0 : index
    tpu.barrier barrier_id(%barrier3A)
    %mul3A_15 = arith.constant 160 : i32
    %mul3A_16 = arith.muli %add3A, %mul3A_15 : i32
    %add3A_17 = arith.constant 0 : i32
    %add3A_18 = arith.addi %mul3A_16, %add3A_17 : i32
    "tpu.region"() ({
      %run_scoped3A = tpu.sem_alloc : memref<!tpu.dma_semaphore, #tpu.memory_space<semaphore_mem>>
      %dma_start3A_95 = arith.constant 0 : i32
      %dma_start3A_96 = tpu.memref_slice %arg3[%add3A_18, %dma_start3A_95] : memref<5120x64xi32, #tpu.memory_space<hbm>> -> memref<16x64xi32, #tpu.memory_space<hbm>>
      %dma_start3A_97 = arith.constant 0 : i32
      %dma_start3A_98 = tpu.memref_slice %arg3[%add3A_18, %dma_start3A_97] : memref<5120x64xi32, #tpu.memory_space<hbm>> -> memref<16x64xi32, #tpu.memory_space<hbm>>
      tpu.enqueue_dma source(%dma_start3A_98 : memref<16x64xi32, #tpu.memory_space<hbm>>) target(%arg7 : memref<16x64xi32, #tpu.memory_space<vmem>>) target_semaphore(%run_scoped3A : memref<!tpu.dma_semaphore, #tpu.memory_space<semaphore_mem>>)
      %dma_wait3A_99 = arith.constant 0 : i32
      %dma_wait3A_100 = tpu.memref_slice %arg3[%add3A_18, %dma_wait3A_99] : memref<5120x64xi32, #tpu.memory_space<hbm>> -> memref<16x64xi32, #tpu.memory_space<hbm>>
      %dma_wait3A_101 = arith.constant 0 : i32
      %dma_wait3A_102 = tpu.memref_slice %arg3[%add3A_18, %dma_wait3A_101] : memref<5120x64xi32, #tpu.memory_space<hbm>> -> memref<16x64xi32, #tpu.memory_space<hbm>>
      tpu.wait_dma2 semaphore(%run_scoped3A : memref<!tpu.dma_semaphore, #tpu.memory_space<semaphore_mem>>) src(%dma_wait3A_102 : memref<16x64xi32, #tpu.memory_space<hbm>>) dst(%arg7 : memref<16x64xi32, #tpu.memory_space<vmem>>)
      tpu.yield
    }) : () -> ()
    %mul3A_19 = arith.constant 160 : i32
    %mul3A_20 = arith.muli %add3A, %mul3A_19 : i32
    %add3A_21 = arith.constant 0 : i32
    %add3A_22 = arith.addi %mul3A_20, %add3A_21 : i32
    %rem3A = arith.constant 0 : i32
    %rem3A_23 = arith.constant 2 : i32
    %rem3A_24 = arith.remsi %rem3A, %rem3A_23 : i32
    "tpu.region"() ({
      %run_scoped3A = tpu.sem_alloc : memref<!tpu.dma_semaphore, #tpu.memory_space<semaphore_mem>>
      %dma_start3A_95 = arith.constant 0 : i32
      %dma_start3A_96 = arith.constant 0 : i32
      %dma_start3A_97 = tpu.memref_slice %arg8[%rem3A_24, %dma_start3A_95, %dma_start3A_96] : memref<2x16x64xi32, #tpu.memory_space<vmem>> -> memref<1x16x64xi32, #tpu.memory_space<vmem>>
      %dma_start3A_98 = tpu.memref_squeeze %dma_start3A_97 : memref<1x16x64xi32, #tpu.memory_space<vmem>> -> memref<16x64xi32, #tpu.memory_space<vmem>>
      %dma_start3A_99 = arith.constant 0 : i32
      %dma_start3A_100 = tpu.memref_slice %arg4[%add3A_22, %dma_start3A_99] : memref<5120x64xi32, #tpu.memory_space<hbm>> -> memref<16x64xi32, #tpu.memory_space<hbm>>
      %dma_start3A_101 = arith.constant 0 : i32
      %dma_start3A_102 = arith.constant 0 : i32
      %dma_start3A_103 = tpu.memref_slice %arg8[%rem3A_24, %dma_start3A_101, %dma_start3A_102] : memref<2x16x64xi32, #tpu.memory_space<vmem>> -> memref<1x16x64xi32, #tpu.memory_space<vmem>>
      %dma_start3A_104 = tpu.memref_squeeze %dma_start3A_103 : memref<1x16x64xi32, #tpu.memory_space<vmem>> -> memref<16x64xi32, #tpu.memory_space<vmem>>
      %dma_start3A_105 = arith.constant 0 : i32
      %dma_start3A_106 = tpu.memref_slice %arg4[%add3A_22, %dma_start3A_105] : memref<5120x64xi32, #tpu.memory_space<hbm>> -> memref<16x64xi32, #tpu.memory_space<hbm>>
      tpu.enqueue_dma source(%dma_start3A_106 : memref<16x64xi32, #tpu.memory_space<hbm>>) target(%dma_start3A_104 : memref<16x64xi32, #tpu.memory_space<vmem>>) target_semaphore(%run_scoped3A : memref<!tpu.dma_semaphore, #tpu.memory_space<semaphore_mem>>)
      %dma_wait3A_107 = arith.constant 0 : i32
      %dma_wait3A_108 = arith.constant 0 : i32
      %dma_wait3A_109 = tpu.memref_slice %arg8[%rem3A_24, %dma_wait3A_107, %dma_wait3A_108] : memref<2x16x64xi32, #tpu.memory_space<vmem>> -> memref<1x16x64xi32, #tpu.memory_space<vmem>>
      %dma_wait3A_110 = tpu.memref_squeeze %dma_wait3A_109 : memref<1x16x64xi32, #tpu.memory_space<vmem>> -> memref<16x64xi32, #tpu.memory_space<vmem>>
      %dma_wait3A_111 = arith.constant 0 : i32
      %dma_wait3A_112 = tpu.memref_slice %arg4[%add3A_22, %dma_wait3A_111] : memref<5120x64xi32, #tpu.memory_space<hbm>> -> memref<16x64xi32, #tpu.memory_space<hbm>>
      %dma_wait3A_113 = arith.constant 0 : i32
      %dma_wait3A_114 = arith.constant 0 : i32
      %dma_wait3A_115 = tpu.memref_slice %arg8[%rem3A_24, %dma_wait3A_113, %dma_wait3A_114] : memref<2x16x64xi32, #tpu.memory_space<vmem>> -> memref<1x16x64xi32, #tpu.memory_space<vmem>>
      %dma_wait3A_116 = tpu.memref_squeeze %dma_wait3A_115 : memref<1x16x64xi32, #tpu.memory_space<vmem>> -> memref<16x64xi32, #tpu.memory_space<vmem>>
      %dma_wait3A_117 = arith.constant 0 : i32
      %dma_wait3A_118 = tpu.memref_slice %arg4[%add3A_22, %dma_wait3A_117] : memref<5120x64xi32, #tpu.memory_space<hbm>> -> memref<16x64xi32, #tpu.memory_space<hbm>>
      tpu.wait_dma2 semaphore(%run_scoped3A : memref<!tpu.dma_semaphore, #tpu.memory_space<semaphore_mem>>) src(%dma_wait3A_118 : memref<16x64xi32, #tpu.memory_space<hbm>>) dst(%dma_wait3A_116 : memref<16x64xi32, #tpu.memory_space<vmem>>)
      tpu.yield
    }) : () -> ()
    %rem3A_25 = arith.constant 0 : i32
    %rem3A_26 = arith.constant 16 : i32
    %rem3A_27 = arith.remsi %rem3A_25, %rem3A_26 : i32
    %mul3A_28 = arith.constant 160 : i32
    %mul3A_29 = arith.muli %add3A, %mul3A_28 : i32
    %add3A_30 = arith.constant 0 : i32
    %add3A_31 = arith.addi %mul3A_29, %add3A_30 : i32
    %mul3A_32 = arith.constant 32 : i32
    %mul3A_33 = arith.muli %add3A_31, %mul3A_32 : i32
    %dma_start3A = arith.constant 0 : i32
    %dma_start3A_34 = arith.constant 0 : i32
    %dma_start3A_35 = arith.constant 0 : i32
    %dma_start3A_36 = tpu.memref_slice %arg10[%dma_start3A, %dma_start3A_34, %dma_start3A_35] : memref<2x32x128xi32, #tpu.memory_space<vmem>> -> memref<1x32x128xi32, #tpu.memory_space<vmem>>
    %dma_start3A_37 = tpu.memref_squeeze %dma_start3A_36 : memref<1x32x128xi32, #tpu.memory_space<vmem>> -> memref<32x128xi32, #tpu.memory_space<vmem>>
    %dma_start3A_38 = arith.constant 0 : i32
    %dma_start3A_39 = tpu.memref_slice %arg5[%mul3A_33, %dma_start3A_38] : memref<163840x128xi32, #tpu.memory_space<hbm>> -> memref<32x128xi32, #tpu.memory_space<hbm>>
    %dma_start3A_40 = arith.constant 0 : i32
    %dma_start3A_41 = arith.constant 0 : i32
    %dma_start3A_42 = tpu.memref_slice %arg10[%dma_start3A, %dma_start3A_40, %dma_start3A_41] : memref<2x32x128xi32, #tpu.memory_space<vmem>> -> memref<1x32x128xi32, #tpu.memory_space<vmem>>
    %dma_start3A_43 = tpu.memref_squeeze %dma_start3A_42 : memref<1x32x128xi32, #tpu.memory_space<vmem>> -> memref<32x128xi32, #tpu.memory_space<vmem>>
    %dma_start3A_44 = arith.constant 0 : i32
    %dma_start3A_45 = tpu.memref_slice %arg5[%mul3A_33, %dma_start3A_44] : memref<163840x128xi32, #tpu.memory_space<hbm>> -> memref<32x128xi32, #tpu.memory_space<hbm>>
    tpu.enqueue_dma source(%dma_start3A_45 : memref<32x128xi32, #tpu.memory_space<hbm>>) target(%dma_start3A_43 : memref<32x128xi32, #tpu.memory_space<vmem>>) target_semaphore(%arg14 : memref<!tpu.dma_semaphore, #tpu.memory_space<semaphore_mem>>)
    %dma_start3A_46 = arith.constant 0 : i32
    %dma_start3A_47 = arith.constant 0 : i32
    %dma_start3A_48 = arith.constant 0 : i32
    %dma_start3A_49 = tpu.memref_slice %arg9[%dma_start3A_46, %dma_start3A_47, %dma_start3A_48] : memref<2x64x32xi32, #tpu.memory_space<vmem>> -> memref<1x64x32xi32, #tpu.memory_space<vmem>>
    %dma_start3A_50 = tpu.memref_squeeze %dma_start3A_49 : memref<1x64x32xi32, #tpu.memory_space<vmem>> -> memref<64x32xi32, #tpu.memory_space<vmem>>
    %dma_start3A_51 = arith.constant 0 : i32
    %dma_start3A_52 = tpu.memref_slice %arg7[%rem3A_27, %dma_start3A_51] : memref<16x64xi32, #tpu.memory_space<vmem>> -> memref<1x64xi32, #tpu.memory_space<vmem>>
    %dma_start3A_53 = tpu.memref_squeeze %dma_start3A_52 : memref<1x64xi32, #tpu.memory_space<vmem>> -> memref<64xi32, #tpu.memory_space<vmem>>
    %dma_start3A_54 = arith.constant 0 : i32
    %dma_start3A_55 = arith.constant 0 : i32
    %dma_start3A_56 = tpu.memref_slice %arg2[%dma_start3A_54, %dma_start3A_55] : memref<10000x32xi32, #tpu.memory_space<hbm>> -> memref<10000x32xi32, #tpu.memory_space<hbm>>
    tpu.enqueue_indirect_dma source(%dma_start3A_56 : memref<10000x32xi32, #tpu.memory_space<hbm>>) target(%dma_start3A_50 : memref<64x32xi32, #tpu.memory_space<vmem>>) offsets(%dma_start3A_53 : memref<64xi32, #tpu.memory_space<vmem>>) semaphore(%arg12 : memref<!tpu.dma_semaphore, #tpu.memory_space<semaphore_mem>>)
    %scan3A_57 = arith.constant 0 : i32
    %scan3A_58 = arith.constant 0 : i32
    %scan3A_59 = arith.constant 80 : i32
    %scan3A_60 = arith.addi %scan3A_58, %scan3A_59 : i32
    %scan3A_61 = arith.constant 1 : i32
    scf.for %scan3A_95 = %scan3A_58 to %scan3A_60 step %scan3A_61  : i32 {
      %mul3A_96 = arith.constant 2 : i32
      %mul3A_97 = arith.muli %scan3A_95, %mul3A_96 : i32
      %add3A_98 = arith.constant 0 : i32
      %add3A_99 = arith.addi %mul3A_97, %add3A_98 : i32
      %dma_wait3A_100 = arith.constant 0 : i32
      %dma_wait3A_101 = arith.constant 0 : i32
      %dma_wait3A_102 = arith.constant 0 : i32
      %dma_wait3A_103 = tpu.memref_slice %arg10[%dma_wait3A_100, %dma_wait3A_101, %dma_wait3A_102] : memref<2x32x128xi32, #tpu.memory_space<vmem>> -> memref<1x32x128xi32, #tpu.memory_space<vmem>>
      %dma_wait3A_104 = tpu.memref_squeeze %dma_wait3A_103 : memref<1x32x128xi32, #tpu.memory_space<vmem>> -> memref<32x128xi32, #tpu.memory_space<vmem>>
      %dma_wait3A_105 = arith.constant 0 : i32
      %dma_wait3A_106 = arith.constant 0 : i32
      %dma_wait3A_107 = tpu.memref_slice %arg5[%dma_wait3A_105, %dma_wait3A_106] : memref<163840x128xi32, #tpu.memory_space<hbm>> -> memref<32x128xi32, #tpu.memory_space<hbm>>
      %dma_wait3A_108 = arith.constant 0 : i32
      %dma_wait3A_109 = arith.constant 0 : i32
      %dma_wait3A_110 = tpu.memref_slice %arg10[%dma_wait3A_100, %dma_wait3A_108, %dma_wait3A_109] : memref<2x32x128xi32, #tpu.memory_space<vmem>> -> memref<1x32x128xi32, #tpu.memory_space<vmem>>
      %dma_wait3A_111 = tpu.memref_squeeze %dma_wait3A_110 : memref<1x32x128xi32, #tpu.memory_space<vmem>> -> memref<32x128xi32, #tpu.memory_space<vmem>>
      %dma_wait3A_112 = arith.constant 0 : i32
      %dma_wait3A_113 = arith.constant 0 : i32
      %dma_wait3A_114 = tpu.memref_slice %arg5[%dma_wait3A_112, %dma_wait3A_113] : memref<163840x128xi32, #tpu.memory_space<hbm>> -> memref<32x128xi32, #tpu.memory_space<hbm>>
      tpu.wait_dma2 semaphore(%arg14 : memref<!tpu.dma_semaphore, #tpu.memory_space<semaphore_mem>>) src(%dma_wait3A_114 : memref<32x128xi32, #tpu.memory_space<hbm>>) dst(%dma_wait3A_111 : memref<32x128xi32, #tpu.memory_space<vmem>>)
      %dma_wait3A_115 = arith.constant 0 : i32
      %dma_wait3A_116 = arith.constant 0 : i32
      %dma_wait3A_117 = arith.constant 0 : i32
      %dma_wait3A_118 = arith.constant 0 : i32
      %dma_wait3A_119 = tpu.memref_slice %arg9[%dma_wait3A_116, %dma_wait3A_117, %dma_wait3A_118] : memref<2x64x32xi32, #tpu.memory_space<vmem>> -> memref<1x64x32xi32, #tpu.memory_space<vmem>>
      %dma_wait3A_120 = tpu.memref_squeeze %dma_wait3A_119 : memref<1x64x32xi32, #tpu.memory_space<vmem>> -> memref<64x32xi32, #tpu.memory_space<vmem>>
      %dma_wait3A_121 = arith.constant 0 : i32
      %dma_wait3A_122 = tpu.memref_slice %arg7[%dma_wait3A_115, %dma_wait3A_121] : memref<16x64xi32, #tpu.memory_space<vmem>> -> memref<1x64xi32, #tpu.memory_space<vmem>>
      %dma_wait3A_123 = tpu.memref_squeeze %dma_wait3A_122 : memref<1x64xi32, #tpu.memory_space<vmem>> -> memref<64xi32, #tpu.memory_space<vmem>>
      %dma_wait3A_124 = arith.constant 0 : i32
      %dma_wait3A_125 = arith.constant 0 : i32
      %dma_wait3A_126 = tpu.memref_slice %arg2[%dma_wait3A_124, %dma_wait3A_125] : memref<10000x32xi32, #tpu.memory_space<hbm>> -> memref<10000x32xi32, #tpu.memory_space<hbm>>
      tpu.wait_indirect_dma semaphore(%arg12 : memref<!tpu.dma_semaphore, #tpu.memory_space<semaphore_mem>>) src(%dma_wait3A_126 : memref<10000x32xi32, #tpu.memory_space<hbm>>) dst(%dma_wait3A_120 : memref<64x32xi32, #tpu.memory_space<vmem>>)
      %add3A_127 = arith.constant 1 : i32
      %add3A_128 = arith.addi %add3A_99, %add3A_127 : i32
      %rem3A_129 = arith.constant 16 : i32
      %rem3A_130 = arith.remsi %add3A_128, %rem3A_129 : i32
      %mul3A_131 = arith.constant 160 : i32
      %mul3A_132 = arith.muli %add3A, %mul3A_131 : i32
      %add3A_133 = arith.addi %mul3A_132, %add3A_128 : i32
      %mul3A_134 = arith.constant 32 : i32
      %mul3A_135 = arith.muli %add3A_133, %mul3A_134 : i32
      %dma_start3A_136 = arith.constant 1 : i32
      %dma_start3A_137 = arith.constant 0 : i32
      %dma_start3A_138 = arith.constant 0 : i32
      %dma_start3A_139 = tpu.memref_slice %arg10[%dma_start3A_136, %dma_start3A_137, %dma_start3A_138] : memref<2x32x128xi32, #tpu.memory_space<vmem>> -> memref<1x32x128xi32, #tpu.memory_space<vmem>>
      %dma_start3A_140 = tpu.memref_squeeze %dma_start3A_139 : memref<1x32x128xi32, #tpu.memory_space<vmem>> -> memref<32x128xi32, #tpu.memory_space<vmem>>
      %dma_start3A_141 = arith.constant 0 : i32
      %dma_start3A_142 = tpu.memref_slice %arg5[%mul3A_135, %dma_start3A_141] : memref<163840x128xi32, #tpu.memory_space<hbm>> -> memref<32x128xi32, #tpu.memory_space<hbm>>
      %dma_start3A_143 = arith.constant 0 : i32
      %dma_start3A_144 = arith.constant 0 : i32
      %dma_start3A_145 = tpu.memref_slice %arg10[%dma_start3A_136, %dma_start3A_143, %dma_start3A_144] : memref<2x32x128xi32, #tpu.memory_space<vmem>> -> memref<1x32x128xi32, #tpu.memory_space<vmem>>
      %dma_start3A_146 = tpu.memref_squeeze %dma_start3A_145 : memref<1x32x128xi32, #tpu.memory_space<vmem>> -> memref<32x128xi32, #tpu.memory_space<vmem>>
      %dma_start3A_147 = arith.constant 0 : i32
      %dma_start3A_148 = tpu.memref_slice %arg5[%mul3A_135, %dma_start3A_147] : memref<163840x128xi32, #tpu.memory_space<hbm>> -> memref<32x128xi32, #tpu.memory_space<hbm>>
      tpu.enqueue_dma source(%dma_start3A_148 : memref<32x128xi32, #tpu.memory_space<hbm>>) target(%dma_start3A_146 : memref<32x128xi32, #tpu.memory_space<vmem>>) target_semaphore(%arg15 : memref<!tpu.dma_semaphore, #tpu.memory_space<semaphore_mem>>)
      %dma_start3A_149 = arith.constant 1 : i32
      %dma_start3A_150 = arith.constant 0 : i32
      %dma_start3A_151 = arith.constant 0 : i32
      %dma_start3A_152 = tpu.memref_slice %arg9[%dma_start3A_149, %dma_start3A_150, %dma_start3A_151] : memref<2x64x32xi32, #tpu.memory_space<vmem>> -> memref<1x64x32xi32, #tpu.memory_space<vmem>>
      %dma_start3A_153 = tpu.memref_squeeze %dma_start3A_152 : memref<1x64x32xi32, #tpu.memory_space<vmem>> -> memref<64x32xi32, #tpu.memory_space<vmem>>
      %dma_start3A_154 = arith.constant 0 : i32
      %dma_start3A_155 = tpu.memref_slice %arg7[%rem3A_130, %dma_start3A_154] : memref<16x64xi32, #tpu.memory_space<vmem>> -> memref<1x64xi32, #tpu.memory_space<vmem>>
      %dma_start3A_156 = tpu.memref_squeeze %dma_start3A_155 : memref<1x64xi32, #tpu.memory_space<vmem>> -> memref<64xi32, #tpu.memory_space<vmem>>
      %dma_start3A_157 = arith.constant 0 : i32
      %dma_start3A_158 = arith.constant 0 : i32
      %dma_start3A_159 = tpu.memref_slice %arg2[%dma_start3A_157, %dma_start3A_158] : memref<10000x32xi32, #tpu.memory_space<hbm>> -> memref<10000x32xi32, #tpu.memory_space<hbm>>
      tpu.enqueue_indirect_dma source(%dma_start3A_159 : memref<10000x32xi32, #tpu.memory_space<hbm>>) target(%dma_start3A_153 : memref<64x32xi32, #tpu.memory_space<vmem>>) offsets(%dma_start3A_156 : memref<64xi32, #tpu.memory_space<vmem>>) semaphore(%arg13 : memref<!tpu.dma_semaphore, #tpu.memory_space<semaphore_mem>>)
      %ge3A = arith.constant 2 : i32
      %ge3A_160 = arith.cmpi sge, %add3A_99, %ge3A : i32
      %convert_element_type3A = arith.extui %ge3A_160 : i1 to i32
      %cond3A = arith.constant 0 : i32
      %cond3A_161 = arith.cmpi ne, %convert_element_type3A, %cond3A : i32
      scf.if %cond3A_161 {
        %dma_wait3A_287 = arith.constant 0 : i32
        %dma_wait3A_288 = arith.constant 0 : i32
        %dma_wait3A_289 = arith.constant 0 : i32
        %dma_wait3A_290 = arith.constant 0 : i32
        %dma_wait3A_291 = arith.constant 0 : i32
        %dma_wait3A_292 = tpu.memref_slice %arg11[%dma_wait3A_287, %dma_wait3A_290, %dma_wait3A_291] : memref<2x64x128xf32, #tpu.memory_space<vmem>> -> memref<1x64x128xf32, #tpu.memory_space<vmem>>
        %dma_wait3A_293 = tpu.memref_squeeze %dma_wait3A_292 : memref<1x64x128xf32, #tpu.memory_space<vmem>> -> memref<64x128xf32, #tpu.memory_space<vmem>>
        %dma_wait3A_294 = arith.constant 0 : i32
        %dma_wait3A_295 = tpu.memref_slice %arg8[%dma_wait3A_288, %dma_wait3A_289, %dma_wait3A_294] : memref<2x16x64xi32, #tpu.memory_space<vmem>> -> memref<1x1x64xi32, #tpu.memory_space<vmem>>
        %dma_wait3A_296 = tpu.memref_squeeze %dma_wait3A_295 : memref<1x1x64xi32, #tpu.memory_space<vmem>> -> memref<64xi32, #tpu.memory_space<vmem>>
        %dma_wait3A_297 = arith.constant 0 : i32
        %dma_wait3A_298 = arith.constant 0 : i32
        %dma_wait3A_299 = tpu.memref_slice %arg18[%dma_wait3A_297, %dma_wait3A_298] : memref<10240x128xf32, #tpu.memory_space<vmem_shared>> -> memref<10240x128xf32, #tpu.memory_space<vmem_shared>>
        tpu.wait_indirect_dma semaphore(%arg16 : memref<!tpu.dma_semaphore, #tpu.memory_space<semaphore_mem>>) src(%dma_wait3A_293 : memref<64x128xf32, #tpu.memory_space<vmem>>) dst(%dma_wait3A_299 : memref<10240x128xf32, #tpu.memory_space<vmem_shared>>)
      } else {
      }
      %scan3A_162 = arith.constant 0 : i32
      %scan3A_163 = arith.constant 0 : i32
      %scan3A_164 = arith.constant 32 : i32
      %scan3A_165 = arith.addi %scan3A_163, %scan3A_164 : i32
      %scan3A_166 = arith.constant 1 : i32
      scf.for %scan3A_287 = %scan3A_163 to %scan3A_165 step %scan3A_166  : i32 {
        %add3A_288 = arith.constant 0 : i32
        %add3A_289 = arith.addi %add3A_288, %scan3A_287 : i32
        %get3A = arith.constant 0 : i32
        %get3A_290 = arith.index_cast %get3A : i32 to index
        %get3A_291 = arith.index_cast %add3A_289 : i32 to index
        %get3A_292 = arith.constant 0 : index
        %get3A_293 = tpu.vector_load %arg9[%get3A_290, %get3A_291, %get3A_292] {strides = array<i32>} : memref<2x64x32xi32, #tpu.memory_space<vmem>>, vector<16xi32>,
        %shift_left3A = arith.constant 16 : i32
        %shift_left3A_294 = vector.broadcast %shift_left3A : i32 to vector<16xi32>
        %shift_left3A_295 = arith.shli %get3A_293, %shift_left3A_294 : vector<16xi32>
        %bitcast3A = vector.bitcast %shift_left3A_295 : vector<16xi32> to vector<16xf32>
        %and3A_296 = arith.constant -65536 : i32
        %and3A_297 = vector.broadcast %and3A_296 : i32 to vector<16xi32>
        %and3A_298 = arith.andi %get3A_293, %and3A_297 : vector<16xi32>
        %bitcast3A_299 = vector.bitcast %and3A_298 : vector<16xi32> to vector<16xf32>
        %get3A_300 = arith.constant 0 : i32
        %get3A_301 = arith.index_cast %get3A_300 : i32 to index
        %get3A_302 = arith.index_cast %scan3A_287 : i32 to index
        %get3A_303 = arith.constant 0 : index
        %get3A_304 = tpu.vector_load %arg10[%get3A_301, %get3A_302, %get3A_303] {strides = array<i32>} : memref<2x32x128xi32, #tpu.memory_space<vmem>>, vector<16xi32>,
        %get3A_305 = arith.constant 0 : i32
        %get3A_306 = arith.index_cast %get3A_305 : i32 to index
        %get3A_307 = arith.index_cast %scan3A_287 : i32 to index
        %get3A_308 = arith.constant 32 : index
        %get3A_309 = tpu.vector_load %arg10[%get3A_306, %get3A_307, %get3A_308] {strides = array<i32>} : memref<2x32x128xi32, #tpu.memory_space<vmem>>, vector<16xi32>,
        %shift_left3A_310 = arith.constant 16 : i32
        %shift_left3A_311 = vector.broadcast %shift_left3A_310 : i32 to vector<16xi32>
        %shift_left3A_312 = arith.shli %get3A_304, %shift_left3A_311 : vector<16xi32>
        %bitcast3A_313 = vector.bitcast %shift_left3A_312 : vector<16xi32> to vector<16xf32>
        %add3A_314 = arith.addf %bitcast3A, %bitcast3A_313 : vector<16xf32>
        %max3A = arith.constant 0.000000e+00 : f32
        %max3A_315 = vector.broadcast %max3A : f32 to vector<16xf32>
        %max3A_316 = arith.maximumf %add3A_314, %max3A_315 : vector<16xf32>
        %add3A_317 = arith.constant 0 : i32
        %add3A_318 = arith.addi %add3A_317, %scan3A_287 : i32
        %swap3A = arith.constant 0 : i32
        %swap3A_319 = arith.index_cast %swap3A : i32 to index
        %swap3A_320 = arith.index_cast %add3A_318 : i32 to index
        %swap3A_321 = arith.constant 0 : index
        %swap3A_322 = tpu.vector_load %arg11[%swap3A_319, %swap3A_320, %swap3A_321] {strides = array<i32>} : memref<2x64x128xf32, #tpu.memory_space<vmem>>, vector<16xf32>,
        tpu.vector_store %arg11[%swap3A_319, %swap3A_320, %swap3A_321], %max3A_316 {strides = array<i32>} : memref<2x64x128xf32, #tpu.memory_space<vmem>>, vector<16xf32>,
        %shift_left3A_323 = arith.constant 16 : i32
        %shift_left3A_324 = vector.broadcast %shift_left3A_323 : i32 to vector<16xi32>
        %shift_left3A_325 = arith.shli %get3A_309, %shift_left3A_324 : vector<16xi32>
        %bitcast3A_326 = vector.bitcast %shift_left3A_325 : vector<16xi32> to vector<16xf32>
        %add3A_327 = arith.addf %bitcast3A_299, %bitcast3A_326 : vector<16xf32>
        %max3A_328 = arith.constant 0.000000e+00 : f32
        %max3A_329 = vector.broadcast %max3A_328 : f32 to vector<16xf32>
        %max3A_330 = arith.maximumf %add3A_327, %max3A_329 : vector<16xf32>
        %add3A_331 = arith.constant 0 : i32
        %add3A_332 = arith.addi %add3A_331, %scan3A_287 : i32
        %swap3A_333 = arith.constant 0 : i32
        %swap3A_334 = arith.index_cast %swap3A_333 : i32 to index
        %swap3A_335 = arith.index_cast %add3A_332 : i32 to index
        %swap3A_336 = arith.constant 32 : index
        %swap3A_337 = tpu.vector_load %arg11[%swap3A_334, %swap3A_335, %swap3A_336] {strides = array<i32>} : memref<2x64x128xf32, #tpu.memory_space<vmem>>, vector<16xf32>,
        tpu.vector_store %arg11[%swap3A_334, %swap3A_335, %swap3A_336], %max3A_330 {strides = array<i32>} : memref<2x64x128xf32, #tpu.memory_space<vmem>>, vector<16xf32>,
        %and3A_338 = arith.constant -65536 : i32
        %and3A_339 = vector.broadcast %and3A_338 : i32 to vector<16xi32>
        %and3A_340 = arith.andi %get3A_304, %and3A_339 : vector<16xi32>
        %bitcast3A_341 = vector.bitcast %and3A_340 : vector<16xi32> to vector<16xf32>
        %add3A_342 = arith.addf %bitcast3A, %bitcast3A_341 : vector<16xf32>
        %max3A_343 = arith.constant 0.000000e+00 : f32
        %max3A_344 = vector.broadcast %max3A_343 : f32 to vector<16xf32>
        %max3A_345 = arith.maximumf %add3A_342, %max3A_344 : vector<16xf32>
        %add3A_346 = arith.constant 0 : i32
        %add3A_347 = arith.addi %add3A_346, %scan3A_287 : i32
        %swap3A_348 = arith.constant 0 : i32
        %swap3A_349 = arith.index_cast %swap3A_348 : i32 to index
        %swap3A_350 = arith.index_cast %add3A_347 : i32 to index
        %swap3A_351 = arith.constant 64 : index
        %swap3A_352 = tpu.vector_load %arg11[%swap3A_349, %swap3A_350, %swap3A_351] {strides = array<i32>} : memref<2x64x128xf32, #tpu.memory_space<vmem>>, vector<16xf32>,
        tpu.vector_store %arg11[%swap3A_349, %swap3A_350, %swap3A_351], %max3A_345 {strides = array<i32>} : memref<2x64x128xf32, #tpu.memory_space<vmem>>, vector<16xf32>,
        %and3A_353 = arith.constant -65536 : i32
        %and3A_354 = vector.broadcast %and3A_353 : i32 to vector<16xi32>
        %and3A_355 = arith.andi %get3A_309, %and3A_354 : vector<16xi32>
        %bitcast3A_356 = vector.bitcast %and3A_355 : vector<16xi32> to vector<16xf32>
        %add3A_357 = arith.addf %bitcast3A_299, %bitcast3A_356 : vector<16xf32>
        %max3A_358 = arith.constant 0.000000e+00 : f32
        %max3A_359 = vector.broadcast %max3A_358 : f32 to vector<16xf32>
        %max3A_360 = arith.maximumf %add3A_357, %max3A_359 : vector<16xf32>
        %add3A_361 = arith.constant 0 : i32
        %add3A_362 = arith.addi %add3A_361, %scan3A_287 : i32
        %swap3A_363 = arith.constant 0 : i32
        %swap3A_364 = arith.index_cast %swap3A_363 : i32 to index
        %swap3A_365 = arith.index_cast %add3A_362 : i32 to index
        %swap3A_366 = arith.constant 96 : index
        %swap3A_367 = tpu.vector_load %arg11[%swap3A_364, %swap3A_365, %swap3A_366] {strides = array<i32>} : memref<2x64x128xf32, #tpu.memory_space<vmem>>, vector<16xf32>,
        tpu.vector_store %arg11[%swap3A_364, %swap3A_365, %swap3A_366], %max3A_360 {strides = array<i32>} : memref<2x64x128xf32, #tpu.memory_space<vmem>>, vector<16xf32>,
        %add3A_368 = arith.constant 0 : i32
        %add3A_369 = arith.addi %add3A_368, %scan3A_287 : i32
        %get3A_370 = arith.constant 0 : i32
        %get3A_371 = arith.index_cast %get3A_370 : i32 to index
        %get3A_372 = arith.index_cast %add3A_369 : i32 to index
        %get3A_373 = arith.constant 16 : index
        %get3A_374 = tpu.vector_load %arg9[%get3A_371, %get3A_372, %get3A_373] {strides = array<i32>} : memref<2x64x32xi32, #tpu.memory_space<vmem>>, vector<16xi32>,
        %shift_left3A_375 = arith.constant 16 : i32
        %shift_left3A_376 = vector.broadcast %shift_left3A_375 : i32 to vector<16xi32>
        %shift_left3A_377 = arith.shli %get3A_374, %shift_left3A_376 : vector<16xi32>
        %bitcast3A_378 = vector.bitcast %shift_left3A_377 : vector<16xi32> to vector<16xf32>
        %and3A_379 = arith.constant -65536 : i32
        %and3A_380 = vector.broadcast %and3A_379 : i32 to vector<16xi32>
        %and3A_381 = arith.andi %get3A_374, %and3A_380 : vector<16xi32>
        %bitcast3A_382 = vector.bitcast %and3A_381 : vector<16xi32> to vector<16xf32>
        %get3A_383 = arith.constant 0 : i32
        %get3A_384 = arith.index_cast %get3A_383 : i32 to index
        %get3A_385 = arith.index_cast %scan3A_287 : i32 to index
        %get3A_386 = arith.constant 16 : index
        %get3A_387 = tpu.vector_load %arg10[%get3A_384, %get3A_385, %get3A_386] {strides = array<i32>} : memref<2x32x128xi32, #tpu.memory_space<vmem>>, vector<16xi32>,
        %get3A_388 = arith.constant 0 : i32
        %get3A_389 = arith.index_cast %get3A_388 : i32 to index
        %get3A_390 = arith.index_cast %scan3A_287 : i32 to index
        %get3A_391 = arith.constant 48 : index
        %get3A_392 = tpu.vector_load %arg10[%get3A_389, %get3A_390, %get3A_391] {strides = array<i32>} : memref<2x32x128xi32, #tpu.memory_space<vmem>>, vector<16xi32>,
        %shift_left3A_393 = arith.constant 16 : i32
        %shift_left3A_394 = vector.broadcast %shift_left3A_393 : i32 to vector<16xi32>
        %shift_left3A_395 = arith.shli %get3A_387, %shift_left3A_394 : vector<16xi32>
        %bitcast3A_396 = vector.bitcast %shift_left3A_395 : vector<16xi32> to vector<16xf32>
        %add3A_397 = arith.addf %bitcast3A_378, %bitcast3A_396 : vector<16xf32>
        %max3A_398 = arith.constant 0.000000e+00 : f32
        %max3A_399 = vector.broadcast %max3A_398 : f32 to vector<16xf32>
        %max3A_400 = arith.maximumf %add3A_397, %max3A_399 : vector<16xf32>
        %add3A_401 = arith.constant 0 : i32
        %add3A_402 = arith.addi %add3A_401, %scan3A_287 : i32
        %swap3A_403 = arith.constant 0 : i32
        %swap3A_404 = arith.index_cast %swap3A_403 : i32 to index
        %swap3A_405 = arith.index_cast %add3A_402 : i32 to index
        %swap3A_406 = arith.constant 16 : index
        %swap3A_407 = tpu.vector_load %arg11[%swap3A_404, %swap3A_405, %swap3A_406] {strides = array<i32>} : memref<2x64x128xf32, #tpu.memory_space<vmem>>, vector<16xf32>,
        tpu.vector_store %arg11[%swap3A_404, %swap3A_405, %swap3A_406], %max3A_400 {strides = array<i32>} : memref<2x64x128xf32, #tpu.memory_space<vmem>>, vector<16xf32>,
        %shift_left3A_408 = arith.constant 16 : i32
        %shift_left3A_409 = vector.broadcast %shift_left3A_408 : i32 to vector<16xi32>
        %shift_left3A_410 = arith.shli %get3A_392, %shift_left3A_409 : vector<16xi32>
        %bitcast3A_411 = vector.bitcast %shift_left3A_410 : vector<16xi32> to vector<16xf32>
        %add3A_412 = arith.addf %bitcast3A_382, %bitcast3A_411 : vector<16xf32>
        %max3A_413 = arith.constant 0.000000e+00 : f32
        %max3A_414 = vector.broadcast %max3A_413 : f32 to vector<16xf32>
        %max3A_415 = arith.maximumf %add3A_412, %max3A_414 : vector<16xf32>
        %add3A_416 = arith.constant 0 : i32
        %add3A_417 = arith.addi %add3A_416, %scan3A_287 : i32
        %swap3A_418 = arith.constant 0 : i32
        %swap3A_419 = arith.index_cast %swap3A_418 : i32 to index
        %swap3A_420 = arith.index_cast %add3A_417 : i32 to index
        %swap3A_421 = arith.constant 48 : index
        %swap3A_422 = tpu.vector_load %arg11[%swap3A_419, %swap3A_420, %swap3A_421] {strides = array<i32>} : memref<2x64x128xf32, #tpu.memory_space<vmem>>, vector<16xf32>,
        tpu.vector_store %arg11[%swap3A_419, %swap3A_420, %swap3A_421], %max3A_415 {strides = array<i32>} : memref<2x64x128xf32, #tpu.memory_space<vmem>>, vector<16xf32>,
        %and3A_423 = arith.constant -65536 : i32
        %and3A_424 = vector.broadcast %and3A_423 : i32 to vector<16xi32>
        %and3A_425 = arith.andi %get3A_387, %and3A_424 : vector<16xi32>
        %bitcast3A_426 = vector.bitcast %and3A_425 : vector<16xi32> to vector<16xf32>
        %add3A_427 = arith.addf %bitcast3A_378, %bitcast3A_426 : vector<16xf32>
        %max3A_428 = arith.constant 0.000000e+00 : f32
        %max3A_429 = vector.broadcast %max3A_428 : f32 to vector<16xf32>
        %max3A_430 = arith.maximumf %add3A_427, %max3A_429 : vector<16xf32>
        %add3A_431 = arith.constant 0 : i32
        %add3A_432 = arith.addi %add3A_431, %scan3A_287 : i32
        %swap3A_433 = arith.constant 0 : i32
        %swap3A_434 = arith.index_cast %swap3A_433 : i32 to index
        %swap3A_435 = arith.index_cast %add3A_432 : i32 to index
        %swap3A_436 = arith.constant 80 : index
        %swap3A_437 = tpu.vector_load %arg11[%swap3A_434, %swap3A_435, %swap3A_436] {strides = array<i32>} : memref<2x64x128xf32, #tpu.memory_space<vmem>>, vector<16xf32>,
        tpu.vector_store %arg11[%swap3A_434, %swap3A_435, %swap3A_436], %max3A_430 {strides = array<i32>} : memref<2x64x128xf32, #tpu.memory_space<vmem>>, vector<16xf32>,
        %and3A_438 = arith.constant -65536 : i32
        %and3A_439 = vector.broadcast %and3A_438 : i32 to vector<16xi32>
        %and3A_440 = arith.andi %get3A_392, %and3A_439 : vector<16xi32>
        %bitcast3A_441 = vector.bitcast %and3A_440 : vector<16xi32> to vector<16xf32>
        %add3A_442 = arith.addf %bitcast3A_382, %bitcast3A_441 : vector<16xf32>
        %max3A_443 = arith.constant 0.000000e+00 : f32
        %max3A_444 = vector.broadcast %max3A_443 : f32 to vector<16xf32>
        %max3A_445 = arith.maximumf %add3A_442, %max3A_444 : vector<16xf32>
        %add3A_446 = arith.constant 0 : i32
        %add3A_447 = arith.addi %add3A_446, %scan3A_287 : i32
        %swap3A_448 = arith.constant 0 : i32
        %swap3A_449 = arith.index_cast %swap3A_448 : i32 to index
        %swap3A_450 = arith.index_cast %add3A_447 : i32 to index
        %swap3A_451 = arith.constant 112 : index
        %swap3A_452 = tpu.vector_load %arg11[%swap3A_449, %swap3A_450, %swap3A_451] {strides = array<i32>} : memref<2x64x128xf32, #tpu.memory_space<vmem>>, vector<16xf32>,
        tpu.vector_store %arg11[%swap3A_449, %swap3A_450, %swap3A_451], %max3A_445 {strides = array<i32>} : memref<2x64x128xf32, #tpu.memory_space<vmem>>, vector<16xf32>,
        %add3A_453 = arith.constant 32 : i32
        %add3A_454 = arith.addi %add3A_453, %scan3A_287 : i32
        %get3A_455 = arith.constant 0 : i32
        %get3A_456 = arith.index_cast %get3A_455 : i32 to index
        %get3A_457 = arith.index_cast %add3A_454 : i32 to index
        %get3A_458 = arith.constant 0 : index
        %get3A_459 = tpu.vector_load %arg9[%get3A_456, %get3A_457, %get3A_458] {strides = array<i32>} : memref<2x64x32xi32, #tpu.memory_space<vmem>>, vector<16xi32>,
        %shift_left3A_460 = arith.constant 16 : i32
        %shift_left3A_461 = vector.broadcast %shift_left3A_460 : i32 to vector<16xi32>
        %shift_left3A_462 = arith.shli %get3A_459, %shift_left3A_461 : vector<16xi32>
        %bitcast3A_463 = vector.bitcast %shift_left3A_462 : vector<16xi32> to vector<16xf32>
        %and3A_464 = arith.constant -65536 : i32
        %and3A_465 = vector.broadcast %and3A_464 : i32 to vector<16xi32>
        %and3A_466 = arith.andi %get3A_459, %and3A_465 : vector<16xi32>
        %bitcast3A_467 = vector.bitcast %and3A_466 : vector<16xi32> to vector<16xf32>
        %get3A_468 = arith.constant 0 : i32
        %get3A_469 = arith.index_cast %get3A_468 : i32 to index
        %get3A_470 = arith.index_cast %scan3A_287 : i32 to index
        %get3A_471 = arith.constant 64 : index
        %get3A_472 = tpu.vector_load %arg10[%get3A_469, %get3A_470, %get3A_471] {strides = array<i32>} : memref<2x32x128xi32, #tpu.memory_space<vmem>>, vector<16xi32>,
        %get3A_473 = arith.constant 0 : i32
        %get3A_474 = arith.index_cast %get3A_473 : i32 to index
        %get3A_475 = arith.index_cast %scan3A_287 : i32 to index
        %get3A_476 = arith.constant 96 : index
        %get3A_477 = tpu.vector_load %arg10[%get3A_474, %get3A_475, %get3A_476] {strides = array<i32>} : memref<2x32x128xi32, #tpu.memory_space<vmem>>, vector<16xi32>,
        %shift_left3A_478 = arith.constant 16 : i32
        %shift_left3A_479 = vector.broadcast %shift_left3A_478 : i32 to vector<16xi32>
        %shift_left3A_480 = arith.shli %get3A_472, %shift_left3A_479 : vector<16xi32>
        %bitcast3A_481 = vector.bitcast %shift_left3A_480 : vector<16xi32> to vector<16xf32>
        %add3A_482 = arith.addf %bitcast3A_463, %bitcast3A_481 : vector<16xf32>
        %max3A_483 = arith.constant 0.000000e+00 : f32
        %max3A_484 = vector.broadcast %max3A_483 : f32 to vector<16xf32>
        %max3A_485 = arith.maximumf %add3A_482, %max3A_484 : vector<16xf32>
        %add3A_486 = arith.constant 32 : i32
        %add3A_487 = arith.addi %add3A_486, %scan3A_287 : i32
        %swap3A_488 = arith.constant 0 : i32
        %swap3A_489 = arith.index_cast %swap3A_488 : i32 to index
        %swap3A_490 = arith.index_cast %add3A_487 : i32 to index
        %swap3A_491 = arith.constant 0 : index
        %swap3A_492 = tpu.vector_load %arg11[%swap3A_489, %swap3A_490, %swap3A_491] {strides = array<i32>} : memref<2x64x128xf32, #tpu.memory_space<vmem>>, vector<16xf32>,
        tpu.vector_store %arg11[%swap3A_489, %swap3A_490, %swap3A_491], %max3A_485 {strides = array<i32>} : memref<2x64x128xf32, #tpu.memory_space<vmem>>, vector<16xf32>,
        %shift_left3A_493 = arith.constant 16 : i32
        %shift_left3A_494 = vector.broadcast %shift_left3A_493 : i32 to vector<16xi32>
        %shift_left3A_495 = arith.shli %get3A_477, %shift_left3A_494 : vector<16xi32>
        %bitcast3A_496 = vector.bitcast %shift_left3A_495 : vector<16xi32> to vector<16xf32>
        %add3A_497 = arith.addf %bitcast3A_467, %bitcast3A_496 : vector<16xf32>
        %max3A_498 = arith.constant 0.000000e+00 : f32
        %max3A_499 = vector.broadcast %max3A_498 : f32 to vector<16xf32>
        %max3A_500 = arith.maximumf %add3A_497, %max3A_499 : vector<16xf32>
        %add3A_501 = arith.constant 32 : i32
        %add3A_502 = arith.addi %add3A_501, %scan3A_287 : i32
        %swap3A_503 = arith.constant 0 : i32
        %swap3A_504 = arith.index_cast %swap3A_503 : i32 to index
        %swap3A_505 = arith.index_cast %add3A_502 : i32 to index
        %swap3A_506 = arith.constant 32 : index
        %swap3A_507 = tpu.vector_load %arg11[%swap3A_504, %swap3A_505, %swap3A_506] {strides = array<i32>} : memref<2x64x128xf32, #tpu.memory_space<vmem>>, vector<16xf32>,
        tpu.vector_store %arg11[%swap3A_504, %swap3A_505, %swap3A_506], %max3A_500 {strides = array<i32>} : memref<2x64x128xf32, #tpu.memory_space<vmem>>, vector<16xf32>,
        %and3A_508 = arith.constant -65536 : i32
        %and3A_509 = vector.broadcast %and3A_508 : i32 to vector<16xi32>
        %and3A_510 = arith.andi %get3A_472, %and3A_509 : vector<16xi32>
        %bitcast3A_511 = vector.bitcast %and3A_510 : vector<16xi32> to vector<16xf32>
        %add3A_512 = arith.addf %bitcast3A_463, %bitcast3A_511 : vector<16xf32>
        %max3A_513 = arith.constant 0.000000e+00 : f32
        %max3A_514 = vector.broadcast %max3A_513 : f32 to vector<16xf32>
        %max3A_515 = arith.maximumf %add3A_512, %max3A_514 : vector<16xf32>
        %add3A_516 = arith.constant 32 : i32
        %add3A_517 = arith.addi %add3A_516, %scan3A_287 : i32
        %swap3A_518 = arith.constant 0 : i32
        %swap3A_519 = arith.index_cast %swap3A_518 : i32 to index
        %swap3A_520 = arith.index_cast %add3A_517 : i32 to index
        %swap3A_521 = arith.constant 64 : index
        %swap3A_522 = tpu.vector_load %arg11[%swap3A_519, %swap3A_520, %swap3A_521] {strides = array<i32>} : memref<2x64x128xf32, #tpu.memory_space<vmem>>, vector<16xf32>,
        tpu.vector_store %arg11[%swap3A_519, %swap3A_520, %swap3A_521], %max3A_515 {strides = array<i32>} : memref<2x64x128xf32, #tpu.memory_space<vmem>>, vector<16xf32>,
        %and3A_523 = arith.constant -65536 : i32
        %and3A_524 = vector.broadcast %and3A_523 : i32 to vector<16xi32>
        %and3A_525 = arith.andi %get3A_477, %and3A_524 : vector<16xi32>
        %bitcast3A_526 = vector.bitcast %and3A_525 : vector<16xi32> to vector<16xf32>
        %add3A_527 = arith.addf %bitcast3A_467, %bitcast3A_526 : vector<16xf32>
        %max3A_528 = arith.constant 0.000000e+00 : f32
        %max3A_529 = vector.broadcast %max3A_528 : f32 to vector<16xf32>
        %max3A_530 = arith.maximumf %add3A_527, %max3A_529 : vector<16xf32>
        %add3A_531 = arith.constant 32 : i32
        %add3A_532 = arith.addi %add3A_531, %scan3A_287 : i32
        %swap3A_533 = arith.constant 0 : i32
        %swap3A_534 = arith.index_cast %swap3A_533 : i32 to index
        %swap3A_535 = arith.index_cast %add3A_532 : i32 to index
        %swap3A_536 = arith.constant 96 : index
        %swap3A_537 = tpu.vector_load %arg11[%swap3A_534, %swap3A_535, %swap3A_536] {strides = array<i32>} : memref<2x64x128xf32, #tpu.memory_space<vmem>>, vector<16xf32>,
        tpu.vector_store %arg11[%swap3A_534, %swap3A_535, %swap3A_536], %max3A_530 {strides = array<i32>} : memref<2x64x128xf32, #tpu.memory_space<vmem>>, vector<16xf32>,
        %add3A_538 = arith.constant 32 : i32
        %add3A_539 = arith.addi %add3A_538, %scan3A_287 : i32
        %get3A_540 = arith.constant 0 : i32
        %get3A_541 = arith.index_cast %get3A_540 : i32 to index
        %get3A_542 = arith.index_cast %add3A_539 : i32 to index
        %get3A_543 = arith.constant 16 : index
        %get3A_544 = tpu.vector_load %arg9[%get3A_541, %get3A_542, %get3A_543] {strides = array<i32>} : memref<2x64x32xi32, #tpu.memory_space<vmem>>, vector<16xi32>,
        %shift_left3A_545 = arith.constant 16 : i32
        %shift_left3A_546 = vector.broadcast %shift_left3A_545 : i32 to vector<16xi32>
        %shift_left3A_547 = arith.shli %get3A_544, %shift_left3A_546 : vector<16xi32>
        %bitcast3A_548 = vector.bitcast %shift_left3A_547 : vector<16xi32> to vector<16xf32>
        %and3A_549 = arith.constant -65536 : i32
        %and3A_550 = vector.broadcast %and3A_549 : i32 to vector<16xi32>
        %and3A_551 = arith.andi %get3A_544, %and3A_550 : vector<16xi32>
        %bitcast3A_552 = vector.bitcast %and3A_551 : vector<16xi32> to vector<16xf32>
        %get3A_553 = arith.constant 0 : i32
        %get3A_554 = arith.index_cast %get3A_553 : i32 to index
        %get3A_555 = arith.index_cast %scan3A_287 : i32 to index
        %get3A_556 = arith.constant 80 : index
        %get3A_557 = tpu.vector_load %arg10[%get3A_554, %get3A_555, %get3A_556] {strides = array<i32>} : memref<2x32x128xi32, #tpu.memory_space<vmem>>, vector<16xi32>,
        %get3A_558 = arith.constant 0 : i32
        %get3A_559 = arith.index_cast %get3A_558 : i32 to index
        %get3A_560 = arith.index_cast %scan3A_287 : i32 to index
        %get3A_561 = arith.constant 112 : index
        %get3A_562 = tpu.vector_load %arg10[%get3A_559, %get3A_560, %get3A_561] {strides = array<i32>} : memref<2x32x128xi32, #tpu.memory_space<vmem>>, vector<16xi32>,
        %shift_left3A_563 = arith.constant 16 : i32
        %shift_left3A_564 = vector.broadcast %shift_left3A_563 : i32 to vector<16xi32>
        %shift_left3A_565 = arith.shli %get3A_557, %shift_left3A_564 : vector<16xi32>
        %bitcast3A_566 = vector.bitcast %shift_left3A_565 : vector<16xi32> to vector<16xf32>
        %add3A_567 = arith.addf %bitcast3A_548, %bitcast3A_566 : vector<16xf32>
        %max3A_568 = arith.constant 0.000000e+00 : f32
        %max3A_569 = vector.broadcast %max3A_568 : f32 to vector<16xf32>
        %max3A_570 = arith.maximumf %add3A_567, %max3A_569 : vector<16xf32>
        %add3A_571 = arith.constant 32 : i32
        %add3A_572 = arith.addi %add3A_571, %scan3A_287 : i32
        %swap3A_573 = arith.constant 0 : i32
        %swap3A_574 = arith.index_cast %swap3A_573 : i32 to index
        %swap3A_575 = arith.index_cast %add3A_572 : i32 to index
        %swap3A_576 = arith.constant 16 : index
        %swap3A_577 = tpu.vector_load %arg11[%swap3A_574, %swap3A_575, %swap3A_576] {strides = array<i32>} : memref<2x64x128xf32, #tpu.memory_space<vmem>>, vector<16xf32>,
        tpu.vector_store %arg11[%swap3A_574, %swap3A_575, %swap3A_576], %max3A_570 {strides = array<i32>} : memref<2x64x128xf32, #tpu.memory_space<vmem>>, vector<16xf32>,
        %shift_left3A_578 = arith.constant 16 : i32
        %shift_left3A_579 = vector.broadcast %shift_left3A_578 : i32 to vector<16xi32>
        %shift_left3A_580 = arith.shli %get3A_562, %shift_left3A_579 : vector<16xi32>
        %bitcast3A_581 = vector.bitcast %shift_left3A_580 : vector<16xi32> to vector<16xf32>
        %add3A_582 = arith.addf %bitcast3A_552, %bitcast3A_581 : vector<16xf32>
        %max3A_583 = arith.constant 0.000000e+00 : f32
        %max3A_584 = vector.broadcast %max3A_583 : f32 to vector<16xf32>
        %max3A_585 = arith.maximumf %add3A_582, %max3A_584 : vector<16xf32>
        %add3A_586 = arith.constant 32 : i32
        %add3A_587 = arith.addi %add3A_586, %scan3A_287 : i32
        %swap3A_588 = arith.constant 0 : i32
        %swap3A_589 = arith.index_cast %swap3A_588 : i32 to index
        %swap3A_590 = arith.index_cast %add3A_587 : i32 to index
        %swap3A_591 = arith.constant 48 : index
        %swap3A_592 = tpu.vector_load %arg11[%swap3A_589, %swap3A_590, %swap3A_591] {strides = array<i32>} : memref<2x64x128xf32, #tpu.memory_space<vmem>>, vector<16xf32>,
        tpu.vector_store %arg11[%swap3A_589, %swap3A_590, %swap3A_591], %max3A_585 {strides = array<i32>} : memref<2x64x128xf32, #tpu.memory_space<vmem>>, vector<16xf32>,
        %and3A_593 = arith.constant -65536 : i32
        %and3A_594 = vector.broadcast %and3A_593 : i32 to vector<16xi32>
        %and3A_595 = arith.andi %get3A_557, %and3A_594 : vector<16xi32>
        %bitcast3A_596 = vector.bitcast %and3A_595 : vector<16xi32> to vector<16xf32>
        %add3A_597 = arith.addf %bitcast3A_548, %bitcast3A_596 : vector<16xf32>
        %max3A_598 = arith.constant 0.000000e+00 : f32
        %max3A_599 = vector.broadcast %max3A_598 : f32 to vector<16xf32>
        %max3A_600 = arith.maximumf %add3A_597, %max3A_599 : vector<16xf32>
        %add3A_601 = arith.constant 32 : i32
        %add3A_602 = arith.addi %add3A_601, %scan3A_287 : i32
        %swap3A_603 = arith.constant 0 : i32
        %swap3A_604 = arith.index_cast %swap3A_603 : i32 to index
        %swap3A_605 = arith.index_cast %add3A_602 : i32 to index
        %swap3A_606 = arith.constant 80 : index
        %swap3A_607 = tpu.vector_load %arg11[%swap3A_604, %swap3A_605, %swap3A_606] {strides = array<i32>} : memref<2x64x128xf32, #tpu.memory_space<vmem>>, vector<16xf32>,
        tpu.vector_store %arg11[%swap3A_604, %swap3A_605, %swap3A_606], %max3A_600 {strides = array<i32>} : memref<2x64x128xf32, #tpu.memory_space<vmem>>, vector<16xf32>,
        %and3A_608 = arith.constant -65536 : i32
        %and3A_609 = vector.broadcast %and3A_608 : i32 to vector<16xi32>
        %and3A_610 = arith.andi %get3A_562, %and3A_609 : vector<16xi32>
        %bitcast3A_611 = vector.bitcast %and3A_610 : vector<16xi32> to vector<16xf32>
        %add3A_612 = arith.addf %bitcast3A_552, %bitcast3A_611 : vector<16xf32>
        %max3A_613 = arith.constant 0.000000e+00 : f32
        %max3A_614 = vector.broadcast %max3A_613 : f32 to vector<16xf32>
        %max3A_615 = arith.maximumf %add3A_612, %max3A_614 : vector<16xf32>
        %add3A_616 = arith.constant 32 : i32
        %add3A_617 = arith.addi %add3A_616, %scan3A_287 : i32
        %swap3A_618 = arith.constant 0 : i32
        %swap3A_619 = arith.index_cast %swap3A_618 : i32 to index
        %swap3A_620 = arith.index_cast %add3A_617 : i32 to index
        %swap3A_621 = arith.constant 112 : index
        %swap3A_622 = tpu.vector_load %arg11[%swap3A_619, %swap3A_620, %swap3A_621] {strides = array<i32>} : memref<2x64x128xf32, #tpu.memory_space<vmem>>, vector<16xf32>,
        tpu.vector_store %arg11[%swap3A_619, %swap3A_620, %swap3A_621], %max3A_615 {strides = array<i32>} : memref<2x64x128xf32, #tpu.memory_space<vmem>>, vector<16xf32>,
      }
      %scan3A_167 = arith.constant 32 : i32
      %rem3A_168 = arith.constant 16 : i32
      %rem3A_169 = arith.remsi %add3A_99, %rem3A_168 : i32
      %jit3A = arith.constant 16 : i32
      %div3A = arith.divsi %add3A_99, %jit3A : i32
      %sign3A = arith.constant 0 : i32
      %sign3A_170 = arith.cmpi sgt, %add3A_99, %sign3A : i32
      %sign3A_171 = arith.extui %sign3A_170 : i1 to i32
      %sign3A_172 = arith.constant 0 : i32
      %sign3A_173 = arith.cmpi slt, %add3A_99, %sign3A_172 : i32
      %sign3A_174 = arith.extui %sign3A_173 : i1 to i32
      %sign3A_175 = arith.subi %sign3A_171, %sign3A_174 : i32
      %sign3A_176 = arith.constant 0 : i32
      %sign3A_177 = arith.cmpi sgt, %jit3A, %sign3A_176 : i32
      %sign3A_178 = arith.extui %sign3A_177 : i1 to i32
      %sign3A_179 = arith.constant 0 : i32
      %sign3A_180 = arith.cmpi slt, %jit3A, %sign3A_179 : i32
      %sign3A_181 = arith.extui %sign3A_180 : i1 to i32
      %sign3A_182 = arith.subi %sign3A_178, %sign3A_181 : i32
      %ne3A = arith.cmpi ne, %sign3A_175, %sign3A_182 : i32
      %rem3A_183 = arith.remsi %add3A_99, %jit3A : i32
      %ne3A_184 = arith.constant 0 : i32
      %ne3A_185 = arith.cmpi ne, %rem3A_183, %ne3A_184 : i32
      %and3A = arith.andi %ne3A, %ne3A_185 : i1
      %sub3A = arith.constant 1 : i32
      %sub3A_186 = arith.subi %div3A, %sub3A : i32
      %select_n3A = arith.select %and3A, %sub3A_186, %div3A : i32
      %rem3A_187 = arith.constant 2 : i32
      %rem3A_188 = arith.remsi %select_n3A, %rem3A_187 : i32
      %dma_start3A_189 = arith.constant 0 : i32
      %dma_start3A_190 = arith.constant 0 : i32
      %dma_start3A_191 = arith.constant 0 : i32
      %dma_start3A_192 = tpu.memref_slice %arg11[%dma_start3A_189, %dma_start3A_190, %dma_start3A_191] : memref<2x64x128xf32, #tpu.memory_space<vmem>> -> memref<1x64x128xf32, #tpu.memory_space<vmem>>
      %dma_start3A_193 = tpu.memref_squeeze %dma_start3A_192 : memref<1x64x128xf32, #tpu.memory_space<vmem>> -> memref<64x128xf32, #tpu.memory_space<vmem>>
      %dma_start3A_194 = arith.constant 0 : i32
      %dma_start3A_195 = tpu.memref_slice %arg8[%rem3A_188, %rem3A_169, %dma_start3A_194] : memref<2x16x64xi32, #tpu.memory_space<vmem>> -> memref<1x1x64xi32, #tpu.memory_space<vmem>>
      %dma_start3A_196 = tpu.memref_squeeze %dma_start3A_195 : memref<1x1x64xi32, #tpu.memory_space<vmem>> -> memref<64xi32, #tpu.memory_space<vmem>>
      %dma_start3A_197 = arith.constant 0 : i32
      %dma_start3A_198 = arith.constant 0 : i32
      %dma_start3A_199 = tpu.memref_slice %arg18[%dma_start3A_197, %dma_start3A_198] : memref<10240x128xf32, #tpu.memory_space<vmem_shared>> -> memref<10240x128xf32, #tpu.memory_space<vmem_shared>>
      tpu.enqueue_indirect_dma source(%dma_start3A_193 : memref<64x128xf32, #tpu.memory_space<vmem>>) target(%dma_start3A_199 : memref<10240x128xf32, #tpu.memory_space<vmem_shared>>) offsets(%dma_start3A_196 : memref<64xi32, #tpu.memory_space<vmem>>) semaphore(%arg16 : memref<!tpu.dma_semaphore, #tpu.memory_space<semaphore_mem>>) {add = true}
      %mul3A_200 = arith.constant 2 : i32
      %mul3A_201 = arith.muli %scan3A_95, %mul3A_200 : i32
      %add3A_202 = arith.constant 1 : i32
      %add3A_203 = arith.addi %mul3A_201, %add3A_202 : i32
      %dma_wait3A_204 = arith.constant 1 : i32
      %dma_wait3A_205 = arith.constant 0 : i32
      %dma_wait3A_206 = arith.constant 0 : i32
      %dma_wait3A_207 = tpu.memref_slice %arg10[%dma_wait3A_204, %dma_wait3A_205, %dma_wait3A_206] : memref<2x32x128xi32, #tpu.memory_space<vmem>> -> memref<1x32x128xi32, #tpu.memory_space<vmem>>
      %dma_wait3A_208 = tpu.memref_squeeze %dma_wait3A_207 : memref<1x32x128xi32, #tpu.memory_space<vmem>> -> memref<32x128xi32, #tpu.memory_space<vmem>>
      %dma_wait3A_209 = arith.constant 0 : i32
      %dma_wait3A_210 = arith.constant 0 : i32
      %dma_wait3A_211 = tpu.memref_slice %arg5[%dma_wait3A_209, %dma_wait3A_210] : memref<163840x128xi32, #tpu.memory_space<hbm>> -> memref<32x128xi32, #tpu.memory_space<hbm>>
      %dma_wait3A_212 = arith.constant 0 : i32
      %dma_wait3A_213 = arith.constant 0 : i32
      %dma_wait3A_214 = tpu.memref_slice %arg10[%dma_wait3A_204, %dma_wait3A_212, %dma_wait3A_213] : memref<2x32x128xi32, #tpu.memory_space<vmem>> -> memref<1x32x128xi32, #tpu.memory_space<vmem>>
      %dma_wait3A_215 = tpu.memref_squeeze %dma_wait3A_214 : memref<1x32x128xi32, #tpu.memory_space<vmem>> -> memref<32x128xi32, #tpu.memory_space<vmem>>
      %dma_wait3A_216 = arith.constant 0 : i32
      %dma_wait3A_217 = arith.constant 0 : i32
      %dma_wait3A_218 = tpu.memref_slice %arg5[%dma_wait3A_216, %dma_wait3A_217] : memref<163840x128xi32, #tpu.memory_space<hbm>> -> memref<32x128xi32, #tpu.memory_space<hbm>>
      tpu.wait_dma2 semaphore(%arg15 : memref<!tpu.dma_semaphore, #tpu.memory_space<semaphore_mem>>) src(%dma_wait3A_218 : memref<32x128xi32, #tpu.memory_space<hbm>>) dst(%dma_wait3A_215 : memref<32x128xi32, #tpu.memory_space<vmem>>)
      %dma_wait3A_219 = arith.constant 0 : i32
      %dma_wait3A_220 = arith.constant 1 : i32
      %dma_wait3A_221 = arith.constant 0 : i32
      %dma_wait3A_222 = arith.constant 0 : i32
      %dma_wait3A_223 = tpu.memref_slice %arg9[%dma_wait3A_220, %dma_wait3A_221, %dma_wait3A_222] : memref<2x64x32xi32, #tpu.memory_space<vmem>> -> memref<1x64x32xi32, #tpu.memory_space<vmem>>
      %dma_wait3A_224 = tpu.memref_squeeze %dma_wait3A_223 : memref<1x64x32xi32, #tpu.memory_space<vmem>> -> memref<64x32xi32, #tpu.memory_space<vmem>>
      %dma_wait3A_225 = arith.constant 0 : i32
      %dma_wait3A_226 = tpu.memref_slice %arg7[%dma_wait3A_219, %dma_wait3A_225] : memref<16x64xi32, #tpu.memory_space<vmem>> -> memref<1x64xi32, #tpu.memory_space<vmem>>
      %dma_wait3A_227 = tpu.memref_squeeze %dma_wait3A_226 : memref<1x64xi32, #tpu.memory_space<vmem>> -> memref<64xi32, #tpu.memory_space<vmem>>
      %dma_wait3A_228 = arith.constant 0 : i32
      %dma_wait3A_229 = arith.constant 0 : i32
      %dma_wait3A_230 = tpu.memref_slice %arg2[%dma_wait3A_228, %dma_wait3A_229] : memref<10000x32xi32, #tpu.memory_space<hbm>> -> memref<10000x32xi32, #tpu.memory_space<hbm>>
      tpu.wait_indirect_dma semaphore(%arg13 : memref<!tpu.dma_semaphore, #tpu.memory_space<semaphore_mem>>) src(%dma_wait3A_230 : memref<10000x32xi32, #tpu.memory_space<hbm>>) dst(%dma_wait3A_224 : memref<64x32xi32, #tpu.memory_space<vmem>>)
      %add3A_231 = arith.constant 1 : i32
      %add3A_232 = arith.addi %add3A_203, %add3A_231 : i32
      %lt3A = arith.constant 160 : i32
      %lt3A_233 = arith.cmpi slt, %add3A_232, %lt3A : i32
      %convert_element_type3A_234 = arith.extui %lt3A_233 : i1 to i32
      %cond3A_235 = arith.constant 0 : i32
      %cond3A_236 = arith.cmpi ne, %convert_element_type3A_234, %cond3A_235 : i32
      scf.if %cond3A_236 {
        %rem3A_287 = arith.constant 16 : i32
        %rem3A_288 = arith.remsi %add3A_232, %rem3A_287 : i32
        %eq3A = arith.constant 0 : i32
        %eq3A_289 = arith.cmpi eq, %rem3A_288, %eq3A : i32
        %convert_element_type3A_290 = arith.extui %eq3A_289 : i1 to i32
        %cond3A_291 = arith.constant 0 : i32
        %cond3A_292 = arith.cmpi ne, %convert_element_type3A_290, %cond3A_291 : i32
        scf.if %cond3A_292 {
          %jit3A_324 = arith.constant 16 : i32
          %div3A_325 = arith.divsi %add3A_232, %jit3A_324 : i32
          %sign3A_326 = arith.constant 0 : i32
          %sign3A_327 = arith.cmpi sgt, %add3A_232, %sign3A_326 : i32
          %sign3A_328 = arith.extui %sign3A_327 : i1 to i32
          %sign3A_329 = arith.constant 0 : i32
          %sign3A_330 = arith.cmpi slt, %add3A_232, %sign3A_329 : i32
          %sign3A_331 = arith.extui %sign3A_330 : i1 to i32
          %sign3A_332 = arith.subi %sign3A_328, %sign3A_331 : i32
          %sign3A_333 = arith.constant 0 : i32
          %sign3A_334 = arith.cmpi sgt, %jit3A_324, %sign3A_333 : i32
          %sign3A_335 = arith.extui %sign3A_334 : i1 to i32
          %sign3A_336 = arith.constant 0 : i32
          %sign3A_337 = arith.cmpi slt, %jit3A_324, %sign3A_336 : i32
          %sign3A_338 = arith.extui %sign3A_337 : i1 to i32
          %sign3A_339 = arith.subi %sign3A_335, %sign3A_338 : i32
          %ne3A_340 = arith.cmpi ne, %sign3A_332, %sign3A_339 : i32
          %rem3A_341 = arith.remsi %add3A_232, %jit3A_324 : i32
          %ne3A_342 = arith.constant 0 : i32
          %ne3A_343 = arith.cmpi ne, %rem3A_341, %ne3A_342 : i32
          %and3A_344 = arith.andi %ne3A_340, %ne3A_343 : i1
          %sub3A_345 = arith.constant 1 : i32
          %sub3A_346 = arith.subi %div3A_325, %sub3A_345 : i32
          %select_n3A_347 = arith.select %and3A_344, %sub3A_346, %div3A_325 : i32
          %mul3A_348 = arith.constant 160 : i32
          %mul3A_349 = arith.muli %add3A, %mul3A_348 : i32
          %mul3A_350 = arith.constant 16 : i32
          %mul3A_351 = arith.muli %select_n3A_347, %mul3A_350 : i32
          %add3A_352 = arith.addi %mul3A_349, %mul3A_351 : i32
          "tpu.region"() ({
            %run_scoped3A = tpu.sem_alloc : memref<!tpu.dma_semaphore, #tpu.memory_space<semaphore_mem>>
            %dma_start3A_360 = arith.constant 0 : i32
            %dma_start3A_361 = tpu.memref_slice %arg3[%add3A_352, %dma_start3A_360] : memref<5120x64xi32, #tpu.memory_space<hbm>> -> memref<16x64xi32, #tpu.memory_space<hbm>>
            %dma_start3A_362 = arith.constant 0 : i32
            %dma_start3A_363 = tpu.memref_slice %arg3[%add3A_352, %dma_start3A_362] : memref<5120x64xi32, #tpu.memory_space<hbm>> -> memref<16x64xi32, #tpu.memory_space<hbm>>
            tpu.enqueue_dma source(%dma_start3A_363 : memref<16x64xi32, #tpu.memory_space<hbm>>) target(%arg7 : memref<16x64xi32, #tpu.memory_space<vmem>>) target_semaphore(%run_scoped3A : memref<!tpu.dma_semaphore, #tpu.memory_space<semaphore_mem>>)
            %dma_wait3A_364 = arith.constant 0 : i32
            %dma_wait3A_365 = tpu.memref_slice %arg3[%add3A_352, %dma_wait3A_364] : memref<5120x64xi32, #tpu.memory_space<hbm>> -> memref<16x64xi32, #tpu.memory_space<hbm>>
            %dma_wait3A_366 = arith.constant 0 : i32
            %dma_wait3A_367 = tpu.memref_slice %arg3[%add3A_352, %dma_wait3A_366] : memref<5120x64xi32, #tpu.memory_space<hbm>> -> memref<16x64xi32, #tpu.memory_space<hbm>>
            tpu.wait_dma2 semaphore(%run_scoped3A : memref<!tpu.dma_semaphore, #tpu.memory_space<semaphore_mem>>) src(%dma_wait3A_367 : memref<16x64xi32, #tpu.memory_space<hbm>>) dst(%arg7 : memref<16x64xi32, #tpu.memory_space<vmem>>)
            tpu.yield
          }) : () -> ()
          %mul3A_353 = arith.constant 160 : i32
          %mul3A_354 = arith.muli %add3A, %mul3A_353 : i32
          %mul3A_355 = arith.constant 16 : i32
          %mul3A_356 = arith.muli %select_n3A_347, %mul3A_355 : i32
          %add3A_357 = arith.addi %mul3A_354, %mul3A_356 : i32
          %rem3A_358 = arith.constant 2 : i32
          %rem3A_359 = arith.remsi %select_n3A_347, %rem3A_358 : i32
          "tpu.region"() ({
            %run_scoped3A = tpu.sem_alloc : memref<!tpu.dma_semaphore, #tpu.memory_space<semaphore_mem>>
            %dma_start3A_360 = arith.constant 0 : i32
            %dma_start3A_361 = arith.constant 0 : i32
            %dma_start3A_362 = tpu.memref_slice %arg8[%rem3A_359, %dma_start3A_360, %dma_start3A_361] : memref<2x16x64xi32, #tpu.memory_space<vmem>> -> memref<1x16x64xi32, #tpu.memory_space<vmem>>
            %dma_start3A_363 = tpu.memref_squeeze %dma_start3A_362 : memref<1x16x64xi32, #tpu.memory_space<vmem>> -> memref<16x64xi32, #tpu.memory_space<vmem>>
            %dma_start3A_364 = arith.constant 0 : i32
            %dma_start3A_365 = tpu.memref_slice %arg4[%add3A_357, %dma_start3A_364] : memref<5120x64xi32, #tpu.memory_space<hbm>> -> memref<16x64xi32, #tpu.memory_space<hbm>>
            %dma_start3A_366 = arith.constant 0 : i32
            %dma_start3A_367 = arith.constant 0 : i32
            %dma_start3A_368 = tpu.memref_slice %arg8[%rem3A_359, %dma_start3A_366, %dma_start3A_367] : memref<2x16x64xi32, #tpu.memory_space<vmem>> -> memref<1x16x64xi32, #tpu.memory_space<vmem>>
            %dma_start3A_369 = tpu.memref_squeeze %dma_start3A_368 : memref<1x16x64xi32, #tpu.memory_space<vmem>> -> memref<16x64xi32, #tpu.memory_space<vmem>>
            %dma_start3A_370 = arith.constant 0 : i32
            %dma_start3A_371 = tpu.memref_slice %arg4[%add3A_357, %dma_start3A_370] : memref<5120x64xi32, #tpu.memory_space<hbm>> -> memref<16x64xi32, #tpu.memory_space<hbm>>
            tpu.enqueue_dma source(%dma_start3A_371 : memref<16x64xi32, #tpu.memory_space<hbm>>) target(%dma_start3A_369 : memref<16x64xi32, #tpu.memory_space<vmem>>) target_semaphore(%run_scoped3A : memref<!tpu.dma_semaphore, #tpu.memory_space<semaphore_mem>>)
            %dma_wait3A_372 = arith.constant 0 : i32
            %dma_wait3A_373 = arith.constant 0 : i32
            %dma_wait3A_374 = tpu.memref_slice %arg8[%rem3A_359, %dma_wait3A_372, %dma_wait3A_373] : memref<2x16x64xi32, #tpu.memory_space<vmem>> -> memref<1x16x64xi32, #tpu.memory_space<vmem>>
            %dma_wait3A_375 = tpu.memref_squeeze %dma_wait3A_374 : memref<1x16x64xi32, #tpu.memory_space<vmem>> -> memref<16x64xi32, #tpu.memory_space<vmem>>
            %dma_wait3A_376 = arith.constant 0 : i32
            %dma_wait3A_377 = tpu.memref_slice %arg4[%add3A_357, %dma_wait3A_376] : memref<5120x64xi32, #tpu.memory_space<hbm>> -> memref<16x64xi32, #tpu.memory_space<hbm>>
            %dma_wait3A_378 = arith.constant 0 : i32
            %dma_wait3A_379 = arith.constant 0 : i32
            %dma_wait3A_380 = tpu.memref_slice %arg8[%rem3A_359, %dma_wait3A_378, %dma_wait3A_379] : memref<2x16x64xi32, #tpu.memory_space<vmem>> -> memref<1x16x64xi32, #tpu.memory_space<vmem>>
            %dma_wait3A_381 = tpu.memref_squeeze %dma_wait3A_380 : memref<1x16x64xi32, #tpu.memory_space<vmem>> -> memref<16x64xi32, #tpu.memory_space<vmem>>
            %dma_wait3A_382 = arith.constant 0 : i32
            %dma_wait3A_383 = tpu.memref_slice %arg4[%add3A_357, %dma_wait3A_382] : memref<5120x64xi32, #tpu.memory_space<hbm>> -> memref<16x64xi32, #tpu.memory_space<hbm>>
            tpu.wait_dma2 semaphore(%run_scoped3A : memref<!tpu.dma_semaphore, #tpu.memory_space<semaphore_mem>>) src(%dma_wait3A_383 : memref<16x64xi32, #tpu.memory_space<hbm>>) dst(%dma_wait3A_381 : memref<16x64xi32, #tpu.memory_space<vmem>>)
            tpu.yield
          }) : () -> ()
        } else {
        }
        %rem3A_293 = arith.constant 16 : i32
        %rem3A_294 = arith.remsi %add3A_232, %rem3A_293 : i32
        %mul3A_295 = arith.constant 160 : i32
        %mul3A_296 = arith.muli %add3A, %mul3A_295 : i32
        %add3A_297 = arith.addi %mul3A_296, %add3A_232 : i32
        %mul3A_298 = arith.constant 32 : i32
        %mul3A_299 = arith.muli %add3A_297, %mul3A_298 : i32
        %dma_start3A_300 = arith.constant 0 : i32
        %dma_start3A_301 = arith.constant 0 : i32
        %dma_start3A_302 = arith.constant 0 : i32
        %dma_start3A_303 = tpu.memref_slice %arg10[%dma_start3A_300, %dma_start3A_301, %dma_start3A_302] : memref<2x32x128xi32, #tpu.memory_space<vmem>> -> memref<1x32x128xi32, #tpu.memory_space<vmem>>
        %dma_start3A_304 = tpu.memref_squeeze %dma_start3A_303 : memref<1x32x128xi32, #tpu.memory_space<vmem>> -> memref<32x128xi32, #tpu.memory_space<vmem>>
        %dma_start3A_305 = arith.constant 0 : i32
        %dma_start3A_306 = tpu.memref_slice %arg5[%mul3A_299, %dma_start3A_305] : memref<163840x128xi32, #tpu.memory_space<hbm>> -> memref<32x128xi32, #tpu.memory_space<hbm>>
        %dma_start3A_307 = arith.constant 0 : i32
        %dma_start3A_308 = arith.constant 0 : i32
        %dma_start3A_309 = tpu.memref_slice %arg10[%dma_start3A_300, %dma_start3A_307, %dma_start3A_308] : memref<2x32x128xi32, #tpu.memory_space<vmem>> -> memref<1x32x128xi32, #tpu.memory_space<vmem>>
        %dma_start3A_310 = tpu.memref_squeeze %dma_start3A_309 : memref<1x32x128xi32, #tpu.memory_space<vmem>> -> memref<32x128xi32, #tpu.memory_space<vmem>>
        %dma_start3A_311 = arith.constant 0 : i32
        %dma_start3A_312 = tpu.memref_slice %arg5[%mul3A_299, %dma_start3A_311] : memref<163840x128xi32, #tpu.memory_space<hbm>> -> memref<32x128xi32, #tpu.memory_space<hbm>>
        tpu.enqueue_dma source(%dma_start3A_312 : memref<32x128xi32, #tpu.memory_space<hbm>>) target(%dma_start3A_310 : memref<32x128xi32, #tpu.memory_space<vmem>>) target_semaphore(%arg14 : memref<!tpu.dma_semaphore, #tpu.memory_space<semaphore_mem>>)
        %dma_start3A_313 = arith.constant 0 : i32
        %dma_start3A_314 = arith.constant 0 : i32
        %dma_start3A_315 = arith.constant 0 : i32
        %dma_start3A_316 = tpu.memref_slice %arg9[%dma_start3A_313, %dma_start3A_314, %dma_start3A_315] : memref<2x64x32xi32, #tpu.memory_space<vmem>> -> memref<1x64x32xi32, #tpu.memory_space<vmem>>
        %dma_start3A_317 = tpu.memref_squeeze %dma_start3A_316 : memref<1x64x32xi32, #tpu.memory_space<vmem>> -> memref<64x32xi32, #tpu.memory_space<vmem>>
        %dma_start3A_318 = arith.constant 0 : i32
        %dma_start3A_319 = tpu.memref_slice %arg7[%rem3A_294, %dma_start3A_318] : memref<16x64xi32, #tpu.memory_space<vmem>> -> memref<1x64xi32, #tpu.memory_space<vmem>>
        %dma_start3A_320 = tpu.memref_squeeze %dma_start3A_319 : memref<1x64xi32, #tpu.memory_space<vmem>> -> memref<64xi32, #tpu.memory_space<vmem>>
        %dma_start3A_321 = arith.constant 0 : i32
        %dma_start3A_322 = arith.constant 0 : i32
        %dma_start3A_323 = tpu.memref_slice %arg2[%dma_start3A_321, %dma_start3A_322] : memref<10000x32xi32, #tpu.memory_space<hbm>> -> memref<10000x32xi32, #tpu.memory_space<hbm>>
        tpu.enqueue_indirect_dma source(%dma_start3A_323 : memref<10000x32xi32, #tpu.memory_space<hbm>>) target(%dma_start3A_317 : memref<64x32xi32, #tpu.memory_space<vmem>>) offsets(%dma_start3A_320 : memref<64xi32, #tpu.memory_space<vmem>>) semaphore(%arg12 : memref<!tpu.dma_semaphore, #tpu.memory_space<semaphore_mem>>)
      } else {
      }
      %ge3A_237 = arith.constant 2 : i32
      %ge3A_238 = arith.cmpi sge, %add3A_203, %ge3A_237 : i32
      %convert_element_type3A_239 = arith.extui %ge3A_238 : i1 to i32
      %cond3A_240 = arith.constant 0 : i32
      %cond3A_241 = arith.cmpi ne, %convert_element_type3A_239, %cond3A_240 : i32
      scf.if %cond3A_241 {
        %dma_wait3A_287 = arith.constant 1 : i32
        %dma_wait3A_288 = arith.constant 0 : i32
        %dma_wait3A_289 = arith.constant 0 : i32
        %dma_wait3A_290 = arith.constant 0 : i32
        %dma_wait3A_291 = arith.constant 0 : i32
        %dma_wait3A_292 = tpu.memref_slice %arg11[%dma_wait3A_287, %dma_wait3A_290, %dma_wait3A_291] : memref<2x64x128xf32, #tpu.memory_space<vmem>> -> memref<1x64x128xf32, #tpu.memory_space<vmem>>
        %dma_wait3A_293 = tpu.memref_squeeze %dma_wait3A_292 : memref<1x64x128xf32, #tpu.memory_space<vmem>> -> memref<64x128xf32, #tpu.memory_space<vmem>>
        %dma_wait3A_294 = arith.constant 0 : i32
        %dma_wait3A_295 = tpu.memref_slice %arg8[%dma_wait3A_288, %dma_wait3A_289, %dma_wait3A_294] : memref<2x16x64xi32, #tpu.memory_space<vmem>> -> memref<1x1x64xi32, #tpu.memory_space<vmem>>
        %dma_wait3A_296 = tpu.memref_squeeze %dma_wait3A_295 : memref<1x1x64xi32, #tpu.memory_space<vmem>> -> memref<64xi32, #tpu.memory_space<vmem>>
        %dma_wait3A_297 = arith.constant 0 : i32
        %dma_wait3A_298 = arith.constant 0 : i32
        %dma_wait3A_299 = tpu.memref_slice %arg18[%dma_wait3A_297, %dma_wait3A_298] : memref<10240x128xf32, #tpu.memory_space<vmem_shared>> -> memref<10240x128xf32, #tpu.memory_space<vmem_shared>>
        tpu.wait_indirect_dma semaphore(%arg17 : memref<!tpu.dma_semaphore, #tpu.memory_space<semaphore_mem>>) src(%dma_wait3A_293 : memref<64x128xf32, #tpu.memory_space<vmem>>) dst(%dma_wait3A_299 : memref<10240x128xf32, #tpu.memory_space<vmem_shared>>)
      } else {
      }
      %scan3A_242 = arith.constant 0 : i32
      %scan3A_243 = arith.constant 0 : i32
      %scan3A_244 = arith.constant 32 : i32
      %scan3A_245 = arith.addi %scan3A_243, %scan3A_244 : i32
      %scan3A_246 = arith.constant 1 : i32
      scf.for %scan3A_287 = %scan3A_243 to %scan3A_245 step %scan3A_246  : i32 {
        %add3A_288 = arith.constant 0 : i32
        %add3A_289 = arith.addi %add3A_288, %scan3A_287 : i32
        %get3A = arith.constant 1 : i32
        %get3A_290 = arith.index_cast %get3A : i32 to index
        %get3A_291 = arith.index_cast %add3A_289 : i32 to index
        %get3A_292 = arith.constant 0 : index
        %get3A_293 = tpu.vector_load %arg9[%get3A_290, %get3A_291, %get3A_292] {strides = array<i32>} : memref<2x64x32xi32, #tpu.memory_space<vmem>>, vector<16xi32>,
        %shift_left3A = arith.constant 16 : i32
        %shift_left3A_294 = vector.broadcast %shift_left3A : i32 to vector<16xi32>
        %shift_left3A_295 = arith.shli %get3A_293, %shift_left3A_294 : vector<16xi32>
        %bitcast3A = vector.bitcast %shift_left3A_295 : vector<16xi32> to vector<16xf32>
        %and3A_296 = arith.constant -65536 : i32
        %and3A_297 = vector.broadcast %and3A_296 : i32 to vector<16xi32>
        %and3A_298 = arith.andi %get3A_293, %and3A_297 : vector<16xi32>
        %bitcast3A_299 = vector.bitcast %and3A_298 : vector<16xi32> to vector<16xf32>
        %get3A_300 = arith.constant 1 : i32
        %get3A_301 = arith.index_cast %get3A_300 : i32 to index
        %get3A_302 = arith.index_cast %scan3A_287 : i32 to index
        %get3A_303 = arith.constant 0 : index
        %get3A_304 = tpu.vector_load %arg10[%get3A_301, %get3A_302, %get3A_303] {strides = array<i32>} : memref<2x32x128xi32, #tpu.memory_space<vmem>>, vector<16xi32>,
        %get3A_305 = arith.constant 1 : i32
        %get3A_306 = arith.index_cast %get3A_305 : i32 to index
        %get3A_307 = arith.index_cast %scan3A_287 : i32 to index
        %get3A_308 = arith.constant 32 : index
        %get3A_309 = tpu.vector_load %arg10[%get3A_306, %get3A_307, %get3A_308] {strides = array<i32>} : memref<2x32x128xi32, #tpu.memory_space<vmem>>, vector<16xi32>,
        %shift_left3A_310 = arith.constant 16 : i32
        %shift_left3A_311 = vector.broadcast %shift_left3A_310 : i32 to vector<16xi32>
        %shift_left3A_312 = arith.shli %get3A_304, %shift_left3A_311 : vector<16xi32>
        %bitcast3A_313 = vector.bitcast %shift_left3A_312 : vector<16xi32> to vector<16xf32>
        %add3A_314 = arith.addf %bitcast3A, %bitcast3A_313 : vector<16xf32>
        %max3A = arith.constant 0.000000e+00 : f32
        %max3A_315 = vector.broadcast %max3A : f32 to vector<16xf32>
        %max3A_316 = arith.maximumf %add3A_314, %max3A_315 : vector<16xf32>
        %add3A_317 = arith.constant 0 : i32
        %add3A_318 = arith.addi %add3A_317, %scan3A_287 : i32
        %swap3A = arith.constant 1 : i32
        %swap3A_319 = arith.index_cast %swap3A : i32 to index
        %swap3A_320 = arith.index_cast %add3A_318 : i32 to index
        %swap3A_321 = arith.constant 0 : index
        %swap3A_322 = tpu.vector_load %arg11[%swap3A_319, %swap3A_320, %swap3A_321] {strides = array<i32>} : memref<2x64x128xf32, #tpu.memory_space<vmem>>, vector<16xf32>,
        tpu.vector_store %arg11[%swap3A_319, %swap3A_320, %swap3A_321], %max3A_316 {strides = array<i32>} : memref<2x64x128xf32, #tpu.memory_space<vmem>>, vector<16xf32>,
        %shift_left3A_323 = arith.constant 16 : i32
        %shift_left3A_324 = vector.broadcast %shift_left3A_323 : i32 to vector<16xi32>
        %shift_left3A_325 = arith.shli %get3A_309, %shift_left3A_324 : vector<16xi32>
        %bitcast3A_326 = vector.bitcast %shift_left3A_325 : vector<16xi32> to vector<16xf32>
        %add3A_327 = arith.addf %bitcast3A_299, %bitcast3A_326 : vector<16xf32>
        %max3A_328 = arith.constant 0.000000e+00 : f32
        %max3A_329 = vector.broadcast %max3A_328 : f32 to vector<16xf32>
        %max3A_330 = arith.maximumf %add3A_327, %max3A_329 : vector<16xf32>
        %add3A_331 = arith.constant 0 : i32
        %add3A_332 = arith.addi %add3A_331, %scan3A_287 : i32
        %swap3A_333 = arith.constant 1 : i32
        %swap3A_334 = arith.index_cast %swap3A_333 : i32 to index
        %swap3A_335 = arith.index_cast %add3A_332 : i32 to index
        %swap3A_336 = arith.constant 32 : index
        %swap3A_337 = tpu.vector_load %arg11[%swap3A_334, %swap3A_335, %swap3A_336] {strides = array<i32>} : memref<2x64x128xf32, #tpu.memory_space<vmem>>, vector<16xf32>,
        tpu.vector_store %arg11[%swap3A_334, %swap3A_335, %swap3A_336], %max3A_330 {strides = array<i32>} : memref<2x64x128xf32, #tpu.memory_space<vmem>>, vector<16xf32>,
        %and3A_338 = arith.constant -65536 : i32
        %and3A_339 = vector.broadcast %and3A_338 : i32 to vector<16xi32>
        %and3A_340 = arith.andi %get3A_304, %and3A_339 : vector<16xi32>
        %bitcast3A_341 = vector.bitcast %and3A_340 : vector<16xi32> to vector<16xf32>
        %add3A_342 = arith.addf %bitcast3A, %bitcast3A_341 : vector<16xf32>
        %max3A_343 = arith.constant 0.000000e+00 : f32
        %max3A_344 = vector.broadcast %max3A_343 : f32 to vector<16xf32>
        %max3A_345 = arith.maximumf %add3A_342, %max3A_344 : vector<16xf32>
        %add3A_346 = arith.constant 0 : i32
        %add3A_347 = arith.addi %add3A_346, %scan3A_287 : i32
        %swap3A_348 = arith.constant 1 : i32
        %swap3A_349 = arith.index_cast %swap3A_348 : i32 to index
        %swap3A_350 = arith.index_cast %add3A_347 : i32 to index
        %swap3A_351 = arith.constant 64 : index
        %swap3A_352 = tpu.vector_load %arg11[%swap3A_349, %swap3A_350, %swap3A_351] {strides = array<i32>} : memref<2x64x128xf32, #tpu.memory_space<vmem>>, vector<16xf32>,
        tpu.vector_store %arg11[%swap3A_349, %swap3A_350, %swap3A_351], %max3A_345 {strides = array<i32>} : memref<2x64x128xf32, #tpu.memory_space<vmem>>, vector<16xf32>,
        %and3A_353 = arith.constant -65536 : i32
        %and3A_354 = vector.broadcast %and3A_353 : i32 to vector<16xi32>
        %and3A_355 = arith.andi %get3A_309, %and3A_354 : vector<16xi32>
        %bitcast3A_356 = vector.bitcast %and3A_355 : vector<16xi32> to vector<16xf32>
        %add3A_357 = arith.addf %bitcast3A_299, %bitcast3A_356 : vector<16xf32>
        %max3A_358 = arith.constant 0.000000e+00 : f32
        %max3A_359 = vector.broadcast %max3A_358 : f32 to vector<16xf32>
        %max3A_360 = arith.maximumf %add3A_357, %max3A_359 : vector<16xf32>
        %add3A_361 = arith.constant 0 : i32
        %add3A_362 = arith.addi %add3A_361, %scan3A_287 : i32
        %swap3A_363 = arith.constant 1 : i32
        %swap3A_364 = arith.index_cast %swap3A_363 : i32 to index
        %swap3A_365 = arith.index_cast %add3A_362 : i32 to index
        %swap3A_366 = arith.constant 96 : index
        %swap3A_367 = tpu.vector_load %arg11[%swap3A_364, %swap3A_365, %swap3A_366] {strides = array<i32>} : memref<2x64x128xf32, #tpu.memory_space<vmem>>, vector<16xf32>,
        tpu.vector_store %arg11[%swap3A_364, %swap3A_365, %swap3A_366], %max3A_360 {strides = array<i32>} : memref<2x64x128xf32, #tpu.memory_space<vmem>>, vector<16xf32>,
        %add3A_368 = arith.constant 0 : i32
        %add3A_369 = arith.addi %add3A_368, %scan3A_287 : i32
        %get3A_370 = arith.constant 1 : i32
        %get3A_371 = arith.index_cast %get3A_370 : i32 to index
        %get3A_372 = arith.index_cast %add3A_369 : i32 to index
        %get3A_373 = arith.constant 16 : index
        %get3A_374 = tpu.vector_load %arg9[%get3A_371, %get3A_372, %get3A_373] {strides = array<i32>} : memref<2x64x32xi32, #tpu.memory_space<vmem>>, vector<16xi32>,
        %shift_left3A_375 = arith.constant 16 : i32
        %shift_left3A_376 = vector.broadcast %shift_left3A_375 : i32 to vector<16xi32>
        %shift_left3A_377 = arith.shli %get3A_374, %shift_left3A_376 : vector<16xi32>
        %bitcast3A_378 = vector.bitcast %shift_left3A_377 : vector<16xi32> to vector<16xf32>
        %and3A_379 = arith.constant -65536 : i32
        %and3A_380 = vector.broadcast %and3A_379 : i32 to vector<16xi32>
        %and3A_381 = arith.andi %get3A_374, %and3A_380 : vector<16xi32>
        %bitcast3A_382 = vector.bitcast %and3A_381 : vector<16xi32> to vector<16xf32>
        %get3A_383 = arith.constant 1 : i32
        %get3A_384 = arith.index_cast %get3A_383 : i32 to index
        %get3A_385 = arith.index_cast %scan3A_287 : i32 to index
        %get3A_386 = arith.constant 16 : index
        %get3A_387 = tpu.vector_load %arg10[%get3A_384, %get3A_385, %get3A_386] {strides = array<i32>} : memref<2x32x128xi32, #tpu.memory_space<vmem>>, vector<16xi32>,
        %get3A_388 = arith.constant 1 : i32
        %get3A_389 = arith.index_cast %get3A_388 : i32 to index
        %get3A_390 = arith.index_cast %scan3A_287 : i32 to index
        %get3A_391 = arith.constant 48 : index
        %get3A_392 = tpu.vector_load %arg10[%get3A_389, %get3A_390, %get3A_391] {strides = array<i32>} : memref<2x32x128xi32, #tpu.memory_space<vmem>>, vector<16xi32>,
        %shift_left3A_393 = arith.constant 16 : i32
        %shift_left3A_394 = vector.broadcast %shift_left3A_393 : i32 to vector<16xi32>
        %shift_left3A_395 = arith.shli %get3A_387, %shift_left3A_394 : vector<16xi32>
        %bitcast3A_396 = vector.bitcast %shift_left3A_395 : vector<16xi32> to vector<16xf32>
        %add3A_397 = arith.addf %bitcast3A_378, %bitcast3A_396 : vector<16xf32>
        %max3A_398 = arith.constant 0.000000e+00 : f32
        %max3A_399 = vector.broadcast %max3A_398 : f32 to vector<16xf32>
        %max3A_400 = arith.maximumf %add3A_397, %max3A_399 : vector<16xf32>
        %add3A_401 = arith.constant 0 : i32
        %add3A_402 = arith.addi %add3A_401, %scan3A_287 : i32
        %swap3A_403 = arith.constant 1 : i32
        %swap3A_404 = arith.index_cast %swap3A_403 : i32 to index
        %swap3A_405 = arith.index_cast %add3A_402 : i32 to index
        %swap3A_406 = arith.constant 16 : index
        %swap3A_407 = tpu.vector_load %arg11[%swap3A_404, %swap3A_405, %swap3A_406] {strides = array<i32>} : memref<2x64x128xf32, #tpu.memory_space<vmem>>, vector<16xf32>,
        tpu.vector_store %arg11[%swap3A_404, %swap3A_405, %swap3A_406], %max3A_400 {strides = array<i32>} : memref<2x64x128xf32, #tpu.memory_space<vmem>>, vector<16xf32>,
        %shift_left3A_408 = arith.constant 16 : i32
        %shift_left3A_409 = vector.broadcast %shift_left3A_408 : i32 to vector<16xi32>
        %shift_left3A_410 = arith.shli %get3A_392, %shift_left3A_409 : vector<16xi32>
        %bitcast3A_411 = vector.bitcast %shift_left3A_410 : vector<16xi32> to vector<16xf32>
        %add3A_412 = arith.addf %bitcast3A_382, %bitcast3A_411 : vector<16xf32>
        %max3A_413 = arith.constant 0.000000e+00 : f32
        %max3A_414 = vector.broadcast %max3A_413 : f32 to vector<16xf32>
        %max3A_415 = arith.maximumf %add3A_412, %max3A_414 : vector<16xf32>
        %add3A_416 = arith.constant 0 : i32
        %add3A_417 = arith.addi %add3A_416, %scan3A_287 : i32
        %swap3A_418 = arith.constant 1 : i32
        %swap3A_419 = arith.index_cast %swap3A_418 : i32 to index
        %swap3A_420 = arith.index_cast %add3A_417 : i32 to index
        %swap3A_421 = arith.constant 48 : index
        %swap3A_422 = tpu.vector_load %arg11[%swap3A_419, %swap3A_420, %swap3A_421] {strides = array<i32>} : memref<2x64x128xf32, #tpu.memory_space<vmem>>, vector<16xf32>,
        tpu.vector_store %arg11[%swap3A_419, %swap3A_420, %swap3A_421], %max3A_415 {strides = array<i32>} : memref<2x64x128xf32, #tpu.memory_space<vmem>>, vector<16xf32>,
        %and3A_423 = arith.constant -65536 : i32
        %and3A_424 = vector.broadcast %and3A_423 : i32 to vector<16xi32>
        %and3A_425 = arith.andi %get3A_387, %and3A_424 : vector<16xi32>
        %bitcast3A_426 = vector.bitcast %and3A_425 : vector<16xi32> to vector<16xf32>
        %add3A_427 = arith.addf %bitcast3A_378, %bitcast3A_426 : vector<16xf32>
        %max3A_428 = arith.constant 0.000000e+00 : f32
        %max3A_429 = vector.broadcast %max3A_428 : f32 to vector<16xf32>
        %max3A_430 = arith.maximumf %add3A_427, %max3A_429 : vector<16xf32>
        %add3A_431 = arith.constant 0 : i32
        %add3A_432 = arith.addi %add3A_431, %scan3A_287 : i32
        %swap3A_433 = arith.constant 1 : i32
        %swap3A_434 = arith.index_cast %swap3A_433 : i32 to index
        %swap3A_435 = arith.index_cast %add3A_432 : i32 to index
        %swap3A_436 = arith.constant 80 : index
        %swap3A_437 = tpu.vector_load %arg11[%swap3A_434, %swap3A_435, %swap3A_436] {strides = array<i32>} : memref<2x64x128xf32, #tpu.memory_space<vmem>>, vector<16xf32>,
        tpu.vector_store %arg11[%swap3A_434, %swap3A_435, %swap3A_436], %max3A_430 {strides = array<i32>} : memref<2x64x128xf32, #tpu.memory_space<vmem>>, vector<16xf32>,
        %and3A_438 = arith.constant -65536 : i32
        %and3A_439 = vector.broadcast %and3A_438 : i32 to vector<16xi32>
        %and3A_440 = arith.andi %get3A_392, %and3A_439 : vector<16xi32>
        %bitcast3A_441 = vector.bitcast %and3A_440 : vector<16xi32> to vector<16xf32>
        %add3A_442 = arith.addf %bitcast3A_382, %bitcast3A_441 : vector<16xf32>
        %max3A_443 = arith.constant 0.000000e+00 : f32
        %max3A_444 = vector.broadcast %max3A_443 : f32 to vector<16xf32>
        %max3A_445 = arith.maximumf %add3A_442, %max3A_444 : vector<16xf32>
        %add3A_446 = arith.constant 0 : i32
        %add3A_447 = arith.addi %add3A_446, %scan3A_287 : i32
        %swap3A_448 = arith.constant 1 : i32
        %swap3A_449 = arith.index_cast %swap3A_448 : i32 to index
        %swap3A_450 = arith.index_cast %add3A_447 : i32 to index
        %swap3A_451 = arith.constant 112 : index
        %swap3A_452 = tpu.vector_load %arg11[%swap3A_449, %swap3A_450, %swap3A_451] {strides = array<i32>} : memref<2x64x128xf32, #tpu.memory_space<vmem>>, vector<16xf32>,
        tpu.vector_store %arg11[%swap3A_449, %swap3A_450, %swap3A_451], %max3A_445 {strides = array<i32>} : memref<2x64x128xf32, #tpu.memory_space<vmem>>, vector<16xf32>,
        %add3A_453 = arith.constant 32 : i32
        %add3A_454 = arith.addi %add3A_453, %scan3A_287 : i32
        %get3A_455 = arith.constant 1 : i32
        %get3A_456 = arith.index_cast %get3A_455 : i32 to index
        %get3A_457 = arith.index_cast %add3A_454 : i32 to index
        %get3A_458 = arith.constant 0 : index
        %get3A_459 = tpu.vector_load %arg9[%get3A_456, %get3A_457, %get3A_458] {strides = array<i32>} : memref<2x64x32xi32, #tpu.memory_space<vmem>>, vector<16xi32>,
        %shift_left3A_460 = arith.constant 16 : i32
        %shift_left3A_461 = vector.broadcast %shift_left3A_460 : i32 to vector<16xi32>
        %shift_left3A_462 = arith.shli %get3A_459, %shift_left3A_461 : vector<16xi32>
        %bitcast3A_463 = vector.bitcast %shift_left3A_462 : vector<16xi32> to vector<16xf32>
        %and3A_464 = arith.constant -65536 : i32
        %and3A_465 = vector.broadcast %and3A_464 : i32 to vector<16xi32>
        %and3A_466 = arith.andi %get3A_459, %and3A_465 : vector<16xi32>
        %bitcast3A_467 = vector.bitcast %and3A_466 : vector<16xi32> to vector<16xf32>
        %get3A_468 = arith.constant 1 : i32
        %get3A_469 = arith.index_cast %get3A_468 : i32 to index
        %get3A_470 = arith.index_cast %scan3A_287 : i32 to index
        %get3A_471 = arith.constant 64 : index
        %get3A_472 = tpu.vector_load %arg10[%get3A_469, %get3A_470, %get3A_471] {strides = array<i32>} : memref<2x32x128xi32, #tpu.memory_space<vmem>>, vector<16xi32>,
        %get3A_473 = arith.constant 1 : i32
        %get3A_474 = arith.index_cast %get3A_473 : i32 to index
        %get3A_475 = arith.index_cast %scan3A_287 : i32 to index
        %get3A_476 = arith.constant 96 : index
        %get3A_477 = tpu.vector_load %arg10[%get3A_474, %get3A_475, %get3A_476] {strides = array<i32>} : memref<2x32x128xi32, #tpu.memory_space<vmem>>, vector<16xi32>,
        %shift_left3A_478 = arith.constant 16 : i32
        %shift_left3A_479 = vector.broadcast %shift_left3A_478 : i32 to vector<16xi32>
        %shift_left3A_480 = arith.shli %get3A_472, %shift_left3A_479 : vector<16xi32>
        %bitcast3A_481 = vector.bitcast %shift_left3A_480 : vector<16xi32> to vector<16xf32>
        %add3A_482 = arith.addf %bitcast3A_463, %bitcast3A_481 : vector<16xf32>
        %max3A_483 = arith.constant 0.000000e+00 : f32
        %max3A_484 = vector.broadcast %max3A_483 : f32 to vector<16xf32>
        %max3A_485 = arith.maximumf %add3A_482, %max3A_484 : vector<16xf32>
        %add3A_486 = arith.constant 32 : i32
        %add3A_487 = arith.addi %add3A_486, %scan3A_287 : i32
        %swap3A_488 = arith.constant 1 : i32
        %swap3A_489 = arith.index_cast %swap3A_488 : i32 to index
        %swap3A_490 = arith.index_cast %add3A_487 : i32 to index
        %swap3A_491 = arith.constant 0 : index
        %swap3A_492 = tpu.vector_load %arg11[%swap3A_489, %swap3A_490, %swap3A_491] {strides = array<i32>} : memref<2x64x128xf32, #tpu.memory_space<vmem>>, vector<16xf32>,
        tpu.vector_store %arg11[%swap3A_489, %swap3A_490, %swap3A_491], %max3A_485 {strides = array<i32>} : memref<2x64x128xf32, #tpu.memory_space<vmem>>, vector<16xf32>,
        %shift_left3A_493 = arith.constant 16 : i32
        %shift_left3A_494 = vector.broadcast %shift_left3A_493 : i32 to vector<16xi32>
        %shift_left3A_495 = arith.shli %get3A_477, %shift_left3A_494 : vector<16xi32>
        %bitcast3A_496 = vector.bitcast %shift_left3A_495 : vector<16xi32> to vector<16xf32>
        %add3A_497 = arith.addf %bitcast3A_467, %bitcast3A_496 : vector<16xf32>
        %max3A_498 = arith.constant 0.000000e+00 : f32
        %max3A_499 = vector.broadcast %max3A_498 : f32 to vector<16xf32>
        %max3A_500 = arith.maximumf %add3A_497, %max3A_499 : vector<16xf32>
        %add3A_501 = arith.constant 32 : i32
        %add3A_502 = arith.addi %add3A_501, %scan3A_287 : i32
        %swap3A_503 = arith.constant 1 : i32
        %swap3A_504 = arith.index_cast %swap3A_503 : i32 to index
        %swap3A_505 = arith.index_cast %add3A_502 : i32 to index
        %swap3A_506 = arith.constant 32 : index
        %swap3A_507 = tpu.vector_load %arg11[%swap3A_504, %swap3A_505, %swap3A_506] {strides = array<i32>} : memref<2x64x128xf32, #tpu.memory_space<vmem>>, vector<16xf32>,
        tpu.vector_store %arg11[%swap3A_504, %swap3A_505, %swap3A_506], %max3A_500 {strides = array<i32>} : memref<2x64x128xf32, #tpu.memory_space<vmem>>, vector<16xf32>,
        %and3A_508 = arith.constant -65536 : i32
        %and3A_509 = vector.broadcast %and3A_508 : i32 to vector<16xi32>
        %and3A_510 = arith.andi %get3A_472, %and3A_509 : vector<16xi32>
        %bitcast3A_511 = vector.bitcast %and3A_510 : vector<16xi32> to vector<16xf32>
        %add3A_512 = arith.addf %bitcast3A_463, %bitcast3A_511 : vector<16xf32>
        %max3A_513 = arith.constant 0.000000e+00 : f32
        %max3A_514 = vector.broadcast %max3A_513 : f32 to vector<16xf32>
        %max3A_515 = arith.maximumf %add3A_512, %max3A_514 : vector<16xf32>
        %add3A_516 = arith.constant 32 : i32
        %add3A_517 = arith.addi %add3A_516, %scan3A_287 : i32
        %swap3A_518 = arith.constant 1 : i32
        %swap3A_519 = arith.index_cast %swap3A_518 : i32 to index
        %swap3A_520 = arith.index_cast %add3A_517 : i32 to index
        %swap3A_521 = arith.constant 64 : index
        %swap3A_522 = tpu.vector_load %arg11[%swap3A_519, %swap3A_520, %swap3A_521] {strides = array<i32>} : memref<2x64x128xf32, #tpu.memory_space<vmem>>, vector<16xf32>,
        tpu.vector_store %arg11[%swap3A_519, %swap3A_520, %swap3A_521], %max3A_515 {strides = array<i32>} : memref<2x64x128xf32, #tpu.memory_space<vmem>>, vector<16xf32>,
        %and3A_523 = arith.constant -65536 : i32
        %and3A_524 = vector.broadcast %and3A_523 : i32 to vector<16xi32>
        %and3A_525 = arith.andi %get3A_477, %and3A_524 : vector<16xi32>
        %bitcast3A_526 = vector.bitcast %and3A_525 : vector<16xi32> to vector<16xf32>
        %add3A_527 = arith.addf %bitcast3A_467, %bitcast3A_526 : vector<16xf32>
        %max3A_528 = arith.constant 0.000000e+00 : f32
        %max3A_529 = vector.broadcast %max3A_528 : f32 to vector<16xf32>
        %max3A_530 = arith.maximumf %add3A_527, %max3A_529 : vector<16xf32>
        %add3A_531 = arith.constant 32 : i32
        %add3A_532 = arith.addi %add3A_531, %scan3A_287 : i32
        %swap3A_533 = arith.constant 1 : i32
        %swap3A_534 = arith.index_cast %swap3A_533 : i32 to index
        %swap3A_535 = arith.index_cast %add3A_532 : i32 to index
        %swap3A_536 = arith.constant 96 : index
        %swap3A_537 = tpu.vector_load %arg11[%swap3A_534, %swap3A_535, %swap3A_536] {strides = array<i32>} : memref<2x64x128xf32, #tpu.memory_space<vmem>>, vector<16xf32>,
        tpu.vector_store %arg11[%swap3A_534, %swap3A_535, %swap3A_536], %max3A_530 {strides = array<i32>} : memref<2x64x128xf32, #tpu.memory_space<vmem>>, vector<16xf32>,
        %add3A_538 = arith.constant 32 : i32
        %add3A_539 = arith.addi %add3A_538, %scan3A_287 : i32
        %get3A_540 = arith.constant 1 : i32
        %get3A_541 = arith.index_cast %get3A_540 : i32 to index
        %get3A_542 = arith.index_cast %add3A_539 : i32 to index
        %get3A_543 = arith.constant 16 : index
        %get3A_544 = tpu.vector_load %arg9[%get3A_541, %get3A_542, %get3A_543] {strides = array<i32>} : memref<2x64x32xi32, #tpu.memory_space<vmem>>, vector<16xi32>,
        %shift_left3A_545 = arith.constant 16 : i32
        %shift_left3A_546 = vector.broadcast %shift_left3A_545 : i32 to vector<16xi32>
        %shift_left3A_547 = arith.shli %get3A_544, %shift_left3A_546 : vector<16xi32>
        %bitcast3A_548 = vector.bitcast %shift_left3A_547 : vector<16xi32> to vector<16xf32>
        %and3A_549 = arith.constant -65536 : i32
        %and3A_550 = vector.broadcast %and3A_549 : i32 to vector<16xi32>
        %and3A_551 = arith.andi %get3A_544, %and3A_550 : vector<16xi32>
        %bitcast3A_552 = vector.bitcast %and3A_551 : vector<16xi32> to vector<16xf32>
        %get3A_553 = arith.constant 1 : i32
        %get3A_554 = arith.index_cast %get3A_553 : i32 to index
        %get3A_555 = arith.index_cast %scan3A_287 : i32 to index
        %get3A_556 = arith.constant 80 : index
        %get3A_557 = tpu.vector_load %arg10[%get3A_554, %get3A_555, %get3A_556] {strides = array<i32>} : memref<2x32x128xi32, #tpu.memory_space<vmem>>, vector<16xi32>,
        %get3A_558 = arith.constant 1 : i32
        %get3A_559 = arith.index_cast %get3A_558 : i32 to index
        %get3A_560 = arith.index_cast %scan3A_287 : i32 to index
        %get3A_561 = arith.constant 112 : index
        %get3A_562 = tpu.vector_load %arg10[%get3A_559, %get3A_560, %get3A_561] {strides = array<i32>} : memref<2x32x128xi32, #tpu.memory_space<vmem>>, vector<16xi32>,
        %shift_left3A_563 = arith.constant 16 : i32
        %shift_left3A_564 = vector.broadcast %shift_left3A_563 : i32 to vector<16xi32>
        %shift_left3A_565 = arith.shli %get3A_557, %shift_left3A_564 : vector<16xi32>
        %bitcast3A_566 = vector.bitcast %shift_left3A_565 : vector<16xi32> to vector<16xf32>
        %add3A_567 = arith.addf %bitcast3A_548, %bitcast3A_566 : vector<16xf32>
        %max3A_568 = arith.constant 0.000000e+00 : f32
        %max3A_569 = vector.broadcast %max3A_568 : f32 to vector<16xf32>
        %max3A_570 = arith.maximumf %add3A_567, %max3A_569 : vector<16xf32>
        %add3A_571 = arith.constant 32 : i32
        %add3A_572 = arith.addi %add3A_571, %scan3A_287 : i32
        %swap3A_573 = arith.constant 1 : i32
        %swap3A_574 = arith.index_cast %swap3A_573 : i32 to index
        %swap3A_575 = arith.index_cast %add3A_572 : i32 to index
        %swap3A_576 = arith.constant 16 : index
        %swap3A_577 = tpu.vector_load %arg11[%swap3A_574, %swap3A_575, %swap3A_576] {strides = array<i32>} : memref<2x64x128xf32, #tpu.memory_space<vmem>>, vector<16xf32>,
        tpu.vector_store %arg11[%swap3A_574, %swap3A_575, %swap3A_576], %max3A_570 {strides = array<i32>} : memref<2x64x128xf32, #tpu.memory_space<vmem>>, vector<16xf32>,
        %shift_left3A_578 = arith.constant 16 : i32
        %shift_left3A_579 = vector.broadcast %shift_left3A_578 : i32 to vector<16xi32>
        %shift_left3A_580 = arith.shli %get3A_562, %shift_left3A_579 : vector<16xi32>
        %bitcast3A_581 = vector.bitcast %shift_left3A_580 : vector<16xi32> to vector<16xf32>
        %add3A_582 = arith.addf %bitcast3A_552, %bitcast3A_581 : vector<16xf32>
        %max3A_583 = arith.constant 0.000000e+00 : f32
        %max3A_584 = vector.broadcast %max3A_583 : f32 to vector<16xf32>
        %max3A_585 = arith.maximumf %add3A_582, %max3A_584 : vector<16xf32>
        %add3A_586 = arith.constant 32 : i32
        %add3A_587 = arith.addi %add3A_586, %scan3A_287 : i32
        %swap3A_588 = arith.constant 1 : i32
        %swap3A_589 = arith.index_cast %swap3A_588 : i32 to index
        %swap3A_590 = arith.index_cast %add3A_587 : i32 to index
        %swap3A_591 = arith.constant 48 : index
        %swap3A_592 = tpu.vector_load %arg11[%swap3A_589, %swap3A_590, %swap3A_591] {strides = array<i32>} : memref<2x64x128xf32, #tpu.memory_space<vmem>>, vector<16xf32>,
        tpu.vector_store %arg11[%swap3A_589, %swap3A_590, %swap3A_591], %max3A_585 {strides = array<i32>} : memref<2x64x128xf32, #tpu.memory_space<vmem>>, vector<16xf32>,
        %and3A_593 = arith.constant -65536 : i32
        %and3A_594 = vector.broadcast %and3A_593 : i32 to vector<16xi32>
        %and3A_595 = arith.andi %get3A_557, %and3A_594 : vector<16xi32>
        %bitcast3A_596 = vector.bitcast %and3A_595 : vector<16xi32> to vector<16xf32>
        %add3A_597 = arith.addf %bitcast3A_548, %bitcast3A_596 : vector<16xf32>
        %max3A_598 = arith.constant 0.000000e+00 : f32
        %max3A_599 = vector.broadcast %max3A_598 : f32 to vector<16xf32>
        %max3A_600 = arith.maximumf %add3A_597, %max3A_599 : vector<16xf32>
        %add3A_601 = arith.constant 32 : i32
        %add3A_602 = arith.addi %add3A_601, %scan3A_287 : i32
        %swap3A_603 = arith.constant 1 : i32
        %swap3A_604 = arith.index_cast %swap3A_603 : i32 to index
        %swap3A_605 = arith.index_cast %add3A_602 : i32 to index
        %swap3A_606 = arith.constant 80 : index
        %swap3A_607 = tpu.vector_load %arg11[%swap3A_604, %swap3A_605, %swap3A_606] {strides = array<i32>} : memref<2x64x128xf32, #tpu.memory_space<vmem>>, vector<16xf32>,
        tpu.vector_store %arg11[%swap3A_604, %swap3A_605, %swap3A_606], %max3A_600 {strides = array<i32>} : memref<2x64x128xf32, #tpu.memory_space<vmem>>, vector<16xf32>,
        %and3A_608 = arith.constant -65536 : i32
        %and3A_609 = vector.broadcast %and3A_608 : i32 to vector<16xi32>
        %and3A_610 = arith.andi %get3A_562, %and3A_609 : vector<16xi32>
        %bitcast3A_611 = vector.bitcast %and3A_610 : vector<16xi32> to vector<16xf32>
        %add3A_612 = arith.addf %bitcast3A_552, %bitcast3A_611 : vector<16xf32>
        %max3A_613 = arith.constant 0.000000e+00 : f32
        %max3A_614 = vector.broadcast %max3A_613 : f32 to vector<16xf32>
        %max3A_615 = arith.maximumf %add3A_612, %max3A_614 : vector<16xf32>
        %add3A_616 = arith.constant 32 : i32
        %add3A_617 = arith.addi %add3A_616, %scan3A_287 : i32
        %swap3A_618 = arith.constant 1 : i32
        %swap3A_619 = arith.index_cast %swap3A_618 : i32 to index
        %swap3A_620 = arith.index_cast %add3A_617 : i32 to index
        %swap3A_621 = arith.constant 112 : index
        %swap3A_622 = tpu.vector_load %arg11[%swap3A_619, %swap3A_620, %swap3A_621] {strides = array<i32>} : memref<2x64x128xf32, #tpu.memory_space<vmem>>, vector<16xf32>,
        tpu.vector_store %arg11[%swap3A_619, %swap3A_620, %swap3A_621], %max3A_615 {strides = array<i32>} : memref<2x64x128xf32, #tpu.memory_space<vmem>>, vector<16xf32>,
      }
      %scan3A_247 = arith.constant 32 : i32
      %rem3A_248 = arith.constant 16 : i32
      %rem3A_249 = arith.remsi %add3A_203, %rem3A_248 : i32
      %jit3A_250 = arith.constant 16 : i32
      %div3A_251 = arith.divsi %add3A_203, %jit3A_250 : i32
      %sign3A_252 = arith.constant 0 : i32
      %sign3A_253 = arith.cmpi sgt, %add3A_203, %sign3A_252 : i32
      %sign3A_254 = arith.extui %sign3A_253 : i1 to i32
      %sign3A_255 = arith.constant 0 : i32
      %sign3A_256 = arith.cmpi slt, %add3A_203, %sign3A_255 : i32
      %sign3A_257 = arith.extui %sign3A_256 : i1 to i32
      %sign3A_258 = arith.subi %sign3A_254, %sign3A_257 : i32
      %sign3A_259 = arith.constant 0 : i32
      %sign3A_260 = arith.cmpi sgt, %jit3A_250, %sign3A_259 : i32
      %sign3A_261 = arith.extui %sign3A_260 : i1 to i32
      %sign3A_262 = arith.constant 0 : i32
      %sign3A_263 = arith.cmpi slt, %jit3A_250, %sign3A_262 : i32
      %sign3A_264 = arith.extui %sign3A_263 : i1 to i32
      %sign3A_265 = arith.subi %sign3A_261, %sign3A_264 : i32
      %ne3A_266 = arith.cmpi ne, %sign3A_258, %sign3A_265 : i32
      %rem3A_267 = arith.remsi %add3A_203, %jit3A_250 : i32
      %ne3A_268 = arith.constant 0 : i32
      %ne3A_269 = arith.cmpi ne, %rem3A_267, %ne3A_268 : i32
      %and3A_270 = arith.andi %ne3A_266, %ne3A_269 : i1
      %sub3A_271 = arith.constant 1 : i32
      %sub3A_272 = arith.subi %div3A_251, %sub3A_271 : i32
      %select_n3A_273 = arith.select %and3A_270, %sub3A_272, %div3A_251 : i32
      %rem3A_274 = arith.constant 2 : i32
      %rem3A_275 = arith.remsi %select_n3A_273, %rem3A_274 : i32
      %dma_start3A_276 = arith.constant 1 : i32
      %dma_start3A_277 = arith.constant 0 : i32
      %dma_start3A_278 = arith.constant 0 : i32
      %dma_start3A_279 = tpu.memref_slice %arg11[%dma_start3A_276, %dma_start3A_277, %dma_start3A_278] : memref<2x64x128xf32, #tpu.memory_space<vmem>> -> memref<1x64x128xf32, #tpu.memory_space<vmem>>
      %dma_start3A_280 = tpu.memref_squeeze %dma_start3A_279 : memref<1x64x128xf32, #tpu.memory_space<vmem>> -> memref<64x128xf32, #tpu.memory_space<vmem>>
      %dma_start3A_281 = arith.constant 0 : i32
      %dma_start3A_282 = tpu.memref_slice %arg8[%rem3A_275, %rem3A_249, %dma_start3A_281] : memref<2x16x64xi32, #tpu.memory_space<vmem>> -> memref<1x1x64xi32, #tpu.memory_space<vmem>>
      %dma_start3A_283 = tpu.memref_squeeze %dma_start3A_282 : memref<1x1x64xi32, #tpu.memory_space<vmem>> -> memref<64xi32, #tpu.memory_space<vmem>>
      %dma_start3A_284 = arith.constant 0 : i32
      %dma_start3A_285 = arith.constant 0 : i32
      %dma_start3A_286 = tpu.memref_slice %arg18[%dma_start3A_284, %dma_start3A_285] : memref<10240x128xf32, #tpu.memory_space<vmem_shared>> -> memref<10240x128xf32, #tpu.memory_space<vmem_shared>>
      tpu.enqueue_indirect_dma source(%dma_start3A_280 : memref<64x128xf32, #tpu.memory_space<vmem>>) target(%dma_start3A_286 : memref<10240x128xf32, #tpu.memory_space<vmem_shared>>) offsets(%dma_start3A_283 : memref<64xi32, #tpu.memory_space<vmem>>) semaphore(%arg17 : memref<!tpu.dma_semaphore, #tpu.memory_space<semaphore_mem>>) {add = true}
    }
    %scan3A_62 = arith.constant 80 : i32
    %dma_wait3A = arith.constant 0 : i32
    %dma_wait3A_63 = arith.constant 0 : i32
    %dma_wait3A_64 = arith.constant 0 : i32
    %dma_wait3A_65 = arith.constant 0 : i32
    %dma_wait3A_66 = arith.constant 0 : i32
    %dma_wait3A_67 = tpu.memref_slice %arg11[%dma_wait3A, %dma_wait3A_65, %dma_wait3A_66] : memref<2x64x128xf32, #tpu.memory_space<vmem>> -> memref<1x64x128xf32, #tpu.memory_space<vmem>>
    %dma_wait3A_68 = tpu.memref_squeeze %dma_wait3A_67 : memref<1x64x128xf32, #tpu.memory_space<vmem>> -> memref<64x128xf32, #tpu.memory_space<vmem>>
    %dma_wait3A_69 = arith.constant 0 : i32
    %dma_wait3A_70 = tpu.memref_slice %arg8[%dma_wait3A_63, %dma_wait3A_64, %dma_wait3A_69] : memref<2x16x64xi32, #tpu.memory_space<vmem>> -> memref<1x1x64xi32, #tpu.memory_space<vmem>>
    %dma_wait3A_71 = tpu.memref_squeeze %dma_wait3A_70 : memref<1x1x64xi32, #tpu.memory_space<vmem>> -> memref<64xi32, #tpu.memory_space<vmem>>
    %dma_wait3A_72 = arith.constant 0 : i32
    %dma_wait3A_73 = arith.constant 0 : i32
    %dma_wait3A_74 = tpu.memref_slice %arg18[%dma_wait3A_72, %dma_wait3A_73] : memref<10240x128xf32, #tpu.memory_space<vmem_shared>> -> memref<10240x128xf32, #tpu.memory_space<vmem_shared>>
    tpu.wait_indirect_dma semaphore(%arg16 : memref<!tpu.dma_semaphore, #tpu.memory_space<semaphore_mem>>) src(%dma_wait3A_68 : memref<64x128xf32, #tpu.memory_space<vmem>>) dst(%dma_wait3A_74 : memref<10240x128xf32, #tpu.memory_space<vmem_shared>>)
    %dma_wait3A_75 = arith.constant 1 : i32
    %dma_wait3A_76 = arith.constant 0 : i32
    %dma_wait3A_77 = arith.constant 0 : i32
    %dma_wait3A_78 = arith.constant 0 : i32
    %dma_wait3A_79 = arith.constant 0 : i32
    %dma_wait3A_80 = tpu.memref_slice %arg11[%dma_wait3A_75, %dma_wait3A_78, %dma_wait3A_79] : memref<2x64x128xf32, #tpu.memory_space<vmem>> -> memref<1x64x128xf32, #tpu.memory_space<vmem>>
    %dma_wait3A_81 = tpu.memref_squeeze %dma_wait3A_80 : memref<1x64x128xf32, #tpu.memory_space<vmem>> -> memref<64x128xf32, #tpu.memory_space<vmem>>
    %dma_wait3A_82 = arith.constant 0 : i32
    %dma_wait3A_83 = tpu.memref_slice %arg8[%dma_wait3A_76, %dma_wait3A_77, %dma_wait3A_82] : memref<2x16x64xi32, #tpu.memory_space<vmem>> -> memref<1x1x64xi32, #tpu.memory_space<vmem>>
    %dma_wait3A_84 = tpu.memref_squeeze %dma_wait3A_83 : memref<1x1x64xi32, #tpu.memory_space<vmem>> -> memref<64xi32, #tpu.memory_space<vmem>>
    %dma_wait3A_85 = arith.constant 0 : i32
    %dma_wait3A_86 = arith.constant 0 : i32
    %dma_wait3A_87 = tpu.memref_slice %arg18[%dma_wait3A_85, %dma_wait3A_86] : memref<10240x128xf32, #tpu.memory_space<vmem_shared>> -> memref<10240x128xf32, #tpu.memory_space<vmem_shared>>
    tpu.wait_indirect_dma semaphore(%arg17 : memref<!tpu.dma_semaphore, #tpu.memory_space<semaphore_mem>>) src(%dma_wait3A_81 : memref<64x128xf32, #tpu.memory_space<vmem>>) dst(%dma_wait3A_87 : memref<10240x128xf32, #tpu.memory_space<vmem_shared>>)
    %barrier3A_88 = arith.constant 0 : index
    tpu.barrier barrier_id(%barrier3A_88)
    %scan3A_89 = arith.constant 0 : i32
    %scan3A_90 = arith.constant 0 : i32
    %scan3A_91 = arith.constant 5 : i32
    %scan3A_92 = arith.addi %scan3A_90, %scan3A_91 : i32
    %scan3A_93 = arith.constant 1 : i32
    scf.for %scan3A_95 = %scan3A_90 to %scan3A_92 step %scan3A_93  : i32 {
      %mul3A_96 = arith.constant 128 : i32
      %mul3A_97 = arith.muli %scan3A_95, %mul3A_96 : i32
      %add3A_98 = arith.addi %mul3A_8, %mul3A_97 : i32
      "tpu.region"() ({
        %run_scoped3A = tpu.sem_alloc : memref<!tpu.dma_semaphore, #tpu.memory_space<semaphore_mem>>
        %dma_start3A_99 = arith.constant 0 : i32
        %dma_start3A_100 = tpu.memref_slice %arg6[%arg0, %add3A_98, %dma_start3A_99] : memref<2x10240x128xf32, #tpu.memory_space<hbm>> -> memref<1x128x128xf32, #tpu.memory_space<hbm>>
        %dma_start3A_101 = tpu.memref_squeeze %dma_start3A_100 : memref<1x128x128xf32, #tpu.memory_space<hbm>> -> memref<128x128xf32, #tpu.memory_space<hbm>>
        %dma_start3A_102 = arith.constant 0 : i32
        %dma_start3A_103 = tpu.memref_slice %arg18[%add3A_98, %dma_start3A_102] : memref<10240x128xf32, #tpu.memory_space<vmem_shared>> -> memref<128x128xf32, #tpu.memory_space<vmem_shared>>
        tpu.enqueue_dma source(%dma_start3A_103 : memref<128x128xf32, #tpu.memory_space<vmem_shared>>) target(%dma_start3A_101 : memref<128x128xf32, #tpu.memory_space<hbm>>) target_semaphore(%run_scoped3A : memref<!tpu.dma_semaphore, #tpu.memory_space<semaphore_mem>>)
        %dma_wait3A_104 = arith.constant 0 : i32
        %dma_wait3A_105 = tpu.memref_slice %arg6[%arg0, %add3A_98, %dma_wait3A_104] : memref<2x10240x128xf32, #tpu.memory_space<hbm>> -> memref<1x128x128xf32, #tpu.memory_space<hbm>>
        %dma_wait3A_106 = tpu.memref_squeeze %dma_wait3A_105 : memref<1x128x128xf32, #tpu.memory_space<hbm>> -> memref<128x128xf32, #tpu.memory_space<hbm>>
        %dma_wait3A_107 = arith.constant 0 : i32
        %dma_wait3A_108 = tpu.memref_slice %arg18[%add3A_98, %dma_wait3A_107] : memref<10240x128xf32, #tpu.memory_space<vmem_shared>> -> memref<128x128xf32, #tpu.memory_space<vmem_shared>>
        tpu.wait_dma2 semaphore(%run_scoped3A : memref<!tpu.dma_semaphore, #tpu.memory_space<semaphore_mem>>) src(%dma_wait3A_108 : memref<128x128xf32, #tpu.memory_space<vmem_shared>>) dst(%dma_wait3A_106 : memref<128x128xf32, #tpu.memory_space<hbm>>)
        tpu.yield
      }) : () -> ()
    }
    %scan3A_94 = arith.constant 5 : i32
    return
  }
}

module attributes {stable_mosaic.version = 14 : i64} {
  func.func @_xpack_body(%arg0: i32, %arg1: memref<2000x128xf32, #tpu.memory_space<vmem>>, %arg2: memref<2000x64xi32, #tpu.memory_space<vmem>>) attributes {dimension_semantics = [#tpu.dimension_semantics<arbitrary>], iteration_bounds = array<i64: 5>, scalar_prefetch = 0 : i64, scratch_operands = 0 : i64, tpu.core_type = #tpu.core_type<tc>, window_params = [{transform_indices = @transform_0, window_bounds = array<i64: 2000, 128>}, {transform_indices = @transform_1, window_bounds = array<i64: 2000, 64>}]} {
    %get3A = arith.constant 0 : index
    %get3A_0 = arith.constant 0 : index
    %get3A_1 = vector.load %arg1[%get3A, %get3A_0] : memref<2000x128xf32, #tpu.memory_space<vmem>>, vector<2000x128xf32>
    %convert_element_type3A = arith.truncf %get3A_1 : vector<2000x128xf32> to vector<2000x128xbf16>
    %bitcast_convert_type3A = tpu.bitcast %convert_element_type3A : vector<2000x128xbf16> -> vector<2000x128xi16>
    %slice3A = vector.extract_strided_slice %bitcast_convert_type3A {offsets = [0, 0], sizes = [2000, 64], strides = [1, 1]} : vector<2000x128xi16> to vector<2000x64xi16>
    %convert_element_type3A_2 = arith.extui %slice3A : vector<2000x64xi16> to vector<2000x64xi32>
    %slice3A_3 = vector.extract_strided_slice %bitcast_convert_type3A {offsets = [0, 64], sizes = [2000, 64], strides = [1, 1]} : vector<2000x128xi16> to vector<2000x64xi16>
    %convert_element_type3A_4 = arith.extui %slice3A_3 : vector<2000x64xi16> to vector<2000x64xi32>
    %shift_left3A = arith.constant 16 : i32
    %shift_left3A_5 = vector.broadcast %shift_left3A : i32 to vector<2000x64xi32>
    %shift_left3A_6 = arith.shli %convert_element_type3A_4, %shift_left3A_5 : vector<2000x64xi32>
    %or3A = arith.ori %convert_element_type3A_2, %shift_left3A_6 : vector<2000x64xi32>
    %swap3A = arith.constant 0 : index
    %swap3A_7 = arith.constant 0 : index
    %swap3A_8 = vector.load %arg2[%swap3A, %swap3A_7] : memref<2000x64xi32, #tpu.memory_space<vmem>>, vector<2000x64xi32>
    tpu.vector_store %arg2[%swap3A, %swap3A_7], %or3A {strides = array<i32>} : memref<2000x64xi32, #tpu.memory_space<vmem>>, vector<2000x64xi32>,
    return
  }
  func.func @transform_0(%arg0: i32) -> (i32, i32) {
    %c0_i32 = arith.constant 0 : i32
    %c0_i32_0 = arith.constant 0 : i32
    return %arg0, %c0_i32 : i32, i32
  }
  func.func @transform_1(%arg0: i32) -> (i32, i32) {
    %c0_i32 = arith.constant 0 : i32
    %c0_i32_0 = arith.constant 0 : i32
    return %arg0, %c0_i32 : i32, i32
  }
}

module attributes {stable_mosaic.version = 14 : i64} {
  func.func @_edense_body(%arg0: i32, %arg1: memref<2048x16xf32, #tpu.memory_space<vmem>>, %arg2: memref<2048x16xf32, #tpu.memory_space<vmem>>, %arg3: memref<16x128xf32, #tpu.memory_space<vmem>>, %arg4: memref<1x128xf32, #tpu.memory_space<vmem>>, %arg5: memref<2048x128xi32, #tpu.memory_space<vmem>>) attributes {dimension_semantics = [#tpu.dimension_semantics<arbitrary>], iteration_bounds = array<i64: 80>, scalar_prefetch = 0 : i64, scratch_operands = 0 : i64, tpu.core_type = #tpu.core_type<tc>, window_params = [{transform_indices = @transform_0, window_bounds = array<i64: 2048, 16>}, {transform_indices = @transform_1, window_bounds = array<i64: 2048, 16>}, {pipeline_mode = #tpu.pipeline_mode<synchronous>, transform_indices = @transform_2, window_bounds = array<i64: 16, 128>}, {pipeline_mode = #tpu.pipeline_mode<synchronous>, transform_indices = @transform_3, window_bounds = array<i64: 1, 128>}, {transform_indices = @transform_4, window_bounds = array<i64: 2048, 128>}]} {
    %get3A = arith.constant 0 : index
    %get3A_0 = arith.constant 0 : index
    %get3A_1 = vector.load %arg1[%get3A, %get3A_0] : memref<2048x16xf32, #tpu.memory_space<vmem>>, vector<2048x16xf32>
    %get3A_2 = arith.constant 0 : index
    %get3A_3 = arith.constant 0 : index
    %get3A_4 = vector.load %arg3[%get3A_2, %get3A_3] : memref<16x128xf32, #tpu.memory_space<vmem>>, vector<16x128xf32>
    %dot_general3A = arith.constant dense<0.000000e+00> : vector<2048x128xf32>
    %dot_general3A_5 = tpu.matmul %get3A_1, %get3A_4, %dot_general3A {dimension_numbers = #tpu.dot_dimension_numbers<[1], [0], [0], [1], [0, 0, 1, 1], [], []>, transpose_lhs_hint = false} : vector<2048x16xf32>, vector<16x128xf32>, vector<2048x128xf32> -> vector<2048x128xf32>
    %get3A_6 = arith.constant 0 : index
    %get3A_7 = arith.constant 0 : index
    %get3A_8 = vector.load %arg2[%get3A_6, %get3A_7] : memref<2048x16xf32, #tpu.memory_space<vmem>>, vector<2048x16xf32>
    %get3A_9 = arith.constant 0 : index
    %get3A_10 = arith.constant 0 : index
    %get3A_11 = vector.load %arg3[%get3A_9, %get3A_10] : memref<16x128xf32, #tpu.memory_space<vmem>>, vector<16x128xf32>
    %dot_general3A_12 = arith.constant dense<0.000000e+00> : vector<2048x128xf32>
    %dot_general3A_13 = tpu.matmul %get3A_8, %get3A_11, %dot_general3A_12 {dimension_numbers = #tpu.dot_dimension_numbers<[1], [0], [0], [1], [0, 0, 1, 1], [], []>, transpose_lhs_hint = false} : vector<2048x16xf32>, vector<16x128xf32>, vector<2048x128xf32> -> vector<2048x128xf32>
    %get3A_14 = arith.constant 0 : index
    %get3A_15 = arith.constant 0 : index
    %get3A_16 = vector.load %arg4[%get3A_14, %get3A_15] : memref<1x128xf32, #tpu.memory_space<vmem>>, vector<1x128xf32>
    %add3A = vector.broadcast %get3A_16 : vector<1x128xf32> to vector<2048x128xf32>
    %add3A_17 = arith.addf %dot_general3A_5, %add3A : vector<2048x128xf32>
    %get3A_18 = arith.constant 0 : index
    %get3A_19 = arith.constant 0 : index
    %get3A_20 = vector.load %arg4[%get3A_18, %get3A_19] : memref<1x128xf32, #tpu.memory_space<vmem>>, vector<1x128xf32>
    %add3A_21 = vector.broadcast %get3A_20 : vector<1x128xf32> to vector<2048x128xf32>
    %add3A_22 = arith.addf %dot_general3A_13, %add3A_21 : vector<2048x128xf32>
    %convert_element_type3A = arith.truncf %add3A_17 : vector<2048x128xf32> to vector<2048x128xbf16>
    %bitcast_convert_type3A = tpu.bitcast %convert_element_type3A : vector<2048x128xbf16> -> vector<2048x128xi16>
    %slice3A = vector.extract_strided_slice %bitcast_convert_type3A {offsets = [0, 0], sizes = [2048, 64], strides = [1, 1]} : vector<2048x128xi16> to vector<2048x64xi16>
    %convert_element_type3A_23 = arith.extui %slice3A : vector<2048x64xi16> to vector<2048x64xi32>
    %slice3A_24 = vector.extract_strided_slice %bitcast_convert_type3A {offsets = [0, 64], sizes = [2048, 64], strides = [1, 1]} : vector<2048x128xi16> to vector<2048x64xi16>
    %convert_element_type3A_25 = arith.extui %slice3A_24 : vector<2048x64xi16> to vector<2048x64xi32>
    %shift_left3A = arith.constant 16 : i32
    %shift_left3A_26 = vector.broadcast %shift_left3A : i32 to vector<2048x64xi32>
    %shift_left3A_27 = arith.shli %convert_element_type3A_25, %shift_left3A_26 : vector<2048x64xi32>
    %or3A = arith.ori %convert_element_type3A_23, %shift_left3A_27 : vector<2048x64xi32>
    %convert_element_type3A_28 = arith.truncf %add3A_22 : vector<2048x128xf32> to vector<2048x128xbf16>
    %bitcast_convert_type3A_29 = tpu.bitcast %convert_element_type3A_28 : vector<2048x128xbf16> -> vector<2048x128xi16>
    %slice3A_30 = vector.extract_strided_slice %bitcast_convert_type3A_29 {offsets = [0, 0], sizes = [2048, 64], strides = [1, 1]} : vector<2048x128xi16> to vector<2048x64xi16>
    %convert_element_type3A_31 = arith.extui %slice3A_30 : vector<2048x64xi16> to vector<2048x64xi32>
    %slice3A_32 = vector.extract_strided_slice %bitcast_convert_type3A_29 {offsets = [0, 64], sizes = [2048, 64], strides = [1, 1]} : vector<2048x128xi16> to vector<2048x64xi16>
    %convert_element_type3A_33 = arith.extui %slice3A_32 : vector<2048x64xi16> to vector<2048x64xi32>
    %shift_left3A_34 = arith.constant 16 : i32
    %shift_left3A_35 = vector.broadcast %shift_left3A_34 : i32 to vector<2048x64xi32>
    %shift_left3A_36 = arith.shli %convert_element_type3A_33, %shift_left3A_35 : vector<2048x64xi32>
    %or3A_37 = arith.ori %convert_element_type3A_31, %shift_left3A_36 : vector<2048x64xi32>
    %concatenate3A = tpu.concatenate %or3A, %or3A_37 in 1 : vector<2048x64xi32>, vector<2048x64xi32> -> vector<2048x128xi32>
    %swap3A = arith.constant 0 : index
    %swap3A_38 = arith.constant 0 : index
    %swap3A_39 = vector.load %arg5[%swap3A, %swap3A_38] : memref<2048x128xi32, #tpu.memory_space<vmem>>, vector<2048x128xi32>
    tpu.vector_store %arg5[%swap3A, %swap3A_38], %concatenate3A {strides = array<i32>} : memref<2048x128xi32, #tpu.memory_space<vmem>>, vector<2048x128xi32>,
    return
  }
  func.func @transform_0(%arg0: i32) -> (i32, i32) {
    %c0_i32 = arith.constant 0 : i32
    %c0_i32_0 = arith.constant 0 : i32
    return %arg0, %c0_i32 : i32, i32
  }
  func.func @transform_1(%arg0: i32) -> (i32, i32) {
    %add3A = arith.constant 80 : i32
    %add3A_0 = arith.addi %arg0, %add3A : i32
    %min3A = arith.constant 156 : i32
    %min3A_1 = arith.minsi %add3A_0, %min3A : i32
    %c0_i32 = arith.constant 0 : i32
    %c0_i32_2 = arith.constant 0 : i32
    return %min3A_1, %c0_i32 : i32, i32
  }
  func.func @transform_2(%arg0: i32) -> (i32, i32) {
    %c0_i32 = arith.constant 0 : i32
    %c0_i32_0 = arith.constant 0 : i32
    %c0_i32_1 = arith.constant 0 : i32
    return %c0_i32, %c0_i32_0 : i32, i32
  }
  func.func @transform_3(%arg0: i32) -> (i32, i32) {
    %c0_i32 = arith.constant 0 : i32
    %c0_i32_0 = arith.constant 0 : i32
    %c0_i32_1 = arith.constant 0 : i32
    return %c0_i32, %c0_i32_0 : i32, i32
  }
  func.func @transform_4(%arg0: i32) -> (i32, i32) {
    %c0_i32 = arith.constant 0 : i32
    %c0_i32_0 = arith.constant 0 : i32
    return %arg0, %c0_i32 : i32, i32
  }
}

module attributes {stable_mosaic.version = 14 : i64} {
  func.func @_node1_body(%arg0: i32, %arg1: memref<2000x128xf32, #tpu.memory_space<vmem>>, %arg2: memref<2x2000x128xf32, #tpu.memory_space<vmem>>, %arg3: memref<128x64xf32, #tpu.memory_space<vmem>>, %arg4: memref<1x64xf32, #tpu.memory_space<vmem>>, %arg5: memref<64x64xf32, #tpu.memory_space<vmem>>, %arg6: memref<1x64xf32, #tpu.memory_space<vmem>>, %arg7: memref<2000x64xf32, #tpu.memory_space<vmem>>, %arg8: memref<2000x32xi32, #tpu.memory_space<vmem>>) attributes {dimension_semantics = [#tpu.dimension_semantics<arbitrary>], iteration_bounds = array<i64: 5>, scalar_prefetch = 0 : i64, scratch_operands = 0 : i64, tpu.core_type = #tpu.core_type<tc>, window_params = [{transform_indices = @transform_0, window_bounds = array<i64: 2000, 128>}, {transform_indices = @transform_1, window_bounds = array<i64: 2, 2000, 128>}, {pipeline_mode = #tpu.pipeline_mode<synchronous>, transform_indices = @transform_2, window_bounds = array<i64: 128, 64>}, {pipeline_mode = #tpu.pipeline_mode<synchronous>, transform_indices = @transform_3, window_bounds = array<i64: 1, 64>}, {pipeline_mode = #tpu.pipeline_mode<synchronous>, transform_indices = @transform_4, window_bounds = array<i64: 64, 64>}, {pipeline_mode = #tpu.pipeline_mode<synchronous>, transform_indices = @transform_5, window_bounds = array<i64: 1, 64>}, {transform_indices = @transform_6, window_bounds = array<i64: 2000, 64>}, {transform_indices = @transform_7, window_bounds = array<i64: 2000, 32>}]} {
    %get3A = arith.constant 0 : index
    %get3A_0 = arith.constant 0 : index
    %get3A_1 = vector.load %arg1[%get3A, %get3A_0] : memref<2000x128xf32, #tpu.memory_space<vmem>>, vector<2000x128xf32>
    %get3A_2 = arith.constant 0 : index
    %get3A_3 = arith.constant 0 : index
    %get3A_4 = arith.constant 0 : index
    %get3A_5 = vector.load %arg2[%get3A_2, %get3A_3, %get3A_4] : memref<2x2000x128xf32, #tpu.memory_space<vmem>>, vector<1x2000x128xf32>
    %get3A_6 = vector.shape_cast %get3A_5 : vector<1x2000x128xf32> to vector<2000x128xf32>
    %add3A = arith.addf %get3A_1, %get3A_6 : vector<2000x128xf32>
    %get3A_7 = arith.constant 1 : index
    %get3A_8 = arith.constant 0 : index
    %get3A_9 = arith.constant 0 : index
    %get3A_10 = vector.load %arg2[%get3A_7, %get3A_8, %get3A_9] : memref<2x2000x128xf32, #tpu.memory_space<vmem>>, vector<1x2000x128xf32>
    %get3A_11 = vector.shape_cast %get3A_10 : vector<1x2000x128xf32> to vector<2000x128xf32>
    %add3A_12 = arith.addf %add3A, %get3A_11 : vector<2000x128xf32>
    %get3A_13 = arith.constant 0 : index
    %get3A_14 = arith.constant 0 : index
    %get3A_15 = vector.load %arg3[%get3A_13, %get3A_14] : memref<128x64xf32, #tpu.memory_space<vmem>>, vector<128x64xf32>
    %dot_general3A = arith.constant dense<0.000000e+00> : vector<2000x64xf32>
    %dot_general3A_16 = tpu.matmul %add3A_12, %get3A_15, %dot_general3A {dimension_numbers = #tpu.dot_dimension_numbers<[1], [0], [0], [1], [0, 0, 1, 1], [], []>, transpose_lhs_hint = false} : vector<2000x128xf32>, vector<128x64xf32>, vector<2000x64xf32> -> vector<2000x64xf32>
    %get3A_17 = arith.constant 0 : index
    %get3A_18 = arith.constant 0 : index
    %get3A_19 = vector.load %arg4[%get3A_17, %get3A_18] : memref<1x64xf32, #tpu.memory_space<vmem>>, vector<1x64xf32>
    %add3A_20 = vector.broadcast %get3A_19 : vector<1x64xf32> to vector<2000x64xf32>
    %add3A_21 = arith.addf %dot_general3A_16, %add3A_20 : vector<2000x64xf32>
    %max3A = arith.constant 0.000000e+00 : f32
    %max3A_22 = vector.broadcast %max3A : f32 to vector<2000x64xf32>
    %max3A_23 = arith.maximumf %add3A_21, %max3A_22 : vector<2000x64xf32>
    %get3A_24 = arith.constant 0 : index
    %get3A_25 = arith.constant 0 : index
    %get3A_26 = vector.load %arg5[%get3A_24, %get3A_25] : memref<64x64xf32, #tpu.memory_space<vmem>>, vector<64x64xf32>
    %dot_general3A_27 = arith.constant dense<0.000000e+00> : vector<2000x64xf32>
    %dot_general3A_28 = tpu.matmul %max3A_23, %get3A_26, %dot_general3A_27 {dimension_numbers = #tpu.dot_dimension_numbers<[1], [0], [0], [1], [0, 0, 1, 1], [], []>, transpose_lhs_hint = false} : vector<2000x64xf32>, vector<64x64xf32>, vector<2000x64xf32> -> vector<2000x64xf32>
    %get3A_29 = arith.constant 0 : index
    %get3A_30 = arith.constant 0 : index
    %get3A_31 = vector.load %arg6[%get3A_29, %get3A_30] : memref<1x64xf32, #tpu.memory_space<vmem>>, vector<1x64xf32>
    %add3A_32 = vector.broadcast %get3A_31 : vector<1x64xf32> to vector<2000x64xf32>
    %add3A_33 = arith.addf %dot_general3A_28, %add3A_32 : vector<2000x64xf32>
    %max3A_34 = arith.constant 0.000000e+00 : f32
    %max3A_35 = vector.broadcast %max3A_34 : f32 to vector<2000x64xf32>
    %max3A_36 = arith.maximumf %add3A_33, %max3A_35 : vector<2000x64xf32>
    %swap3A = arith.constant 0 : index
    %swap3A_37 = arith.constant 0 : index
    %swap3A_38 = vector.load %arg7[%swap3A, %swap3A_37] : memref<2000x64xf32, #tpu.memory_space<vmem>>, vector<2000x64xf32>
    tpu.vector_store %arg7[%swap3A, %swap3A_37], %max3A_36 {strides = array<i32>} : memref<2000x64xf32, #tpu.memory_space<vmem>>, vector<2000x64xf32>,
    %convert_element_type3A = arith.truncf %max3A_36 : vector<2000x64xf32> to vector<2000x64xbf16>
    %bitcast_convert_type3A = tpu.bitcast %convert_element_type3A : vector<2000x64xbf16> -> vector<2000x64xi16>
    %slice3A = vector.extract_strided_slice %bitcast_convert_type3A {offsets = [0, 0], sizes = [2000, 32], strides = [1, 1]} : vector<2000x64xi16> to vector<2000x32xi16>
    %convert_element_type3A_39 = arith.extui %slice3A : vector<2000x32xi16> to vector<2000x32xi32>
    %slice3A_40 = vector.extract_strided_slice %bitcast_convert_type3A {offsets = [0, 32], sizes = [2000, 32], strides = [1, 1]} : vector<2000x64xi16> to vector<2000x32xi16>
    %convert_element_type3A_41 = arith.extui %slice3A_40 : vector<2000x32xi16> to vector<2000x32xi32>
    %shift_left3A = arith.constant 16 : i32
    %shift_left3A_42 = vector.broadcast %shift_left3A : i32 to vector<2000x32xi32>
    %shift_left3A_43 = arith.shli %convert_element_type3A_41, %shift_left3A_42 : vector<2000x32xi32>
    %or3A = arith.ori %convert_element_type3A_39, %shift_left3A_43 : vector<2000x32xi32>
    %swap3A_44 = arith.constant 0 : index
    %swap3A_45 = arith.constant 0 : index
    %swap3A_46 = vector.load %arg8[%swap3A_44, %swap3A_45] : memref<2000x32xi32, #tpu.memory_space<vmem>>, vector<2000x32xi32>
    tpu.vector_store %arg8[%swap3A_44, %swap3A_45], %or3A {strides = array<i32>} : memref<2000x32xi32, #tpu.memory_space<vmem>>, vector<2000x32xi32>,
    return
  }
  func.func @transform_0(%arg0: i32) -> (i32, i32) {
    %c0_i32 = arith.constant 0 : i32
    %c0_i32_0 = arith.constant 0 : i32
    return %arg0, %c0_i32 : i32, i32
  }
  func.func @transform_1(%arg0: i32) -> (i32, i32, i32) {
    %c0_i32 = arith.constant 0 : i32
    %c0_i32_0 = arith.constant 0 : i32
    %c0_i32_1 = arith.constant 0 : i32
    return %c0_i32, %arg0, %c0_i32_0 : i32, i32, i32
  }
  func.func @transform_2(%arg0: i32) -> (i32, i32) {
    %c0_i32 = arith.constant 0 : i32
    %c0_i32_0 = arith.constant 0 : i32
    %c0_i32_1 = arith.constant 0 : i32
    return %c0_i32, %c0_i32_0 : i32, i32
  }
  func.func @transform_3(%arg0: i32) -> (i32, i32) {
    %c0_i32 = arith.constant 0 : i32
    %c0_i32_0 = arith.constant 0 : i32
    %c0_i32_1 = arith.constant 0 : i32
    return %c0_i32, %c0_i32_0 : i32, i32
  }
  func.func @transform_4(%arg0: i32) -> (i32, i32) {
    %c0_i32 = arith.constant 0 : i32
    %c0_i32_0 = arith.constant 0 : i32
    %c0_i32_1 = arith.constant 0 : i32
    return %c0_i32, %c0_i32_0 : i32, i32
  }
  func.func @transform_5(%arg0: i32) -> (i32, i32) {
    %c0_i32 = arith.constant 0 : i32
    %c0_i32_0 = arith.constant 0 : i32
    %c0_i32_1 = arith.constant 0 : i32
    return %c0_i32, %c0_i32_0 : i32, i32
  }
  func.func @transform_6(%arg0: i32) -> (i32, i32) {
    %c0_i32 = arith.constant 0 : i32
    %c0_i32_0 = arith.constant 0 : i32
    return %arg0, %c0_i32 : i32, i32
  }
  func.func @transform_7(%arg0: i32) -> (i32, i32) {
    %c0_i32 = arith.constant 0 : i32
    %c0_i32_0 = arith.constant 0 : i32
    return %arg0, %c0_i32 : i32, i32
  }
}

module attributes {stable_mosaic.version = 14 : i64} {
  func.func @_node2_body(%arg0: i32, %arg1: memref<2000x64xf32, #tpu.memory_space<vmem>>, %arg2: memref<2x2000x128xf32, #tpu.memory_space<vmem>>, %arg3: memref<64x64xf32, #tpu.memory_space<vmem>>, %arg4: memref<1x64xf32, #tpu.memory_space<vmem>>, %arg5: memref<64x64xf32, #tpu.memory_space<vmem>>, %arg6: memref<1x64xf32, #tpu.memory_space<vmem>>, %arg7: memref<64x64xf32, #tpu.memory_space<vmem>>, %arg8: memref<1x64xf32, #tpu.memory_space<vmem>>, %arg9: memref<64x64xf32, #tpu.memory_space<vmem>>, %arg10: memref<1x64xf32, #tpu.memory_space<vmem>>, %arg11: memref<2000x64xf32, #tpu.memory_space<vmem>>, %arg12: memref<2000x64xf32, #tpu.memory_space<vmem>>) attributes {dimension_semantics = [#tpu.dimension_semantics<arbitrary>], iteration_bounds = array<i64: 5>, scalar_prefetch = 0 : i64, scratch_operands = 0 : i64, tpu.core_type = #tpu.core_type<tc>, window_params = [{transform_indices = @transform_0, window_bounds = array<i64: 2000, 64>}, {transform_indices = @transform_1, window_bounds = array<i64: 2, 2000, 128>}, {pipeline_mode = #tpu.pipeline_mode<synchronous>, transform_indices = @transform_2, window_bounds = array<i64: 64, 64>}, {pipeline_mode = #tpu.pipeline_mode<synchronous>, transform_indices = @transform_3, window_bounds = array<i64: 1, 64>}, {pipeline_mode = #tpu.pipeline_mode<synchronous>, transform_indices = @transform_4, window_bounds = array<i64: 64, 64>}, {pipeline_mode = #tpu.pipeline_mode<synchronous>, transform_indices = @transform_5, window_bounds = array<i64: 1, 64>}, {pipeline_mode = #tpu.pipeline_mode<synchronous>, transform_indices = @transform_6, window_bounds = array<i64: 64, 64>}, {pipeline_mode = #tpu.pipeline_mode<synchronous>, transform_indices = @transform_7, window_bounds = array<i64: 1, 64>}, {pipeline_mode = #tpu.pipeline_mode<synchronous>, transform_indices = @transform_8, window_bounds = array<i64: 64, 64>}, {pipeline_mode = #tpu.pipeline_mode<synchronous>, transform_indices = @transform_9, window_bounds = array<i64: 1, 64>}, {transform_indices = @transform_10, window_bounds = array<i64: 2000, 64>}, {transform_indices = @transform_11, window_bounds = array<i64: 2000, 64>}]} {
    %get3A = arith.constant 0 : index
    %get3A_0 = arith.constant 0 : index
    %get3A_1 = vector.load %arg1[%get3A, %get3A_0] : memref<2000x64xf32, #tpu.memory_space<vmem>>, vector<2000x64xf32>
    %get3A_2 = arith.constant 0 : index
    %get3A_3 = arith.constant 0 : index
    %get3A_4 = arith.constant 0 : index
    %get3A_5 = vector.load %arg2[%get3A_2, %get3A_3, %get3A_4] : memref<2x2000x128xf32, #tpu.memory_space<vmem>>, vector<1x2000x64xf32>
    %get3A_6 = vector.shape_cast %get3A_5 : vector<1x2000x64xf32> to vector<2000x64xf32>
    %add3A = arith.addf %get3A_1, %get3A_6 : vector<2000x64xf32>
    %get3A_7 = arith.constant 1 : index
    %get3A_8 = arith.constant 0 : index
    %get3A_9 = arith.constant 0 : index
    %get3A_10 = vector.load %arg2[%get3A_7, %get3A_8, %get3A_9] : memref<2x2000x128xf32, #tpu.memory_space<vmem>>, vector<1x2000x64xf32>
    %get3A_11 = vector.shape_cast %get3A_10 : vector<1x2000x64xf32> to vector<2000x64xf32>
    %add3A_12 = arith.addf %add3A, %get3A_11 : vector<2000x64xf32>
    %get3A_13 = arith.constant 0 : index
    %get3A_14 = arith.constant 0 : index
    %get3A_15 = arith.constant 64 : index
    %get3A_16 = vector.load %arg2[%get3A_13, %get3A_14, %get3A_15] : memref<2x2000x128xf32, #tpu.memory_space<vmem>>, vector<1x2000x64xf32>
    %get3A_17 = vector.shape_cast %get3A_16 : vector<1x2000x64xf32> to vector<2000x64xf32>
    %add3A_18 = arith.addf %get3A_1, %get3A_17 : vector<2000x64xf32>
    %get3A_19 = arith.constant 1 : index
    %get3A_20 = arith.constant 0 : index
    %get3A_21 = arith.constant 64 : index
    %get3A_22 = vector.load %arg2[%get3A_19, %get3A_20, %get3A_21] : memref<2x2000x128xf32, #tpu.memory_space<vmem>>, vector<1x2000x64xf32>
    %get3A_23 = vector.shape_cast %get3A_22 : vector<1x2000x64xf32> to vector<2000x64xf32>
    %add3A_24 = arith.addf %add3A_18, %get3A_23 : vector<2000x64xf32>
    %get3A_25 = arith.constant 0 : index
    %get3A_26 = arith.constant 0 : index
    %get3A_27 = vector.load %arg3[%get3A_25, %get3A_26] : memref<64x64xf32, #tpu.memory_space<vmem>>, vector<64x64xf32>
    %dot_general3A = arith.constant dense<0.000000e+00> : vector<2000x64xf32>
    %dot_general3A_28 = tpu.matmul %add3A_12, %get3A_27, %dot_general3A {dimension_numbers = #tpu.dot_dimension_numbers<[1], [0], [0], [1], [0, 0, 1, 1], [], []>, transpose_lhs_hint = false} : vector<2000x64xf32>, vector<64x64xf32>, vector<2000x64xf32> -> vector<2000x64xf32>
    %get3A_29 = arith.constant 0 : index
    %get3A_30 = arith.constant 0 : index
    %get3A_31 = vector.load %arg4[%get3A_29, %get3A_30] : memref<1x64xf32, #tpu.memory_space<vmem>>, vector<1x64xf32>
    %add3A_32 = vector.broadcast %get3A_31 : vector<1x64xf32> to vector<2000x64xf32>
    %add3A_33 = arith.addf %dot_general3A_28, %add3A_32 : vector<2000x64xf32>
    %max3A = arith.constant 0.000000e+00 : f32
    %max3A_34 = vector.broadcast %max3A : f32 to vector<2000x64xf32>
    %max3A_35 = arith.maximumf %add3A_33, %max3A_34 : vector<2000x64xf32>
    %get3A_36 = arith.constant 0 : index
    %get3A_37 = arith.constant 0 : index
    %get3A_38 = vector.load %arg5[%get3A_36, %get3A_37] : memref<64x64xf32, #tpu.memory_space<vmem>>, vector<64x64xf32>
    %dot_general3A_39 = arith.constant dense<0.000000e+00> : vector<2000x64xf32>
    %dot_general3A_40 = tpu.matmul %max3A_35, %get3A_38, %dot_general3A_39 {dimension_numbers = #tpu.dot_dimension_numbers<[1], [0], [0], [1], [0, 0, 1, 1], [], []>, transpose_lhs_hint = false} : vector<2000x64xf32>, vector<64x64xf32>, vector<2000x64xf32> -> vector<2000x64xf32>
    %get3A_41 = arith.constant 0 : index
    %get3A_42 = arith.constant 0 : index
    %get3A_43 = vector.load %arg6[%get3A_41, %get3A_42] : memref<1x64xf32, #tpu.memory_space<vmem>>, vector<1x64xf32>
    %add3A_44 = vector.broadcast %get3A_43 : vector<1x64xf32> to vector<2000x64xf32>
    %add3A_45 = arith.addf %dot_general3A_40, %add3A_44 : vector<2000x64xf32>
    %swap3A = arith.constant 0 : index
    %swap3A_46 = arith.constant 0 : index
    %swap3A_47 = vector.load %arg11[%swap3A, %swap3A_46] : memref<2000x64xf32, #tpu.memory_space<vmem>>, vector<2000x64xf32>
    tpu.vector_store %arg11[%swap3A, %swap3A_46], %add3A_45 {strides = array<i32>} : memref<2000x64xf32, #tpu.memory_space<vmem>>, vector<2000x64xf32>,
    %get3A_48 = arith.constant 0 : index
    %get3A_49 = arith.constant 0 : index
    %get3A_50 = vector.load %arg7[%get3A_48, %get3A_49] : memref<64x64xf32, #tpu.memory_space<vmem>>, vector<64x64xf32>
    %dot_general3A_51 = arith.constant dense<0.000000e+00> : vector<2000x64xf32>
    %dot_general3A_52 = tpu.matmul %add3A_24, %get3A_50, %dot_general3A_51 {dimension_numbers = #tpu.dot_dimension_numbers<[1], [0], [0], [1], [0, 0, 1, 1], [], []>, transpose_lhs_hint = false} : vector<2000x64xf32>, vector<64x64xf32>, vector<2000x64xf32> -> vector<2000x64xf32>
    %get3A_53 = arith.constant 0 : index
    %get3A_54 = arith.constant 0 : index
    %get3A_55 = vector.load %arg8[%get3A_53, %get3A_54] : memref<1x64xf32, #tpu.memory_space<vmem>>, vector<1x64xf32>
    %add3A_56 = vector.broadcast %get3A_55 : vector<1x64xf32> to vector<2000x64xf32>
    %add3A_57 = arith.addf %dot_general3A_52, %add3A_56 : vector<2000x64xf32>
    %max3A_58 = arith.constant 0.000000e+00 : f32
    %max3A_59 = vector.broadcast %max3A_58 : f32 to vector<2000x64xf32>
    %max3A_60 = arith.maximumf %add3A_57, %max3A_59 : vector<2000x64xf32>
    %get3A_61 = arith.constant 0 : index
    %get3A_62 = arith.constant 0 : index
    %get3A_63 = vector.load %arg9[%get3A_61, %get3A_62] : memref<64x64xf32, #tpu.memory_space<vmem>>, vector<64x64xf32>
    %dot_general3A_64 = arith.constant dense<0.000000e+00> : vector<2000x64xf32>
    %dot_general3A_65 = tpu.matmul %max3A_60, %get3A_63, %dot_general3A_64 {dimension_numbers = #tpu.dot_dimension_numbers<[1], [0], [0], [1], [0, 0, 1, 1], [], []>, transpose_lhs_hint = false} : vector<2000x64xf32>, vector<64x64xf32>, vector<2000x64xf32> -> vector<2000x64xf32>
    %get3A_66 = arith.constant 0 : index
    %get3A_67 = arith.constant 0 : index
    %get3A_68 = vector.load %arg10[%get3A_66, %get3A_67] : memref<1x64xf32, #tpu.memory_space<vmem>>, vector<1x64xf32>
    %add3A_69 = vector.broadcast %get3A_68 : vector<1x64xf32> to vector<2000x64xf32>
    %add3A_70 = arith.addf %dot_general3A_65, %add3A_69 : vector<2000x64xf32>
    %jit3A = arith.constant -1.000000e+01 : f32
    %jit3A_71 = arith.constant 1.000000e+01 : f32
    %max3A_72 = vector.broadcast %jit3A : f32 to vector<2000x64xf32>
    %max3A_73 = arith.maximumf %max3A_72, %add3A_70 : vector<2000x64xf32>
    %min3A = vector.broadcast %jit3A_71 : f32 to vector<2000x64xf32>
    %min3A_74 = arith.minimumf %min3A, %max3A_73 : vector<2000x64xf32>
    %swap3A_75 = arith.constant 0 : index
    %swap3A_76 = arith.constant 0 : index
    %swap3A_77 = vector.load %arg12[%swap3A_75, %swap3A_76] : memref<2000x64xf32, #tpu.memory_space<vmem>>, vector<2000x64xf32>
    tpu.vector_store %arg12[%swap3A_75, %swap3A_76], %min3A_74 {strides = array<i32>} : memref<2000x64xf32, #tpu.memory_space<vmem>>, vector<2000x64xf32>,
    return
  }
  func.func @transform_0(%arg0: i32) -> (i32, i32) {
    %c0_i32 = arith.constant 0 : i32
    %c0_i32_0 = arith.constant 0 : i32
    return %arg0, %c0_i32 : i32, i32
  }
  func.func @transform_1(%arg0: i32) -> (i32, i32, i32) {
    %c0_i32 = arith.constant 0 : i32
    %c0_i32_0 = arith.constant 0 : i32
    %c0_i32_1 = arith.constant 0 : i32
    return %c0_i32, %arg0, %c0_i32_0 : i32, i32, i32
  }
  func.func @transform_2(%arg0: i32) -> (i32, i32) {
    %c0_i32 = arith.constant 0 : i32
    %c0_i32_0 = arith.constant 0 : i32
    %c0_i32_1 = arith.constant 0 : i32
    return %c0_i32, %c0_i32_0 : i32, i32
  }
  func.func @transform_3(%arg0: i32) -> (i32, i32) {
    %c0_i32 = arith.constant 0 : i32
    %c0_i32_0 = arith.constant 0 : i32
    %c0_i32_1 = arith.constant 0 : i32
    return %c0_i32, %c0_i32_0 : i32, i32
  }
  func.func @transform_4(%arg0: i32) -> (i32, i32) {
    %c0_i32 = arith.constant 0 : i32
    %c0_i32_0 = arith.constant 0 : i32
    %c0_i32_1 = arith.constant 0 : i32
    return %c0_i32, %c0_i32_0 : i32, i32
  }
  func.func @transform_5(%arg0: i32) -> (i32, i32) {
    %c0_i32 = arith.constant 0 : i32
    %c0_i32_0 = arith.constant 0 : i32
    %c0_i32_1 = arith.constant 0 : i32
    return %c0_i32, %c0_i32_0 : i32, i32
  }
  func.func @transform_6(%arg0: i32) -> (i32, i32) {
    %c0_i32 = arith.constant 0 : i32
    %c0_i32_0 = arith.constant 0 : i32
    %c0_i32_1 = arith.constant 0 : i32
    return %c0_i32, %c0_i32_0 : i32, i32
  }
  func.func @transform_7(%arg0: i32) -> (i32, i32) {
    %c0_i32 = arith.constant 0 : i32
    %c0_i32_0 = arith.constant 0 : i32
    %c0_i32_1 = arith.constant 0 : i32
    return %c0_i32, %c0_i32_0 : i32, i32
  }
  func.func @transform_8(%arg0: i32) -> (i32, i32) {
    %c0_i32 = arith.constant 0 : i32
    %c0_i32_0 = arith.constant 0 : i32
    %c0_i32_1 = arith.constant 0 : i32
    return %c0_i32, %c0_i32_0 : i32, i32
  }
  func.func @transform_9(%arg0: i32) -> (i32, i32) {
    %c0_i32 = arith.constant 0 : i32
    %c0_i32_0 = arith.constant 0 : i32
    %c0_i32_1 = arith.constant 0 : i32
    return %c0_i32, %c0_i32_0 : i32, i32
  }
  func.func @transform_10(%arg0: i32) -> (i32, i32) {
    %c0_i32 = arith.constant 0 : i32
    %c0_i32_0 = arith.constant 0 : i32
    return %arg0, %c0_i32 : i32, i32
  }
  func.func @transform_11(%arg0: i32) -> (i32, i32) {
    %c0_i32 = arith.constant 0 : i32
    %c0_i32_0 = arith.constant 0 : i32
    return %arg0, %c0_i32 : i32, i32
  }
}

</mosaic_0001>

<sc_bundles>
// kernel: kernel.12.cloned.1.call-start
scs
__scs_entry_jumppad:
0x0: {  	(pc) =	sbr.rel $0x88, $3  }
0x1: {  	(tag) =	ssettag $0x0;
	lr =	simm.s32 $0x1  }
0x2: {  	[smem:$0x3F8C] =	sst lr;
	_ =	strace $0xD0000000  }
0x3: {  	_ = 	snop  }
0x4: {  	_ = 	snop  }
0x5: {  	_ = 	snop  }
0x6: {  	_ = 	snop  }
0x7: {  	_ = 	snop  }
__scs_overlays_trampoline_lowered:
0x8: {  	[smem:$0x3F9B] =	sst s0  }
0x9: {  	[smem:$0x3F9C] =	sst s1  }
0xa: {  	[smem:$0x3F9D] =	sst s2  }
0xb: {  	[smem:$0x3F9E] =	sst s3  }
0xc: {  	[smem:$0x3F9F] =	sst s4  }
0xd: {  	[smem:$0x3FA0] =	sst s5  }
0xe: {  	[smem:$0x3FA1] =	sst s6  }
0xf: {  	[smem:$0x3FA2] =	sst s7  }
0x10: {  	[smem:$0x3FA3] =	sst s8  }
0x11: {  	[smem:$0x3FA4] =	sst s9;
	s0 =	simm.s32 @!p0 $0x0  }
0x12: {  	s1 =	sld [smem:$0x3F8A];
	s0 =	simm.s32 @p0 $0x1  }
0x13: {  	[smem:$0x3FA5] =	sst s0;
	s0 =	simm.s32 @!p1 $0x0  }
0x14: {  	s2 =	sld [smem:$0x3F89];
	s0 =	simm.s32 @p1 $0x1  }
0x15: {  	[smem:$0x3FA6] =	sst s0;
	s0 =	simm.s32 @!p2 $0x0  }
0x16: {  	s3 =	sld [smem:$0x3FDB];
	s0 =	simm.s32 @p2 $0x1  }
0x17: {  	s4 =	simm.s32 $0x1BF5;
	[smem:$0x3FA8] =	sst s0  }
0x18: {  	s0 =	sld [smem:$0x3F8B];
	_ =	swait.ge [sflag:s4], $0x0  }
0x19: {  	s7 =	sld [smem:$0x3F8C]  }
0x1a: {  	s8 =	sadd.s32 $0xFFFFE003, lr  }
0x1b: {  	s9 =	sadd.s32 $0xFFFFFEF7, lr;
	s5 =	simm.s32 $0xFFFFFFFF;
	p2 =	slt.u32 s8, $0xFFFFF086  }
0x1c: {  	p1 =	slt.u32 s9, $0xF7A;
	s5 =	simm.s32 @!p2 $0x0  }
0x1d: {  	s5 =	simm.s32 @p1 $0x1;
	p0 =	seq.s32 s7, s2  }
0x1e: {  	s7 =	smul.u32 @!p0 $0xF7A, s2;
	p2 =	seq.s32 @!p0 s5, $0x0  }
0x1f: {  	s9 =	smul.u32 $0xF7A, s1;
	s8 =	simm.s32 @!p0 $0x1BF5;
	p2 =	por !p2, p0  }
0x20: {  	[sflag:s8] =	ssyncset.s32 @!p0 $0xFFFFF086;
	s6 =	sadd.s32 @!p0 s3, s7;
	s7 =	simm.s32 @!p0 $0x108  }
0x21: {  	s3 =	sadd.s32 s3, s9;
	s6 =	sadd.s32 @!p0 $0x88, s6;
	s7 =	simm.s32 @p2 $0x1082  }
0x22: {  	[simem:s7], [sflag:s8] =	dma.local @!p0 [hbm:s6], $0xF7A  }
0x23: {  	s9 =	sor.u32 $0xD0000000, s2;
	s6 =	simm.s32 $0x108;
	_ =	swait.ge @!p0 [sflag:s8], $0x0  }
0x24: {  	s3 =	sadd.s32 $0x88, s3;
	s6 =	simm.s32 @!p1 $0x1082;
	[sflag:s4] =	ssyncset.s32 $0xFFFFF086  }
0x25: {  	[simem:s6], [sflag:s4] =	dma.local [hbm:s3], $0xF7A  }
0x26: {  	[smem:$0x3F8C] =	sst s1;
	(tag) =	ssettag s2;
	_ =	strace s9  }
0x27: {  	s1 =	sld [smem:$0x3F9C]  }
0x28: {  	s2 =	sld [smem:$0x3F9D]  }
0x29: {  	s4 =	sld [smem:$0x3F9F]  }
0x2a: {  	p0 =	seq.s32 s5, $0x0;
	s5 =	sld [smem:$0x3FA0]  }
0x2b: {  	s6 =	sld [smem:$0x3FA1]  }
0x2c: {  	s7 =	sld [smem:$0x3FA2]  }
0x2d: {  	s3 =	simm.s32 $0x108;
	s8 =	sld [smem:$0x3FA3]  }
0x2e: {  	s3 =	simm.s32 @!p0 $0x1082;
	s9 =	sld [smem:$0x3FA4]  }
0x2f: {  	lr =	sadd.s32 s0, s3;
	s0 =	sld [smem:$0x3F9B]  }
0x30: {  	s3 =	sld [smem:$0x3F9E]  }
0x31: {  	[smem:$0x3FA7] =	sst s10  }
0x32: {  	s10 =	sld [smem:$0x3FA5];
	_ =	sdelay $0x3  }
0x33: {  	p0 =	seq.s32 s10, $0x1;
	s10 =	sld [smem:$0x3FA7];
	_ =	sdelay $0x3  }
0x34: {  	[smem:$0x3FA7] =	sst s10  }
0x35: {  	s10 =	sld [smem:$0x3FA6];
	_ =	sdelay $0x3  }
0x36: {  	p1 =	seq.s32 s10, $0x1;
	s10 =	sld [smem:$0x3FA7];
	_ =	sdelay $0x3  }
0x37: {  	[smem:$0x3FA7] =	sst s10  }
0x38: {  	s10 =	sld [smem:$0x3FA8]  }
0x39: {  	_ = 	snop;
	(pc) =	sbr.ind lr, $3  }
0x3a: {  	_ = 	snop  }
0x3b: {  	_ = 	snop  }
0x3c: {  	p2 =	seq.s32 s10, $0x1;
	s10 =	sld [smem:$0x3FA7]  }
0x3d: {  	_ =	shalt  }
0x3e: {  	_ =	shalt  }
0x3f: {  	_ =	shalt  }
0x40: {  	_ =	shalt  }
0x41: {  	_ =	shalt  }
0x42: {  	_ =	shalt  }
0x43: {  	_ =	shalt  }
0x44: {  	_ =	shalt  }
0x45: {  	_ =	shalt  }
0x46: {  	_ =	shalt  }
0x47: {  	_ =	shalt  }
0x48: {  	_ =	shalt  }
0x49: {  	_ =	shalt  }
0x4a: {  	_ =	shalt  }
0x4b: {  	_ =	shalt  }
0x4c: {  	_ =	shalt  }
0x4d: {  	_ =	shalt  }
0x4e: {  	_ =	shalt  }
0x4f: {  	_ =	shalt  }
0x50: {  	_ =	shalt  }
0x51: {  	_ =	shalt  }
0x52: {  	_ =	shalt  }
0x53: {  	_ =	shalt  }
0x54: {  	_ =	shalt  }
0x55: {  	_ =	shalt  }
0x56: {  	_ =	shalt  }
0x57: {  	_ =	shalt  }
0x58: {  	_ =	shalt  }
0x59: {  	_ =	shalt  }
0x5a: {  	_ =	shalt  }
0x5b: {  	_ =	shalt  }
0x5c: {  	_ =	shalt  }
0x5d: {  	_ =	shalt  }
0x5e: {  	_ =	shalt  }
0x5f: {  	_ =	shalt  }
0x60: {  	_ =	shalt  }
0x61: {  	_ =	shalt  }
0x62: {  	_ =	shalt  }
0x63: {  	_ =	shalt  }
0x64: {  	_ =	shalt  }
0x65: {  	_ =	shalt  }
0x66: {  	_ =	shalt  }
0x67: {  	_ =	shalt  }
0x68: {  	_ =	shalt  }
0x69: {  	_ =	shalt  }
0x6a: {  	_ =	shalt  }
0x6b: {  	_ =	shalt  }
0x6c: {  	_ =	shalt  }
0x6d: {  	_ =	shalt  }
0x6e: {  	_ =	shalt  }
0x6f: {  	_ =	shalt  }
0x70: {  	_ =	shalt  }
0x71: {  	_ =	shalt  }
0x72: {  	_ =	shalt  }
0x73: {  	_ =	shalt  }
0x74: {  	_ =	shalt  }
0x75: {  	_ =	shalt  }
0x76: {  	_ =	shalt  }
0x77: {  	_ =	shalt  }
0x78: {  	_ =	shalt  }
0x79: {  	_ =	shalt  }
0x7a: {  	_ =	shalt  }
0x7b: {  	_ =	shalt  }
0x7c: {  	_ =	shalt  }
0x7d: {  	_ =	shalt  }
0x7e: {  	_ =	shalt  }
0x7f: {  	_ =	shalt  }
0x80: {  	_ =	shalt  }
0x81: {  	_ =	shalt  }
0x82: {  	_ =	shalt  }
0x83: {  	_ =	shalt  }
0x84: {  	_ =	shalt  }
0x85: {  	_ =	shalt  }
0x86: {  	_ =	shalt  }
0x87: {  	_ =	shalt  }
.Lfunc_end0:
.L_simem_size_0:
called_computation.1_lowered:
.L_overlay_start_0:
0x88: {  	s2 =	sld [smem:$0x3FD9]  }
0x89: {  	s3 =	sld [smem:$0x3FFE];
	_ =	sdelay $0x1  }
0x8a: {  	s1 =	srdreg.scid  }
0x8b: {  	s0 =	sand.u32 $0x1, s1  }
0x8c: {  	s14 =	sshll.u32 s0, $0xA;
	s2 =	sadd.s32 s3, s2  }
0x8d: {  	s2 =	sadd.s32 s2, s14  }
0x8e: {  	[smem:$0x3FB3] =	sst s2  }
0x8f: {  	_ = 	snop  }
0x90: {  	s2 =	sld [smem:$0x3FD0];
	_ =	sdelay $0x2  }
0x91: {  	s15 =	simm.s32 $0xA;
	s4 =	simm.s32 $0x10  }
0x92: {  	[smem:s4], [sflag:s15] =	dma.local [hbm:s2], $0x1  }
0x93: {  	_ =	swait.eq [sflag:s15], $0x1  }
0x94: {  	[sflag:s15] =	ssyncset.done $0x0  }
0x95: {  	s16 =	sld [smem:$0x10];
	[sflag:s15] =	ssyncadd.s32 $0xFFFFFFFF  }
0x96: {  	s17 =	sld [smem:$0x11];
	(tm) =	ssettm $0x1  }
0x97: {  	s18 =	sld [smem:$0x3FFB];
	_ =	sdelay $0x3  }
0x98: {  	_ =	strace s18  }
0x99: {  	s4 =	sld [smem:$0x3FFC];
	_ =	sdelay $0x3  }
0x9a: {  	_ =	strace s4  }
0x9b: {  	s4 =	sld [smem:$0x3FFD];
	_ =	sdelay $0x3  }
0x9c: {  	_ =	strace s4  }
0x9d: {  	_ =	strace $0x8FFFFFFF  }
0x9e: {  	s19 =	sld [smem:$0x3FDB];
	_ =	sdelay $0x1  }
0x9f: {  	s5 =	simm.s32 $_scs_section_size  }
0xa0: {  	s6 =	simm.s32 $_size__tile_overlayer_lowered;
	s7 =	simm.s32 $_tile_overlayer_lowered  }
0xa1: {  	s22 =	simm.s32 $0x1BFF;
	s21 =	sshll.u32 s7, $0x1;
	s4 =	sadd.s32 s5, s19  }
0xa2: {  	s8 =	simm.s32 $0x0;
	s20 =	sshll.u32 s6, $0x1;
	s6 =	sadd.s32 s21, s4  }
0xa3: {  	[timem:s8], [sflag:s22] =	dma.local [hbm:s6], s20  }
0xa4: {  	_ =	swait.ge [sflag:s22], s20  }
0xa5: {  	s5 =	ssub.s32 $0x0, s20;
	[sflag:s22] =	ssyncset.done $0x0  }
0xa6: {  	[sflag:s22] =	ssyncadd.s32 s5;
	_ =	sdelay $0x1  }
0xa7: {  	s23 =	simm.s32 $0x1B8B  }
0xa8: {  	_ =	swait.ge [sflag:s23], $0x1  }
0xa9: {  	[sflag:s23] =	ssyncset.done $0x0  }
0xaa: {  	s25 =	simm.s32 $0x1B8E;
	s24 =	sld [smem:$0x3FFE];
	[sflag:s23] =	ssyncadd.s32 $0xFFFFFFFF  }
0xab: {  	s26 =	simm.s32 $execute0_lowered;
	[smem:$0x3FD2] =	sst s25  }
0xac: {  	s6 =	sshll.u32 s26, $0x1;
	_ =	strace $0x80000049;
	[dreg:$0x1] =	wrdreg $0xFFFFFFFF  }
0xad: {  	s28 =	simm.s32 $_size_execute0_lowered;
	s4 =	sadd.s32 s4, s6;
	[dreg:$0x0] =	wrdreg $0x0  }
0xae: {  	s6 =	sshll.u32 s28, $0x1;
	[dreg:$0x2] =	wrdreg s4  }
0xaf: {  	[dreg:$0x3] =	wrdreg s6  }
0xb0: {  	[dreg:$0x4] =	wrdreg $0xC0  }
0xb1: {  	_ =	task [dreg:s8], $0x5FFFF  }
0xb2: {  	[dreg:$0x1] =	wrdreg $0xFFFFFFFF  }
0xb3: {  	[dreg:$0x0] =	wrdreg $0x60  }
0xb4: {  	[dreg:$0x2] =	wrdreg s17  }
0xb5: {  	[dreg:$0x3] =	wrdreg s16  }
0xb6: {  	[dreg:$0x4] =	wrdreg s24  }
0xb7: {  	[dreg:$0x5] =	wrdreg $0x7C000  }
0xb8: {  	[dreg:$0x6] =	wrdreg $0x9  }
0xb9: {  	_ =	task.clear_ibuf [dreg:s8], $0x7FFFF;
	_ =	strace $0x90000049  }
0xba: {  	s29 =	simm.s32 $0x9;
	_ =	strace $0x8000004B  }
0xbb: {  	_ =	swait.ge [sflag:s29], $0x1  }
0xbc: {  	[sflag:s29] =	ssyncadd.s32 $0xFFFFFFFF  }
0xbd: {  	_ =	strace $0x9000004B  }
0xbe: {  	_ =	sfence  }
0xbf: {  	s30 =	sld [smem:$0x0];
	_ =	sdelay $0x2  }
0xc0: {  	s31 =	sshll.u32 s1, $0xD;
	s1 =	sshrl.u32 s1, $0x2  }
0xc1: {  	s3 =	sand.u32 $0x4000, s31;
	s1 =	sadd.s32 s1, s30  }
0xc2: {  	s0 =	sor.u32 s3, s0;
	s1 =	sshll.u32 s1, $0x11  }
0xc3: {  	s0 =	sor.u32 s1, s0  }
0xc4: {  	s0 =	sadd.s32 $0x8F2B, s0  }
0xc5: {  	[sflag:s0] =	ssyncadd.remote.s32 $0x1  }
0xc6: {  	_ =	sfence.sel $0xFFFF  }
0xc7: {  	[dreg:$0x0] =	wrdreg $0xFFFFFFFF;
	(pc) =	sbr.abs _section_cstart, $3  }
0xc8: {  	[dreg:$0x1] =	wrdreg $0xFFFFFFFF  }
0xc9: {  	_ =	task.clear_ibuf [dreg:s8], $0x2FFFF;
	_ =	strace $0x9FFFFFFF  }
0xca: {  	(tm) =	ssettm $0x7FFFFFFF  }
0xcb: {  	_ =	shalt  }
tec
execute0_lowered:
.L_overlay_start_1:
0x0: {  	(tag) =	ssettag $0x1  }
0x1: {  	s1 =	rddreg [dreg:$0x0]  }
0x2: {  	s2 =	rddreg [dreg:$0x1]  }
0x3: {  	s0 =	rddreg [dreg:$0x2]  }
0x4: {  	s5 =	simm.s32 $0x0;
	s3 =	srdreg.scid;
	s15 =	stileid.u32  }
0x5: {  	[smem:$0x7FF] =	sst s5;
	s3 =	sand.u32 $0x1, s3;
	s8 =	smul.u32 $0x50000, s15  }
0x6: {  	s6 =	sshll.u32 s15, $0x1;
	s7 =	sadd.s32 $0x7C0A00, s0;
	s15 =	smul.u32 $0x14000, s15  }
0x7: {  	s10 =	sor.u32 s3, s6;
	s9 =	ssub.s32 $0x2, s3;
	s3 =	smul.u32 $0x140000, s3  }
0x8: {  	s4 =	rddreg [dreg:$0x3];
	_ =	strace $0x8000004A;
	s11 =	smul.u32 $0x500, s10  }
0x9: {  	s6 =	sadd.s32 $0x4A00, s0;
	s0 =	sadd.s32 $0xEA00, s0;
	s12 =	smul.u32 $0x14000, s10  }
0xa: {  	s13 =	sshrl.u32 s9, $0x1;
	s8 =	sshrl.u32 s8, $0x2;
	s22 =	sadd.s32 $0x4000, s15  }
0xb: {  	s28 =	sadd.s32 $0x8000, s15;
	s29 =	sadd.s32 $0xC000, s15;
	s17 =	sadd.s32 $0x10000, s15  }
0xc: {  	s14 =	ssub.s32 s9, s13;
	s8 =	sadd.s32 s8, s4;
	s9 =	smul.u32 $0xA0, s10  }
0xd: {  	s21 =	sadd.s32 s3, s15;
	s13 =	smul.u32 $0x2800, s10;
	s24 =	sadd.s32 s3, s22  }
0xe: {  	s30 =	sadd.s32 s3, s28;
	s16 =	sadd.s32 s3, s29;
	s19 =	sadd.s32 s2, s11  }
0xf: {  	s3 =	sadd.s32 s3, s17;
	s11 =	sadd.s32 s6, s11;
	[dreg:$0x5] =	wrdreg s19  }
0x10: {  	s15 =	sadd.s32 s15, s4;
	s20 =	sadd.s32 s7, s12;
	[dreg:$0x6] =	wrdreg s11  }
0x11: {  	s23 =	sshrl.u32 s21, $0x3;
	s25 =	smax.u32 s14, $0x1;
	[dreg:$0x7] =	wrdreg s20  }
0x12: {  	s26 =	sshrl.u32 s24, $0x3;
	s24 =	sadd.s32 $0x6000, s8;
	[dreg:$0x9] =	wrdreg s25  }
0x13: {  	s14 =	sshrl.u32 s30, $0x3;
	s30 =	sadd.s32 $0x10000, s8;
	[dreg:$0x15] =	wrdreg s24  }
0x14: {  	s18 =	sadd.s32 s17, s4;
	s10 =	sadd.s32 s0, s23;
	[dreg:$0x1a] =	wrdreg s30  }
0x15: {  	s16 =	sshrl.u32 s16, $0x3;
	s14 =	sadd.s32 s0, s14;
	[dreg:$0x8] =	wrdreg s10  }
0x16: {  	s17 =	simm.s32 $0x2C00;
	s31 =	sadd.s32 s0, s16;
	[dreg:$0xb] =	wrdreg s14  }
0x17: {  	s16 =	sadd.s32 s22, s4;
	s22 =	sshrl.u32 s18, $0x3;
	[dreg:$0xc] =	wrdreg s31  }
0x18: {  	s3 =	sshrl.u32 s3, $0x3;
	s23 =	sadd.s32 $0x4000, s8;
	[dreg:$0x13] =	wrdreg s22  }
0x19: {  	s12 =	simm.s32 $0x7;
	s25 =	sadd.s32 $0x8000, s8;
	[dreg:$0x14] =	wrdreg s23  }
0x1a: {  	s11 =	sadd.s32 s29, s4;
	s29 =	sadd.s32 $0xE000, s8;
	[dreg:$0x16] =	wrdreg s25  }
0x1b: {  	s18 =	simm.s32 $0x1400;
	s10 =	sadd.s32 s0, s26;
	[dreg:$0x19] =	wrdreg s29  }
0x1c: {  	s24 =	simm.s32 $0x0;
	s0 =	sadd.s32 s0, s3;
	[dreg:$0xa] =	wrdreg s10  }
0x1d: {  	s14 =	sadd.s32 $0x2000, s8;
	s19 =	sshrl.u32 s16, $0x3;
	[dreg:$0xd] =	wrdreg s0  }
0x1e: {  	s21 =	sshrl.u32 s11, $0x3;
	s26 =	sadd.s32 $0xA000, s8;
	[dreg:$0xe] =	wrdreg s14  }
0x1f: {  	s31 =	sadd.s32 $0x12000, s8;
	s11 =	simm.s32 $0x3C00;
	[dreg:$0x10] =	wrdreg s19  }
0x20: {  	s16 =	simm.s32 $0x1;
	s22 =	simm.s32 $0x5;
	[dreg:$0x12] =	wrdreg s21  }
0x21: {  	s23 =	simm.s32 $0x6;
	s10 =	sadd.s32 s28, s4;
	[dreg:$0x17] =	wrdreg s26  }
0x22: {  	s0 =	sshrl.u32 s15, $0x3;
	s28 =	sadd.s32 $0xC000, s8;
	[dreg:$0x1b] =	wrdreg s31  }
0x23: {  	s14 =	simm.s32 $0x40;
	s15 =	simm.s32 $0x3;
	[dreg:$0xf] =	wrdreg s0  }
0x24: {  	s19 =	simm.s32 $0x4;
	s20 =	sshrl.u32 s10, $0x3;
	[dreg:$0x18] =	wrdreg s28  }
0x25: {  	v0 =	vimm.f32 $0.0e+00;
	s21 =	simm.s32 $0x5C00;
	[dreg:$0x11] =	wrdreg s20;
	s20 =	simm.s32 $0x2  }
.LBB2_1:
0x26: {  	s0 =	simm.s32 $0x0;
	s25 =	simm.s32 $0x200  }
.LBB2_2:
0x27: {  	p0 =	sne.s32 s25, $0x7E00;
	[tilespmem:s0+$0x3C70] =	vst v0  }
0x28: {  	[tilespmem:s0+$0x3C00] =	vst v0  }
0x29: {  	[tilespmem:s0+$0x3C10] =	vst v0  }
.Ltmp0:
0x2a: {  	[tilespmem:s0+$0x3C20] =	vst v0;
	(pc) =	sbr.rel @p0 .LBB2_2-.Ltmp0, $4  }
0x2b: {  	[tilespmem:s0+$0x3C30] =	vst v0  }
0x2c: {  	[tilespmem:s0+$0x3C40] =	vst v0  }
0x2d: {  	[tilespmem:s0+$0x3C50] =	vst v0  }
0x2e: {  	[tilespmem:s0+$0x3C60] =	vst v0;
	s0 =	sshra.s32 s25, $0x2;
	s25 =	sadd.s32 $0x200, s25  }
0x2f: {  	[tilespmem:s0+$0x3C70] =	vst v0  }
0x30: {  	[tilespmem:s0+$0x3C00] =	vst v0  }
0x31: {  	[tilespmem:s0+$0x3C10] =	vst v0  }
0x32: {  	[tilespmem:s0+$0x3C20] =	vst v0  }
0x33: {  	[tilespmem:s0+$0x3C30] =	vst v0  }
0x34: {  	[tilespmem:s0+$0x3C40] =	vst v0  }
0x35: {  	[tilespmem:s0+$0x3C50] =	vst v0  }
0x36: {  	[tilespmem:s0+$0x3C60] =	vst v0  }
0x37: {  	[spmem:s8] =	stream.linear.scatter [tilespmem:s11], [sflag:$0x7], $0x2000, $0x38;
	[tilespmem:$0x1BC00] =	vst v63  }
0x38: {  	_ =	swait.ge [sflag:s12], $0x2000  }
0x39: {  	[sflag:s12] =	ssyncset.done $0x0  }
0x3a: {  	s25 =	rddreg [dreg:$0xe];
	[sflag:s12] =	ssyncadd.s32 $0xFFFFE000  }
0x3b: {  	[spmem:s25] =	stream.linear.scatter [tilespmem:s11], [sflag:$0x7], $0x2000, $0x38;
	[tilespmem:$0x1BC00] =	vst v63  }
0x3c: {  	_ =	swait.ge [sflag:s12], $0x2000  }
0x3d: {  	[sflag:s12] =	ssyncset.done $0x0  }
0x3e: {  	s26 =	rddreg [dreg:$0x14];
	[sflag:s12] =	ssyncadd.s32 $0xFFFFE000  }
0x3f: {  	[spmem:s26] =	stream.linear.scatter [tilespmem:s11], [sflag:$0x7], $0x2000, $0x38;
	[tilespmem:$0x1BC00] =	vst v63  }
0x40: {  	_ =	swait.ge [sflag:s12], $0x2000  }
0x41: {  	[sflag:s12] =	ssyncset.done $0x0  }
0x42: {  	s28 =	rddreg [dreg:$0x15];
	[sflag:s12] =	ssyncadd.s32 $0xFFFFE000  }
0x43: {  	[spmem:s28] =	stream.linear.scatter [tilespmem:s11], [sflag:$0x7], $0x2000, $0x38;
	[tilespmem:$0x1BC00] =	vst v63  }
0x44: {  	_ =	swait.ge [sflag:s12], $0x2000  }
0x45: {  	[sflag:s12] =	ssyncset.done $0x0  }
0x46: {  	s29 =	rddreg [dreg:$0x16];
	[sflag:s12] =	ssyncadd.s32 $0xFFFFE000  }
0x47: {  	[spmem:s29] =	stream.linear.scatter [tilespmem:s11], [sflag:$0x7], $0x2000, $0x38;
	[tilespmem:$0x1BC00] =	vst v63  }
0x48: {  	_ =	swait.ge [sflag:s12], $0x2000  }
0x49: {  	[sflag:s12] =	ssyncset.done $0x0  }
0x4a: {  	s30 =	rddreg [dreg:$0x17];
	[sflag:s12] =	ssyncadd.s32 $0xFFFFE000  }
0x4b: {  	[spmem:s30] =	stream.linear.scatter [tilespmem:s11], [sflag:$0x7], $0x2000, $0x38;
	[tilespmem:$0x1BC00] =	vst v63  }
0x4c: {  	_ =	swait.ge [sflag:s12], $0x2000  }
0x4d: {  	[sflag:s12] =	ssyncset.done $0x0  }
0x4e: {  	s31 =	rddreg [dreg:$0x18];
	[sflag:s12] =	ssyncadd.s32 $0xFFFFE000  }
0x4f: {  	[spmem:s31] =	stream.linear.scatter [tilespmem:s11], [sflag:$0x7], $0x2000, $0x38;
	[tilespmem:$0x1BC00] =	vst v63  }
0x50: {  	_ =	swait.ge [sflag:s12], $0x2000  }
0x51: {  	[sflag:s12] =	ssyncset.done $0x0  }
0x52: {  	s3 =	rddreg [dreg:$0x19];
	[sflag:s12] =	ssyncadd.s32 $0xFFFFE000  }
0x53: {  	[spmem:s3] =	stream.linear.scatter [tilespmem:s11], [sflag:$0x7], $0x2000, $0x38;
	[tilespmem:$0x1BC00] =	vst v63  }
0x54: {  	_ =	swait.ge [sflag:s12], $0x2000  }
0x55: {  	[sflag:s12] =	ssyncset.done $0x0  }
0x56: {  	s10 =	rddreg [dreg:$0x1a];
	[sflag:s12] =	ssyncadd.s32 $0xFFFFE000  }
0x57: {  	[spmem:s10] =	stream.linear.scatter [tilespmem:s11], [sflag:$0x7], $0x2000, $0x38;
	[tilespmem:$0x1BC00] =	vst v63  }
0x58: {  	_ =	swait.ge [sflag:s12], $0x2000  }
0x59: {  	[sflag:s12] =	ssyncset.done $0x0  }
0x5a: {  	s25 =	rddreg [dreg:$0x1b];
	[sflag:s12] =	ssyncadd.s32 $0xFFFFE000  }
0x5b: {  	[spmem:s25] =	stream.linear.scatter [tilespmem:s11], [sflag:$0x7], $0x2000, $0x38;
	[tilespmem:$0x1BC00] =	vst v63  }
0x5c: {  	_ =	swait.ge [sflag:s12], $0x2000  }
0x5d: {  	[sflag:s12] =	ssyncset.done $0x0  }
0x5e: {  	[sflag:s12] =	ssyncadd.s32 $0xFFFFE000  }
0x5f: {  	[bflag:$0x0] =	sbarrier.arrive $0xFFFF  }
0x60: {  	s25 =	simm.s32 $0x0;
	s26 =	rddreg [dreg:$0x5]  }
0x61: {  	[tilespmem:s25], [sflag:$0x7] =	stream.linear.gather [hbm4b:s26+s25], $0x400, $0x38;
	[tilespmem:$0x1BC00] =	vst v63  }
0x62: {  	_ =	swait.ge [sflag:s12], $0x400  }
0x63: {  	[sflag:s12] =	ssyncset.done $0x0  }
0x64: {  	s3 =	simm.s32 $0x400;
	s28 =	rddreg [dreg:$0x6];
	[sflag:s12] =	ssyncadd.s32 $0xFFFFFC00  }
0x65: {  	[tilespmem:s3], [sflag:$0x7] =	stream.linear.gather [hbm4b:s28+s25], $0x400, $0x38;
	[tilespmem:$0x1BC00] =	vst v63  }
0x66: {  	_ =	swait.ge [sflag:s12], $0x400  }
0x67: {  	[sflag:s12] =	ssyncset.done $0x0  }
0x68: {  	s30 =	simm.s32 $0x1C00;
	s29 =	rddreg [dreg:$0x7];
	[sflag:s12] =	ssyncadd.s32 $0xFFFFFC00  }
0x69: {  	[tilespmem:s30], [sflag:$0x3] =	stream.linear.gather [hbm4b:s29+s25], $0x1000, $0x38;
	[tilespmem:$0x1BC00] =	vst v63  }
0x6a: {  	s31 =	simm.s32 $0xC00  }
0x6b: {  	[tilespmem:s31], [sflag:$0x1] =	stream.indirect.gather [hbm4b:s1+s14], $0x20, s25, s14, $0xb8;
	[tilespmem:$0x1BC00] =	vst v63  }
.LBB2_4:
0x6c: {  	_ =	swait.ge [sflag:s15], $0x1000  }
0x6d: {  	s0 =	sshllo.u32 s25, $0x1;
	[sflag:s15] =	ssyncset.done $0x0  }
0x6e: {  	s26 =	sadd.s32 s9, s0;
	[sflag:s15] =	ssyncadd.s32 $0xFFFFF000  }
0x6f: {  	s26 =	sshll.u32 s26, $0x9;
	_ =	swait.ge [sflag:s16], $0x800  }
0x70: {  	p0 =	seq.s32 s25, $0x0;
	s26 =	sand.u32 $0x1FFFFE00, s26;
	[sflag:s16] =	ssyncset.done $0x0  }
0x71: {  	s0 =	sshll.u32 s0, $0x6;
	s26 =	sadd.s32 s7, s26;
	[sflag:s16] =	ssyncadd.s32 $0xFFFFF800  }
0x72: {  	[tilespmem:s17], [sflag:$0x4] =	stream.linear.gather [hbm4b:s26+s5], $0x1000, $0x38;
	[tilespmem:$0x1BC00] =	vst v63  }
0x73: {  	s26 =	sand.u32 $0x3C0, s0;
	s0 =	simm.s32 @!p0 $0x5  }
0x74: {  	[tilespmem:s18], [sflag:$0x2] =	stream.indirect.gather [hbm4b:s1+s14], $0x20, s26, s14, $0xb8;
	[tilespmem:$0x1BC00] =	vst v63  }
0x75: {  	_ =	swait.ge @!p0 [sflag:s0], $0x2000  }
0x76: {  	[sflag:s0] =	ssyncset.done @!p0 $0x0  }
0x77: {  	s29 =	simm.s32 $0x0;
	[sflag:s0] =	ssyncadd.s32 @!p0 $0xFFFFE000  }
0x78: {  	s28 =	simm.s32 $0x1000;
	v2 =	vld [tilespmem:s29+$0x1C00]  }
0x79: {  	v1 =	vld [tilespmem:s28+$0xFFFFFC00]  }
0x7a: {  	v3 =	vld [tilespmem:s29+$0x1C20];
	_ =	sdelay $0x3  }
0x7b: {  	v7 =	vshll.u32 v1, $0x10;
	v8 =	vand.u32 $0xFFFF0000, v2  }
0x7c: {  	v9 =	vand.u32 $0xFFFF0000, v1;
	v11 =	vshll.u32 v3, $0x10;
	v8 =	vadd.f32 v8, v7  }
0x7d: {  	v2 =	vshll.u32 v2, $0x10;
	v11 =	vadd.f32 v11, v9  }
0x7e: {  	v3 =	vand.u32 $0xFFFF0000, v3;
	v7 =	vadd.f32 v2, v7;
	v8 =	vmax.f32 v8, $0.0e+00  }
0x7f: {  	v3 =	vadd.f32 v3, v9;
	v57 =	vmax.f32 v11, $0.0e+00;
	[tilespmem:s29+$0x3C40] =	vst v8  }
0x80: {  	v7 =	vmax.f32 v7, $0.0e+00;
	[tilespmem:s29+$0x3C20] =	vst v57  }
0x81: {  	v4 =	vld [tilespmem:s29+$0x1C10];
	v3 =	vmax.f32 v3, $0.0e+00;
	[tilespmem:s29+$0x3C00] =	vst v7  }
0x82: {  	v5 =	vld [tilespmem:s29+$0x1C30];
	[tilespmem:s29+$0x3C60] =	vst v3  }
0x83: {  	v3 =	vld [tilespmem:s28+$0xFFFFFC10];
	_ =	sdelay $0x4  }
0x84: {  	v58 =	vshll.u32 v4, $0x10;
	v60 =	vand.u32 $0xFFFF0000, v5;
	v59 =	vshll.u32 v3, $0x10  }
0x85: {  	v5 =	vshll.u32 v5, $0x10;
	v3 =	vand.u32 $0xFFFF0000, v3;
	v7 =	vadd.f32 v58, v59  }
0x86: {  	v4 =	vand.u32 $0xFFFF0000, v4;
	v9 =	vadd.f32 v60, v3;
	v3 =	vadd.f32 v5, v3  }
0x87: {  	v4 =	vadd.f32 v4, v59;
	v5 =	vmax.f32 v7, $0.0e+00  }
0x88: {  	v3 =	vmax.f32 v3, $0.0e+00;
	[tilespmem:s29+$0x3C10] =	vst v5  }
0x89: {  	v4 =	vmax.f32 v4, $0.0e+00;
	[tilespmem:s29+$0x3C30] =	vst v3  }
0x8a: {  	v6 =	vld [tilespmem:s29+$0x1C40];
	v5 =	vmax.f32 v9, $0.0e+00;
	[tilespmem:s29+$0x3C50] =	vst v4  }
0x8b: {  	v10 =	vld [tilespmem:s29+$0x1C60];
	[tilespmem:s29+$0x3C70] =	vst v5  }
0x8c: {  	v3 =	vld [tilespmem:s28+$0x0];
	_ =	sdelay $0x4  }
0x8d: {  	v61 =	vand.u32 $0xFFFF0000, v10;
	v5 =	vshll.u32 v6, $0x10;
	v4 =	vshll.u32 v3, $0x10  }
0x8e: {  	v62 =	vshll.u32 v10, $0x10;
	v3 =	vand.u32 $0xFFFF0000, v3;
	v5 =	vadd.f32 v5, v4  }
0x8f: {  	v7 =	vadd.f32 v61, v3;
	v3 =	vadd.f32 v62, v3  }
0x90: {  	v6 =	vand.u32 $0xFFFF0000, v6;
	v5 =	vmax.f32 v5, $0.0e+00  }
0x91: {  	v4 =	vadd.f32 v6, v4;
	v63 =	vmax.f32 v3, $0.0e+00;
	[tilespmem:s29+$0x4C00] =	vst v5  }
0x92: {  	v1 =	vld [tilespmem:s29+$0x1C50];
	v5 =	vmax.f32 v7, $0.0e+00;
	[tilespmem:s29+$0x4C20] =	vst v63  }
0x93: {  	s30 =	sshll.u32 s25, $0x1;
	s31 =	simm.s32 $0x200;
	s0 =	simm.s32 $0x1000;
	v2 =	vld [tilespmem:s29+$0x1C70];
	v3 =	vmax.f32 v4, $0.0e+00;
	[tilespmem:s29+$0x4C60] =	vst v5  }
.LBB2_5:
0x94: {  	p0 =	sne.s32 s31, $0x3E00  }
0x95: {  	[tilespmem:s29+$0x4C40] =	vst v3;
	s28 =	sadd.s32 $0x20, s28;
	s3 =	smov.u32 s31;
	s31 =	sadd.s32 $0x200, s31  }
0x96: {  	v3 =	vld [tilespmem:s0+$0x10];
	s0 =	smov.u32 s28;
	_ =	sdelay $0x3  }
0x97: {  	v4 =	vshll.u32 v2, $0x10;
	v5 =	vand.u32 $0xFFFF0000, v1  }
0x98: {  	v1 =	vshll.u32 v1, $0x10;
	v6 =	vshll.u32 v3, $0x10;
	v3 =	vand.u32 $0xFFFF0000, v3  }
0x99: {  	v2 =	vand.u32 $0xFFFF0000, v2;
	v1 =	vadd.f32 v1, v6;
	v4 =	vadd.f32 v4, v3  }
0x9a: {  	v5 =	vadd.f32 v5, v6;
	v2 =	vadd.f32 v2, v3  }
0x9b: {  	v1 =	vmax.f32 v1, $0.0e+00;
	v3 =	vmax.f32 v4, $0.0e+00  }
0x9c: {  	v2 =	vmax.f32 v2, $0.0e+00;
	[tilespmem:s29+$0x4C10] =	vst v1;
	v1 =	vmax.f32 v5, $0.0e+00  }
0x9d: {  	[tilespmem:s29+$0x4C70] =	vst v2  }
0x9e: {  	s3 =	sshra.s32 s3, $0x2;
	[tilespmem:s29+$0x4C30] =	vst v3  }
0x9f: {  	v2 =	vld [tilespmem:s3+$0x1C00];
	[tilespmem:s29+$0x4C50] =	vst v1;
	s29 =	smov.u32 s3  }
0xa0: {  	v1 =	vld [tilespmem:s28+$0xFFFFFC00]  }
0xa1: {  	v3 =	vld [tilespmem:s29+$0x1C20]  }
0xa2: {  	v4 =	vld [tilespmem:s29+$0x1C10]  }
0xa3: {  	v5 =	vld [tilespmem:s29+$0x1C30]  }
0xa4: {  	v6 =	vld [tilespmem:s29+$0x1C40]  }
0xa5: {  	v7 =	vshll.u32 v1, $0x10;
	v8 =	vand.u32 $0xFFFF0000, v1;
	v1 =	vand.u32 $0xFFFF0000, v2;
	v9 =	vld [tilespmem:s29+$0x1C60]  }
0xa6: {  	v10 =	vshll.u32 v3, $0x10;
	v11 =	vadd.f32 v1, v7;
	v3 =	vand.u32 $0xFFFF0000, v3;
	v1 =	vld [tilespmem:s29+$0x1C50]  }
0xa7: {  	v12 =	vshll.u32 v2, $0x10;
	v10 =	vadd.f32 v10, v8;
	v3 =	vadd.f32 v3, v8;
	v2 =	vld [tilespmem:s29+$0x1C70]  }
0xa8: {  	v7 =	vadd.f32 v12, v7;
	v8 =	vmax.f32 v11, $0.0e+00  }
0xa9: {  	v10 =	vmax.f32 v10, $0.0e+00;
	[tilespmem:s29+$0x3C40] =	vst v8;
	v3 =	vmax.f32 v3, $0.0e+00  }
0xaa: {  	v7 =	vmax.f32 v7, $0.0e+00;
	[tilespmem:s29+$0x3C20] =	vst v10  }
0xab: {  	[tilespmem:s29+$0x3C00] =	vst v7  }
0xac: {  	[tilespmem:s29+$0x3C60] =	vst v3  }
0xad: {  	v3 =	vld [tilespmem:s28+$0xFFFFFC10];
	_ =	sdelay $0x3  }
0xae: {  	v8 =	vand.u32 $0xFFFF0000, v5;
	v7 =	vshll.u32 v4, $0x10  }
0xaf: {  	v5 =	vshll.u32 v5, $0x10;
	v10 =	vshll.u32 v3, $0x10;
	v3 =	vand.u32 $0xFFFF0000, v3  }
0xb0: {  	v4 =	vand.u32 $0xFFFF0000, v4;
	v7 =	vadd.f32 v7, v10;
	v5 =	vadd.f32 v5, v3  }
0xb1: {  	v4 =	vadd.f32 v4, v10;
	v3 =	vadd.f32 v8, v3  }
0xb2: {  	v7 =	vmax.f32 v7, $0.0e+00;
	v5 =	vmax.f32 v5, $0.0e+00  }
0xb3: {  	v4 =	vmax.f32 v4, $0.0e+00;
	v3 =	vmax.f32 v3, $0.0e+00;
	[tilespmem:s29+$0x3C10] =	vst v7  }
0xb4: {  	[tilespmem:s29+$0x3C70] =	vst v3  }
0xb5: {  	[tilespmem:s29+$0x3C30] =	vst v5  }
0xb6: {  	[tilespmem:s29+$0x3C50] =	vst v4  }
0xb7: {  	v3 =	vld [tilespmem:s28+$0x0];
	_ =	sdelay $0x3  }
0xb8: {  	v5 =	vand.u32 $0xFFFF0000, v9;
	v4 =	vshll.u32 v9, $0x10  }
0xb9: {  	v8 =	vshll.u32 v6, $0x10;
	v7 =	vshll.u32 v3, $0x10;
	v3 =	vand.u32 $0xFFFF0000, v3  }
0xba: {  	v6 =	vand.u32 $0xFFFF0000, v6;
	v8 =	vadd.f32 v8, v7;
	v4 =	vadd.f32 v4, v3  }
.Ltmp1:
0xbb: {  	v6 =	vadd.f32 v6, v7;
	v5 =	vadd.f32 v5, v3;
	(pc) =	sbr.rel @p0 .LBB2_5-.Ltmp1, $4  }
0xbc: {  	v3 =	vmax.f32 v8, $0.0e+00;
	v4 =	vmax.f32 v4, $0.0e+00  }
0xbd: {  	v5 =	vmax.f32 v5, $0.0e+00;
	[tilespmem:s29+$0x4C00] =	vst v3;
	v3 =	vmax.f32 v6, $0.0e+00  }
0xbe: {  	[tilespmem:s29+$0x4C60] =	vst v5  }
0xbf: {  	[tilespmem:s29+$0x4C20] =	vst v4  }
0xc0: {  	[tilespmem:s29+$0x4C40] =	vst v3  }
0xc1: {  	v3 =	vld [tilespmem:s0+$0x10];
	_ =	sdelay $0x4  }
0xc2: {  	v5 =	vshll.u32 v1, $0x10;
	v6 =	vand.u32 $0xFFFF0000, v2;
	v4 =	vshll.u32 v3, $0x10  }
0xc3: {  	v2 =	vshll.u32 v2, $0x10;
	v3 =	vand.u32 $0xFFFF0000, v3;
	v5 =	vadd.f32 v5, v4  }
0xc4: {  	v1 =	vand.u32 $0xFFFF0000, v1;
	v2 =	vadd.f32 v2, v3  }
0xc5: {  	v6 =	vadd.f32 v6, v3;
	v1 =	vadd.f32 v1, v4;
	v3 =	vmax.f32 v5, $0.0e+00  }
0xc6: {  	s10 =	sshll.u32 s25, $0x7;
	v2 =	vmax.f32 v2, $0.0e+00;
	[tilespmem:s29+$0x4C10] =	vst v3  }
0xc7: {  	s3 =	sand.u32 $0x400, s10;
	v1 =	vmax.f32 v1, $0.0e+00;
	[tilespmem:s29+$0x4C30] =	vst v2  }
0xc8: {  	s0 =	sand.u32 $0x380, s10;
	s28 =	sadd.s32 $0x400, s3;
	v3 =	vmax.f32 v6, $0.0e+00;
	[tilespmem:s29+$0x4C50] =	vst v1  }
0xc9: {  	s0 =	sor.u32 s0, s28;
	[tilespmem:s29+$0x4C70] =	vst v3  }
0xca: {  	[spmem:s4] =	stream.indirect.scatter.add.f32 [tilespmem:s11], [sflag:$0x5], $0x80, s0, s14, $0xb8;
	[tilespmem:$0x1BC00] =	vst v63  }
0xcb: {  	p0 =	seq.s32 s25, $0x4F;
	s0 =	sadd.s32 $0x2, s30  }
0xcc: {  	s3 =	sand.u32 @!p0 $0xE, s0  }
0xcd: {  	_ =	swait.ge [sflag:s19], $0x1000;
	p1 =	sne.s32 @!p0 s3, $0x0  }
0xce: {  	[sflag:s19] =	ssyncset.done $0x0;
	p1 =	por p1, p0  }
0xcf: {  	[sflag:s19] =	ssyncadd.s32 $0xFFFFF000;
	s29 =	sshll.u32 @!p1 s0, $0x6  }
0xd0: {  	_ =	swait.ge [sflag:s20], $0x800;
	s30 =	sadd.s32 @!p1 s13, s29  }
0xd1: {  	[sflag:s20] =	ssyncset.done $0x0;
	s30 =	sshrl.u32 @!p1 s30, $0x3  }
0xd2: {  	s10 =	simm.s32 @!p1 $0x0;
	[sflag:s20] =	ssyncadd.s32 $0xFFFFF800;
	s31 =	sadd.s32 @!p1 s2, s30  }
0xd3: {  	[tilespmem:s10], [sflag:$0x7] =	stream.linear.gather @!p1 [hbm4b:s31+s10], $0x400, $0x38;
	[tilespmem:$0x1BC00] =	vst v63  }
0xd4: {  	s31 =	simm.s32 @!p1 $0x7  }
0xd5: {  	s0 =	sadd.s32 @!p0 s9, s0;
	_ =	swait.ge @!p1 [sflag:s31], $0x400  }
0xd6: {  	s29 =	sand.u32 @!p1 $0x400, s29;
	s0 =	sshll.u32 @!p0 s0, $0x9;
	[sflag:s31] =	ssyncset.done @!p1 $0x0  }
0xd7: {  	s29 =	sadd.s32 @!p1 $0x400, s29;
	s30 =	sadd.s32 @!p1 s6, s30;
	[sflag:s31] =	ssyncadd.s32 @!p1 $0xFFFFFC00  }
0xd8: {  	[tilespmem:s29], [sflag:$0x7] =	stream.linear.gather @!p1 [hbm4b:s30+s10], $0x400, $0x38;
	[tilespmem:$0x1BC00] =	vst v63  }
0xd9: {  	s0 =	sand.u32 @!p0 $0x1FFFFC00, s0;
	_ =	swait.ge @!p1 [sflag:s31], $0x400  }
0xda: {  	s0 =	sadd.s32 @!p0 s7, s0;
	s10 =	simm.s32 @!p0 $0x0;
	[sflag:s31] =	ssyncset.done @!p1 $0x0  }
0xdb: {  	s29 =	simm.s32 @!p0 $0x1C00;
	[sflag:s31] =	ssyncadd.s32 @!p1 $0xFFFFFC00;
	p1 =	seq.s32 @!p0 s25, $0x0  }
0xdc: {  	[tilespmem:s29], [sflag:$0x3] =	stream.linear.gather @!p0 [hbm4b:s0+s10], $0x1000, $0x38;
	[tilespmem:$0x1BC00] =	vst v63  }
0xdd: {  	s0 =	sshll.u32 @!p0 s3, $0x6;
	s3 =	simm.s32 @!p0 $0x40;
	s10 =	simm.s32 @!p0 $0xC00  }
0xde: {  	[tilespmem:s10], [sflag:$0x1] =	stream.indirect.gather @!p0 [hbm4b:s1+s3], $0x20, s0, s3, $0xb8;
	[tilespmem:$0x1BC00] =	vst v63  }
0xdf: {  	p0 =	por p0, !p1  }
0xe0: {  	_ =	swait.ge @p0 [sflag:s23], $0x2000  }
0xe1: {  	[sflag:s23] =	ssyncset.done @p0 $0x0  }
0xe2: {  	s29 =	simm.s32 $0x0;
	[sflag:s23] =	ssyncadd.s32 @p0 $0xFFFFE000  }
0xe3: {  	s30 =	simm.s32 $0x1810;
	v2 =	vld [tilespmem:s29+$0x2C00]  }
0xe4: {  	v1 =	vld [tilespmem:s30+$0xFFFFFBF0]  }
0xe5: {  	v3 =	vld [tilespmem:s29+$0x2C20];
	_ =	sdelay $0x3  }
0xe6: {  	v7 =	vshll.u32 v1, $0x10;
	v8 =	vand.u32 $0xFFFF0000, v2  }
0xe7: {  	v9 =	vand.u32 $0xFFFF0000, v1;
	v11 =	vshll.u32 v3, $0x10;
	v8 =	vadd.f32 v8, v7  }
0xe8: {  	v2 =	vshll.u32 v2, $0x10;
	v11 =	vadd.f32 v11, v9  }
0xe9: {  	v3 =	vand.u32 $0xFFFF0000, v3;
	v7 =	vadd.f32 v2, v7;
	v8 =	vmax.f32 v8, $0.0e+00  }
0xea: {  	v3 =	vadd.f32 v3, v9;
	v57 =	vmax.f32 v11, $0.0e+00;
	[tilespmem:s29+$0x5C40] =	vst v8  }
0xeb: {  	v7 =	vmax.f32 v7, $0.0e+00;
	[tilespmem:s29+$0x5C20] =	vst v57  }
0xec: {  	v4 =	vld [tilespmem:s29+$0x2C10];
	v3 =	vmax.f32 v3, $0.0e+00;
	[tilespmem:s29+$0x5C00] =	vst v7  }
0xed: {  	v5 =	vld [tilespmem:s29+$0x2C30];
	[tilespmem:s29+$0x5C60] =	vst v3  }
0xee: {  	v3 =	vld [tilespmem:s30+$0xFFFFFC00];
	_ =	sdelay $0x4  }
0xef: {  	v58 =	vshll.u32 v4, $0x10;
	v60 =	vand.u32 $0xFFFF0000, v5;
	v59 =	vshll.u32 v3, $0x10  }
0xf0: {  	v5 =	vshll.u32 v5, $0x10;
	v3 =	vand.u32 $0xFFFF0000, v3;
	v7 =	vadd.f32 v58, v59  }
0xf1: {  	v4 =	vand.u32 $0xFFFF0000, v4;
	v9 =	vadd.f32 v60, v3;
	v3 =	vadd.f32 v5, v3  }
0xf2: {  	v4 =	vadd.f32 v4, v59;
	v5 =	vmax.f32 v7, $0.0e+00  }
0xf3: {  	v3 =	vmax.f32 v3, $0.0e+00;
	[tilespmem:s29+$0x5C10] =	vst v5  }
0xf4: {  	v4 =	vmax.f32 v4, $0.0e+00;
	[tilespmem:s29+$0x5C30] =	vst v3  }
0xf5: {  	v56 =	vld [tilespmem:s29+$0x2C40];
	v5 =	vmax.f32 v9, $0.0e+00;
	[tilespmem:s29+$0x5C50] =	vst v4  }
0xf6: {  	v10 =	vld [tilespmem:s29+$0x2C60];
	[tilespmem:s29+$0x5C70] =	vst v5  }
0xf7: {  	v3 =	vld [tilespmem:s30+$0xFFFFFFF0];
	_ =	sdelay $0x4  }
0xf8: {  	v61 =	vand.u32 $0xFFFF0000, v10;
	v5 =	vshll.u32 v56, $0x10;
	v4 =	vshll.u32 v3, $0x10  }
0xf9: {  	v62 =	vshll.u32 v10, $0x10;
	v3 =	vand.u32 $0xFFFF0000, v3;
	v5 =	vadd.f32 v5, v4  }
0xfa: {  	v7 =	vadd.f32 v61, v3;
	v3 =	vadd.f32 v62, v3  }
0xfb: {  	v6 =	vand.u32 $0xFFFF0000, v56;
	v5 =	vmax.f32 v5, $0.0e+00  }
0xfc: {  	v4 =	vadd.f32 v6, v4;
	v63 =	vmax.f32 v3, $0.0e+00;
	[tilespmem:s29+$0x6C00] =	vst v5  }
0xfd: {  	v1 =	vld [tilespmem:s29+$0x2C50];
	v5 =	vmax.f32 v7, $0.0e+00;
	[tilespmem:s29+$0x6C20] =	vst v63  }
0xfe: {  	s31 =	simm.s32 $0x200;
	s0 =	simm.s32 $0x1810;
	v2 =	vld [tilespmem:s29+$0x2C70];
	v3 =	vmax.f32 v4, $0.0e+00;
	[tilespmem:s29+$0x6C60] =	vst v5  }
.LBB2_7:
0xff: {  	p0 =	sne.s32 s31, $0x3E00  }
0x100: {  	[tilespmem:s29+$0x6C40] =	vst v3;
	s30 =	sadd.s32 $0x20, s30;
	s3 =	smov.u32 s31;
	s31 =	sadd.s32 $0x200, s31  }
0x101: {  	v3 =	vld [tilespmem:s0+$0x0];
	s0 =	smov.u32 s30;
	_ =	sdelay $0x3  }
0x102: {  	v4 =	vshll.u32 v2, $0x10;
	v5 =	vand.u32 $0xFFFF0000, v1  }
0x103: {  	v1 =	vshll.u32 v1, $0x10;
	v6 =	vshll.u32 v3, $0x10;
	v3 =	vand.u32 $0xFFFF0000, v3  }
0x104: {  	v2 =	vand.u32 $0xFFFF0000, v2;
	v1 =	vadd.f32 v1, v6;
	v4 =	vadd.f32 v4, v3  }
0x105: {  	v5 =	vadd.f32 v5, v6;
	v2 =	vadd.f32 v2, v3  }
0x106: {  	v1 =	vmax.f32 v1, $0.0e+00;
	v3 =	vmax.f32 v4, $0.0e+00  }
0x107: {  	v2 =	vmax.f32 v2, $0.0e+00;
	[tilespmem:s29+$0x6C10] =	vst v1;
	v1 =	vmax.f32 v5, $0.0e+00  }
0x108: {  	[tilespmem:s29+$0x6C70] =	vst v2  }
0x109: {  	s3 =	sshra.s32 s3, $0x2;
	[tilespmem:s29+$0x6C30] =	vst v3  }
0x10a: {  	v2 =	vld [tilespmem:s3+$0x2C00];
	[tilespmem:s29+$0x6C50] =	vst v1;
	s29 =	smov.u32 s3  }
0x10b: {  	v1 =	vld [tilespmem:s30+$0xFFFFFBF0]  }
0x10c: {  	v3 =	vld [tilespmem:s29+$0x2C20]  }
0x10d: {  	v4 =	vld [tilespmem:s29+$0x2C10]  }
0x10e: {  	v5 =	vld [tilespmem:s29+$0x2C30]  }
0x10f: {  	v6 =	vld [tilespmem:s29+$0x2C40]  }
0x110: {  	v7 =	vshll.u32 v1, $0x10;
	v8 =	vand.u32 $0xFFFF0000, v1;
	v1 =	vand.u32 $0xFFFF0000, v2;
	v9 =	vld [tilespmem:s29+$0x2C60]  }
0x111: {  	v10 =	vshll.u32 v3, $0x10;
	v11 =	vadd.f32 v1, v7;
	v3 =	vand.u32 $0xFFFF0000, v3;
	v1 =	vld [tilespmem:s29+$0x2C50]  }
0x112: {  	v12 =	vshll.u32 v2, $0x10;
	v10 =	vadd.f32 v10, v8;
	v3 =	vadd.f32 v3, v8;
	v2 =	vld [tilespmem:s29+$0x2C70]  }
0x113: {  	v7 =	vadd.f32 v12, v7;
	v8 =	vmax.f32 v11, $0.0e+00  }
0x114: {  	v10 =	vmax.f32 v10, $0.0e+00;
	[tilespmem:s29+$0x5C40] =	vst v8;
	v3 =	vmax.f32 v3, $0.0e+00  }
0x115: {  	v7 =	vmax.f32 v7, $0.0e+00;
	[tilespmem:s29+$0x5C20] =	vst v10  }
0x116: {  	[tilespmem:s29+$0x5C00] =	vst v7  }
0x117: {  	[tilespmem:s29+$0x5C60] =	vst v3  }
0x118: {  	v3 =	vld [tilespmem:s30+$0xFFFFFC00];
	_ =	sdelay $0x3  }
0x119: {  	v8 =	vand.u32 $0xFFFF0000, v5;
	v7 =	vshll.u32 v4, $0x10  }
0x11a: {  	v5 =	vshll.u32 v5, $0x10;
	v10 =	vshll.u32 v3, $0x10;
	v3 =	vand.u32 $0xFFFF0000, v3  }
0x11b: {  	v4 =	vand.u32 $0xFFFF0000, v4;
	v7 =	vadd.f32 v7, v10;
	v5 =	vadd.f32 v5, v3  }
0x11c: {  	v4 =	vadd.f32 v4, v10;
	v3 =	vadd.f32 v8, v3  }
0x11d: {  	v7 =	vmax.f32 v7, $0.0e+00;
	v5 =	vmax.f32 v5, $0.0e+00  }
0x11e: {  	v4 =	vmax.f32 v4, $0.0e+00;
	v3 =	vmax.f32 v3, $0.0e+00;
	[tilespmem:s29+$0x5C10] =	vst v7  }
0x11f: {  	[tilespmem:s29+$0x5C70] =	vst v3  }
0x120: {  	[tilespmem:s29+$0x5C30] =	vst v5  }
0x121: {  	[tilespmem:s29+$0x5C50] =	vst v4  }
0x122: {  	v3 =	vld [tilespmem:s30+$0xFFFFFFF0];
	_ =	sdelay $0x3  }
0x123: {  	v5 =	vand.u32 $0xFFFF0000, v9;
	v4 =	vshll.u32 v9, $0x10  }
0x124: {  	v8 =	vshll.u32 v6, $0x10;
	v7 =	vshll.u32 v3, $0x10;
	v3 =	vand.u32 $0xFFFF0000, v3  }
0x125: {  	v6 =	vand.u32 $0xFFFF0000, v6;
	v8 =	vadd.f32 v8, v7;
	v4 =	vadd.f32 v4, v3  }
.Ltmp2:
0x126: {  	v6 =	vadd.f32 v6, v7;
	v5 =	vadd.f32 v5, v3;
	(pc) =	sbr.rel @p0 .LBB2_7-.Ltmp2, $4  }
0x127: {  	v3 =	vmax.f32 v8, $0.0e+00;
	v4 =	vmax.f32 v4, $0.0e+00  }
0x128: {  	v5 =	vmax.f32 v5, $0.0e+00;
	[tilespmem:s29+$0x6C00] =	vst v3;
	v3 =	vmax.f32 v6, $0.0e+00  }
0x129: {  	[tilespmem:s29+$0x6C60] =	vst v5  }
0x12a: {  	[tilespmem:s29+$0x6C20] =	vst v4  }
0x12b: {  	[tilespmem:s29+$0x6C40] =	vst v3  }
0x12c: {  	v3 =	vld [tilespmem:s0+$0x0];
	_ =	sdelay $0x4  }
0x12d: {  	v5 =	vshll.u32 v1, $0x10;
	v6 =	vand.u32 $0xFFFF0000, v2;
	v4 =	vshll.u32 v3, $0x10  }
0x12e: {  	v2 =	vshll.u32 v2, $0x10;
	v3 =	vand.u32 $0xFFFF0000, v3;
	v5 =	vadd.f32 v5, v4  }
0x12f: {  	v1 =	vand.u32 $0xFFFF0000, v1;
	s25 =	sadd.s32 $0x1, s25;
	v2 =	vadd.f32 v2, v3  }
0x130: {  	p0 =	sne.s32 s25, $0x50;
	v6 =	vadd.f32 v6, v3;
	v1 =	vadd.f32 v1, v4;
	v3 =	vmax.f32 v5, $0.0e+00  }
.Ltmp3:
0x131: {  	v2 =	vmax.f32 v2, $0.0e+00;
	[tilespmem:s29+$0x6C10] =	vst v3;
	(pc) =	sbr.rel @p0 .LBB2_4-.Ltmp3, $4  }
0x132: {  	v1 =	vmax.f32 v1, $0.0e+00;
	[tilespmem:s29+$0x6C30] =	vst v2  }
0x133: {  	v3 =	vmax.f32 v6, $0.0e+00;
	[tilespmem:s29+$0x6C50] =	vst v1  }
0x134: {  	s31 =	sadd.s32 s26, s28;
	[tilespmem:s29+$0x6C70] =	vst v3  }
0x135: {  	[spmem:s4] =	stream.indirect.scatter.add.f32 [tilespmem:s21], [sflag:$0x6], $0x80, s31, s14, $0xb8;
	[tilespmem:$0x1BC00] =	vst v63  }
0x136: {  	_ =	swait.ge [sflag:s22], $0x2000  }
0x137: {  	[sflag:s22] =	ssyncset.done $0x0  }
0x138: {  	[sflag:s22] =	ssyncadd.s32 $0xFFFFE000  }
0x139: {  	_ =	swait.ge [sflag:s23], $0x2000  }
0x13a: {  	[sflag:s23] =	ssyncset.done $0x0  }
0x13b: {  	[sflag:s23] =	ssyncadd.s32 $0xFFFFE000  }
0x13c: {  	s0 =	stileid.u32;
	[bflag:$0x0] =	sbarrier.arrive $0xFFFF  }
0x13d: {  	s0 =	sshll.u32 s0, $0x6;
	s3 =	rddreg [dreg:$0x8]  }
0x13e: {  	s0 =	sor.u32 $0x1C07, s0;
	s10 =	rddreg [dreg:$0xf]  }
0x13f: {  	[hbm:s3], [sflag:s0] =	dma.local [spmem:s10], $0x800  }
0x140: {  	_ =	swait.ge [sflag:s12], $0x800  }
0x141: {  	[sflag:s12] =	ssyncset.done $0x0;
	s30 =	rddreg [dreg:$0xa]  }
0x142: {  	s31 =	rddreg [dreg:$0x10];
	[sflag:s12] =	ssyncadd.s32 $0xFFFFF800  }
0x143: {  	[hbm:s30], [sflag:s0] =	dma.local [spmem:s31], $0x800  }
0x144: {  	_ =	swait.ge [sflag:s12], $0x800  }
0x145: {  	[sflag:s12] =	ssyncset.done $0x0;
	s10 =	rddreg [dreg:$0xb]  }
0x146: {  	s25 =	rddreg [dreg:$0x11];
	[sflag:s12] =	ssyncadd.s32 $0xFFFFF800  }
0x147: {  	[hbm:s10], [sflag:s0] =	dma.local [spmem:s25], $0x800  }
0x148: {  	_ =	swait.ge [sflag:s12], $0x800  }
0x149: {  	[sflag:s12] =	ssyncset.done $0x0;
	s26 =	rddreg [dreg:$0xc]  }
0x14a: {  	s28 =	rddreg [dreg:$0x12];
	[sflag:s12] =	ssyncadd.s32 $0xFFFFF800  }
0x14b: {  	[hbm:s26], [sflag:s0] =	dma.local [spmem:s28], $0x800  }
0x14c: {  	_ =	swait.ge [sflag:s12], $0x800  }
0x14d: {  	[sflag:s12] =	ssyncset.done $0x0;
	s29 =	rddreg [dreg:$0xd]  }
0x14e: {  	s30 =	rddreg [dreg:$0x13];
	[sflag:s12] =	ssyncadd.s32 $0xFFFFF800  }
0x14f: {  	[hbm:s29], [sflag:s0] =	dma.local [spmem:s30], $0x800  }
0x150: {  	_ =	swait.ge [sflag:s12], $0x800  }
0x151: {  	s24 =	sadd.s32 $0x1, s24;
	s31 =	rddreg [dreg:$0x9]  }
0x152: {  	p0 =	sne.s32 s24, s31  }
.Ltmp4:
0x153: {  	_ = 	snop;
	(pc) =	sbr.rel @p0 .LBB2_1-.Ltmp4, $3  }
0x154: {  	_ =	sdelay $0x1  }
0x155: {  	[sflag:s12] =	ssyncset.done $0x0  }
0x156: {  	[sflag:s12] =	ssyncadd.s32 $0xFFFFF800  }
0x157: {  	_ =	sfence.sel $0x180000  }
0x158: {  	[bflag:$0x0] =	sbarrier.arrive $0xFFFF  }
0x159: {  	_ =	strace $0x9000004A  }
0x15a: {  	s0 =	stileid.u32;
	[bflag:$0x2] =	sbarrier.arrive $0xFFFF  }
0x15b: {  	p0 =	sne.s32 s0, $0x0;
	s0 =	rddreg [dreg:$0x4]  }
0x15c: {  	s0 =	sadd.s32 @!p0 $0x100000, s0  }
0x15d: {  	[sflag:s0] =	ssyncadd.tile.s32 @!p0 $0x1;
	_ =	shalt  }
.Lfunc_end2:
_tile_overlayer_lowered:
.L_overlay_start_2:
0x15e: {  	(tag) =	ssettag $0x2  }
0x15f: {  	s0 =	rddreg [dreg:$0x0];
	s2 =	stileid.u32  }
0x160: {  	s1 =	rddreg [dreg:$0x1];
	p0 =	sne.s32 s2, $0x0  }
0x161: {  	s3 =	rddreg [dreg:$0x2];
	[bflag:$0x3] =	sbarrier.arrive $0xFFFF;
	s2 =	simm.s32 @!p0 $0x1C07  }
0x162: {  	[timem:s3], [sflag:s2] =	dma.local @!p0 [hbm:s0], s1  }
0x163: {  	s0 =	simm.s32 @!p0 $0x7  }
0x164: {  	_ =	swait.ge @!p0 [sflag:s0], s1  }
0x165: {  	s1 =	ssub.s32 @!p0 $0x0, s1;
	[sflag:s0] =	ssyncset.done @!p0 $0x0  }
0x166: {  	[sflag:s0] =	ssyncadd.s32 @!p0 s1  }
0x167: {  	[bflag:$0x3] =	sbarrier.arrive $0xFFFF  }
0x168: {  	_ =	shalt  }

// kernel: kernel.9.cloned.1.call-start
scs
__scs_entry_jumppad:
0x0: {  	(pc) =	sbr.rel $0x88, $3  }
0x1: {  	(tag) =	ssettag $0x0;
	lr =	simm.s32 $0x1  }
0x2: {  	[smem:$0x3F8C] =	sst lr;
	_ =	strace $0xD0000000  }
0x3: {  	_ = 	snop  }
0x4: {  	_ = 	snop  }
0x5: {  	_ = 	snop  }
0x6: {  	_ = 	snop  }
0x7: {  	_ = 	snop  }
__scs_overlays_trampoline_lowered:
0x8: {  	[smem:$0x3F9B] =	sst s0  }
0x9: {  	[smem:$0x3F9C] =	sst s1  }
0xa: {  	[smem:$0x3F9D] =	sst s2  }
0xb: {  	[smem:$0x3F9E] =	sst s3  }
0xc: {  	[smem:$0x3F9F] =	sst s4  }
0xd: {  	[smem:$0x3FA0] =	sst s5  }
0xe: {  	[smem:$0x3FA1] =	sst s6  }
0xf: {  	[smem:$0x3FA2] =	sst s7  }
0x10: {  	[smem:$0x3FA3] =	sst s8  }
0x11: {  	[smem:$0x3FA4] =	sst s9;
	s0 =	simm.s32 @!p0 $0x0  }
0x12: {  	s1 =	sld [smem:$0x3F8A];
	s0 =	simm.s32 @p0 $0x1  }
0x13: {  	[smem:$0x3FA5] =	sst s0;
	s0 =	simm.s32 @!p1 $0x0  }
0x14: {  	s2 =	sld [smem:$0x3F89];
	s0 =	simm.s32 @p1 $0x1  }
0x15: {  	[smem:$0x3FA6] =	sst s0;
	s0 =	simm.s32 @!p2 $0x0  }
0x16: {  	s3 =	sld [smem:$0x3FDB];
	s0 =	simm.s32 @p2 $0x1  }
0x17: {  	s4 =	simm.s32 $0x1BF5;
	[smem:$0x3FA8] =	sst s0  }
0x18: {  	s0 =	sld [smem:$0x3F8B];
	_ =	swait.ge [sflag:s4], $0x0  }
0x19: {  	s7 =	sld [smem:$0x3F8C]  }
0x1a: {  	s8 =	sadd.s32 $0xFFFFE003, lr  }
0x1b: {  	s9 =	sadd.s32 $0xFFFFFEF7, lr;
	s5 =	simm.s32 $0xFFFFFFFF;
	p2 =	slt.u32 s8, $0xFFFFF086  }
0x1c: {  	p1 =	slt.u32 s9, $0xF7A;
	s5 =	simm.s32 @!p2 $0x0  }
0x1d: {  	s5 =	simm.s32 @p1 $0x1;
	p0 =	seq.s32 s7, s2  }
0x1e: {  	s7 =	smul.u32 @!p0 $0xF7A, s2;
	p2 =	seq.s32 @!p0 s5, $0x0  }
0x1f: {  	s9 =	smul.u32 $0xF7A, s1;
	s8 =	simm.s32 @!p0 $0x1BF5;
	p2 =	por !p2, p0  }
0x20: {  	[sflag:s8] =	ssyncset.s32 @!p0 $0xFFFFF086;
	s6 =	sadd.s32 @!p0 s3, s7;
	s7 =	simm.s32 @!p0 $0x108  }
0x21: {  	s3 =	sadd.s32 s3, s9;
	s6 =	sadd.s32 @!p0 $0x88, s6;
	s7 =	simm.s32 @p2 $0x1082  }
0x22: {  	[simem:s7], [sflag:s8] =	dma.local @!p0 [hbm:s6], $0xF7A  }
0x23: {  	s9 =	sor.u32 $0xD0000000, s2;
	s6 =	simm.s32 $0x108;
	_ =	swait.ge @!p0 [sflag:s8], $0x0  }
0x24: {  	s3 =	sadd.s32 $0x88, s3;
	s6 =	simm.s32 @!p1 $0x1082;
	[sflag:s4] =	ssyncset.s32 $0xFFFFF086  }
0x25: {  	[simem:s6], [sflag:s4] =	dma.local [hbm:s3], $0xF7A  }
0x26: {  	[smem:$0x3F8C] =	sst s1;
	(tag) =	ssettag s2;
	_ =	strace s9  }
0x27: {  	s1 =	sld [smem:$0x3F9C]  }
0x28: {  	s2 =	sld [smem:$0x3F9D]  }
0x29: {  	s4 =	sld [smem:$0x3F9F]  }
0x2a: {  	p0 =	seq.s32 s5, $0x0;
	s5 =	sld [smem:$0x3FA0]  }
0x2b: {  	s6 =	sld [smem:$0x3FA1]  }
0x2c: {  	s7 =	sld [smem:$0x3FA2]  }
0x2d: {  	s3 =	simm.s32 $0x108;
	s8 =	sld [smem:$0x3FA3]  }
0x2e: {  	s3 =	simm.s32 @!p0 $0x1082;
	s9 =	sld [smem:$0x3FA4]  }
0x2f: {  	lr =	sadd.s32 s0, s3;
	s0 =	sld [smem:$0x3F9B]  }
0x30: {  	s3 =	sld [smem:$0x3F9E]  }
0x31: {  	[smem:$0x3FA7] =	sst s10  }
0x32: {  	s10 =	sld [smem:$0x3FA5];
	_ =	sdelay $0x3  }
0x33: {  	p0 =	seq.s32 s10, $0x1;
	s10 =	sld [smem:$0x3FA7];
	_ =	sdelay $0x3  }
0x34: {  	[smem:$0x3FA7] =	sst s10  }
0x35: {  	s10 =	sld [smem:$0x3FA6];
	_ =	sdelay $0x3  }
0x36: {  	p1 =	seq.s32 s10, $0x1;
	s10 =	sld [smem:$0x3FA7];
	_ =	sdelay $0x3  }
0x37: {  	[smem:$0x3FA7] =	sst s10  }
0x38: {  	s10 =	sld [smem:$0x3FA8]  }
0x39: {  	_ = 	snop;
	(pc) =	sbr.ind lr, $3  }
0x3a: {  	_ = 	snop  }
0x3b: {  	_ = 	snop  }
0x3c: {  	p2 =	seq.s32 s10, $0x1;
	s10 =	sld [smem:$0x3FA7]  }
0x3d: {  	_ =	shalt  }
0x3e: {  	_ =	shalt  }
0x3f: {  	_ =	shalt  }
0x40: {  	_ =	shalt  }
0x41: {  	_ =	shalt  }
0x42: {  	_ =	shalt  }
0x43: {  	_ =	shalt  }
0x44: {  	_ =	shalt  }
0x45: {  	_ =	shalt  }
0x46: {  	_ =	shalt  }
0x47: {  	_ =	shalt  }
0x48: {  	_ =	shalt  }
0x49: {  	_ =	shalt  }
0x4a: {  	_ =	shalt  }
0x4b: {  	_ =	shalt  }
0x4c: {  	_ =	shalt  }
0x4d: {  	_ =	shalt  }
0x4e: {  	_ =	shalt  }
0x4f: {  	_ =	shalt  }
0x50: {  	_ =	shalt  }
0x51: {  	_ =	shalt  }
0x52: {  	_ =	shalt  }
0x53: {  	_ =	shalt  }
0x54: {  	_ =	shalt  }
0x55: {  	_ =	shalt  }
0x56: {  	_ =	shalt  }
0x57: {  	_ =	shalt  }
0x58: {  	_ =	shalt  }
0x59: {  	_ =	shalt  }
0x5a: {  	_ =	shalt  }
0x5b: {  	_ =	shalt  }
0x5c: {  	_ =	shalt  }
0x5d: {  	_ =	shalt  }
0x5e: {  	_ =	shalt  }
0x5f: {  	_ =	shalt  }
0x60: {  	_ =	shalt  }
0x61: {  	_ =	shalt  }
0x62: {  	_ =	shalt  }
0x63: {  	_ =	shalt  }
0x64: {  	_ =	shalt  }
0x65: {  	_ =	shalt  }
0x66: {  	_ =	shalt  }
0x67: {  	_ =	shalt  }
0x68: {  	_ =	shalt  }
0x69: {  	_ =	shalt  }
0x6a: {  	_ =	shalt  }
0x6b: {  	_ =	shalt  }
0x6c: {  	_ =	shalt  }
0x6d: {  	_ =	shalt  }
0x6e: {  	_ =	shalt  }
0x6f: {  	_ =	shalt  }
0x70: {  	_ =	shalt  }
0x71: {  	_ =	shalt  }
0x72: {  	_ =	shalt  }
0x73: {  	_ =	shalt  }
0x74: {  	_ =	shalt  }
0x75: {  	_ =	shalt  }
0x76: {  	_ =	shalt  }
0x77: {  	_ =	shalt  }
0x78: {  	_ =	shalt  }
0x79: {  	_ =	shalt  }
0x7a: {  	_ =	shalt  }
0x7b: {  	_ =	shalt  }
0x7c: {  	_ =	shalt  }
0x7d: {  	_ =	shalt  }
0x7e: {  	_ =	shalt  }
0x7f: {  	_ =	shalt  }
0x80: {  	_ =	shalt  }
0x81: {  	_ =	shalt  }
0x82: {  	_ =	shalt  }
0x83: {  	_ =	shalt  }
0x84: {  	_ =	shalt  }
0x85: {  	_ =	shalt  }
0x86: {  	_ =	shalt  }
0x87: {  	_ =	shalt  }
.Lfunc_end0:
.L_simem_size_0:
called_computation_lowered:
.L_overlay_start_0:
0x88: {  	s2 =	sld [smem:$0x3FD9]  }
0x89: {  	s3 =	sld [smem:$0x3FFE];
	_ =	sdelay $0x1  }
0x8a: {  	s1 =	srdreg.scid  }
0x8b: {  	s0 =	sand.u32 $0x1, s1  }
0x8c: {  	s14 =	sshll.u32 s0, $0xA;
	s2 =	sadd.s32 s3, s2  }
0x8d: {  	s2 =	sadd.s32 s2, s14  }
0x8e: {  	[smem:$0x3FB3] =	sst s2  }
0x8f: {  	_ = 	snop  }
0x90: {  	s2 =	sld [smem:$0x3FD0];
	_ =	sdelay $0x2  }
0x91: {  	s15 =	simm.s32 $0xA;
	s4 =	simm.s32 $0x10  }
0x92: {  	[smem:s4], [sflag:s15] =	dma.local [hbm:s2], $0x1  }
0x93: {  	_ =	swait.eq [sflag:s15], $0x1  }
0x94: {  	[sflag:s15] =	ssyncset.done $0x0  }
0x95: {  	s16 =	sld [smem:$0x10];
	[sflag:s15] =	ssyncadd.s32 $0xFFFFFFFF  }
0x96: {  	s17 =	sld [smem:$0x11];
	(tm) =	ssettm $0x1  }
0x97: {  	s18 =	sld [smem:$0x3FFB];
	_ =	sdelay $0x3  }
0x98: {  	_ =	strace s18  }
0x99: {  	s4 =	sld [smem:$0x3FFC];
	_ =	sdelay $0x3  }
0x9a: {  	_ =	strace s4  }
0x9b: {  	s4 =	sld [smem:$0x3FFD];
	_ =	sdelay $0x3  }
0x9c: {  	_ =	strace s4  }
0x9d: {  	_ =	strace $0x8FFFFFFF  }
0x9e: {  	s19 =	sld [smem:$0x3FDB];
	_ =	sdelay $0x1  }
0x9f: {  	s5 =	simm.s32 $_scs_section_size  }
0xa0: {  	s6 =	simm.s32 $_size__tile_overlayer_lowered;
	s7 =	simm.s32 $_tile_overlayer_lowered  }
0xa1: {  	s22 =	simm.s32 $0x1BFF;
	s21 =	sshll.u32 s7, $0x1;
	s4 =	sadd.s32 s5, s19  }
0xa2: {  	s8 =	simm.s32 $0x0;
	s20 =	sshll.u32 s6, $0x1;
	s6 =	sadd.s32 s21, s4  }
0xa3: {  	[timem:s8], [sflag:s22] =	dma.local [hbm:s6], s20  }
0xa4: {  	_ =	swait.ge [sflag:s22], s20  }
0xa5: {  	s5 =	ssub.s32 $0x0, s20;
	[sflag:s22] =	ssyncset.done $0x0  }
0xa6: {  	[sflag:s22] =	ssyncadd.s32 s5;
	_ =	sdelay $0x1  }
0xa7: {  	s23 =	simm.s32 $0x1B8B  }
0xa8: {  	_ =	swait.ge [sflag:s23], $0x1  }
0xa9: {  	[sflag:s23] =	ssyncset.done $0x0  }
0xaa: {  	s25 =	simm.s32 $0x1B8E;
	s24 =	sld [smem:$0x3FFE];
	[sflag:s23] =	ssyncadd.s32 $0xFFFFFFFF  }
0xab: {  	s26 =	simm.s32 $execute0_lowered;
	[smem:$0x3FD2] =	sst s25  }
0xac: {  	s6 =	sshll.u32 s26, $0x1;
	_ =	strace $0x80000046;
	[dreg:$0x1] =	wrdreg $0xFFFFFFFF  }
0xad: {  	s28 =	simm.s32 $_size_execute0_lowered;
	s4 =	sadd.s32 s4, s6;
	[dreg:$0x0] =	wrdreg $0x0  }
0xae: {  	s6 =	sshll.u32 s28, $0x1;
	[dreg:$0x2] =	wrdreg s4  }
0xaf: {  	[dreg:$0x3] =	wrdreg s6  }
0xb0: {  	[dreg:$0x4] =	wrdreg $0xC0  }
0xb1: {  	_ =	task [dreg:s8], $0x5FFFF  }
0xb2: {  	[dreg:$0x1] =	wrdreg $0xFFFFFFFF  }
0xb3: {  	[dreg:$0x0] =	wrdreg $0x60  }
0xb4: {  	[dreg:$0x2] =	wrdreg s17  }
0xb5: {  	[dreg:$0x3] =	wrdreg s16  }
0xb6: {  	[dreg:$0x4] =	wrdreg s24  }
0xb7: {  	[dreg:$0x5] =	wrdreg $0x8C000  }
0xb8: {  	[dreg:$0x6] =	wrdreg $0x9  }
0xb9: {  	_ =	task.clear_ibuf [dreg:s8], $0x7FFFF;
	_ =	strace $0x90000046  }
0xba: {  	s29 =	simm.s32 $0x9;
	_ =	strace $0x80000048  }
0xbb: {  	_ =	swait.ge [sflag:s29], $0x1  }
0xbc: {  	[sflag:s29] =	ssyncadd.s32 $0xFFFFFFFF  }
0xbd: {  	_ =	strace $0x90000048  }
0xbe: {  	_ =	sfence  }
0xbf: {  	s30 =	sld [smem:$0x0];
	_ =	sdelay $0x2  }
0xc0: {  	s31 =	sshll.u32 s1, $0xD;
	s1 =	sshrl.u32 s1, $0x2  }
0xc1: {  	s3 =	sand.u32 $0x4000, s31;
	s1 =	sadd.s32 s1, s30  }
0xc2: {  	s0 =	sor.u32 s3, s0;
	s1 =	sshll.u32 s1, $0x11  }
0xc3: {  	s0 =	sor.u32 s1, s0  }
0xc4: {  	s0 =	sadd.s32 $0x8F2B, s0  }
0xc5: {  	[sflag:s0] =	ssyncadd.remote.s32 $0x1  }
0xc6: {  	_ =	sfence.sel $0xFFFF  }
0xc7: {  	[dreg:$0x0] =	wrdreg $0xFFFFFFFF;
	(pc) =	sbr.abs _section_cstart, $3  }
0xc8: {  	[dreg:$0x1] =	wrdreg $0xFFFFFFFF  }
0xc9: {  	_ =	task.clear_ibuf [dreg:s8], $0x2FFFF;
	_ =	strace $0x9FFFFFFF  }
0xca: {  	(tm) =	ssettm $0x7FFFFFFF  }
0xcb: {  	_ =	shalt  }
tec
execute0_lowered:
.L_overlay_start_1:
0x0: {  	(tag) =	ssettag $0x1  }
0x1: {  	s1 =	rddreg [dreg:$0x0]  }
0x2: {  	s2 =	rddreg [dreg:$0x1]  }
0x3: {  	s0 =	rddreg [dreg:$0x2]  }
0x4: {  	s5 =	simm.s32 $0x0;
	s3 =	srdreg.scid;
	s15 =	stileid.u32  }
0x5: {  	[smem:$0x7FF] =	sst s5;
	s3 =	sand.u32 $0x1, s3;
	s8 =	smul.u32 $0x50000, s15  }
0x6: {  	s6 =	sshll.u32 s15, $0x1;
	s7 =	sadd.s32 $0x4F0A00, s0;
	s15 =	smul.u32 $0x14000, s15  }
0x7: {  	s10 =	sor.u32 s3, s6;
	s9 =	ssub.s32 $0x2, s3;
	s3 =	smul.u32 $0x140000, s3  }
0x8: {  	s4 =	rddreg [dreg:$0x3];
	_ =	strace $0x80000047;
	s11 =	smul.u32 $0x500, s10  }
0x9: {  	s6 =	sadd.s32 $0x4A00, s0;
	s0 =	sadd.s32 $0x770A00, s0;
	s12 =	smul.u32 $0x14000, s10  }
0xa: {  	s13 =	sshrl.u32 s9, $0x1;
	s8 =	sshrl.u32 s8, $0x2;
	s22 =	sadd.s32 $0x4000, s15  }
0xb: {  	s28 =	sadd.s32 $0x8000, s15;
	s29 =	sadd.s32 $0xC000, s15;
	s17 =	sadd.s32 $0x10000, s15  }
0xc: {  	s14 =	ssub.s32 s9, s13;
	s8 =	sadd.s32 s8, s4;
	s9 =	smul.u32 $0xA0, s10  }
0xd: {  	s21 =	sadd.s32 s3, s15;
	s13 =	smul.u32 $0x2800, s10;
	s24 =	sadd.s32 s3, s22  }
0xe: {  	s30 =	sadd.s32 s3, s28;
	s16 =	sadd.s32 s3, s29;
	s19 =	sadd.s32 s2, s11  }
0xf: {  	s3 =	sadd.s32 s3, s17;
	s11 =	sadd.s32 s6, s11;
	[dreg:$0x5] =	wrdreg s19  }
0x10: {  	s15 =	sadd.s32 s15, s4;
	s20 =	sadd.s32 s7, s12;
	[dreg:$0x6] =	wrdreg s11  }
0x11: {  	s23 =	sshrl.u32 s21, $0x3;
	s25 =	smax.u32 s14, $0x1;
	[dreg:$0x7] =	wrdreg s20  }
0x12: {  	s26 =	sshrl.u32 s24, $0x3;
	s24 =	sadd.s32 $0x6000, s8;
	[dreg:$0x9] =	wrdreg s25  }
0x13: {  	s14 =	sshrl.u32 s30, $0x3;
	s30 =	sadd.s32 $0x10000, s8;
	[dreg:$0x15] =	wrdreg s24  }
0x14: {  	s18 =	sadd.s32 s17, s4;
	s10 =	sadd.s32 s0, s23;
	[dreg:$0x1a] =	wrdreg s30  }
0x15: {  	s16 =	sshrl.u32 s16, $0x3;
	s14 =	sadd.s32 s0, s14;
	[dreg:$0x8] =	wrdreg s10  }
0x16: {  	s17 =	simm.s32 $0x3C00;
	s31 =	sadd.s32 s0, s16;
	[dreg:$0xb] =	wrdreg s14  }
0x17: {  	s16 =	sadd.s32 s22, s4;
	s22 =	sshrl.u32 s18, $0x3;
	[dreg:$0xc] =	wrdreg s31  }
0x18: {  	s3 =	sshrl.u32 s3, $0x3;
	s23 =	sadd.s32 $0x4000, s8;
	[dreg:$0x13] =	wrdreg s22  }
0x19: {  	s12 =	simm.s32 $0x7;
	s25 =	sadd.s32 $0x8000, s8;
	[dreg:$0x14] =	wrdreg s23  }
0x1a: {  	s11 =	sadd.s32 s29, s4;
	s29 =	sadd.s32 $0xE000, s8;
	[dreg:$0x16] =	wrdreg s25  }
0x1b: {  	s18 =	simm.s32 $0x1C00;
	s10 =	sadd.s32 s0, s26;
	[dreg:$0x19] =	wrdreg s29  }
0x1c: {  	s24 =	simm.s32 $0x0;
	s0 =	sadd.s32 s0, s3;
	[dreg:$0xa] =	wrdreg s10  }
0x1d: {  	s14 =	sadd.s32 $0x2000, s8;
	s19 =	sshrl.u32 s16, $0x3;
	[dreg:$0xd] =	wrdreg s0  }
0x1e: {  	s21 =	sshrl.u32 s11, $0x3;
	s26 =	sadd.s32 $0xA000, s8;
	[dreg:$0xe] =	wrdreg s14  }
0x1f: {  	s31 =	sadd.s32 $0x12000, s8;
	s11 =	simm.s32 $0x4C00;
	[dreg:$0x10] =	wrdreg s19  }
0x20: {  	s16 =	simm.s32 $0x1;
	s22 =	simm.s32 $0x5;
	[dreg:$0x12] =	wrdreg s21  }
0x21: {  	s23 =	simm.s32 $0x6;
	s10 =	sadd.s32 s28, s4;
	[dreg:$0x17] =	wrdreg s26  }
0x22: {  	s0 =	sshrl.u32 s15, $0x3;
	s28 =	sadd.s32 $0xC000, s8;
	[dreg:$0x1b] =	wrdreg s31  }
0x23: {  	s14 =	simm.s32 $0x40;
	s15 =	simm.s32 $0x3;
	[dreg:$0xf] =	wrdreg s0  }
0x24: {  	s19 =	simm.s32 $0x4;
	s20 =	sshrl.u32 s10, $0x3;
	[dreg:$0x18] =	wrdreg s28  }
0x25: {  	v0 =	vimm.f32 $0.0e+00;
	s21 =	simm.s32 $0x6C00;
	[dreg:$0x11] =	wrdreg s20;
	s20 =	simm.s32 $0x2  }
.LBB2_1:
0x26: {  	s25 =	simm.s32 $0x0;
	s26 =	simm.s32 $0x200  }
.LBB2_2:
0x27: {  	p0 =	sne.s32 s26, $0x7E00;
	[tilespmem:s25+$0x4C70] =	vst v0  }
0x28: {  	[tilespmem:s25+$0x4C00] =	vst v0  }
0x29: {  	[tilespmem:s25+$0x4C10] =	vst v0  }
.Ltmp0:
0x2a: {  	[tilespmem:s25+$0x4C20] =	vst v0;
	(pc) =	sbr.rel @p0 .LBB2_2-.Ltmp0, $4  }
0x2b: {  	[tilespmem:s25+$0x4C30] =	vst v0  }
0x2c: {  	[tilespmem:s25+$0x4C40] =	vst v0  }
0x2d: {  	[tilespmem:s25+$0x4C50] =	vst v0  }
0x2e: {  	[tilespmem:s25+$0x4C60] =	vst v0;
	s25 =	sshra.s32 s26, $0x2;
	s26 =	sadd.s32 $0x200, s26  }
0x2f: {  	[tilespmem:s25+$0x4C70] =	vst v0  }
0x30: {  	[tilespmem:s25+$0x4C00] =	vst v0  }
0x31: {  	[tilespmem:s25+$0x4C10] =	vst v0  }
0x32: {  	[tilespmem:s25+$0x4C20] =	vst v0  }
0x33: {  	[tilespmem:s25+$0x4C30] =	vst v0  }
0x34: {  	[tilespmem:s25+$0x4C40] =	vst v0  }
0x35: {  	[tilespmem:s25+$0x4C50] =	vst v0  }
0x36: {  	[tilespmem:s25+$0x4C60] =	vst v0  }
0x37: {  	[spmem:s8] =	stream.linear.scatter [tilespmem:s11], [sflag:$0x7], $0x2000, $0x38;
	[tilespmem:$0x1CC00] =	vst v63  }
0x38: {  	_ =	swait.ge [sflag:s12], $0x2000  }
0x39: {  	[sflag:s12] =	ssyncset.done $0x0  }
0x3a: {  	s0 =	rddreg [dreg:$0xe];
	[sflag:s12] =	ssyncadd.s32 $0xFFFFE000  }
0x3b: {  	[spmem:s0] =	stream.linear.scatter [tilespmem:s11], [sflag:$0x7], $0x2000, $0x38;
	[tilespmem:$0x1CC00] =	vst v63  }
0x3c: {  	_ =	swait.ge [sflag:s12], $0x2000  }
0x3d: {  	[sflag:s12] =	ssyncset.done $0x0  }
0x3e: {  	s26 =	rddreg [dreg:$0x14];
	[sflag:s12] =	ssyncadd.s32 $0xFFFFE000  }
0x3f: {  	[spmem:s26] =	stream.linear.scatter [tilespmem:s11], [sflag:$0x7], $0x2000, $0x38;
	[tilespmem:$0x1CC00] =	vst v63  }
0x40: {  	_ =	swait.ge [sflag:s12], $0x2000  }
0x41: {  	[sflag:s12] =	ssyncset.done $0x0  }
0x42: {  	s28 =	rddreg [dreg:$0x15];
	[sflag:s12] =	ssyncadd.s32 $0xFFFFE000  }
0x43: {  	[spmem:s28] =	stream.linear.scatter [tilespmem:s11], [sflag:$0x7], $0x2000, $0x38;
	[tilespmem:$0x1CC00] =	vst v63  }
0x44: {  	_ =	swait.ge [sflag:s12], $0x2000  }
0x45: {  	[sflag:s12] =	ssyncset.done $0x0  }
0x46: {  	s29 =	rddreg [dreg:$0x16];
	[sflag:s12] =	ssyncadd.s32 $0xFFFFE000  }
0x47: {  	[spmem:s29] =	stream.linear.scatter [tilespmem:s11], [sflag:$0x7], $0x2000, $0x38;
	[tilespmem:$0x1CC00] =	vst v63  }
0x48: {  	_ =	swait.ge [sflag:s12], $0x2000  }
0x49: {  	[sflag:s12] =	ssyncset.done $0x0  }
0x4a: {  	s30 =	rddreg [dreg:$0x17];
	[sflag:s12] =	ssyncadd.s32 $0xFFFFE000  }
0x4b: {  	[spmem:s30] =	stream.linear.scatter [tilespmem:s11], [sflag:$0x7], $0x2000, $0x38;
	[tilespmem:$0x1CC00] =	vst v63  }
0x4c: {  	_ =	swait.ge [sflag:s12], $0x2000  }
0x4d: {  	[sflag:s12] =	ssyncset.done $0x0  }
0x4e: {  	s31 =	rddreg [dreg:$0x18];
	[sflag:s12] =	ssyncadd.s32 $0xFFFFE000  }
0x4f: {  	[spmem:s31] =	stream.linear.scatter [tilespmem:s11], [sflag:$0x7], $0x2000, $0x38;
	[tilespmem:$0x1CC00] =	vst v63  }
0x50: {  	_ =	swait.ge [sflag:s12], $0x2000  }
0x51: {  	[sflag:s12] =	ssyncset.done $0x0  }
0x52: {  	s3 =	rddreg [dreg:$0x19];
	[sflag:s12] =	ssyncadd.s32 $0xFFFFE000  }
0x53: {  	[spmem:s3] =	stream.linear.scatter [tilespmem:s11], [sflag:$0x7], $0x2000, $0x38;
	[tilespmem:$0x1CC00] =	vst v63  }
0x54: {  	_ =	swait.ge [sflag:s12], $0x2000  }
0x55: {  	[sflag:s12] =	ssyncset.done $0x0  }
0x56: {  	s10 =	rddreg [dreg:$0x1a];
	[sflag:s12] =	ssyncadd.s32 $0xFFFFE000  }
0x57: {  	[spmem:s10] =	stream.linear.scatter [tilespmem:s11], [sflag:$0x7], $0x2000, $0x38;
	[tilespmem:$0x1CC00] =	vst v63  }
0x58: {  	_ =	swait.ge [sflag:s12], $0x2000  }
0x59: {  	[sflag:s12] =	ssyncset.done $0x0  }
0x5a: {  	s25 =	rddreg [dreg:$0x1b];
	[sflag:s12] =	ssyncadd.s32 $0xFFFFE000  }
0x5b: {  	[spmem:s25] =	stream.linear.scatter [tilespmem:s11], [sflag:$0x7], $0x2000, $0x38;
	[tilespmem:$0x1CC00] =	vst v63  }
0x5c: {  	_ =	swait.ge [sflag:s12], $0x2000  }
0x5d: {  	[sflag:s12] =	ssyncset.done $0x0  }
0x5e: {  	[sflag:s12] =	ssyncadd.s32 $0xFFFFE000  }
0x5f: {  	[bflag:$0x0] =	sbarrier.arrive $0xFFFF  }
0x60: {  	s25 =	simm.s32 $0x0;
	s26 =	rddreg [dreg:$0x5]  }
0x61: {  	[tilespmem:s25], [sflag:$0x7] =	stream.linear.gather [hbm4b:s26+s25], $0x400, $0x38;
	[tilespmem:$0x1CC00] =	vst v63  }
0x62: {  	_ =	swait.ge [sflag:s12], $0x400  }
0x63: {  	[sflag:s12] =	ssyncset.done $0x0  }
0x64: {  	s3 =	simm.s32 $0x400;
	s28 =	rddreg [dreg:$0x6];
	[sflag:s12] =	ssyncadd.s32 $0xFFFFFC00  }
0x65: {  	[tilespmem:s3], [sflag:$0x7] =	stream.linear.gather [hbm4b:s28+s25], $0x400, $0x38;
	[tilespmem:$0x1CC00] =	vst v63  }
0x66: {  	_ =	swait.ge [sflag:s12], $0x400  }
0x67: {  	[sflag:s12] =	ssyncset.done $0x0  }
0x68: {  	s30 =	simm.s32 $0x2C00;
	s29 =	rddreg [dreg:$0x7];
	[sflag:s12] =	ssyncadd.s32 $0xFFFFFC00  }
0x69: {  	[tilespmem:s30], [sflag:$0x3] =	stream.linear.gather [hbm4b:s29+s25], $0x1000, $0x38;
	[tilespmem:$0x1CC00] =	vst v63  }
0x6a: {  	s31 =	simm.s32 $0xC00  }
0x6b: {  	[tilespmem:s31], [sflag:$0x1] =	stream.indirect.gather [hbm4b:s1+s14], $0x40, s25, s14, $0xb8;
	[tilespmem:$0x1CC00] =	vst v63  }
.LBB2_4:
0x6c: {  	_ =	swait.ge [sflag:s15], $0x1000  }
0x6d: {  	s26 =	sshllo.u32 s25, $0x1;
	[sflag:s15] =	ssyncset.done $0x0  }
0x6e: {  	s28 =	sadd.s32 s9, s26;
	[sflag:s15] =	ssyncadd.s32 $0xFFFFF000  }
0x6f: {  	s28 =	sshll.u32 s28, $0x9;
	_ =	swait.ge [sflag:s16], $0x1000  }
0x70: {  	p0 =	seq.s32 s25, $0x0;
	s28 =	sand.u32 $0x1FFFFE00, s28;
	[sflag:s16] =	ssyncset.done $0x0  }
0x71: {  	s26 =	sshll.u32 s26, $0x6;
	s28 =	sadd.s32 s7, s28;
	[sflag:s16] =	ssyncadd.s32 $0xFFFFF000  }
0x72: {  	[tilespmem:s17], [sflag:$0x4] =	stream.linear.gather [hbm4b:s28+s5], $0x1000, $0x38;
	[tilespmem:$0x1CC00] =	vst v63  }
0x73: {  	s26 =	sand.u32 $0x3C0, s26;
	s28 =	simm.s32 @!p0 $0x5  }
0x74: {  	[tilespmem:s18], [sflag:$0x2] =	stream.indirect.gather [hbm4b:s1+s14], $0x40, s26, s14, $0xb8;
	[tilespmem:$0x1CC00] =	vst v63  }
0x75: {  	_ =	swait.ge @!p0 [sflag:s28], $0x2000  }
0x76: {  	[sflag:s28] =	ssyncset.done @!p0 $0x0  }
0x77: {  	s29 =	simm.s32 $0x0;
	[sflag:s28] =	ssyncadd.s32 @!p0 $0xFFFFE000  }
0x78: {  	s28 =	simm.s32 $0x1400;
	v1 =	vld [tilespmem:s29+$0x2C00]  }
0x79: {  	v2 =	vld [tilespmem:s28+$0xFFFFF800];
	_ =	sdelay $0x4  }
0x7a: {  	v6 =	vshll.u32 v1, $0x10;
	v8 =	vshll.u32 v2, $0x10  }
0x7b: {  	v1 =	vand.u32 $0xFFFF0000, v1;
	v2 =	vand.u32 $0xFFFF0000, v2;
	v6 =	vadd.f32 v6, v8  }
0x7c: {  	v2 =	vadd.f32 v1, v2  }
0x7d: {  	v6 =	vmax.f32 v6, $0.0e+00  }
0x7e: {  	v2 =	vmax.f32 v2, $0.0e+00;
	[tilespmem:s29+$0x4C00] =	vst v6  }
0x7f: {  	v3 =	vld [tilespmem:s29+$0x2C10];
	[tilespmem:s29+$0x4C40] =	vst v2  }
0x80: {  	v2 =	vld [tilespmem:s28+$0xFFFFF810];
	_ =	sdelay $0x4  }
0x81: {  	v10 =	vshll.u32 v3, $0x10;
	v55 =	vshll.u32 v2, $0x10  }
0x82: {  	v3 =	vand.u32 $0xFFFF0000, v3;
	v2 =	vand.u32 $0xFFFF0000, v2;
	v6 =	vadd.f32 v10, v55  }
0x83: {  	v2 =	vadd.f32 v3, v2  }
0x84: {  	v3 =	vmax.f32 v6, $0.0e+00  }
0x85: {  	v2 =	vmax.f32 v2, $0.0e+00;
	[tilespmem:s29+$0x4C10] =	vst v3  }
0x86: {  	v4 =	vld [tilespmem:s29+$0x2C20];
	[tilespmem:s29+$0x4C50] =	vst v2  }
0x87: {  	v2 =	vld [tilespmem:s28+$0xFFFFF820];
	_ =	sdelay $0x4  }
0x88: {  	v56 =	vshll.u32 v4, $0x10;
	v3 =	vshll.u32 v2, $0x10  }
0x89: {  	v4 =	vand.u32 $0xFFFF0000, v4;
	v2 =	vand.u32 $0xFFFF0000, v2;
	v3 =	vadd.f32 v56, v3  }
0x8a: {  	v2 =	vadd.f32 v4, v2  }
0x8b: {  	v3 =	vmax.f32 v3, $0.0e+00  }
0x8c: {  	v2 =	vmax.f32 v2, $0.0e+00;
	[tilespmem:s29+$0x4C20] =	vst v3  }
0x8d: {  	v5 =	vld [tilespmem:s29+$0x2C30];
	[tilespmem:s29+$0x4C60] =	vst v2  }
0x8e: {  	v2 =	vld [tilespmem:s28+$0xFFFFF830];
	_ =	sdelay $0x4  }
0x8f: {  	v57 =	vshll.u32 v5, $0x10;
	v3 =	vshll.u32 v2, $0x10  }
0x90: {  	v5 =	vand.u32 $0xFFFF0000, v5;
	v2 =	vand.u32 $0xFFFF0000, v2;
	v3 =	vadd.f32 v57, v3  }
0x91: {  	v2 =	vadd.f32 v5, v2  }
0x92: {  	v3 =	vmax.f32 v3, $0.0e+00  }
0x93: {  	v2 =	vmax.f32 v2, $0.0e+00;
	[tilespmem:s29+$0x4C30] =	vst v3  }
0x94: {  	v7 =	vld [tilespmem:s29+$0x2C40];
	[tilespmem:s29+$0x4C70] =	vst v2  }
0x95: {  	v2 =	vld [tilespmem:s28+$0x0];
	_ =	sdelay $0x4  }
0x96: {  	v58 =	vshll.u32 v7, $0x10;
	v3 =	vshll.u32 v2, $0x10  }
0x97: {  	v59 =	vand.u32 $0xFFFF0000, v7;
	v2 =	vand.u32 $0xFFFF0000, v2;
	v3 =	vadd.f32 v58, v3  }
0x98: {  	v2 =	vadd.f32 v59, v2  }
0x99: {  	v3 =	vmax.f32 v3, $0.0e+00  }
0x9a: {  	v2 =	vmax.f32 v2, $0.0e+00;
	[tilespmem:s29+$0x5C00] =	vst v3  }
0x9b: {  	v9 =	vld [tilespmem:s29+$0x2C50];
	[tilespmem:s29+$0x5C40] =	vst v2  }
0x9c: {  	v2 =	vld [tilespmem:s28+$0x10];
	_ =	sdelay $0x4  }
0x9d: {  	v60 =	vshll.u32 v9, $0x10;
	v3 =	vshll.u32 v2, $0x10  }
0x9e: {  	v61 =	vand.u32 $0xFFFF0000, v9;
	v2 =	vand.u32 $0xFFFF0000, v2;
	v3 =	vadd.f32 v60, v3  }
0x9f: {  	v2 =	vadd.f32 v61, v2  }
0xa0: {  	v3 =	vmax.f32 v3, $0.0e+00  }
0xa1: {  	v2 =	vmax.f32 v2, $0.0e+00;
	[tilespmem:s29+$0x5C10] =	vst v3  }
0xa2: {  	v54 =	vld [tilespmem:s29+$0x2C60];
	[tilespmem:s29+$0x5C50] =	vst v2  }
0xa3: {  	v2 =	vld [tilespmem:s28+$0x20];
	_ =	sdelay $0x4  }
0xa4: {  	v62 =	vshll.u32 v54, $0x10;
	v3 =	vshll.u32 v2, $0x10  }
0xa5: {  	v63 =	vand.u32 $0xFFFF0000, v54;
	v2 =	vand.u32 $0xFFFF0000, v2;
	v3 =	vadd.f32 v62, v3  }
0xa6: {  	v2 =	vadd.f32 v63, v2  }
0xa7: {  	v3 =	vmax.f32 v3, $0.0e+00  }
0xa8: {  	v2 =	vmax.f32 v2, $0.0e+00;
	[tilespmem:s29+$0x5C20] =	vst v3  }
0xa9: {  	v1 =	vld [tilespmem:s29+$0x2C70];
	[tilespmem:s29+$0x5C60] =	vst v2  }
0xaa: {  	s30 =	sshll.u32 s25, $0x1;
	s31 =	simm.s32 $0x200;
	v2 =	vld [tilespmem:s28+$0x30]  }
.LBB2_5:
0xab: {  	p0 =	sne.s32 s31, $0x3E00  }
0xac: {  	s28 =	sadd.s32 $0x40, s28;
	s0 =	smov.u32 s31;
	s31 =	sadd.s32 $0x200, s31  }
0xad: {  	_ =	sdelay $0x1  }
0xae: {  	v3 =	vand.u32 $0xFFFF0000, v1  }
0xaf: {  	v1 =	vshll.u32 v1, $0x10;
	v4 =	vshll.u32 v2, $0x10;
	v2 =	vand.u32 $0xFFFF0000, v2  }
0xb0: {  	v1 =	vadd.f32 v1, v4;
	v2 =	vadd.f32 v3, v2;
	_ =	sdelay $0x1  }
0xb1: {  	v1 =	vmax.f32 v1, $0.0e+00;
	v2 =	vmax.f32 v2, $0.0e+00  }
0xb2: {  	s0 =	sshra.s32 s0, $0x2;
	[tilespmem:s29+$0x5C30] =	vst v1  }
0xb3: {  	v1 =	vld [tilespmem:s0+$0x2C00];
	[tilespmem:s29+$0x5C70] =	vst v2;
	s29 =	smov.u32 s0  }
0xb4: {  	v2 =	vld [tilespmem:s28+$0xFFFFF800]  }
0xb5: {  	v3 =	vld [tilespmem:s29+$0x2C10]  }
0xb6: {  	v4 =	vld [tilespmem:s29+$0x2C20]  }
0xb7: {  	v5 =	vld [tilespmem:s29+$0x2C30]  }
0xb8: {  	v6 =	vshll.u32 v1, $0x10;
	v1 =	vand.u32 $0xFFFF0000, v1;
	v7 =	vld [tilespmem:s29+$0x2C40]  }
0xb9: {  	v8 =	vshll.u32 v2, $0x10;
	v2 =	vand.u32 $0xFFFF0000, v2;
	v9 =	vld [tilespmem:s29+$0x2C50]  }
0xba: {  	v6 =	vadd.f32 v6, v8;
	v8 =	vadd.f32 v1, v2;
	v2 =	vld [tilespmem:s29+$0x2C60]  }
0xbb: {  	v1 =	vld [tilespmem:s29+$0x2C70]  }
0xbc: {  	v6 =	vmax.f32 v6, $0.0e+00;
	v8 =	vmax.f32 v8, $0.0e+00  }
0xbd: {  	[tilespmem:s29+$0x4C00] =	vst v6  }
0xbe: {  	[tilespmem:s29+$0x4C40] =	vst v8  }
0xbf: {  	v6 =	vld [tilespmem:s28+$0xFFFFF810];
	_ =	sdelay $0x3  }
0xc0: {  	v8 =	vand.u32 $0xFFFF0000, v3  }
0xc1: {  	v3 =	vshll.u32 v3, $0x10;
	v10 =	vshll.u32 v6, $0x10;
	v6 =	vand.u32 $0xFFFF0000, v6  }
0xc2: {  	v3 =	vadd.f32 v3, v10;
	v6 =	vadd.f32 v8, v6;
	_ =	sdelay $0x1  }
0xc3: {  	v3 =	vmax.f32 v3, $0.0e+00;
	v6 =	vmax.f32 v6, $0.0e+00  }
0xc4: {  	[tilespmem:s29+$0x4C10] =	vst v3  }
0xc5: {  	[tilespmem:s29+$0x4C50] =	vst v6  }
0xc6: {  	v3 =	vld [tilespmem:s28+$0xFFFFF820];
	_ =	sdelay $0x3  }
0xc7: {  	v6 =	vand.u32 $0xFFFF0000, v4  }
0xc8: {  	v4 =	vshll.u32 v4, $0x10;
	v8 =	vshll.u32 v3, $0x10;
	v3 =	vand.u32 $0xFFFF0000, v3  }
0xc9: {  	v4 =	vadd.f32 v4, v8;
	v3 =	vadd.f32 v6, v3;
	_ =	sdelay $0x1  }
0xca: {  	v4 =	vmax.f32 v4, $0.0e+00;
	v3 =	vmax.f32 v3, $0.0e+00  }
0xcb: {  	[tilespmem:s29+$0x4C20] =	vst v4  }
0xcc: {  	[tilespmem:s29+$0x4C60] =	vst v3  }
0xcd: {  	v3 =	vld [tilespmem:s28+$0xFFFFF830];
	_ =	sdelay $0x3  }
0xce: {  	v4 =	vand.u32 $0xFFFF0000, v5  }
0xcf: {  	v5 =	vshll.u32 v5, $0x10;
	v6 =	vshll.u32 v3, $0x10;
	v3 =	vand.u32 $0xFFFF0000, v3  }
0xd0: {  	v5 =	vadd.f32 v5, v6;
	v3 =	vadd.f32 v4, v3;
	_ =	sdelay $0x1  }
0xd1: {  	v4 =	vmax.f32 v5, $0.0e+00;
	v3 =	vmax.f32 v3, $0.0e+00  }
0xd2: {  	[tilespmem:s29+$0x4C30] =	vst v4  }
0xd3: {  	[tilespmem:s29+$0x4C70] =	vst v3  }
0xd4: {  	v3 =	vld [tilespmem:s28+$0x0];
	_ =	sdelay $0x3  }
0xd5: {  	v4 =	vand.u32 $0xFFFF0000, v7  }
0xd6: {  	v6 =	vshll.u32 v7, $0x10;
	v5 =	vshll.u32 v3, $0x10;
	v3 =	vand.u32 $0xFFFF0000, v3  }
0xd7: {  	v5 =	vadd.f32 v6, v5;
	v3 =	vadd.f32 v4, v3;
	_ =	sdelay $0x1  }
0xd8: {  	v4 =	vmax.f32 v5, $0.0e+00;
	v3 =	vmax.f32 v3, $0.0e+00  }
0xd9: {  	[tilespmem:s29+$0x5C00] =	vst v4  }
0xda: {  	[tilespmem:s29+$0x5C40] =	vst v3  }
0xdb: {  	v3 =	vld [tilespmem:s28+$0x10];
	_ =	sdelay $0x3  }
0xdc: {  	v4 =	vand.u32 $0xFFFF0000, v9  }
0xdd: {  	v6 =	vshll.u32 v9, $0x10;
	v5 =	vshll.u32 v3, $0x10;
	v3 =	vand.u32 $0xFFFF0000, v3  }
0xde: {  	v5 =	vadd.f32 v6, v5;
	v3 =	vadd.f32 v4, v3;
	_ =	sdelay $0x1  }
0xdf: {  	v4 =	vmax.f32 v5, $0.0e+00;
	v3 =	vmax.f32 v3, $0.0e+00  }
0xe0: {  	[tilespmem:s29+$0x5C10] =	vst v4  }
0xe1: {  	[tilespmem:s29+$0x5C50] =	vst v3  }
0xe2: {  	v3 =	vld [tilespmem:s28+$0x20];
	_ =	sdelay $0x3  }
0xe3: {  	v4 =	vand.u32 $0xFFFF0000, v2  }
0xe4: {  	v2 =	vshll.u32 v2, $0x10;
	v5 =	vshll.u32 v3, $0x10;
	v3 =	vand.u32 $0xFFFF0000, v3  }
0xe5: {  	v2 =	vadd.f32 v2, v5;
	v3 =	vadd.f32 v4, v3  }
.Ltmp1:
0xe6: {  	(pc) =	sbr.rel @p0 .LBB2_5-.Ltmp1, $4  }
0xe7: {  	v2 =	vmax.f32 v2, $0.0e+00;
	v3 =	vmax.f32 v3, $0.0e+00  }
0xe8: {  	[tilespmem:s29+$0x5C20] =	vst v2  }
0xe9: {  	[tilespmem:s29+$0x5C60] =	vst v3  }
0xea: {  	v2 =	vld [tilespmem:s28+$0x30]  }
0xeb: {  	_ =	sdelay $0x3  }
0xec: {  	v4 =	vshll.u32 v1, $0x10;
	v3 =	vshll.u32 v2, $0x10  }
0xed: {  	v1 =	vand.u32 $0xFFFF0000, v1;
	v2 =	vand.u32 $0xFFFF0000, v2;
	v3 =	vadd.f32 v4, v3  }
0xee: {  	s0 =	sshll.u32 s25, $0x7;
	v1 =	vadd.f32 v1, v2  }
0xef: {  	s28 =	sand.u32 $0x400, s0;
	v2 =	vmax.f32 v3, $0.0e+00  }
0xf0: {  	s0 =	sand.u32 $0x380, s0;
	s28 =	sadd.s32 $0x400, s28;
	v1 =	vmax.f32 v1, $0.0e+00;
	[tilespmem:s29+$0x5C30] =	vst v2  }
0xf1: {  	s0 =	sor.u32 s0, s28;
	[tilespmem:s29+$0x5C70] =	vst v1  }
0xf2: {  	[spmem:s4] =	stream.indirect.scatter.add.f32 [tilespmem:s11], [sflag:$0x5], $0x80, s0, s14, $0xb8;
	[tilespmem:$0x1CC00] =	vst v63  }
0xf3: {  	p0 =	seq.s32 s25, $0x4F;
	s0 =	sadd.s32 $0x2, s30  }
0xf4: {  	s29 =	sand.u32 @!p0 $0xE, s0  }
0xf5: {  	_ =	swait.ge [sflag:s19], $0x1000;
	p1 =	sne.s32 @!p0 s29, $0x0  }
0xf6: {  	[sflag:s19] =	ssyncset.done $0x0;
	p1 =	por p1, p0  }
0xf7: {  	[sflag:s19] =	ssyncadd.s32 $0xFFFFF000;
	s30 =	sshll.u32 @!p1 s0, $0x6  }
0xf8: {  	_ =	swait.ge [sflag:s20], $0x1000;
	s31 =	sadd.s32 @!p1 s13, s30  }
0xf9: {  	[sflag:s20] =	ssyncset.done $0x0;
	s31 =	sshrl.u32 @!p1 s31, $0x3  }
0xfa: {  	s10 =	simm.s32 @!p1 $0x0;
	[sflag:s20] =	ssyncadd.s32 $0xFFFFF000;
	s3 =	sadd.s32 @!p1 s2, s31  }
0xfb: {  	[tilespmem:s10], [sflag:$0x7] =	stream.linear.gather @!p1 [hbm4b:s3+s10], $0x400, $0x38;
	[tilespmem:$0x1CC00] =	vst v63  }
0xfc: {  	s3 =	simm.s32 @!p1 $0x7  }
0xfd: {  	s0 =	sadd.s32 @!p0 s9, s0;
	_ =	swait.ge @!p1 [sflag:s3], $0x400  }
0xfe: {  	s30 =	sand.u32 @!p1 $0x400, s30;
	s0 =	sshll.u32 @!p0 s0, $0x9;
	[sflag:s3] =	ssyncset.done @!p1 $0x0  }
0xff: {  	s30 =	sadd.s32 @!p1 $0x400, s30;
	s31 =	sadd.s32 @!p1 s6, s31;
	[sflag:s3] =	ssyncadd.s32 @!p1 $0xFFFFFC00  }
0x100: {  	[tilespmem:s30], [sflag:$0x7] =	stream.linear.gather @!p1 [hbm4b:s31+s10], $0x400, $0x38;
	[tilespmem:$0x1CC00] =	vst v63  }
0x101: {  	s0 =	sand.u32 @!p0 $0x1FFFFC00, s0;
	_ =	swait.ge @!p1 [sflag:s3], $0x400  }
0x102: {  	s0 =	sadd.s32 @!p0 s7, s0;
	s10 =	simm.s32 @!p0 $0x2C00;
	[sflag:s3] =	ssyncset.done @!p1 $0x0  }
0x103: {  	[sflag:s3] =	ssyncadd.s32 @!p1 $0xFFFFFC00;
	p1 =	seq.s32 @!p0 s25, $0x0;
	s3 =	simm.s32 @!p0 $0x0  }
0x104: {  	[tilespmem:s10], [sflag:$0x3] =	stream.linear.gather @!p0 [hbm4b:s0+s3], $0x1000, $0x38;
	[tilespmem:$0x1CC00] =	vst v63  }
0x105: {  	s0 =	sshll.u32 @!p0 s29, $0x6;
	s3 =	simm.s32 @!p0 $0x40;
	s10 =	simm.s32 @!p0 $0xC00  }
0x106: {  	[tilespmem:s10], [sflag:$0x1] =	stream.indirect.gather @!p0 [hbm4b:s1+s3], $0x40, s0, s3, $0xb8;
	[tilespmem:$0x1CC00] =	vst v63  }
0x107: {  	p0 =	por p0, !p1  }
0x108: {  	_ =	swait.ge @p0 [sflag:s23], $0x2000  }
0x109: {  	[sflag:s23] =	ssyncset.done @p0 $0x0  }
0x10a: {  	s29 =	simm.s32 $0x0;
	[sflag:s23] =	ssyncadd.s32 @p0 $0xFFFFE000  }
0x10b: {  	s30 =	simm.s32 $0x2430;
	v1 =	vld [tilespmem:s29+$0x3C00]  }
0x10c: {  	v2 =	vld [tilespmem:s30+$0xFFFFF7D0];
	_ =	sdelay $0x4  }
0x10d: {  	v6 =	vshll.u32 v1, $0x10;
	v8 =	vshll.u32 v2, $0x10  }
0x10e: {  	v1 =	vand.u32 $0xFFFF0000, v1;
	v2 =	vand.u32 $0xFFFF0000, v2;
	v6 =	vadd.f32 v6, v8  }
0x10f: {  	v2 =	vadd.f32 v1, v2  }
0x110: {  	v6 =	vmax.f32 v6, $0.0e+00  }
0x111: {  	v2 =	vmax.f32 v2, $0.0e+00;
	[tilespmem:s29+$0x6C00] =	vst v6  }
0x112: {  	v3 =	vld [tilespmem:s29+$0x3C10];
	[tilespmem:s29+$0x6C40] =	vst v2  }
0x113: {  	v2 =	vld [tilespmem:s30+$0xFFFFF7E0];
	_ =	sdelay $0x4  }
0x114: {  	v10 =	vshll.u32 v3, $0x10;
	v55 =	vshll.u32 v2, $0x10  }
0x115: {  	v3 =	vand.u32 $0xFFFF0000, v3;
	v2 =	vand.u32 $0xFFFF0000, v2;
	v6 =	vadd.f32 v10, v55  }
0x116: {  	v2 =	vadd.f32 v3, v2  }
0x117: {  	v3 =	vmax.f32 v6, $0.0e+00  }
0x118: {  	v2 =	vmax.f32 v2, $0.0e+00;
	[tilespmem:s29+$0x6C10] =	vst v3  }
0x119: {  	v53 =	vld [tilespmem:s29+$0x3C20];
	[tilespmem:s29+$0x6C50] =	vst v2  }
0x11a: {  	v2 =	vld [tilespmem:s30+$0xFFFFF7F0];
	_ =	sdelay $0x4  }
0x11b: {  	v56 =	vshll.u32 v53, $0x10;
	v3 =	vshll.u32 v2, $0x10  }
0x11c: {  	v4 =	vand.u32 $0xFFFF0000, v53;
	v2 =	vand.u32 $0xFFFF0000, v2;
	v3 =	vadd.f32 v56, v3  }
0x11d: {  	v2 =	vadd.f32 v4, v2  }
0x11e: {  	v3 =	vmax.f32 v3, $0.0e+00  }
0x11f: {  	v2 =	vmax.f32 v2, $0.0e+00;
	[tilespmem:s29+$0x6C20] =	vst v3  }
0x120: {  	v5 =	vld [tilespmem:s29+$0x3C30];
	[tilespmem:s29+$0x6C60] =	vst v2  }
0x121: {  	v2 =	vld [tilespmem:s30+$0xFFFFF800];
	_ =	sdelay $0x4  }
0x122: {  	v57 =	vshll.u32 v5, $0x10;
	v3 =	vshll.u32 v2, $0x10  }
0x123: {  	v5 =	vand.u32 $0xFFFF0000, v5;
	v2 =	vand.u32 $0xFFFF0000, v2;
	v3 =	vadd.f32 v57, v3  }
0x124: {  	v2 =	vadd.f32 v5, v2  }
0x125: {  	v3 =	vmax.f32 v3, $0.0e+00  }
0x126: {  	v2 =	vmax.f32 v2, $0.0e+00;
	[tilespmem:s29+$0x6C30] =	vst v3  }
0x127: {  	v7 =	vld [tilespmem:s29+$0x3C40];
	[tilespmem:s29+$0x6C70] =	vst v2  }
0x128: {  	v2 =	vld [tilespmem:s30+$0xFFFFFFD0];
	_ =	sdelay $0x4  }
0x129: {  	v58 =	vshll.u32 v7, $0x10;
	v3 =	vshll.u32 v2, $0x10  }
0x12a: {  	v59 =	vand.u32 $0xFFFF0000, v7;
	v2 =	vand.u32 $0xFFFF0000, v2;
	v3 =	vadd.f32 v58, v3  }
0x12b: {  	v2 =	vadd.f32 v59, v2  }
0x12c: {  	v3 =	vmax.f32 v3, $0.0e+00  }
0x12d: {  	v2 =	vmax.f32 v2, $0.0e+00;
	[tilespmem:s29+$0x7C00] =	vst v3  }
0x12e: {  	v9 =	vld [tilespmem:s29+$0x3C50];
	[tilespmem:s29+$0x7C40] =	vst v2  }
0x12f: {  	v2 =	vld [tilespmem:s30+$0xFFFFFFE0];
	_ =	sdelay $0x4  }
0x130: {  	v60 =	vshll.u32 v9, $0x10;
	v3 =	vshll.u32 v2, $0x10  }
0x131: {  	v61 =	vand.u32 $0xFFFF0000, v9;
	v2 =	vand.u32 $0xFFFF0000, v2;
	v3 =	vadd.f32 v60, v3  }
0x132: {  	v2 =	vadd.f32 v61, v2  }
0x133: {  	v3 =	vmax.f32 v3, $0.0e+00  }
0x134: {  	v2 =	vmax.f32 v2, $0.0e+00;
	[tilespmem:s29+$0x7C10] =	vst v3  }
0x135: {  	v54 =	vld [tilespmem:s29+$0x3C60];
	[tilespmem:s29+$0x7C50] =	vst v2  }
0x136: {  	v2 =	vld [tilespmem:s30+$0xFFFFFFF0];
	_ =	sdelay $0x4  }
0x137: {  	v62 =	vshll.u32 v54, $0x10;
	v3 =	vshll.u32 v2, $0x10  }
0x138: {  	v63 =	vand.u32 $0xFFFF0000, v54;
	v2 =	vand.u32 $0xFFFF0000, v2;
	v3 =	vadd.f32 v62, v3  }
0x139: {  	v2 =	vadd.f32 v63, v2  }
0x13a: {  	v3 =	vmax.f32 v3, $0.0e+00  }
0x13b: {  	v2 =	vmax.f32 v2, $0.0e+00;
	[tilespmem:s29+$0x7C20] =	vst v3  }
0x13c: {  	v1 =	vld [tilespmem:s29+$0x3C70];
	[tilespmem:s29+$0x7C60] =	vst v2  }
0x13d: {  	s31 =	simm.s32 $0x200;
	v2 =	vld [tilespmem:s30+$0x0]  }
.LBB2_7:
0x13e: {  	p0 =	sne.s32 s31, $0x3E00  }
0x13f: {  	s30 =	sadd.s32 $0x40, s30;
	s0 =	smov.u32 s31;
	s31 =	sadd.s32 $0x200, s31  }
0x140: {  	_ =	sdelay $0x1  }
0x141: {  	v3 =	vand.u32 $0xFFFF0000, v1  }
0x142: {  	v1 =	vshll.u32 v1, $0x10;
	v4 =	vshll.u32 v2, $0x10;
	v2 =	vand.u32 $0xFFFF0000, v2  }
0x143: {  	v1 =	vadd.f32 v1, v4;
	v2 =	vadd.f32 v3, v2;
	_ =	sdelay $0x1  }
0x144: {  	v1 =	vmax.f32 v1, $0.0e+00;
	v2 =	vmax.f32 v2, $0.0e+00  }
0x145: {  	s0 =	sshra.s32 s0, $0x2;
	[tilespmem:s29+$0x7C30] =	vst v1  }
0x146: {  	v1 =	vld [tilespmem:s0+$0x3C00];
	[tilespmem:s29+$0x7C70] =	vst v2;
	s29 =	smov.u32 s0  }
0x147: {  	v2 =	vld [tilespmem:s30+$0xFFFFF7D0]  }
0x148: {  	v3 =	vld [tilespmem:s29+$0x3C10]  }
0x149: {  	v4 =	vld [tilespmem:s29+$0x3C20]  }
0x14a: {  	v5 =	vld [tilespmem:s29+$0x3C30]  }
0x14b: {  	v6 =	vshll.u32 v1, $0x10;
	v1 =	vand.u32 $0xFFFF0000, v1;
	v7 =	vld [tilespmem:s29+$0x3C40]  }
0x14c: {  	v8 =	vshll.u32 v2, $0x10;
	v2 =	vand.u32 $0xFFFF0000, v2;
	v9 =	vld [tilespmem:s29+$0x3C50]  }
0x14d: {  	v6 =	vadd.f32 v6, v8;
	v8 =	vadd.f32 v1, v2;
	v2 =	vld [tilespmem:s29+$0x3C60]  }
0x14e: {  	v1 =	vld [tilespmem:s29+$0x3C70]  }
0x14f: {  	v6 =	vmax.f32 v6, $0.0e+00;
	v8 =	vmax.f32 v8, $0.0e+00  }
0x150: {  	[tilespmem:s29+$0x6C00] =	vst v6  }
0x151: {  	[tilespmem:s29+$0x6C40] =	vst v8  }
0x152: {  	v6 =	vld [tilespmem:s30+$0xFFFFF7E0];
	_ =	sdelay $0x3  }
0x153: {  	v8 =	vand.u32 $0xFFFF0000, v3  }
0x154: {  	v3 =	vshll.u32 v3, $0x10;
	v10 =	vshll.u32 v6, $0x10;
	v6 =	vand.u32 $0xFFFF0000, v6  }
0x155: {  	v3 =	vadd.f32 v3, v10;
	v6 =	vadd.f32 v8, v6;
	_ =	sdelay $0x1  }
0x156: {  	v3 =	vmax.f32 v3, $0.0e+00;
	v6 =	vmax.f32 v6, $0.0e+00  }
0x157: {  	[tilespmem:s29+$0x6C10] =	vst v3  }
0x158: {  	[tilespmem:s29+$0x6C50] =	vst v6  }
0x159: {  	v3 =	vld [tilespmem:s30+$0xFFFFF7F0];
	_ =	sdelay $0x3  }
0x15a: {  	v6 =	vand.u32 $0xFFFF0000, v4  }
0x15b: {  	v4 =	vshll.u32 v4, $0x10;
	v8 =	vshll.u32 v3, $0x10;
	v3 =	vand.u32 $0xFFFF0000, v3  }
0x15c: {  	v4 =	vadd.f32 v4, v8;
	v3 =	vadd.f32 v6, v3;
	_ =	sdelay $0x1  }
0x15d: {  	v4 =	vmax.f32 v4, $0.0e+00;
	v3 =	vmax.f32 v3, $0.0e+00  }
0x15e: {  	[tilespmem:s29+$0x6C20] =	vst v4  }
0x15f: {  	[tilespmem:s29+$0x6C60] =	vst v3  }
0x160: {  	v3 =	vld [tilespmem:s30+$0xFFFFF800];
	_ =	sdelay $0x3  }
0x161: {  	v4 =	vand.u32 $0xFFFF0000, v5  }
0x162: {  	v5 =	vshll.u32 v5, $0x10;
	v6 =	vshll.u32 v3, $0x10;
	v3 =	vand.u32 $0xFFFF0000, v3  }
0x163: {  	v5 =	vadd.f32 v5, v6;
	v3 =	vadd.f32 v4, v3;
	_ =	sdelay $0x1  }
0x164: {  	v4 =	vmax.f32 v5, $0.0e+00;
	v3 =	vmax.f32 v3, $0.0e+00  }
0x165: {  	[tilespmem:s29+$0x6C30] =	vst v4  }
0x166: {  	[tilespmem:s29+$0x6C70] =	vst v3  }
0x167: {  	v3 =	vld [tilespmem:s30+$0xFFFFFFD0];
	_ =	sdelay $0x3  }
0x168: {  	v4 =	vand.u32 $0xFFFF0000, v7  }
0x169: {  	v6 =	vshll.u32 v7, $0x10;
	v5 =	vshll.u32 v3, $0x10;
	v3 =	vand.u32 $0xFFFF0000, v3  }
0x16a: {  	v5 =	vadd.f32 v6, v5;
	v3 =	vadd.f32 v4, v3;
	_ =	sdelay $0x1  }
0x16b: {  	v4 =	vmax.f32 v5, $0.0e+00;
	v3 =	vmax.f32 v3, $0.0e+00  }
0x16c: {  	[tilespmem:s29+$0x7C00] =	vst v4  }
0x16d: {  	[tilespmem:s29+$0x7C40] =	vst v3  }
0x16e: {  	v3 =	vld [tilespmem:s30+$0xFFFFFFE0];
	_ =	sdelay $0x3  }
0x16f: {  	v4 =	vand.u32 $0xFFFF0000, v9  }
0x170: {  	v6 =	vshll.u32 v9, $0x10;
	v5 =	vshll.u32 v3, $0x10;
	v3 =	vand.u32 $0xFFFF0000, v3  }
0x171: {  	v5 =	vadd.f32 v6, v5;
	v3 =	vadd.f32 v4, v3;
	_ =	sdelay $0x1  }
0x172: {  	v4 =	vmax.f32 v5, $0.0e+00;
	v3 =	vmax.f32 v3, $0.0e+00  }
0x173: {  	[tilespmem:s29+$0x7C10] =	vst v4  }
0x174: {  	[tilespmem:s29+$0x7C50] =	vst v3  }
0x175: {  	v3 =	vld [tilespmem:s30+$0xFFFFFFF0];
	_ =	sdelay $0x3  }
0x176: {  	v4 =	vand.u32 $0xFFFF0000, v2  }
0x177: {  	v2 =	vshll.u32 v2, $0x10;
	v5 =	vshll.u32 v3, $0x10;
	v3 =	vand.u32 $0xFFFF0000, v3  }
0x178: {  	v2 =	vadd.f32 v2, v5;
	v3 =	vadd.f32 v4, v3  }
.Ltmp2:
0x179: {  	(pc) =	sbr.rel @p0 .LBB2_7-.Ltmp2, $4  }
0x17a: {  	v2 =	vmax.f32 v2, $0.0e+00;
	v3 =	vmax.f32 v3, $0.0e+00  }
0x17b: {  	[tilespmem:s29+$0x7C20] =	vst v2  }
0x17c: {  	[tilespmem:s29+$0x7C60] =	vst v3  }
0x17d: {  	v2 =	vld [tilespmem:s30+$0x0]  }
0x17e: {  	_ =	sdelay $0x3  }
0x17f: {  	v4 =	vshll.u32 v1, $0x10;
	s25 =	sadd.s32 $0x1, s25;
	v3 =	vshll.u32 v2, $0x10  }
0x180: {  	v1 =	vand.u32 $0xFFFF0000, v1;
	p0 =	sne.s32 s25, $0x50;
	v2 =	vand.u32 $0xFFFF0000, v2;
	v3 =	vadd.f32 v4, v3  }
.Ltmp3:
0x181: {  	v1 =	vadd.f32 v1, v2;
	(pc) =	sbr.rel @p0 .LBB2_4-.Ltmp3, $4  }
0x182: {  	v2 =	vmax.f32 v3, $0.0e+00  }
0x183: {  	v1 =	vmax.f32 v1, $0.0e+00;
	[tilespmem:s29+$0x7C30] =	vst v2  }
0x184: {  	s0 =	sadd.s32 s26, s28;
	[tilespmem:s29+$0x7C70] =	vst v1  }
0x185: {  	[spmem:s4] =	stream.indirect.scatter.add.f32 [tilespmem:s21], [sflag:$0x6], $0x80, s0, s14, $0xb8;
	[tilespmem:$0x1CC00] =	vst v63  }
0x186: {  	_ =	swait.ge [sflag:s22], $0x2000  }
0x187: {  	[sflag:s22] =	ssyncset.done $0x0  }
0x188: {  	[sflag:s22] =	ssyncadd.s32 $0xFFFFE000  }
0x189: {  	_ =	swait.ge [sflag:s23], $0x2000  }
0x18a: {  	[sflag:s23] =	ssyncset.done $0x0  }
0x18b: {  	[sflag:s23] =	ssyncadd.s32 $0xFFFFE000  }
0x18c: {  	s0 =	stileid.u32;
	[bflag:$0x0] =	sbarrier.arrive $0xFFFF  }
0x18d: {  	s0 =	sshll.u32 s0, $0x6;
	s3 =	rddreg [dreg:$0x8]  }
0x18e: {  	s0 =	sor.u32 $0x1C07, s0;
	s10 =	rddreg [dreg:$0xf]  }
0x18f: {  	[hbm:s3], [sflag:s0] =	dma.local [spmem:s10], $0x800  }
0x190: {  	_ =	swait.ge [sflag:s12], $0x800  }
0x191: {  	[sflag:s12] =	ssyncset.done $0x0;
	s30 =	rddreg [dreg:$0xa]  }
0x192: {  	s31 =	rddreg [dreg:$0x10];
	[sflag:s12] =	ssyncadd.s32 $0xFFFFF800  }
0x193: {  	[hbm:s30], [sflag:s0] =	dma.local [spmem:s31], $0x800  }
0x194: {  	_ =	swait.ge [sflag:s12], $0x800  }
0x195: {  	[sflag:s12] =	ssyncset.done $0x0;
	s10 =	rddreg [dreg:$0xb]  }
0x196: {  	s25 =	rddreg [dreg:$0x11];
	[sflag:s12] =	ssyncadd.s32 $0xFFFFF800  }
0x197: {  	[hbm:s10], [sflag:s0] =	dma.local [spmem:s25], $0x800  }
0x198: {  	_ =	swait.ge [sflag:s12], $0x800  }
0x199: {  	[sflag:s12] =	ssyncset.done $0x0;
	s26 =	rddreg [dreg:$0xc]  }
0x19a: {  	s28 =	rddreg [dreg:$0x12];
	[sflag:s12] =	ssyncadd.s32 $0xFFFFF800  }
0x19b: {  	[hbm:s26], [sflag:s0] =	dma.local [spmem:s28], $0x800  }
0x19c: {  	_ =	swait.ge [sflag:s12], $0x800  }
0x19d: {  	[sflag:s12] =	ssyncset.done $0x0;
	s29 =	rddreg [dreg:$0xd]  }
0x19e: {  	s30 =	rddreg [dreg:$0x13];
	[sflag:s12] =	ssyncadd.s32 $0xFFFFF800  }
0x19f: {  	[hbm:s29], [sflag:s0] =	dma.local [spmem:s30], $0x800  }
0x1a0: {  	_ =	swait.ge [sflag:s12], $0x800  }
0x1a1: {  	s24 =	sadd.s32 $0x1, s24;
	s31 =	rddreg [dreg:$0x9]  }
0x1a2: {  	p0 =	sne.s32 s24, s31  }
.Ltmp4:
0x1a3: {  	_ = 	snop;
	(pc) =	sbr.rel @p0 .LBB2_1-.Ltmp4, $3  }
0x1a4: {  	_ =	sdelay $0x1  }
0x1a5: {  	[sflag:s12] =	ssyncset.done $0x0  }
0x1a6: {  	[sflag:s12] =	ssyncadd.s32 $0xFFFFF800  }
0x1a7: {  	_ =	sfence.sel $0x180000  }
0x1a8: {  	[bflag:$0x0] =	sbarrier.arrive $0xFFFF  }
0x1a9: {  	_ =	strace $0x90000047  }
0x1aa: {  	s0 =	stileid.u32;
	[bflag:$0x2] =	sbarrier.arrive $0xFFFF  }
0x1ab: {  	p0 =	sne.s32 s0, $0x0;
	s0 =	rddreg [dreg:$0x4]  }
0x1ac: {  	s0 =	sadd.s32 @!p0 $0x100000, s0  }
0x1ad: {  	[sflag:s0] =	ssyncadd.tile.s32 @!p0 $0x1;
	_ =	shalt  }
.Lfunc_end2:
_tile_overlayer_lowered:
.L_overlay_start_2:
0x1ae: {  	(tag) =	ssettag $0x2  }
0x1af: {  	s0 =	rddreg [dreg:$0x0];
	s2 =	stileid.u32  }
0x1b0: {  	s1 =	rddreg [dreg:$0x1];
	p0 =	sne.s32 s2, $0x0  }
0x1b1: {  	s3 =	rddreg [dreg:$0x2];
	[bflag:$0x3] =	sbarrier.arrive $0xFFFF;
	s2 =	simm.s32 @!p0 $0x1C07  }
0x1b2: {  	[timem:s3], [sflag:s2] =	dma.local @!p0 [hbm:s0], s1  }
0x1b3: {  	s0 =	simm.s32 @!p0 $0x7  }
0x1b4: {  	_ =	swait.ge @!p0 [sflag:s0], s1  }
0x1b5: {  	s1 =	ssub.s32 @!p0 $0x0, s1;
	[sflag:s0] =	ssyncset.done @!p0 $0x0  }
0x1b6: {  	[sflag:s0] =	ssyncadd.s32 @!p0 s1  }
0x1b7: {  	[bflag:$0x3] =	sbarrier.arrive $0xFFFF  }
0x1b8: {  	_ =	shalt  }

</sc_bundles>
